<compile_context>
chip_gen: v7x
topology: tpu7x:2x2x1
jax: 0.10.2.dev20260603
libtpu: 0.0.44.dev20260713+nightly
codegen_flags: <defaults>
</compile_context>

<pallas_src>
import functools

import jax
import jax.numpy as jnp
from jax import lax
from jax.experimental import pallas as pl
from jax.experimental.pallas import tpu as pltpu
from jax.experimental.pallas import tpu_sc as plsc

N_NODES = 10000
N_EDGES = 320000
D = 128
DEG = 32
B = 4096

NC = 2
NS = 16
NW = NC * NS
E_PER_W = B // NW
N_PER_W = 2 * E_PER_W
L = 16
VPD = D // L
NBUF = 4

_ROWS_BLK = 1000


def _tc_body(f_ref, w1_ref, w2_ref, h1_ref, h2_ref):
    f = f_ref[...]
    dn = (((1,), (1,)), ((), ()))
    h1_ref[...] = lax.dot_general(f, w1_ref[...], dn,
                                  preferred_element_type=jnp.float32)
    h2 = lax.dot_general(f, w2_ref[...], dn,
                         preferred_element_type=jnp.float32)
    h2_ref[...] = h2 * (1.0 / DEG)


def _tc_encode(features, w_enc):
    grid = (N_NODES // _ROWS_BLK,)
    return pl.pallas_call(
        _tc_body,
        grid=grid,
        in_specs=[
            pl.BlockSpec((_ROWS_BLK, D), lambda i: (i, 0)),
            pl.BlockSpec((D, D), lambda i: (0, 0)),
            pl.BlockSpec((D, D), lambda i: (0, 1)),
        ],
        out_specs=[
            pl.BlockSpec((_ROWS_BLK, D), lambda i: (i, 0)),
            pl.BlockSpec((_ROWS_BLK, D), lambda i: (i, 0)),
        ],
        out_shape=[
            jax.ShapeDtypeStruct((N_NODES, D), jnp.float32),
            jax.ShapeDtypeStruct((N_NODES, D), jnp.float32),
        ],
    )(features, w_enc, w_enc)


def _sc_body(node_hbm, nidx_hbm, h1_hbm, h2_hbm, w_hbm, out_hbm,
             node_v, neigh_v, sfb, bufs, wv_v, sc_v, out_v, h2_sh,
             semf0, semf1, sem_st, sem0, sem1, sem2, sem3):
    sems = (sem0, sem1, sem2, sem3)
    semf = (semf0, semf1)
    sid = lax.axis_index("s")
    wid = sid * NC + lax.axis_index("c")
    base_e = wid * E_PER_W
    base_n = wid * N_PER_W
    NCH = N_PER_W // 32

    stage_base = pl.multiple_of(sid * 624, 8)
    stage_cp = pltpu.async_copy(h2_hbm.at[pl.ds(stage_base, 624)],
                                h2_sh.at[pl.ds(stage_base, 624)], sem_st)

    pltpu.sync_copy(node_hbm.at[pl.ds(base_n, N_PER_W)], node_v)
    pltpu.sync_copy(nidx_hbm.at[pl.ds(base_n * DEG, N_PER_W * DEG)], neigh_v)
    pltpu.sync_copy(w_hbm, wv_v)

    for cc in range(2):
        pltpu.async_copy(h1_hbm.at[node_v.at[pl.ds(cc * 32, 32)]],
                         sfb.at[cc], semf[cc])

    @pl.when(sid == 0)
    def _tail():
        pltpu.sync_copy(h2_hbm.at[pl.ds(624 * NS, N_NODES - 624 * NS)],
                        h2_sh.at[pl.ds(624 * NS, N_NODES - 624 * NS)])
    stage_cp.wait()
    plsc.subcore_barrier()

    for b in range(NBUF):
        pltpu.async_copy(h2_sh.at[neigh_v.at[pl.ds(b * DEG, DEG)]],
                         bufs.at[b], sems[b])

    w_regs = [wv_v[pl.ds(v * L, L)] for v in range(VPD)]

    def _outer(i, _):
        for cc in range(2):
            c = i * 2 + cc
            pltpu.make_async_copy(h1_hbm.at[node_v.at[pl.ds(c * 32, 32)]],
                                  sfb.at[cc], semf[cc]).wait()

            def _inner(k, _2):
                rr = [None] * (NBUF // 2)
                for b in range(NBUF):
                    nl = k * NBUF + b
                    n = c * 32 + nl
                    pltpu.make_async_copy(
                        h2_sh.at[neigh_v.at[pl.ds(n * DEG, DEG)]],
                        bufs.at[b], sems[b]).wait()
                    def _accum(jj, a):
                        out = list(a)
                        for dj in range(4):
                            for v in range(VPD):
                                out[v] = out[v] + bufs[b, jj * 4 + dj,
                                                       pl.ds(v * L, L)]
                        return tuple(out)

                    acc = lax.fori_loop(
                        0, DEG // 4, _accum,
                        tuple(jnp.zeros((L,), jnp.float32)
                              for _ in range(VPD)))
                    nn = n + NBUF

                    @pl.when(nn < N_PER_W)
                    def _issue():
                        pltpu.async_copy(
                            h2_sh.at[neigh_v.at[pl.ds(nn * DEG, DEG)]],
                            bufs.at[b], sems[b])

                    r = None
                    for v in range(VPD):
                        z = jnp.maximum(acc[v] + sfb[cc, nl, pl.ds(v * L, L)],
                                        0.0)
                        t = z * w_regs[v]
                        r = t if r is None else r + t
                    e_half = b & 1
                    if e_half == 0:
                        rr[b // 2] = r
                    else:
                        edge = c * 16 + k * (NBUF // 2) + b // 2
                        sc_v[edge, pl.ds(0, L)] = rr[b // 2] + r
                return _2

            lax.fori_loop(0, 32 // NBUF, _inner, None)

            nc2 = c + 2

            @pl.when(nc2 < NCH)
            def _issue_sf():
                pltpu.async_copy(h1_hbm.at[node_v.at[pl.ds(nc2 * 32, 32)]],
                                 sfb.at[cc], semf[cc])
        return _

    lax.fori_loop(0, NCH // 2, _outer, None)

    for blk in range(E_PER_W // L):
        p = lax.iota(jnp.int32, L) + jnp.int32(blk * L)
        acc = None
        for cidx in range(L):
            cv = jnp.full((L,), cidx, jnp.int32)
            t = plsc.load_gather(sc_v, [p, cv])
            acc = t if acc is None else acc + t
        out_v[pl.ds(blk * L, L)] = acc * 0.5

    pltpu.sync_copy(out_v, out_hbm.at[pl.ds(base_e, E_PER_W)])


@functools.cache
def _sc_gather_fn():
  return pl.kernel(
    _sc_body,
    out_type=jax.ShapeDtypeStruct((B,), jnp.float32),
    mesh=plsc.VectorSubcoreMesh(core_axis_name="c", subcore_axis_name="s",
                                num_cores=NC, num_subcores=NS),
    compiler_params=pltpu.CompilerParams(needs_layout_passes=False),
    scratch_types=[
        pltpu.VMEM((N_PER_W,), jnp.int32),
        pltpu.VMEM((N_PER_W * DEG,), jnp.int32),
        pltpu.VMEM((2, 32, D), jnp.float32),
        pltpu.VMEM((NBUF, DEG, D), jnp.float32),
        pltpu.VMEM((D,), jnp.float32),
        pltpu.VMEM((E_PER_W, L), jnp.float32),
        pltpu.VMEM((E_PER_W,), jnp.float32),
        pltpu.VMEM_SHARED((N_NODES, D), jnp.float32),
        pltpu.SemaphoreType.DMA,
        pltpu.SemaphoreType.DMA,
        pltpu.SemaphoreType.DMA,
        pltpu.SemaphoreType.DMA,
        pltpu.SemaphoreType.DMA,
        pltpu.SemaphoreType.DMA,
        pltpu.SemaphoreType.DMA,
    ],
  )


def kernel(edges, edge_pairs, neigh, features, W_enc, weight):
    h1, h2 = _tc_encode(features, W_enc)
    node_list = edge_pairs.at[edges].get(
        mode='promise_in_bounds').reshape(-1)
    neigh_flat = neigh.at[node_list].get(
        mode='promise_in_bounds').reshape(-1)
    scores = _sc_gather_fn()(node_list, neigh_flat, h1, h2,
                             weight.reshape(D))
    return scores.reshape(B, 1)

# --- scband reference (transcript-rebuilt; emitter-appended) ---
"""Pipeline reference for scband-supervised-graph-sage-88270167867451 (READ-ONLY COPY).

The authoritative reference and input builder live on the scoring server;
editing this copy changes nothing except your own understanding.
"""

import jax, jax.numpy as jnp
import numpy as np

N_NODES = 10000
N_EDGES = 320000
D_FEAT = 128
EMBED_DIM = 128
DEG = 32
NUM_CLASSES = 1
BATCH = 4096


def setup_inputs(seed: int = 0) -> dict:
    key = jax.random.key(seed)
    k1, k2, k3, k4, k5, k6 = jax.random.split(key, 6)
    edges = jax.random.randint(k1, (BATCH,), 0, N_EDGES, dtype=jnp.int32)
    edge_pairs = jax.random.randint(k2, (N_EDGES, 2), 0, N_NODES, dtype=jnp.int32)
    neigh = jax.random.randint(k3, (N_NODES, DEG), 0, N_NODES, dtype=jnp.int32)
    features = jax.random.normal(k4, (N_NODES, D_FEAT), dtype=jnp.float32)
    # GraphSage encoder weight: concat(self, mean(neigh)) -> embed_dim
    W_enc = jax.random.normal(k5, (EMBED_DIM, 2 * D_FEAT), dtype=jnp.float32) * (1.0 / np.sqrt(2 * D_FEAT))
    # xavier_uniform-equivalent scale for the classifier weight
    limit = np.sqrt(6.0 / (NUM_CLASSES + EMBED_DIM))
    weight = jax.random.uniform(k6, (NUM_CLASSES, EMBED_DIM), dtype=jnp.float32, minval=-limit, maxval=limit)
    return {"edges": edges, "edge_pairs": edge_pairs, "neigh": neigh,
            "features": features, "W_enc": W_enc, "weight": weight}


def reference(edges, edge_pairs, neigh, features, W_enc, weight):
    # edge_map[e] -> (u, v); node_list is interleaved [u0, v0, u1, v1, ...]
    node_list = jnp.take(edge_pairs, edges, axis=0).reshape(-1)          # [2B]
    # enc(node_list): 1-hop GraphSage encoder -> [2B, embed_dim]
    self_feats = jnp.take(features, node_list, axis=0)                    # [2B, D]
    neigh_idx = jnp.take(neigh, node_list, axis=0)                        # [2B, DEG]
    neigh_feats = jnp.take(features, neigh_idx, axis=0).mean(axis=1)      # [2B, D]
    combined = jnp.concatenate([self_feats, neigh_feats], axis=1)         # [2B, 2D]
    node_embeds = jax.nn.relu(combined @ W_enc.T)                         # [2B, E] (= enc(node_list).t())
    # loc1 selects even rows (u endpoints), loc2 odd rows (v endpoints)
    edge_embeds = 0.5 * (node_embeds[0::2] + node_embeds[1::2])           # [B, E]
    # scores = weight.mm(edge_embeds.t()); return scores.t()
    scores = edge_embeds @ weight.T                                       # [B, num_classes]
    return scores

if __name__ == "__main__":
    import jax
    _d = setup_inputs()
    print(jax.jit(kernel)(*tuple(_d.values())))

</pallas_src>

<mosaic_0001>
#map = affine_map<(d0, d1) -> (0)>
#map1 = affine_map<(d0, d1) -> (0, 0)>
module attributes {stable_mosaic.version = 14 : i64} {
  func.func @_sc_body(%arg0: i32, %arg1: i32, %arg2: memref<8192xi32, #tpu.memory_space<hbm>>, %arg3: memref<262144xi32, #tpu.memory_space<hbm>>, %arg4: memref<10000x128xf32, #tpu.memory_space<hbm>>, %arg5: memref<10000x128xf32, #tpu.memory_space<hbm>>, %arg6: memref<128xf32, #tpu.memory_space<hbm>>, %arg7: memref<4096xf32, #tpu.memory_space<hbm>>, %arg8: memref<256xi32, #tpu.memory_space<vmem>>, %arg9: memref<8192xi32, #tpu.memory_space<vmem>>, %arg10: memref<2x32x128xf32, #tpu.memory_space<vmem>>, %arg11: memref<4x32x128xf32, #tpu.memory_space<vmem>>, %arg12: memref<128xf32, #tpu.memory_space<vmem>>, %arg13: memref<128x16xf32, #tpu.memory_space<vmem>>, %arg14: memref<128xf32, #tpu.memory_space<vmem>>, %arg15: memref<10000x128xf32, #tpu.memory_space<vmem_shared>>, %arg16: memref<!tpu.dma_semaphore, #tpu.memory_space<semaphore_mem>>, %arg17: memref<!tpu.dma_semaphore, #tpu.memory_space<semaphore_mem>>, %arg18: memref<!tpu.dma_semaphore, #tpu.memory_space<semaphore_mem>>, %arg19: memref<!tpu.dma_semaphore, #tpu.memory_space<semaphore_mem>>, %arg20: memref<!tpu.dma_semaphore, #tpu.memory_space<semaphore_mem>>, %arg21: memref<!tpu.dma_semaphore, #tpu.memory_space<semaphore_mem>>, %arg22: memref<!tpu.dma_semaphore, #tpu.memory_space<semaphore_mem>>) attributes {dimension_semantics = [#tpu.dimension_semantics<core_parallel>, #tpu.dimension_semantics<subcore_parallel>], iteration_bounds = array<i64: 2, 16>, scalar_prefetch = 0 : i64, scratch_operands = 15 : i64, tpu.core_type = #tpu.core_type<sc_vector_subcore>, window_params = [{transform_indices = #map}, {transform_indices = #map}, {transform_indices = #map1}, {transform_indices = #map1}, {transform_indices = #map}, {transform_indices = #map}]} {
    %mul3A = arith.constant 2 : i32
    %mul3A_0 = arith.muli %arg1, %mul3A : i32
    %add3A = arith.addi %mul3A_0, %arg0 : i32
    %mul3A_1 = arith.constant 128 : i32
    %mul3A_2 = arith.muli %add3A, %mul3A_1 : i32
    %mul3A_3 = arith.constant 256 : i32
    %mul3A_4 = arith.muli %add3A, %mul3A_3 : i32
    %mul3A_5 = arith.constant 624 : i32
    %mul3A_6 = arith.muli %arg1, %mul3A_5 : i32
    %multiple_of3A = tpu.assume_multiple %mul3A_6, 8 : i32
    %dma_start3A = arith.constant 0 : i32
    %dma_start3A_7 = tpu.memref_slice %arg15[%multiple_of3A, %dma_start3A] : memref<10000x128xf32, #tpu.memory_space<vmem_shared>> -> memref<624x128xf32, #tpu.memory_space<vmem_shared>>
    %dma_start3A_8 = arith.constant 0 : i32
    %dma_start3A_9 = tpu.memref_slice %arg5[%multiple_of3A, %dma_start3A_8] : memref<10000x128xf32, #tpu.memory_space<hbm>> -> memref<624x128xf32, #tpu.memory_space<hbm>>
    tpu.enqueue_dma source(%dma_start3A_9 : memref<624x128xf32, #tpu.memory_space<hbm>>) target(%dma_start3A_7 : memref<624x128xf32, #tpu.memory_space<vmem_shared>>) target_semaphore(%arg18 : memref<!tpu.dma_semaphore, #tpu.memory_space<semaphore_mem>>)
    "tpu.region"() ({
      %run_scoped3A = tpu.sem_alloc : memref<!tpu.dma_semaphore, #tpu.memory_space<semaphore_mem>>
      %dma_start3A_668 = tpu.memref_slice %arg2[%mul3A_4] : memref<8192xi32, #tpu.memory_space<hbm>> -> memref<256xi32, #tpu.memory_space<hbm>>
      %dma_start3A_669 = tpu.memref_slice %arg2[%mul3A_4] : memref<8192xi32, #tpu.memory_space<hbm>> -> memref<256xi32, #tpu.memory_space<hbm>>
      tpu.enqueue_dma source(%dma_start3A_669 : memref<256xi32, #tpu.memory_space<hbm>>) target(%arg8 : memref<256xi32, #tpu.memory_space<vmem>>) target_semaphore(%run_scoped3A : memref<!tpu.dma_semaphore, #tpu.memory_space<semaphore_mem>>)
      %dma_wait3A_670 = tpu.memref_slice %arg2[%mul3A_4] : memref<8192xi32, #tpu.memory_space<hbm>> -> memref<256xi32, #tpu.memory_space<hbm>>
      %dma_wait3A_671 = tpu.memref_slice %arg2[%mul3A_4] : memref<8192xi32, #tpu.memory_space<hbm>> -> memref<256xi32, #tpu.memory_space<hbm>>
      tpu.wait_dma2 semaphore(%run_scoped3A : memref<!tpu.dma_semaphore, #tpu.memory_space<semaphore_mem>>) src(%dma_wait3A_671 : memref<256xi32, #tpu.memory_space<hbm>>) dst(%arg8 : memref<256xi32, #tpu.memory_space<vmem>>)
      tpu.yield
    }) : () -> ()
    %mul3A_10 = arith.constant 32 : i32
    %mul3A_11 = arith.muli %mul3A_4, %mul3A_10 : i32
    "tpu.region"() ({
      %run_scoped3A = tpu.sem_alloc : memref<!tpu.dma_semaphore, #tpu.memory_space<semaphore_mem>>
      %dma_start3A_668 = tpu.memref_slice %arg3[%mul3A_11] : memref<262144xi32, #tpu.memory_space<hbm>> -> memref<8192xi32, #tpu.memory_space<hbm>>
      %dma_start3A_669 = tpu.memref_slice %arg3[%mul3A_11] : memref<262144xi32, #tpu.memory_space<hbm>> -> memref<8192xi32, #tpu.memory_space<hbm>>
      tpu.enqueue_dma source(%dma_start3A_669 : memref<8192xi32, #tpu.memory_space<hbm>>) target(%arg9 : memref<8192xi32, #tpu.memory_space<vmem>>) target_semaphore(%run_scoped3A : memref<!tpu.dma_semaphore, #tpu.memory_space<semaphore_mem>>)
      %dma_wait3A_670 = tpu.memref_slice %arg3[%mul3A_11] : memref<262144xi32, #tpu.memory_space<hbm>> -> memref<8192xi32, #tpu.memory_space<hbm>>
      %dma_wait3A_671 = tpu.memref_slice %arg3[%mul3A_11] : memref<262144xi32, #tpu.memory_space<hbm>> -> memref<8192xi32, #tpu.memory_space<hbm>>
      tpu.wait_dma2 semaphore(%run_scoped3A : memref<!tpu.dma_semaphore, #tpu.memory_space<semaphore_mem>>) src(%dma_wait3A_671 : memref<8192xi32, #tpu.memory_space<hbm>>) dst(%arg9 : memref<8192xi32, #tpu.memory_space<vmem>>)
      tpu.yield
    }) : () -> ()
    "tpu.region"() ({
      %run_scoped3A = tpu.sem_alloc : memref<!tpu.dma_semaphore, #tpu.memory_space<semaphore_mem>>
      tpu.enqueue_dma source(%arg6 : memref<128xf32, #tpu.memory_space<hbm>>) target(%arg12 : memref<128xf32, #tpu.memory_space<vmem>>) target_semaphore(%run_scoped3A : memref<!tpu.dma_semaphore, #tpu.memory_space<semaphore_mem>>)
      tpu.wait_dma2 semaphore(%run_scoped3A : memref<!tpu.dma_semaphore, #tpu.memory_space<semaphore_mem>>) src(%arg6 : memref<128xf32, #tpu.memory_space<hbm>>) dst(%arg12 : memref<128xf32, #tpu.memory_space<vmem>>)
      tpu.yield
    }) : () -> ()
    %dma_start3A_12 = arith.constant 0 : i32
    %dma_start3A_13 = arith.constant 0 : i32
    %dma_start3A_14 = arith.constant 0 : i32
    %dma_start3A_15 = tpu.memref_slice %arg10[%dma_start3A_12, %dma_start3A_13, %dma_start3A_14] : memref<2x32x128xf32, #tpu.memory_space<vmem>> -> memref<1x32x128xf32, #tpu.memory_space<vmem>>
    %dma_start3A_16 = tpu.memref_squeeze %dma_start3A_15 : memref<1x32x128xf32, #tpu.memory_space<vmem>> -> memref<32x128xf32, #tpu.memory_space<vmem>>
    %dma_start3A_17 = arith.constant 0 : i32
    %dma_start3A_18 = tpu.memref_slice %arg8[%dma_start3A_17] : memref<256xi32, #tpu.memory_space<vmem>> -> memref<32xi32, #tpu.memory_space<vmem>>
    %dma_start3A_19 = arith.constant 0 : i32
    %dma_start3A_20 = arith.constant 0 : i32
    %dma_start3A_21 = tpu.memref_slice %arg4[%dma_start3A_19, %dma_start3A_20] : memref<10000x128xf32, #tpu.memory_space<hbm>> -> memref<10000x128xf32, #tpu.memory_space<hbm>>
    tpu.enqueue_indirect_dma source(%dma_start3A_21 : memref<10000x128xf32, #tpu.memory_space<hbm>>) target(%dma_start3A_16 : memref<32x128xf32, #tpu.memory_space<vmem>>) offsets(%dma_start3A_18 : memref<32xi32, #tpu.memory_space<vmem>>) semaphore(%arg16 : memref<!tpu.dma_semaphore, #tpu.memory_space<semaphore_mem>>)
    %dma_start3A_22 = arith.constant 1 : i32
    %dma_start3A_23 = arith.constant 0 : i32
    %dma_start3A_24 = arith.constant 0 : i32
    %dma_start3A_25 = tpu.memref_slice %arg10[%dma_start3A_22, %dma_start3A_23, %dma_start3A_24] : memref<2x32x128xf32, #tpu.memory_space<vmem>> -> memref<1x32x128xf32, #tpu.memory_space<vmem>>
    %dma_start3A_26 = tpu.memref_squeeze %dma_start3A_25 : memref<1x32x128xf32, #tpu.memory_space<vmem>> -> memref<32x128xf32, #tpu.memory_space<vmem>>
    %dma_start3A_27 = arith.constant 32 : i32
    %dma_start3A_28 = tpu.memref_slice %arg8[%dma_start3A_27] : memref<256xi32, #tpu.memory_space<vmem>> -> memref<32xi32, #tpu.memory_space<vmem>>
    %dma_start3A_29 = arith.constant 0 : i32
    %dma_start3A_30 = arith.constant 0 : i32
    %dma_start3A_31 = tpu.memref_slice %arg4[%dma_start3A_29, %dma_start3A_30] : memref<10000x128xf32, #tpu.memory_space<hbm>> -> memref<10000x128xf32, #tpu.memory_space<hbm>>
    tpu.enqueue_indirect_dma source(%dma_start3A_31 : memref<10000x128xf32, #tpu.memory_space<hbm>>) target(%dma_start3A_26 : memref<32x128xf32, #tpu.memory_space<vmem>>) offsets(%dma_start3A_28 : memref<32xi32, #tpu.memory_space<vmem>>) semaphore(%arg17 : memref<!tpu.dma_semaphore, #tpu.memory_space<semaphore_mem>>)
    %eq3A = arith.constant 0 : i32
    %eq3A_32 = arith.cmpi eq, %arg1, %eq3A : i32
    %convert_element_type3A = arith.extui %eq3A_32 : i1 to i32
    %cond3A = arith.constant 0 : i32
    %cond3A_33 = arith.cmpi ne, %convert_element_type3A, %cond3A : i32
    scf.if %cond3A_33 {
      "tpu.region"() ({
        %run_scoped3A = tpu.sem_alloc : memref<!tpu.dma_semaphore, #tpu.memory_space<semaphore_mem>>
        %dma_start3A_668 = arith.constant 9984 : i32
        %dma_start3A_669 = arith.constant 0 : i32
        %dma_start3A_670 = tpu.memref_slice %arg15[%dma_start3A_668, %dma_start3A_669] : memref<10000x128xf32, #tpu.memory_space<vmem_shared>> -> memref<16x128xf32, #tpu.memory_space<vmem_shared>>
        %dma_start3A_671 = arith.constant 9984 : i32
        %dma_start3A_672 = arith.constant 0 : i32
        %dma_start3A_673 = tpu.memref_slice %arg5[%dma_start3A_671, %dma_start3A_672] : memref<10000x128xf32, #tpu.memory_space<hbm>> -> memref<16x128xf32, #tpu.memory_space<hbm>>
        tpu.enqueue_dma source(%dma_start3A_673 : memref<16x128xf32, #tpu.memory_space<hbm>>) target(%dma_start3A_670 : memref<16x128xf32, #tpu.memory_space<vmem_shared>>) target_semaphore(%run_scoped3A : memref<!tpu.dma_semaphore, #tpu.memory_space<semaphore_mem>>)
        %dma_wait3A_674 = arith.constant 9984 : i32
        %dma_wait3A_675 = arith.constant 0 : i32
        %dma_wait3A_676 = tpu.memref_slice %arg15[%dma_wait3A_674, %dma_wait3A_675] : memref<10000x128xf32, #tpu.memory_space<vmem_shared>> -> memref<16x128xf32, #tpu.memory_space<vmem_shared>>
        %dma_wait3A_677 = arith.constant 9984 : i32
        %dma_wait3A_678 = arith.constant 0 : i32
        %dma_wait3A_679 = tpu.memref_slice %arg5[%dma_wait3A_677, %dma_wait3A_678] : memref<10000x128xf32, #tpu.memory_space<hbm>> -> memref<16x128xf32, #tpu.memory_space<hbm>>
        tpu.wait_dma2 semaphore(%run_scoped3A : memref<!tpu.dma_semaphore, #tpu.memory_space<semaphore_mem>>) src(%dma_wait3A_679 : memref<16x128xf32, #tpu.memory_space<hbm>>) dst(%dma_wait3A_676 : memref<16x128xf32, #tpu.memory_space<vmem_shared>>)
        tpu.yield
      }) : () -> ()
    } else {
    }
    %dma_wait3A = arith.constant 0 : i32
    %dma_wait3A_34 = tpu.memref_slice %arg15[%multiple_of3A, %dma_wait3A] : memref<10000x128xf32, #tpu.memory_space<vmem_shared>> -> memref<624x128xf32, #tpu.memory_space<vmem_shared>>
    %dma_wait3A_35 = arith.constant 0 : i32
    %dma_wait3A_36 = tpu.memref_slice %arg5[%multiple_of3A, %dma_wait3A_35] : memref<10000x128xf32, #tpu.memory_space<hbm>> -> memref<624x128xf32, #tpu.memory_space<hbm>>
    tpu.wait_dma2 semaphore(%arg18 : memref<!tpu.dma_semaphore, #tpu.memory_space<semaphore_mem>>) src(%dma_wait3A_36 : memref<624x128xf32, #tpu.memory_space<hbm>>) dst(%dma_wait3A_34 : memref<624x128xf32, #tpu.memory_space<vmem_shared>>)
    %barrier3A = arith.constant 0 : index
    tpu.barrier barrier_id(%barrier3A)
    %dma_start3A_37 = arith.constant 0 : i32
    %dma_start3A_38 = arith.constant 0 : i32
    %dma_start3A_39 = arith.constant 0 : i32
    %dma_start3A_40 = tpu.memref_slice %arg11[%dma_start3A_37, %dma_start3A_38, %dma_start3A_39] : memref<4x32x128xf32, #tpu.memory_space<vmem>> -> memref<1x32x128xf32, #tpu.memory_space<vmem>>
    %dma_start3A_41 = tpu.memref_squeeze %dma_start3A_40 : memref<1x32x128xf32, #tpu.memory_space<vmem>> -> memref<32x128xf32, #tpu.memory_space<vmem>>
    %dma_start3A_42 = arith.constant 0 : i32
    %dma_start3A_43 = tpu.memref_slice %arg9[%dma_start3A_42] : memref<8192xi32, #tpu.memory_space<vmem>> -> memref<32xi32, #tpu.memory_space<vmem>>
    %dma_start3A_44 = arith.constant 0 : i32
    %dma_start3A_45 = arith.constant 0 : i32
    %dma_start3A_46 = tpu.memref_slice %arg15[%dma_start3A_44, %dma_start3A_45] : memref<10000x128xf32, #tpu.memory_space<vmem_shared>> -> memref<10000x128xf32, #tpu.memory_space<vmem_shared>>
    tpu.enqueue_indirect_dma source(%dma_start3A_46 : memref<10000x128xf32, #tpu.memory_space<vmem_shared>>) target(%dma_start3A_41 : memref<32x128xf32, #tpu.memory_space<vmem>>) offsets(%dma_start3A_43 : memref<32xi32, #tpu.memory_space<vmem>>) semaphore(%arg19 : memref<!tpu.dma_semaphore, #tpu.memory_space<semaphore_mem>>)
    %dma_start3A_47 = arith.constant 1 : i32
    %dma_start3A_48 = arith.constant 0 : i32
    %dma_start3A_49 = arith.constant 0 : i32
    %dma_start3A_50 = tpu.memref_slice %arg11[%dma_start3A_47, %dma_start3A_48, %dma_start3A_49] : memref<4x32x128xf32, #tpu.memory_space<vmem>> -> memref<1x32x128xf32, #tpu.memory_space<vmem>>
    %dma_start3A_51 = tpu.memref_squeeze %dma_start3A_50 : memref<1x32x128xf32, #tpu.memory_space<vmem>> -> memref<32x128xf32, #tpu.memory_space<vmem>>
    %dma_start3A_52 = arith.constant 32 : i32
    %dma_start3A_53 = tpu.memref_slice %arg9[%dma_start3A_52] : memref<8192xi32, #tpu.memory_space<vmem>> -> memref<32xi32, #tpu.memory_space<vmem>>
    %dma_start3A_54 = arith.constant 0 : i32
    %dma_start3A_55 = arith.constant 0 : i32
    %dma_start3A_56 = tpu.memref_slice %arg15[%dma_start3A_54, %dma_start3A_55] : memref<10000x128xf32, #tpu.memory_space<vmem_shared>> -> memref<10000x128xf32, #tpu.memory_space<vmem_shared>>
    tpu.enqueue_indirect_dma source(%dma_start3A_56 : memref<10000x128xf32, #tpu.memory_space<vmem_shared>>) target(%dma_start3A_51 : memref<32x128xf32, #tpu.memory_space<vmem>>) offsets(%dma_start3A_53 : memref<32xi32, #tpu.memory_space<vmem>>) semaphore(%arg20 : memref<!tpu.dma_semaphore, #tpu.memory_space<semaphore_mem>>)
    %dma_start3A_57 = arith.constant 2 : i32
    %dma_start3A_58 = arith.constant 0 : i32
    %dma_start3A_59 = arith.constant 0 : i32
    %dma_start3A_60 = tpu.memref_slice %arg11[%dma_start3A_57, %dma_start3A_58, %dma_start3A_59] : memref<4x32x128xf32, #tpu.memory_space<vmem>> -> memref<1x32x128xf32, #tpu.memory_space<vmem>>
    %dma_start3A_61 = tpu.memref_squeeze %dma_start3A_60 : memref<1x32x128xf32, #tpu.memory_space<vmem>> -> memref<32x128xf32, #tpu.memory_space<vmem>>
    %dma_start3A_62 = arith.constant 64 : i32
    %dma_start3A_63 = tpu.memref_slice %arg9[%dma_start3A_62] : memref<8192xi32, #tpu.memory_space<vmem>> -> memref<32xi32, #tpu.memory_space<vmem>>
    %dma_start3A_64 = arith.constant 0 : i32
    %dma_start3A_65 = arith.constant 0 : i32
    %dma_start3A_66 = tpu.memref_slice %arg15[%dma_start3A_64, %dma_start3A_65] : memref<10000x128xf32, #tpu.memory_space<vmem_shared>> -> memref<10000x128xf32, #tpu.memory_space<vmem_shared>>
    tpu.enqueue_indirect_dma source(%dma_start3A_66 : memref<10000x128xf32, #tpu.memory_space<vmem_shared>>) target(%dma_start3A_61 : memref<32x128xf32, #tpu.memory_space<vmem>>) offsets(%dma_start3A_63 : memref<32xi32, #tpu.memory_space<vmem>>) semaphore(%arg21 : memref<!tpu.dma_semaphore, #tpu.memory_space<semaphore_mem>>)
    %dma_start3A_67 = arith.constant 3 : i32
    %dma_start3A_68 = arith.constant 0 : i32
    %dma_start3A_69 = arith.constant 0 : i32
    %dma_start3A_70 = tpu.memref_slice %arg11[%dma_start3A_67, %dma_start3A_68, %dma_start3A_69] : memref<4x32x128xf32, #tpu.memory_space<vmem>> -> memref<1x32x128xf32, #tpu.memory_space<vmem>>
    %dma_start3A_71 = tpu.memref_squeeze %dma_start3A_70 : memref<1x32x128xf32, #tpu.memory_space<vmem>> -> memref<32x128xf32, #tpu.memory_space<vmem>>
    %dma_start3A_72 = arith.constant 96 : i32
    %dma_start3A_73 = tpu.memref_slice %arg9[%dma_start3A_72] : memref<8192xi32, #tpu.memory_space<vmem>> -> memref<32xi32, #tpu.memory_space<vmem>>
    %dma_start3A_74 = arith.constant 0 : i32
    %dma_start3A_75 = arith.constant 0 : i32
    %dma_start3A_76 = tpu.memref_slice %arg15[%dma_start3A_74, %dma_start3A_75] : memref<10000x128xf32, #tpu.memory_space<vmem_shared>> -> memref<10000x128xf32, #tpu.memory_space<vmem_shared>>
    tpu.enqueue_indirect_dma source(%dma_start3A_76 : memref<10000x128xf32, #tpu.memory_space<vmem_shared>>) target(%dma_start3A_71 : memref<32x128xf32, #tpu.memory_space<vmem>>) offsets(%dma_start3A_73 : memref<32xi32, #tpu.memory_space<vmem>>) semaphore(%arg22 : memref<!tpu.dma_semaphore, #tpu.memory_space<semaphore_mem>>)
    %get3A = arith.constant 0 : index
    %get3A_77 = tpu.vector_load %arg12[%get3A] {strides = array<i32>} : memref<128xf32, #tpu.memory_space<vmem>>, vector<16xf32>,
    %get3A_78 = arith.constant 16 : index
    %get3A_79 = tpu.vector_load %arg12[%get3A_78] {strides = array<i32>} : memref<128xf32, #tpu.memory_space<vmem>>, vector<16xf32>,
    %get3A_80 = arith.constant 32 : index
    %get3A_81 = tpu.vector_load %arg12[%get3A_80] {strides = array<i32>} : memref<128xf32, #tpu.memory_space<vmem>>, vector<16xf32>,
    %get3A_82 = arith.constant 48 : index
    %get3A_83 = tpu.vector_load %arg12[%get3A_82] {strides = array<i32>} : memref<128xf32, #tpu.memory_space<vmem>>, vector<16xf32>,
    %get3A_84 = arith.constant 64 : index
    %get3A_85 = tpu.vector_load %arg12[%get3A_84] {strides = array<i32>} : memref<128xf32, #tpu.memory_space<vmem>>, vector<16xf32>,
    %get3A_86 = arith.constant 80 : index
    %get3A_87 = tpu.vector_load %arg12[%get3A_86] {strides = array<i32>} : memref<128xf32, #tpu.memory_space<vmem>>, vector<16xf32>,
    %get3A_88 = arith.constant 96 : index
    %get3A_89 = tpu.vector_load %arg12[%get3A_88] {strides = array<i32>} : memref<128xf32, #tpu.memory_space<vmem>>, vector<16xf32>,
    %get3A_90 = arith.constant 112 : index
    %get3A_91 = tpu.vector_load %arg12[%get3A_90] {strides = array<i32>} : memref<128xf32, #tpu.memory_space<vmem>>, vector<16xf32>,
    %scan3A = arith.constant 0 : i32
    %scan3A_92 = arith.constant 4 : i32
    %scan3A_93 = arith.addi %scan3A, %scan3A_92 : i32
    %scan3A_94 = arith.constant 1 : i32
    scf.for %scan3A_668 = %scan3A to %scan3A_93 step %scan3A_94  : i32 {
      %mul3A_669 = arith.constant 2 : i32
      %mul3A_670 = arith.muli %scan3A_668, %mul3A_669 : i32
      %add3A_671 = arith.constant 0 : i32
      %add3A_672 = arith.addi %mul3A_670, %add3A_671 : i32
      %mul3A_673 = arith.constant 32 : i32
      %mul3A_674 = arith.muli %add3A_672, %mul3A_673 : i32
      %dma_wait3A_675 = arith.constant 0 : i32
      %dma_wait3A_676 = arith.constant 0 : i32
      %dma_wait3A_677 = arith.constant 0 : i32
      %dma_wait3A_678 = tpu.memref_slice %arg10[%dma_wait3A_675, %dma_wait3A_676, %dma_wait3A_677] : memref<2x32x128xf32, #tpu.memory_space<vmem>> -> memref<1x32x128xf32, #tpu.memory_space<vmem>>
      %dma_wait3A_679 = tpu.memref_squeeze %dma_wait3A_678 : memref<1x32x128xf32, #tpu.memory_space<vmem>> -> memref<32x128xf32, #tpu.memory_space<vmem>>
      %dma_wait3A_680 = tpu.memref_slice %arg8[%mul3A_674] : memref<256xi32, #tpu.memory_space<vmem>> -> memref<32xi32, #tpu.memory_space<vmem>>
      %dma_wait3A_681 = arith.constant 0 : i32
      %dma_wait3A_682 = arith.constant 0 : i32
      %dma_wait3A_683 = tpu.memref_slice %arg4[%dma_wait3A_681, %dma_wait3A_682] : memref<10000x128xf32, #tpu.memory_space<hbm>> -> memref<10000x128xf32, #tpu.memory_space<hbm>>
      tpu.wait_indirect_dma semaphore(%arg16 : memref<!tpu.dma_semaphore, #tpu.memory_space<semaphore_mem>>) src(%dma_wait3A_683 : memref<10000x128xf32, #tpu.memory_space<hbm>>) dst(%dma_wait3A_679 : memref<32x128xf32, #tpu.memory_space<vmem>>)
      %scan3A_684 = arith.constant 0 : i32
      %scan3A_685 = arith.constant 8 : i32
      %scan3A_686 = arith.addi %scan3A_684, %scan3A_685 : i32
      %scan3A_687 = arith.constant 1 : i32
      scf.for %scan3A_722 = %scan3A_684 to %scan3A_686 step %scan3A_687  : i32 {
        %mul3A_723 = arith.constant 4 : i32
        %mul3A_724 = arith.muli %scan3A_722, %mul3A_723 : i32
        %add3A_725 = arith.constant 0 : i32
        %add3A_726 = arith.addi %mul3A_724, %add3A_725 : i32
        %mul3A_727 = arith.constant 32 : i32
        %mul3A_728 = arith.muli %add3A_672, %mul3A_727 : i32
        %add3A_729 = arith.addi %mul3A_728, %add3A_726 : i32
        %mul3A_730 = arith.constant 32 : i32
        %mul3A_731 = arith.muli %add3A_729, %mul3A_730 : i32
        %dma_wait3A_732 = arith.constant 0 : i32
        %dma_wait3A_733 = arith.constant 0 : i32
        %dma_wait3A_734 = arith.constant 0 : i32
        %dma_wait3A_735 = tpu.memref_slice %arg11[%dma_wait3A_732, %dma_wait3A_733, %dma_wait3A_734] : memref<4x32x128xf32, #tpu.memory_space<vmem>> -> memref<1x32x128xf32, #tpu.memory_space<vmem>>
        %dma_wait3A_736 = tpu.memref_squeeze %dma_wait3A_735 : memref<1x32x128xf32, #tpu.memory_space<vmem>> -> memref<32x128xf32, #tpu.memory_space<vmem>>
        %dma_wait3A_737 = tpu.memref_slice %arg9[%mul3A_731] : memref<8192xi32, #tpu.memory_space<vmem>> -> memref<32xi32, #tpu.memory_space<vmem>>
        %dma_wait3A_738 = arith.constant 0 : i32
        %dma_wait3A_739 = arith.constant 0 : i32
        %dma_wait3A_740 = tpu.memref_slice %arg15[%dma_wait3A_738, %dma_wait3A_739] : memref<10000x128xf32, #tpu.memory_space<vmem_shared>> -> memref<10000x128xf32, #tpu.memory_space<vmem_shared>>
        tpu.wait_indirect_dma semaphore(%arg19 : memref<!tpu.dma_semaphore, #tpu.memory_space<semaphore_mem>>) src(%dma_wait3A_740 : memref<10000x128xf32, #tpu.memory_space<vmem_shared>>) dst(%dma_wait3A_736 : memref<32x128xf32, #tpu.memory_space<vmem>>)
        %broadcast_in_dim3A_741 = arith.constant 0.000000e+00 : f32
        %broadcast_in_dim3A_742 = vector.broadcast %broadcast_in_dim3A_741 : f32 to vector<16xf32>
        %broadcast_in_dim3A_743 = arith.constant 0.000000e+00 : f32
        %broadcast_in_dim3A_744 = vector.broadcast %broadcast_in_dim3A_743 : f32 to vector<16xf32>
        %broadcast_in_dim3A_745 = arith.constant 0.000000e+00 : f32
        %broadcast_in_dim3A_746 = vector.broadcast %broadcast_in_dim3A_745 : f32 to vector<16xf32>
        %broadcast_in_dim3A_747 = arith.constant 0.000000e+00 : f32
        %broadcast_in_dim3A_748 = vector.broadcast %broadcast_in_dim3A_747 : f32 to vector<16xf32>
        %broadcast_in_dim3A_749 = arith.constant 0.000000e+00 : f32
        %broadcast_in_dim3A_750 = vector.broadcast %broadcast_in_dim3A_749 : f32 to vector<16xf32>
        %broadcast_in_dim3A_751 = arith.constant 0.000000e+00 : f32
        %broadcast_in_dim3A_752 = vector.broadcast %broadcast_in_dim3A_751 : f32 to vector<16xf32>
        %broadcast_in_dim3A_753 = arith.constant 0.000000e+00 : f32
        %broadcast_in_dim3A_754 = vector.broadcast %broadcast_in_dim3A_753 : f32 to vector<16xf32>
        %broadcast_in_dim3A_755 = arith.constant 0.000000e+00 : f32
        %broadcast_in_dim3A_756 = vector.broadcast %broadcast_in_dim3A_755 : f32 to vector<16xf32>
        %scan3A_757 = arith.constant 0 : i32
        %scan3A_758 = arith.constant 8 : i32
        %scan3A_759 = arith.addi %scan3A_757, %scan3A_758 : i32
        %scan3A_760 = arith.constant 1 : i32
        %scan3A_761:8 = scf.for %scan3A_1280 = %scan3A_757 to %scan3A_759 step %scan3A_760 iter_args(%scan3A_1281 = %broadcast_in_dim3A_742, %scan3A_1282 = %broadcast_in_dim3A_744, %scan3A_1283 = %broadcast_in_dim3A_746, %scan3A_1284 = %broadcast_in_dim3A_748, %scan3A_1285 = %broadcast_in_dim3A_750, %scan3A_1286 = %broadcast_in_dim3A_752, %scan3A_1287 = %broadcast_in_dim3A_754, %scan3A_1288 = %broadcast_in_dim3A_756) -> (vector<16xf32>, vector<16xf32>, vector<16xf32>, vector<16xf32>, vector<16xf32>, vector<16xf32>, vector<16xf32>, vector<16xf32>)  : i32 {
          %mul3A_1289 = arith.constant 4 : i32
          %mul3A_1290 = arith.muli %scan3A_1280, %mul3A_1289 : i32
          %add3A_1291 = arith.constant 0 : i32
          %add3A_1292 = arith.addi %mul3A_1290, %add3A_1291 : i32
          %get3A_1293 = arith.constant 0 : i32
          %get3A_1294 = arith.index_cast %get3A_1293 : i32 to index
          %get3A_1295 = arith.index_cast %add3A_1292 : i32 to index
          %get3A_1296 = arith.constant 0 : index
          %get3A_1297 = tpu.vector_load %arg11[%get3A_1294, %get3A_1295, %get3A_1296] {strides = array<i32>} : memref<4x32x128xf32, #tpu.memory_space<vmem>>, vector<16xf32>,
          %add3A_1298 = arith.addf %scan3A_1281, %get3A_1297 : vector<16xf32>
          %mul3A_1299 = arith.constant 4 : i32
          %mul3A_1300 = arith.muli %scan3A_1280, %mul3A_1299 : i32
          %add3A_1301 = arith.constant 0 : i32
          %add3A_1302 = arith.addi %mul3A_1300, %add3A_1301 : i32
          %get3A_1303 = arith.constant 0 : i32
          %get3A_1304 = arith.index_cast %get3A_1303 : i32 to index
          %get3A_1305 = arith.index_cast %add3A_1302 : i32 to index
          %get3A_1306 = arith.constant 16 : index
          %get3A_1307 = tpu.vector_load %arg11[%get3A_1304, %get3A_1305, %get3A_1306] {strides = array<i32>} : memref<4x32x128xf32, #tpu.memory_space<vmem>>, vector<16xf32>,
          %add3A_1308 = arith.addf %scan3A_1282, %get3A_1307 : vector<16xf32>
          %mul3A_1309 = arith.constant 4 : i32
          %mul3A_1310 = arith.muli %scan3A_1280, %mul3A_1309 : i32
          %add3A_1311 = arith.constant 0 : i32
          %add3A_1312 = arith.addi %mul3A_1310, %add3A_1311 : i32
          %get3A_1313 = arith.constant 0 : i32
          %get3A_1314 = arith.index_cast %get3A_1313 : i32 to index
          %get3A_1315 = arith.index_cast %add3A_1312 : i32 to index
          %get3A_1316 = arith.constant 32 : index
          %get3A_1317 = tpu.vector_load %arg11[%get3A_1314, %get3A_1315, %get3A_1316] {strides = array<i32>} : memref<4x32x128xf32, #tpu.memory_space<vmem>>, vector<16xf32>,
          %add3A_1318 = arith.addf %scan3A_1283, %get3A_1317 : vector<16xf32>
          %mul3A_1319 = arith.constant 4 : i32
          %mul3A_1320 = arith.muli %scan3A_1280, %mul3A_1319 : i32
          %add3A_1321 = arith.constant 0 : i32
          %add3A_1322 = arith.addi %mul3A_1320, %add3A_1321 : i32
          %get3A_1323 = arith.constant 0 : i32
          %get3A_1324 = arith.index_cast %get3A_1323 : i32 to index
          %get3A_1325 = arith.index_cast %add3A_1322 : i32 to index
          %get3A_1326 = arith.constant 48 : index
          %get3A_1327 = tpu.vector_load %arg11[%get3A_1324, %get3A_1325, %get3A_1326] {strides = array<i32>} : memref<4x32x128xf32, #tpu.memory_space<vmem>>, vector<16xf32>,
          %add3A_1328 = arith.addf %scan3A_1284, %get3A_1327 : vector<16xf32>
          %mul3A_1329 = arith.constant 4 : i32
          %mul3A_1330 = arith.muli %scan3A_1280, %mul3A_1329 : i32
          %add3A_1331 = arith.constant 0 : i32
          %add3A_1332 = arith.addi %mul3A_1330, %add3A_1331 : i32
          %get3A_1333 = arith.constant 0 : i32
          %get3A_1334 = arith.index_cast %get3A_1333 : i32 to index
          %get3A_1335 = arith.index_cast %add3A_1332 : i32 to index
          %get3A_1336 = arith.constant 64 : index
          %get3A_1337 = tpu.vector_load %arg11[%get3A_1334, %get3A_1335, %get3A_1336] {strides = array<i32>} : memref<4x32x128xf32, #tpu.memory_space<vmem>>, vector<16xf32>,
          %add3A_1338 = arith.addf %scan3A_1285, %get3A_1337 : vector<16xf32>
          %mul3A_1339 = arith.constant 4 : i32
          %mul3A_1340 = arith.muli %scan3A_1280, %mul3A_1339 : i32
          %add3A_1341 = arith.constant 0 : i32
          %add3A_1342 = arith.addi %mul3A_1340, %add3A_1341 : i32
          %get3A_1343 = arith.constant 0 : i32
          %get3A_1344 = arith.index_cast %get3A_1343 : i32 to index
          %get3A_1345 = arith.index_cast %add3A_1342 : i32 to index
          %get3A_1346 = arith.constant 80 : index
          %get3A_1347 = tpu.vector_load %arg11[%get3A_1344, %get3A_1345, %get3A_1346] {strides = array<i32>} : memref<4x32x128xf32, #tpu.memory_space<vmem>>, vector<16xf32>,
          %add3A_1348 = arith.addf %scan3A_1286, %get3A_1347 : vector<16xf32>
          %mul3A_1349 = arith.constant 4 : i32
          %mul3A_1350 = arith.muli %scan3A_1280, %mul3A_1349 : i32
          %add3A_1351 = arith.constant 0 : i32
          %add3A_1352 = arith.addi %mul3A_1350, %add3A_1351 : i32
          %get3A_1353 = arith.constant 0 : i32
          %get3A_1354 = arith.index_cast %get3A_1353 : i32 to index
          %get3A_1355 = arith.index_cast %add3A_1352 : i32 to index
          %get3A_1356 = arith.constant 96 : index
          %get3A_1357 = tpu.vector_load %arg11[%get3A_1354, %get3A_1355, %get3A_1356] {strides = array<i32>} : memref<4x32x128xf32, #tpu.memory_space<vmem>>, vector<16xf32>,
          %add3A_1358 = arith.addf %scan3A_1287, %get3A_1357 : vector<16xf32>
          %mul3A_1359 = arith.constant 4 : i32
          %mul3A_1360 = arith.muli %scan3A_1280, %mul3A_1359 : i32
          %add3A_1361 = arith.constant 0 : i32
          %add3A_1362 = arith.addi %mul3A_1360, %add3A_1361 : i32
          %get3A_1363 = arith.constant 0 : i32
          %get3A_1364 = arith.index_cast %get3A_1363 : i32 to index
          %get3A_1365 = arith.index_cast %add3A_1362 : i32 to index
          %get3A_1366 = arith.constant 112 : index
          %get3A_1367 = tpu.vector_load %arg11[%get3A_1364, %get3A_1365, %get3A_1366] {strides = array<i32>} : memref<4x32x128xf32, #tpu.memory_space<vmem>>, vector<16xf32>,
          %add3A_1368 = arith.addf %scan3A_1288, %get3A_1367 : vector<16xf32>
          %mul3A_1369 = arith.constant 4 : i32
          %mul3A_1370 = arith.muli %scan3A_1280, %mul3A_1369 : i32
          %add3A_1371 = arith.constant 1 : i32
          %add3A_1372 = arith.addi %mul3A_1370, %add3A_1371 : i32
          %get3A_1373 = arith.constant 0 : i32
          %get3A_1374 = arith.index_cast %get3A_1373 : i32 to index
          %get3A_1375 = arith.index_cast %add3A_1372 : i32 to index
          %get3A_1376 = arith.constant 0 : index
          %get3A_1377 = tpu.vector_load %arg11[%get3A_1374, %get3A_1375, %get3A_1376] {strides = array<i32>} : memref<4x32x128xf32, #tpu.memory_space<vmem>>, vector<16xf32>,
          %add3A_1378 = arith.addf %add3A_1298, %get3A_1377 : vector<16xf32>
          %mul3A_1379 = arith.constant 4 : i32
          %mul3A_1380 = arith.muli %scan3A_1280, %mul3A_1379 : i32
          %add3A_1381 = arith.constant 1 : i32
          %add3A_1382 = arith.addi %mul3A_1380, %add3A_1381 : i32
          %get3A_1383 = arith.constant 0 : i32
          %get3A_1384 = arith.index_cast %get3A_1383 : i32 to index
          %get3A_1385 = arith.index_cast %add3A_1382 : i32 to index
          %get3A_1386 = arith.constant 16 : index
          %get3A_1387 = tpu.vector_load %arg11[%get3A_1384, %get3A_1385, %get3A_1386] {strides = array<i32>} : memref<4x32x128xf32, #tpu.memory_space<vmem>>, vector<16xf32>,
          %add3A_1388 = arith.addf %add3A_1308, %get3A_1387 : vector<16xf32>
          %mul3A_1389 = arith.constant 4 : i32
          %mul3A_1390 = arith.muli %scan3A_1280, %mul3A_1389 : i32
          %add3A_1391 = arith.constant 1 : i32
          %add3A_1392 = arith.addi %mul3A_1390, %add3A_1391 : i32
          %get3A_1393 = arith.constant 0 : i32
          %get3A_1394 = arith.index_cast %get3A_1393 : i32 to index
          %get3A_1395 = arith.index_cast %add3A_1392 : i32 to index
          %get3A_1396 = arith.constant 32 : index
          %get3A_1397 = tpu.vector_load %arg11[%get3A_1394, %get3A_1395, %get3A_1396] {strides = array<i32>} : memref<4x32x128xf32, #tpu.memory_space<vmem>>, vector<16xf32>,
          %add3A_1398 = arith.addf %add3A_1318, %get3A_1397 : vector<16xf32>
          %mul3A_1399 = arith.constant 4 : i32
          %mul3A_1400 = arith.muli %scan3A_1280, %mul3A_1399 : i32
          %add3A_1401 = arith.constant 1 : i32
          %add3A_1402 = arith.addi %mul3A_1400, %add3A_1401 : i32
          %get3A_1403 = arith.constant 0 : i32
          %get3A_1404 = arith.index_cast %get3A_1403 : i32 to index
          %get3A_1405 = arith.index_cast %add3A_1402 : i32 to index
          %get3A_1406 = arith.constant 48 : index
          %get3A_1407 = tpu.vector_load %arg11[%get3A_1404, %get3A_1405, %get3A_1406] {strides = array<i32>} : memref<4x32x128xf32, #tpu.memory_space<vmem>>, vector<16xf32>,
          %add3A_1408 = arith.addf %add3A_1328, %get3A_1407 : vector<16xf32>
          %mul3A_1409 = arith.constant 4 : i32
          %mul3A_1410 = arith.muli %scan3A_1280, %mul3A_1409 : i32
          %add3A_1411 = arith.constant 1 : i32
          %add3A_1412 = arith.addi %mul3A_1410, %add3A_1411 : i32
          %get3A_1413 = arith.constant 0 : i32
          %get3A_1414 = arith.index_cast %get3A_1413 : i32 to index
          %get3A_1415 = arith.index_cast %add3A_1412 : i32 to index
          %get3A_1416 = arith.constant 64 : index
          %get3A_1417 = tpu.vector_load %arg11[%get3A_1414, %get3A_1415, %get3A_1416] {strides = array<i32>} : memref<4x32x128xf32, #tpu.memory_space<vmem>>, vector<16xf32>,
          %add3A_1418 = arith.addf %add3A_1338, %get3A_1417 : vector<16xf32>
          %mul3A_1419 = arith.constant 4 : i32
          %mul3A_1420 = arith.muli %scan3A_1280, %mul3A_1419 : i32
          %add3A_1421 = arith.constant 1 : i32
          %add3A_1422 = arith.addi %mul3A_1420, %add3A_1421 : i32
          %get3A_1423 = arith.constant 0 : i32
          %get3A_1424 = arith.index_cast %get3A_1423 : i32 to index
          %get3A_1425 = arith.index_cast %add3A_1422 : i32 to index
          %get3A_1426 = arith.constant 80 : index
          %get3A_1427 = tpu.vector_load %arg11[%get3A_1424, %get3A_1425, %get3A_1426] {strides = array<i32>} : memref<4x32x128xf32, #tpu.memory_space<vmem>>, vector<16xf32>,
          %add3A_1428 = arith.addf %add3A_1348, %get3A_1427 : vector<16xf32>
          %mul3A_1429 = arith.constant 4 : i32
          %mul3A_1430 = arith.muli %scan3A_1280, %mul3A_1429 : i32
          %add3A_1431 = arith.constant 1 : i32
          %add3A_1432 = arith.addi %mul3A_1430, %add3A_1431 : i32
          %get3A_1433 = arith.constant 0 : i32
          %get3A_1434 = arith.index_cast %get3A_1433 : i32 to index
          %get3A_1435 = arith.index_cast %add3A_1432 : i32 to index
          %get3A_1436 = arith.constant 96 : index
          %get3A_1437 = tpu.vector_load %arg11[%get3A_1434, %get3A_1435, %get3A_1436] {strides = array<i32>} : memref<4x32x128xf32, #tpu.memory_space<vmem>>, vector<16xf32>,
          %add3A_1438 = arith.addf %add3A_1358, %get3A_1437 : vector<16xf32>
          %mul3A_1439 = arith.constant 4 : i32
          %mul3A_1440 = arith.muli %scan3A_1280, %mul3A_1439 : i32
          %add3A_1441 = arith.constant 1 : i32
          %add3A_1442 = arith.addi %mul3A_1440, %add3A_1441 : i32
          %get3A_1443 = arith.constant 0 : i32
          %get3A_1444 = arith.index_cast %get3A_1443 : i32 to index
          %get3A_1445 = arith.index_cast %add3A_1442 : i32 to index
          %get3A_1446 = arith.constant 112 : index
          %get3A_1447 = tpu.vector_load %arg11[%get3A_1444, %get3A_1445, %get3A_1446] {strides = array<i32>} : memref<4x32x128xf32, #tpu.memory_space<vmem>>, vector<16xf32>,
          %add3A_1448 = arith.addf %add3A_1368, %get3A_1447 : vector<16xf32>
          %mul3A_1449 = arith.constant 4 : i32
          %mul3A_1450 = arith.muli %scan3A_1280, %mul3A_1449 : i32
          %add3A_1451 = arith.constant 2 : i32
          %add3A_1452 = arith.addi %mul3A_1450, %add3A_1451 : i32
          %get3A_1453 = arith.constant 0 : i32
          %get3A_1454 = arith.index_cast %get3A_1453 : i32 to index
          %get3A_1455 = arith.index_cast %add3A_1452 : i32 to index
          %get3A_1456 = arith.constant 0 : index
          %get3A_1457 = tpu.vector_load %arg11[%get3A_1454, %get3A_1455, %get3A_1456] {strides = array<i32>} : memref<4x32x128xf32, #tpu.memory_space<vmem>>, vector<16xf32>,
          %add3A_1458 = arith.addf %add3A_1378, %get3A_1457 : vector<16xf32>
          %mul3A_1459 = arith.constant 4 : i32
          %mul3A_1460 = arith.muli %scan3A_1280, %mul3A_1459 : i32
          %add3A_1461 = arith.constant 2 : i32
          %add3A_1462 = arith.addi %mul3A_1460, %add3A_1461 : i32
          %get3A_1463 = arith.constant 0 : i32
          %get3A_1464 = arith.index_cast %get3A_1463 : i32 to index
          %get3A_1465 = arith.index_cast %add3A_1462 : i32 to index
          %get3A_1466 = arith.constant 16 : index
          %get3A_1467 = tpu.vector_load %arg11[%get3A_1464, %get3A_1465, %get3A_1466] {strides = array<i32>} : memref<4x32x128xf32, #tpu.memory_space<vmem>>, vector<16xf32>,
          %add3A_1468 = arith.addf %add3A_1388, %get3A_1467 : vector<16xf32>
          %mul3A_1469 = arith.constant 4 : i32
          %mul3A_1470 = arith.muli %scan3A_1280, %mul3A_1469 : i32
          %add3A_1471 = arith.constant 2 : i32
          %add3A_1472 = arith.addi %mul3A_1470, %add3A_1471 : i32
          %get3A_1473 = arith.constant 0 : i32
          %get3A_1474 = arith.index_cast %get3A_1473 : i32 to index
          %get3A_1475 = arith.index_cast %add3A_1472 : i32 to index
          %get3A_1476 = arith.constant 32 : index
          %get3A_1477 = tpu.vector_load %arg11[%get3A_1474, %get3A_1475, %get3A_1476] {strides = array<i32>} : memref<4x32x128xf32, #tpu.memory_space<vmem>>, vector<16xf32>,
          %add3A_1478 = arith.addf %add3A_1398, %get3A_1477 : vector<16xf32>
          %mul3A_1479 = arith.constant 4 : i32
          %mul3A_1480 = arith.muli %scan3A_1280, %mul3A_1479 : i32
          %add3A_1481 = arith.constant 2 : i32
          %add3A_1482 = arith.addi %mul3A_1480, %add3A_1481 : i32
          %get3A_1483 = arith.constant 0 : i32
          %get3A_1484 = arith.index_cast %get3A_1483 : i32 to index
          %get3A_1485 = arith.index_cast %add3A_1482 : i32 to index
          %get3A_1486 = arith.constant 48 : index
          %get3A_1487 = tpu.vector_load %arg11[%get3A_1484, %get3A_1485, %get3A_1486] {strides = array<i32>} : memref<4x32x128xf32, #tpu.memory_space<vmem>>, vector<16xf32>,
          %add3A_1488 = arith.addf %add3A_1408, %get3A_1487 : vector<16xf32>
          %mul3A_1489 = arith.constant 4 : i32
          %mul3A_1490 = arith.muli %scan3A_1280, %mul3A_1489 : i32
          %add3A_1491 = arith.constant 2 : i32
          %add3A_1492 = arith.addi %mul3A_1490, %add3A_1491 : i32
          %get3A_1493 = arith.constant 0 : i32
          %get3A_1494 = arith.index_cast %get3A_1493 : i32 to index
          %get3A_1495 = arith.index_cast %add3A_1492 : i32 to index
          %get3A_1496 = arith.constant 64 : index
          %get3A_1497 = tpu.vector_load %arg11[%get3A_1494, %get3A_1495, %get3A_1496] {strides = array<i32>} : memref<4x32x128xf32, #tpu.memory_space<vmem>>, vector<16xf32>,
          %add3A_1498 = arith.addf %add3A_1418, %get3A_1497 : vector<16xf32>
          %mul3A_1499 = arith.constant 4 : i32
          %mul3A_1500 = arith.muli %scan3A_1280, %mul3A_1499 : i32
          %add3A_1501 = arith.constant 2 : i32
          %add3A_1502 = arith.addi %mul3A_1500, %add3A_1501 : i32
          %get3A_1503 = arith.constant 0 : i32
          %get3A_1504 = arith.index_cast %get3A_1503 : i32 to index
          %get3A_1505 = arith.index_cast %add3A_1502 : i32 to index
          %get3A_1506 = arith.constant 80 : index
          %get3A_1507 = tpu.vector_load %arg11[%get3A_1504, %get3A_1505, %get3A_1506] {strides = array<i32>} : memref<4x32x128xf32, #tpu.memory_space<vmem>>, vector<16xf32>,
          %add3A_1508 = arith.addf %add3A_1428, %get3A_1507 : vector<16xf32>
          %mul3A_1509 = arith.constant 4 : i32
          %mul3A_1510 = arith.muli %scan3A_1280, %mul3A_1509 : i32
          %add3A_1511 = arith.constant 2 : i32
          %add3A_1512 = arith.addi %mul3A_1510, %add3A_1511 : i32
          %get3A_1513 = arith.constant 0 : i32
          %get3A_1514 = arith.index_cast %get3A_1513 : i32 to index
          %get3A_1515 = arith.index_cast %add3A_1512 : i32 to index
          %get3A_1516 = arith.constant 96 : index
          %get3A_1517 = tpu.vector_load %arg11[%get3A_1514, %get3A_1515, %get3A_1516] {strides = array<i32>} : memref<4x32x128xf32, #tpu.memory_space<vmem>>, vector<16xf32>,
          %add3A_1518 = arith.addf %add3A_1438, %get3A_1517 : vector<16xf32>
          %mul3A_1519 = arith.constant 4 : i32
          %mul3A_1520 = arith.muli %scan3A_1280, %mul3A_1519 : i32
          %add3A_1521 = arith.constant 2 : i32
          %add3A_1522 = arith.addi %mul3A_1520, %add3A_1521 : i32
          %get3A_1523 = arith.constant 0 : i32
          %get3A_1524 = arith.index_cast %get3A_1523 : i32 to index
          %get3A_1525 = arith.index_cast %add3A_1522 : i32 to index
          %get3A_1526 = arith.constant 112 : index
          %get3A_1527 = tpu.vector_load %arg11[%get3A_1524, %get3A_1525, %get3A_1526] {strides = array<i32>} : memref<4x32x128xf32, #tpu.memory_space<vmem>>, vector<16xf32>,
          %add3A_1528 = arith.addf %add3A_1448, %get3A_1527 : vector<16xf32>
          %mul3A_1529 = arith.constant 4 : i32
          %mul3A_1530 = arith.muli %scan3A_1280, %mul3A_1529 : i32
          %add3A_1531 = arith.constant 3 : i32
          %add3A_1532 = arith.addi %mul3A_1530, %add3A_1531 : i32
          %get3A_1533 = arith.constant 0 : i32
          %get3A_1534 = arith.index_cast %get3A_1533 : i32 to index
          %get3A_1535 = arith.index_cast %add3A_1532 : i32 to index
          %get3A_1536 = arith.constant 0 : index
          %get3A_1537 = tpu.vector_load %arg11[%get3A_1534, %get3A_1535, %get3A_1536] {strides = array<i32>} : memref<4x32x128xf32, #tpu.memory_space<vmem>>, vector<16xf32>,
          %add3A_1538 = arith.addf %add3A_1458, %get3A_1537 : vector<16xf32>
          %mul3A_1539 = arith.constant 4 : i32
          %mul3A_1540 = arith.muli %scan3A_1280, %mul3A_1539 : i32
          %add3A_1541 = arith.constant 3 : i32
          %add3A_1542 = arith.addi %mul3A_1540, %add3A_1541 : i32
          %get3A_1543 = arith.constant 0 : i32
          %get3A_1544 = arith.index_cast %get3A_1543 : i32 to index
          %get3A_1545 = arith.index_cast %add3A_1542 : i32 to index
          %get3A_1546 = arith.constant 16 : index
          %get3A_1547 = tpu.vector_load %arg11[%get3A_1544, %get3A_1545, %get3A_1546] {strides = array<i32>} : memref<4x32x128xf32, #tpu.memory_space<vmem>>, vector<16xf32>,
          %add3A_1548 = arith.addf %add3A_1468, %get3A_1547 : vector<16xf32>
          %mul3A_1549 = arith.constant 4 : i32
          %mul3A_1550 = arith.muli %scan3A_1280, %mul3A_1549 : i32
          %add3A_1551 = arith.constant 3 : i32
          %add3A_1552 = arith.addi %mul3A_1550, %add3A_1551 : i32
          %get3A_1553 = arith.constant 0 : i32
          %get3A_1554 = arith.index_cast %get3A_1553 : i32 to index
          %get3A_1555 = arith.index_cast %add3A_1552 : i32 to index
          %get3A_1556 = arith.constant 32 : index
          %get3A_1557 = tpu.vector_load %arg11[%get3A_1554, %get3A_1555, %get3A_1556] {strides = array<i32>} : memref<4x32x128xf32, #tpu.memory_space<vmem>>, vector<16xf32>,
          %add3A_1558 = arith.addf %add3A_1478, %get3A_1557 : vector<16xf32>
          %mul3A_1559 = arith.constant 4 : i32
          %mul3A_1560 = arith.muli %scan3A_1280, %mul3A_1559 : i32
          %add3A_1561 = arith.constant 3 : i32
          %add3A_1562 = arith.addi %mul3A_1560, %add3A_1561 : i32
          %get3A_1563 = arith.constant 0 : i32
          %get3A_1564 = arith.index_cast %get3A_1563 : i32 to index
          %get3A_1565 = arith.index_cast %add3A_1562 : i32 to index
          %get3A_1566 = arith.constant 48 : index
          %get3A_1567 = tpu.vector_load %arg11[%get3A_1564, %get3A_1565, %get3A_1566] {strides = array<i32>} : memref<4x32x128xf32, #tpu.memory_space<vmem>>, vector<16xf32>,
          %add3A_1568 = arith.addf %add3A_1488, %get3A_1567 : vector<16xf32>
          %mul3A_1569 = arith.constant 4 : i32
          %mul3A_1570 = arith.muli %scan3A_1280, %mul3A_1569 : i32
          %add3A_1571 = arith.constant 3 : i32
          %add3A_1572 = arith.addi %mul3A_1570, %add3A_1571 : i32
          %get3A_1573 = arith.constant 0 : i32
          %get3A_1574 = arith.index_cast %get3A_1573 : i32 to index
          %get3A_1575 = arith.index_cast %add3A_1572 : i32 to index
          %get3A_1576 = arith.constant 64 : index
          %get3A_1577 = tpu.vector_load %arg11[%get3A_1574, %get3A_1575, %get3A_1576] {strides = array<i32>} : memref<4x32x128xf32, #tpu.memory_space<vmem>>, vector<16xf32>,
          %add3A_1578 = arith.addf %add3A_1498, %get3A_1577 : vector<16xf32>
          %mul3A_1579 = arith.constant 4 : i32
          %mul3A_1580 = arith.muli %scan3A_1280, %mul3A_1579 : i32
          %add3A_1581 = arith.constant 3 : i32
          %add3A_1582 = arith.addi %mul3A_1580, %add3A_1581 : i32
          %get3A_1583 = arith.constant 0 : i32
          %get3A_1584 = arith.index_cast %get3A_1583 : i32 to index
          %get3A_1585 = arith.index_cast %add3A_1582 : i32 to index
          %get3A_1586 = arith.constant 80 : index
          %get3A_1587 = tpu.vector_load %arg11[%get3A_1584, %get3A_1585, %get3A_1586] {strides = array<i32>} : memref<4x32x128xf32, #tpu.memory_space<vmem>>, vector<16xf32>,
          %add3A_1588 = arith.addf %add3A_1508, %get3A_1587 : vector<16xf32>
          %mul3A_1589 = arith.constant 4 : i32
          %mul3A_1590 = arith.muli %scan3A_1280, %mul3A_1589 : i32
          %add3A_1591 = arith.constant 3 : i32
          %add3A_1592 = arith.addi %mul3A_1590, %add3A_1591 : i32
          %get3A_1593 = arith.constant 0 : i32
          %get3A_1594 = arith.index_cast %get3A_1593 : i32 to index
          %get3A_1595 = arith.index_cast %add3A_1592 : i32 to index
          %get3A_1596 = arith.constant 96 : index
          %get3A_1597 = tpu.vector_load %arg11[%get3A_1594, %get3A_1595, %get3A_1596] {strides = array<i32>} : memref<4x32x128xf32, #tpu.memory_space<vmem>>, vector<16xf32>,
          %add3A_1598 = arith.addf %add3A_1518, %get3A_1597 : vector<16xf32>
          %mul3A_1599 = arith.constant 4 : i32
          %mul3A_1600 = arith.muli %scan3A_1280, %mul3A_1599 : i32
          %add3A_1601 = arith.constant 3 : i32
          %add3A_1602 = arith.addi %mul3A_1600, %add3A_1601 : i32
          %get3A_1603 = arith.constant 0 : i32
          %get3A_1604 = arith.index_cast %get3A_1603 : i32 to index
          %get3A_1605 = arith.index_cast %add3A_1602 : i32 to index
          %get3A_1606 = arith.constant 112 : index
          %get3A_1607 = tpu.vector_load %arg11[%get3A_1604, %get3A_1605, %get3A_1606] {strides = array<i32>} : memref<4x32x128xf32, #tpu.memory_space<vmem>>, vector<16xf32>,
          %add3A_1608 = arith.addf %add3A_1528, %get3A_1607 : vector<16xf32>
          scf.yield %add3A_1538, %add3A_1548, %add3A_1558, %add3A_1568, %add3A_1578, %add3A_1588, %add3A_1598, %add3A_1608 : vector<16xf32>, vector<16xf32>, vector<16xf32>, vector<16xf32>, vector<16xf32>, vector<16xf32>, vector<16xf32>, vector<16xf32>
        }
        %scan3A_762 = arith.constant 8 : i32
        %add3A_763 = arith.constant 4 : i32
        %add3A_764 = arith.addi %add3A_729, %add3A_763 : i32
        %lt3A_765 = arith.constant 256 : i32
        %lt3A_766 = arith.cmpi slt, %add3A_764, %lt3A_765 : i32
        %convert_element_type3A_767 = arith.extui %lt3A_766 : i1 to i32
        %cond3A_768 = arith.constant 0 : i32
        %cond3A_769 = arith.cmpi ne, %convert_element_type3A_767, %cond3A_768 : i32
        scf.if %cond3A_769 {
          %mul3A_1280 = arith.constant 32 : i32
          %mul3A_1281 = arith.muli %add3A_764, %mul3A_1280 : i32
          %dma_start3A_1282 = arith.constant 0 : i32
          %dma_start3A_1283 = arith.constant 0 : i32
          %dma_start3A_1284 = arith.constant 0 : i32
          %dma_start3A_1285 = tpu.memref_slice %arg11[%dma_start3A_1282, %dma_start3A_1283, %dma_start3A_1284] : memref<4x32x128xf32, #tpu.memory_space<vmem>> -> memref<1x32x128xf32, #tpu.memory_space<vmem>>
          %dma_start3A_1286 = tpu.memref_squeeze %dma_start3A_1285 : memref<1x32x128xf32, #tpu.memory_space<vmem>> -> memref<32x128xf32, #tpu.memory_space<vmem>>
          %dma_start3A_1287 = tpu.memref_slice %arg9[%mul3A_1281] : memref<8192xi32, #tpu.memory_space<vmem>> -> memref<32xi32, #tpu.memory_space<vmem>>
          %dma_start3A_1288 = arith.constant 0 : i32
          %dma_start3A_1289 = arith.constant 0 : i32
          %dma_start3A_1290 = tpu.memref_slice %arg15[%dma_start3A_1288, %dma_start3A_1289] : memref<10000x128xf32, #tpu.memory_space<vmem_shared>> -> memref<10000x128xf32, #tpu.memory_space<vmem_shared>>
          tpu.enqueue_indirect_dma source(%dma_start3A_1290 : memref<10000x128xf32, #tpu.memory_space<vmem_shared>>) target(%dma_start3A_1286 : memref<32x128xf32, #tpu.memory_space<vmem>>) offsets(%dma_start3A_1287 : memref<32xi32, #tpu.memory_space<vmem>>) semaphore(%arg19 : memref<!tpu.dma_semaphore, #tpu.memory_space<semaphore_mem>>)
        } else {
        }
        %get3A_770 = arith.constant 0 : i32
        %get3A_771 = arith.index_cast %get3A_770 : i32 to index
        %get3A_772 = arith.index_cast %add3A_726 : i32 to index
        %get3A_773 = arith.constant 0 : index
        %get3A_774 = tpu.vector_load %arg10[%get3A_771, %get3A_772, %get3A_773] {strides = array<i32>} : memref<2x32x128xf32, #tpu.memory_space<vmem>>, vector<16xf32>,
        %add3A_775 = arith.addf %scan3A_761#0, %get3A_774 : vector<16xf32>
        %max3A = arith.constant 0.000000e+00 : f32
        %max3A_776 = vector.broadcast %max3A : f32 to vector<16xf32>
        %max3A_777 = arith.maximumf %add3A_775, %max3A_776 : vector<16xf32>
        %mul3A_778 = arith.mulf %max3A_777, %get3A_77 : vector<16xf32>
        %get3A_779 = arith.constant 0 : i32
        %get3A_780 = arith.index_cast %get3A_779 : i32 to index
        %get3A_781 = arith.index_cast %add3A_726 : i32 to index
        %get3A_782 = arith.constant 16 : index
        %get3A_783 = tpu.vector_load %arg10[%get3A_780, %get3A_781, %get3A_782] {strides = array<i32>} : memref<2x32x128xf32, #tpu.memory_space<vmem>>, vector<16xf32>,
        %add3A_784 = arith.addf %scan3A_761#1, %get3A_783 : vector<16xf32>
        %max3A_785 = arith.constant 0.000000e+00 : f32
        %max3A_786 = vector.broadcast %max3A_785 : f32 to vector<16xf32>
        %max3A_787 = arith.maximumf %add3A_784, %max3A_786 : vector<16xf32>
        %mul3A_788 = arith.mulf %max3A_787, %get3A_79 : vector<16xf32>
        %add3A_789 = arith.addf %mul3A_778, %mul3A_788 : vector<16xf32>
        %get3A_790 = arith.constant 0 : i32
        %get3A_791 = arith.index_cast %get3A_790 : i32 to index
        %get3A_792 = arith.index_cast %add3A_726 : i32 to index
        %get3A_793 = arith.constant 32 : index
        %get3A_794 = tpu.vector_load %arg10[%get3A_791, %get3A_792, %get3A_793] {strides = array<i32>} : memref<2x32x128xf32, #tpu.memory_space<vmem>>, vector<16xf32>,
        %add3A_795 = arith.addf %scan3A_761#2, %get3A_794 : vector<16xf32>
        %max3A_796 = arith.constant 0.000000e+00 : f32
        %max3A_797 = vector.broadcast %max3A_796 : f32 to vector<16xf32>
        %max3A_798 = arith.maximumf %add3A_795, %max3A_797 : vector<16xf32>
        %mul3A_799 = arith.mulf %max3A_798, %get3A_81 : vector<16xf32>
        %add3A_800 = arith.addf %add3A_789, %mul3A_799 : vector<16xf32>
        %get3A_801 = arith.constant 0 : i32
        %get3A_802 = arith.index_cast %get3A_801 : i32 to index
        %get3A_803 = arith.index_cast %add3A_726 : i32 to index
        %get3A_804 = arith.constant 48 : index
        %get3A_805 = tpu.vector_load %arg10[%get3A_802, %get3A_803, %get3A_804] {strides = array<i32>} : memref<2x32x128xf32, #tpu.memory_space<vmem>>, vector<16xf32>,
        %add3A_806 = arith.addf %scan3A_761#3, %get3A_805 : vector<16xf32>
        %max3A_807 = arith.constant 0.000000e+00 : f32
        %max3A_808 = vector.broadcast %max3A_807 : f32 to vector<16xf32>
        %max3A_809 = arith.maximumf %add3A_806, %max3A_808 : vector<16xf32>
        %mul3A_810 = arith.mulf %max3A_809, %get3A_83 : vector<16xf32>
        %add3A_811 = arith.addf %add3A_800, %mul3A_810 : vector<16xf32>
        %get3A_812 = arith.constant 0 : i32
        %get3A_813 = arith.index_cast %get3A_812 : i32 to index
        %get3A_814 = arith.index_cast %add3A_726 : i32 to index
        %get3A_815 = arith.constant 64 : index
        %get3A_816 = tpu.vector_load %arg10[%get3A_813, %get3A_814, %get3A_815] {strides = array<i32>} : memref<2x32x128xf32, #tpu.memory_space<vmem>>, vector<16xf32>,
        %add3A_817 = arith.addf %scan3A_761#4, %get3A_816 : vector<16xf32>
        %max3A_818 = arith.constant 0.000000e+00 : f32
        %max3A_819 = vector.broadcast %max3A_818 : f32 to vector<16xf32>
        %max3A_820 = arith.maximumf %add3A_817, %max3A_819 : vector<16xf32>
        %mul3A_821 = arith.mulf %max3A_820, %get3A_85 : vector<16xf32>
        %add3A_822 = arith.addf %add3A_811, %mul3A_821 : vector<16xf32>
        %get3A_823 = arith.constant 0 : i32
        %get3A_824 = arith.index_cast %get3A_823 : i32 to index
        %get3A_825 = arith.index_cast %add3A_726 : i32 to index
        %get3A_826 = arith.constant 80 : index
        %get3A_827 = tpu.vector_load %arg10[%get3A_824, %get3A_825, %get3A_826] {strides = array<i32>} : memref<2x32x128xf32, #tpu.memory_space<vmem>>, vector<16xf32>,
        %add3A_828 = arith.addf %scan3A_761#5, %get3A_827 : vector<16xf32>
        %max3A_829 = arith.constant 0.000000e+00 : f32
        %max3A_830 = vector.broadcast %max3A_829 : f32 to vector<16xf32>
        %max3A_831 = arith.maximumf %add3A_828, %max3A_830 : vector<16xf32>
        %mul3A_832 = arith.mulf %max3A_831, %get3A_87 : vector<16xf32>
        %add3A_833 = arith.addf %add3A_822, %mul3A_832 : vector<16xf32>
        %get3A_834 = arith.constant 0 : i32
        %get3A_835 = arith.index_cast %get3A_834 : i32 to index
        %get3A_836 = arith.index_cast %add3A_726 : i32 to index
        %get3A_837 = arith.constant 96 : index
        %get3A_838 = tpu.vector_load %arg10[%get3A_835, %get3A_836, %get3A_837] {strides = array<i32>} : memref<2x32x128xf32, #tpu.memory_space<vmem>>, vector<16xf32>,
        %add3A_839 = arith.addf %scan3A_761#6, %get3A_838 : vector<16xf32>
        %max3A_840 = arith.constant 0.000000e+00 : f32
        %max3A_841 = vector.broadcast %max3A_840 : f32 to vector<16xf32>
        %max3A_842 = arith.maximumf %add3A_839, %max3A_841 : vector<16xf32>
        %mul3A_843 = arith.mulf %max3A_842, %get3A_89 : vector<16xf32>
        %add3A_844 = arith.addf %add3A_833, %mul3A_843 : vector<16xf32>
        %get3A_845 = arith.constant 0 : i32
        %get3A_846 = arith.index_cast %get3A_845 : i32 to index
        %get3A_847 = arith.index_cast %add3A_726 : i32 to index
        %get3A_848 = arith.constant 112 : index
        %get3A_849 = tpu.vector_load %arg10[%get3A_846, %get3A_847, %get3A_848] {strides = array<i32>} : memref<2x32x128xf32, #tpu.memory_space<vmem>>, vector<16xf32>,
        %add3A_850 = arith.addf %scan3A_761#7, %get3A_849 : vector<16xf32>
        %max3A_851 = arith.constant 0.000000e+00 : f32
        %max3A_852 = vector.broadcast %max3A_851 : f32 to vector<16xf32>
        %max3A_853 = arith.maximumf %add3A_850, %max3A_852 : vector<16xf32>
        %mul3A_854 = arith.mulf %max3A_853, %get3A_91 : vector<16xf32>
        %add3A_855 = arith.addf %add3A_844, %mul3A_854 : vector<16xf32>
        %mul3A_856 = arith.constant 4 : i32
        %mul3A_857 = arith.muli %scan3A_722, %mul3A_856 : i32
        %add3A_858 = arith.constant 1 : i32
        %add3A_859 = arith.addi %mul3A_857, %add3A_858 : i32
        %mul3A_860 = arith.constant 32 : i32
        %mul3A_861 = arith.muli %add3A_672, %mul3A_860 : i32
        %add3A_862 = arith.addi %mul3A_861, %add3A_859 : i32
        %mul3A_863 = arith.constant 32 : i32
        %mul3A_864 = arith.muli %add3A_862, %mul3A_863 : i32
        %dma_wait3A_865 = arith.constant 1 : i32
        %dma_wait3A_866 = arith.constant 0 : i32
        %dma_wait3A_867 = arith.constant 0 : i32
        %dma_wait3A_868 = tpu.memref_slice %arg11[%dma_wait3A_865, %dma_wait3A_866, %dma_wait3A_867] : memref<4x32x128xf32, #tpu.memory_space<vmem>> -> memref<1x32x128xf32, #tpu.memory_space<vmem>>
        %dma_wait3A_869 = tpu.memref_squeeze %dma_wait3A_868 : memref<1x32x128xf32, #tpu.memory_space<vmem>> -> memref<32x128xf32, #tpu.memory_space<vmem>>
        %dma_wait3A_870 = tpu.memref_slice %arg9[%mul3A_864] : memref<8192xi32, #tpu.memory_space<vmem>> -> memref<32xi32, #tpu.memory_space<vmem>>
        %dma_wait3A_871 = arith.constant 0 : i32
        %dma_wait3A_872 = arith.constant 0 : i32
        %dma_wait3A_873 = tpu.memref_slice %arg15[%dma_wait3A_871, %dma_wait3A_872] : memref<10000x128xf32, #tpu.memory_space<vmem_shared>> -> memref<10000x128xf32, #tpu.memory_space<vmem_shared>>
        tpu.wait_indirect_dma semaphore(%arg20 : memref<!tpu.dma_semaphore, #tpu.memory_space<semaphore_mem>>) src(%dma_wait3A_873 : memref<10000x128xf32, #tpu.memory_space<vmem_shared>>) dst(%dma_wait3A_869 : memref<32x128xf32, #tpu.memory_space<vmem>>)
        %broadcast_in_dim3A_874 = arith.constant 0.000000e+00 : f32
        %broadcast_in_dim3A_875 = vector.broadcast %broadcast_in_dim3A_874 : f32 to vector<16xf32>
        %broadcast_in_dim3A_876 = arith.constant 0.000000e+00 : f32
        %broadcast_in_dim3A_877 = vector.broadcast %broadcast_in_dim3A_876 : f32 to vector<16xf32>
        %broadcast_in_dim3A_878 = arith.constant 0.000000e+00 : f32
        %broadcast_in_dim3A_879 = vector.broadcast %broadcast_in_dim3A_878 : f32 to vector<16xf32>
        %broadcast_in_dim3A_880 = arith.constant 0.000000e+00 : f32
        %broadcast_in_dim3A_881 = vector.broadcast %broadcast_in_dim3A_880 : f32 to vector<16xf32>
        %broadcast_in_dim3A_882 = arith.constant 0.000000e+00 : f32
        %broadcast_in_dim3A_883 = vector.broadcast %broadcast_in_dim3A_882 : f32 to vector<16xf32>
        %broadcast_in_dim3A_884 = arith.constant 0.000000e+00 : f32
        %broadcast_in_dim3A_885 = vector.broadcast %broadcast_in_dim3A_884 : f32 to vector<16xf32>
        %broadcast_in_dim3A_886 = arith.constant 0.000000e+00 : f32
        %broadcast_in_dim3A_887 = vector.broadcast %broadcast_in_dim3A_886 : f32 to vector<16xf32>
        %broadcast_in_dim3A_888 = arith.constant 0.000000e+00 : f32
        %broadcast_in_dim3A_889 = vector.broadcast %broadcast_in_dim3A_888 : f32 to vector<16xf32>
        %scan3A_890 = arith.constant 0 : i32
        %scan3A_891 = arith.constant 8 : i32
        %scan3A_892 = arith.addi %scan3A_890, %scan3A_891 : i32
        %scan3A_893 = arith.constant 1 : i32
        %scan3A_894:8 = scf.for %scan3A_1280 = %scan3A_890 to %scan3A_892 step %scan3A_893 iter_args(%scan3A_1281 = %broadcast_in_dim3A_875, %scan3A_1282 = %broadcast_in_dim3A_877, %scan3A_1283 = %broadcast_in_dim3A_879, %scan3A_1284 = %broadcast_in_dim3A_881, %scan3A_1285 = %broadcast_in_dim3A_883, %scan3A_1286 = %broadcast_in_dim3A_885, %scan3A_1287 = %broadcast_in_dim3A_887, %scan3A_1288 = %broadcast_in_dim3A_889) -> (vector<16xf32>, vector<16xf32>, vector<16xf32>, vector<16xf32>, vector<16xf32>, vector<16xf32>, vector<16xf32>, vector<16xf32>)  : i32 {
          %mul3A_1289 = arith.constant 4 : i32
          %mul3A_1290 = arith.muli %scan3A_1280, %mul3A_1289 : i32
          %add3A_1291 = arith.constant 0 : i32
          %add3A_1292 = arith.addi %mul3A_1290, %add3A_1291 : i32
          %get3A_1293 = arith.constant 1 : i32
          %get3A_1294 = arith.index_cast %get3A_1293 : i32 to index
          %get3A_1295 = arith.index_cast %add3A_1292 : i32 to index
          %get3A_1296 = arith.constant 0 : index
          %get3A_1297 = tpu.vector_load %arg11[%get3A_1294, %get3A_1295, %get3A_1296] {strides = array<i32>} : memref<4x32x128xf32, #tpu.memory_space<vmem>>, vector<16xf32>,
          %add3A_1298 = arith.addf %scan3A_1281, %get3A_1297 : vector<16xf32>
          %mul3A_1299 = arith.constant 4 : i32
          %mul3A_1300 = arith.muli %scan3A_1280, %mul3A_1299 : i32
          %add3A_1301 = arith.constant 0 : i32
          %add3A_1302 = arith.addi %mul3A_1300, %add3A_1301 : i32
          %get3A_1303 = arith.constant 1 : i32
          %get3A_1304 = arith.index_cast %get3A_1303 : i32 to index
          %get3A_1305 = arith.index_cast %add3A_1302 : i32 to index
          %get3A_1306 = arith.constant 16 : index
          %get3A_1307 = tpu.vector_load %arg11[%get3A_1304, %get3A_1305, %get3A_1306] {strides = array<i32>} : memref<4x32x128xf32, #tpu.memory_space<vmem>>, vector<16xf32>,
          %add3A_1308 = arith.addf %scan3A_1282, %get3A_1307 : vector<16xf32>
          %mul3A_1309 = arith.constant 4 : i32
          %mul3A_1310 = arith.muli %scan3A_1280, %mul3A_1309 : i32
          %add3A_1311 = arith.constant 0 : i32
          %add3A_1312 = arith.addi %mul3A_1310, %add3A_1311 : i32
          %get3A_1313 = arith.constant 1 : i32
          %get3A_1314 = arith.index_cast %get3A_1313 : i32 to index
          %get3A_1315 = arith.index_cast %add3A_1312 : i32 to index
          %get3A_1316 = arith.constant 32 : index
          %get3A_1317 = tpu.vector_load %arg11[%get3A_1314, %get3A_1315, %get3A_1316] {strides = array<i32>} : memref<4x32x128xf32, #tpu.memory_space<vmem>>, vector<16xf32>,
          %add3A_1318 = arith.addf %scan3A_1283, %get3A_1317 : vector<16xf32>
          %mul3A_1319 = arith.constant 4 : i32
          %mul3A_1320 = arith.muli %scan3A_1280, %mul3A_1319 : i32
          %add3A_1321 = arith.constant 0 : i32
          %add3A_1322 = arith.addi %mul3A_1320, %add3A_1321 : i32
          %get3A_1323 = arith.constant 1 : i32
          %get3A_1324 = arith.index_cast %get3A_1323 : i32 to index
          %get3A_1325 = arith.index_cast %add3A_1322 : i32 to index
          %get3A_1326 = arith.constant 48 : index
          %get3A_1327 = tpu.vector_load %arg11[%get3A_1324, %get3A_1325, %get3A_1326] {strides = array<i32>} : memref<4x32x128xf32, #tpu.memory_space<vmem>>, vector<16xf32>,
          %add3A_1328 = arith.addf %scan3A_1284, %get3A_1327 : vector<16xf32>
          %mul3A_1329 = arith.constant 4 : i32
          %mul3A_1330 = arith.muli %scan3A_1280, %mul3A_1329 : i32
          %add3A_1331 = arith.constant 0 : i32
          %add3A_1332 = arith.addi %mul3A_1330, %add3A_1331 : i32
          %get3A_1333 = arith.constant 1 : i32
          %get3A_1334 = arith.index_cast %get3A_1333 : i32 to index
          %get3A_1335 = arith.index_cast %add3A_1332 : i32 to index
          %get3A_1336 = arith.constant 64 : index
          %get3A_1337 = tpu.vector_load %arg11[%get3A_1334, %get3A_1335, %get3A_1336] {strides = array<i32>} : memref<4x32x128xf32, #tpu.memory_space<vmem>>, vector<16xf32>,
          %add3A_1338 = arith.addf %scan3A_1285, %get3A_1337 : vector<16xf32>
          %mul3A_1339 = arith.constant 4 : i32
          %mul3A_1340 = arith.muli %scan3A_1280, %mul3A_1339 : i32
          %add3A_1341 = arith.constant 0 : i32
          %add3A_1342 = arith.addi %mul3A_1340, %add3A_1341 : i32
          %get3A_1343 = arith.constant 1 : i32
          %get3A_1344 = arith.index_cast %get3A_1343 : i32 to index
          %get3A_1345 = arith.index_cast %add3A_1342 : i32 to index
          %get3A_1346 = arith.constant 80 : index
          %get3A_1347 = tpu.vector_load %arg11[%get3A_1344, %get3A_1345, %get3A_1346] {strides = array<i32>} : memref<4x32x128xf32, #tpu.memory_space<vmem>>, vector<16xf32>,
          %add3A_1348 = arith.addf %scan3A_1286, %get3A_1347 : vector<16xf32>
          %mul3A_1349 = arith.constant 4 : i32
          %mul3A_1350 = arith.muli %scan3A_1280, %mul3A_1349 : i32
          %add3A_1351 = arith.constant 0 : i32
          %add3A_1352 = arith.addi %mul3A_1350, %add3A_1351 : i32
          %get3A_1353 = arith.constant 1 : i32
          %get3A_1354 = arith.index_cast %get3A_1353 : i32 to index
          %get3A_1355 = arith.index_cast %add3A_1352 : i32 to index
          %get3A_1356 = arith.constant 96 : index
          %get3A_1357 = tpu.vector_load %arg11[%get3A_1354, %get3A_1355, %get3A_1356] {strides = array<i32>} : memref<4x32x128xf32, #tpu.memory_space<vmem>>, vector<16xf32>,
          %add3A_1358 = arith.addf %scan3A_1287, %get3A_1357 : vector<16xf32>
          %mul3A_1359 = arith.constant 4 : i32
          %mul3A_1360 = arith.muli %scan3A_1280, %mul3A_1359 : i32
          %add3A_1361 = arith.constant 0 : i32
          %add3A_1362 = arith.addi %mul3A_1360, %add3A_1361 : i32
          %get3A_1363 = arith.constant 1 : i32
          %get3A_1364 = arith.index_cast %get3A_1363 : i32 to index
          %get3A_1365 = arith.index_cast %add3A_1362 : i32 to index
          %get3A_1366 = arith.constant 112 : index
          %get3A_1367 = tpu.vector_load %arg11[%get3A_1364, %get3A_1365, %get3A_1366] {strides = array<i32>} : memref<4x32x128xf32, #tpu.memory_space<vmem>>, vector<16xf32>,
          %add3A_1368 = arith.addf %scan3A_1288, %get3A_1367 : vector<16xf32>
          %mul3A_1369 = arith.constant 4 : i32
          %mul3A_1370 = arith.muli %scan3A_1280, %mul3A_1369 : i32
          %add3A_1371 = arith.constant 1 : i32
          %add3A_1372 = arith.addi %mul3A_1370, %add3A_1371 : i32
          %get3A_1373 = arith.constant 1 : i32
          %get3A_1374 = arith.index_cast %get3A_1373 : i32 to index
          %get3A_1375 = arith.index_cast %add3A_1372 : i32 to index
          %get3A_1376 = arith.constant 0 : index
          %get3A_1377 = tpu.vector_load %arg11[%get3A_1374, %get3A_1375, %get3A_1376] {strides = array<i32>} : memref<4x32x128xf32, #tpu.memory_space<vmem>>, vector<16xf32>,
          %add3A_1378 = arith.addf %add3A_1298, %get3A_1377 : vector<16xf32>
          %mul3A_1379 = arith.constant 4 : i32
          %mul3A_1380 = arith.muli %scan3A_1280, %mul3A_1379 : i32
          %add3A_1381 = arith.constant 1 : i32
          %add3A_1382 = arith.addi %mul3A_1380, %add3A_1381 : i32
          %get3A_1383 = arith.constant 1 : i32
          %get3A_1384 = arith.index_cast %get3A_1383 : i32 to index
          %get3A_1385 = arith.index_cast %add3A_1382 : i32 to index
          %get3A_1386 = arith.constant 16 : index
          %get3A_1387 = tpu.vector_load %arg11[%get3A_1384, %get3A_1385, %get3A_1386] {strides = array<i32>} : memref<4x32x128xf32, #tpu.memory_space<vmem>>, vector<16xf32>,
          %add3A_1388 = arith.addf %add3A_1308, %get3A_1387 : vector<16xf32>
          %mul3A_1389 = arith.constant 4 : i32
          %mul3A_1390 = arith.muli %scan3A_1280, %mul3A_1389 : i32
          %add3A_1391 = arith.constant 1 : i32
          %add3A_1392 = arith.addi %mul3A_1390, %add3A_1391 : i32
          %get3A_1393 = arith.constant 1 : i32
          %get3A_1394 = arith.index_cast %get3A_1393 : i32 to index
          %get3A_1395 = arith.index_cast %add3A_1392 : i32 to index
          %get3A_1396 = arith.constant 32 : index
          %get3A_1397 = tpu.vector_load %arg11[%get3A_1394, %get3A_1395, %get3A_1396] {strides = array<i32>} : memref<4x32x128xf32, #tpu.memory_space<vmem>>, vector<16xf32>,
          %add3A_1398 = arith.addf %add3A_1318, %get3A_1397 : vector<16xf32>
          %mul3A_1399 = arith.constant 4 : i32
          %mul3A_1400 = arith.muli %scan3A_1280, %mul3A_1399 : i32
          %add3A_1401 = arith.constant 1 : i32
          %add3A_1402 = arith.addi %mul3A_1400, %add3A_1401 : i32
          %get3A_1403 = arith.constant 1 : i32
          %get3A_1404 = arith.index_cast %get3A_1403 : i32 to index
          %get3A_1405 = arith.index_cast %add3A_1402 : i32 to index
          %get3A_1406 = arith.constant 48 : index
          %get3A_1407 = tpu.vector_load %arg11[%get3A_1404, %get3A_1405, %get3A_1406] {strides = array<i32>} : memref<4x32x128xf32, #tpu.memory_space<vmem>>, vector<16xf32>,
          %add3A_1408 = arith.addf %add3A_1328, %get3A_1407 : vector<16xf32>
          %mul3A_1409 = arith.constant 4 : i32
          %mul3A_1410 = arith.muli %scan3A_1280, %mul3A_1409 : i32
          %add3A_1411 = arith.constant 1 : i32
          %add3A_1412 = arith.addi %mul3A_1410, %add3A_1411 : i32
          %get3A_1413 = arith.constant 1 : i32
          %get3A_1414 = arith.index_cast %get3A_1413 : i32 to index
          %get3A_1415 = arith.index_cast %add3A_1412 : i32 to index
          %get3A_1416 = arith.constant 64 : index
          %get3A_1417 = tpu.vector_load %arg11[%get3A_1414, %get3A_1415, %get3A_1416] {strides = array<i32>} : memref<4x32x128xf32, #tpu.memory_space<vmem>>, vector<16xf32>,
          %add3A_1418 = arith.addf %add3A_1338, %get3A_1417 : vector<16xf32>
          %mul3A_1419 = arith.constant 4 : i32
          %mul3A_1420 = arith.muli %scan3A_1280, %mul3A_1419 : i32
          %add3A_1421 = arith.constant 1 : i32
          %add3A_1422 = arith.addi %mul3A_1420, %add3A_1421 : i32
          %get3A_1423 = arith.constant 1 : i32
          %get3A_1424 = arith.index_cast %get3A_1423 : i32 to index
          %get3A_1425 = arith.index_cast %add3A_1422 : i32 to index
          %get3A_1426 = arith.constant 80 : index
          %get3A_1427 = tpu.vector_load %arg11[%get3A_1424, %get3A_1425, %get3A_1426] {strides = array<i32>} : memref<4x32x128xf32, #tpu.memory_space<vmem>>, vector<16xf32>,
          %add3A_1428 = arith.addf %add3A_1348, %get3A_1427 : vector<16xf32>
          %mul3A_1429 = arith.constant 4 : i32
          %mul3A_1430 = arith.muli %scan3A_1280, %mul3A_1429 : i32
          %add3A_1431 = arith.constant 1 : i32
          %add3A_1432 = arith.addi %mul3A_1430, %add3A_1431 : i32
          %get3A_1433 = arith.constant 1 : i32
          %get3A_1434 = arith.index_cast %get3A_1433 : i32 to index
          %get3A_1435 = arith.index_cast %add3A_1432 : i32 to index
          %get3A_1436 = arith.constant 96 : index
          %get3A_1437 = tpu.vector_load %arg11[%get3A_1434, %get3A_1435, %get3A_1436] {strides = array<i32>} : memref<4x32x128xf32, #tpu.memory_space<vmem>>, vector<16xf32>,
          %add3A_1438 = arith.addf %add3A_1358, %get3A_1437 : vector<16xf32>
          %mul3A_1439 = arith.constant 4 : i32
          %mul3A_1440 = arith.muli %scan3A_1280, %mul3A_1439 : i32
          %add3A_1441 = arith.constant 1 : i32
          %add3A_1442 = arith.addi %mul3A_1440, %add3A_1441 : i32
          %get3A_1443 = arith.constant 1 : i32
          %get3A_1444 = arith.index_cast %get3A_1443 : i32 to index
          %get3A_1445 = arith.index_cast %add3A_1442 : i32 to index
          %get3A_1446 = arith.constant 112 : index
          %get3A_1447 = tpu.vector_load %arg11[%get3A_1444, %get3A_1445, %get3A_1446] {strides = array<i32>} : memref<4x32x128xf32, #tpu.memory_space<vmem>>, vector<16xf32>,
          %add3A_1448 = arith.addf %add3A_1368, %get3A_1447 : vector<16xf32>
          %mul3A_1449 = arith.constant 4 : i32
          %mul3A_1450 = arith.muli %scan3A_1280, %mul3A_1449 : i32
          %add3A_1451 = arith.constant 2 : i32
          %add3A_1452 = arith.addi %mul3A_1450, %add3A_1451 : i32
          %get3A_1453 = arith.constant 1 : i32
          %get3A_1454 = arith.index_cast %get3A_1453 : i32 to index
          %get3A_1455 = arith.index_cast %add3A_1452 : i32 to index
          %get3A_1456 = arith.constant 0 : index
          %get3A_1457 = tpu.vector_load %arg11[%get3A_1454, %get3A_1455, %get3A_1456] {strides = array<i32>} : memref<4x32x128xf32, #tpu.memory_space<vmem>>, vector<16xf32>,
          %add3A_1458 = arith.addf %add3A_1378, %get3A_1457 : vector<16xf32>
          %mul3A_1459 = arith.constant 4 : i32
          %mul3A_1460 = arith.muli %scan3A_1280, %mul3A_1459 : i32
          %add3A_1461 = arith.constant 2 : i32
          %add3A_1462 = arith.addi %mul3A_1460, %add3A_1461 : i32
          %get3A_1463 = arith.constant 1 : i32
          %get3A_1464 = arith.index_cast %get3A_1463 : i32 to index
          %get3A_1465 = arith.index_cast %add3A_1462 : i32 to index
          %get3A_1466 = arith.constant 16 : index
          %get3A_1467 = tpu.vector_load %arg11[%get3A_1464, %get3A_1465, %get3A_1466] {strides = array<i32>} : memref<4x32x128xf32, #tpu.memory_space<vmem>>, vector<16xf32>,
          %add3A_1468 = arith.addf %add3A_1388, %get3A_1467 : vector<16xf32>
          %mul3A_1469 = arith.constant 4 : i32
          %mul3A_1470 = arith.muli %scan3A_1280, %mul3A_1469 : i32
          %add3A_1471 = arith.constant 2 : i32
          %add3A_1472 = arith.addi %mul3A_1470, %add3A_1471 : i32
          %get3A_1473 = arith.constant 1 : i32
          %get3A_1474 = arith.index_cast %get3A_1473 : i32 to index
          %get3A_1475 = arith.index_cast %add3A_1472 : i32 to index
          %get3A_1476 = arith.constant 32 : index
          %get3A_1477 = tpu.vector_load %arg11[%get3A_1474, %get3A_1475, %get3A_1476] {strides = array<i32>} : memref<4x32x128xf32, #tpu.memory_space<vmem>>, vector<16xf32>,
          %add3A_1478 = arith.addf %add3A_1398, %get3A_1477 : vector<16xf32>
          %mul3A_1479 = arith.constant 4 : i32
          %mul3A_1480 = arith.muli %scan3A_1280, %mul3A_1479 : i32
          %add3A_1481 = arith.constant 2 : i32
          %add3A_1482 = arith.addi %mul3A_1480, %add3A_1481 : i32
          %get3A_1483 = arith.constant 1 : i32
          %get3A_1484 = arith.index_cast %get3A_1483 : i32 to index
          %get3A_1485 = arith.index_cast %add3A_1482 : i32 to index
          %get3A_1486 = arith.constant 48 : index
          %get3A_1487 = tpu.vector_load %arg11[%get3A_1484, %get3A_1485, %get3A_1486] {strides = array<i32>} : memref<4x32x128xf32, #tpu.memory_space<vmem>>, vector<16xf32>,
          %add3A_1488 = arith.addf %add3A_1408, %get3A_1487 : vector<16xf32>
          %mul3A_1489 = arith.constant 4 : i32
          %mul3A_1490 = arith.muli %scan3A_1280, %mul3A_1489 : i32
          %add3A_1491 = arith.constant 2 : i32
          %add3A_1492 = arith.addi %mul3A_1490, %add3A_1491 : i32
          %get3A_1493 = arith.constant 1 : i32
          %get3A_1494 = arith.index_cast %get3A_1493 : i32 to index
          %get3A_1495 = arith.index_cast %add3A_1492 : i32 to index
          %get3A_1496 = arith.constant 64 : index
          %get3A_1497 = tpu.vector_load %arg11[%get3A_1494, %get3A_1495, %get3A_1496] {strides = array<i32>} : memref<4x32x128xf32, #tpu.memory_space<vmem>>, vector<16xf32>,
          %add3A_1498 = arith.addf %add3A_1418, %get3A_1497 : vector<16xf32>
          %mul3A_1499 = arith.constant 4 : i32
          %mul3A_1500 = arith.muli %scan3A_1280, %mul3A_1499 : i32
          %add3A_1501 = arith.constant 2 : i32
          %add3A_1502 = arith.addi %mul3A_1500, %add3A_1501 : i32
          %get3A_1503 = arith.constant 1 : i32
          %get3A_1504 = arith.index_cast %get3A_1503 : i32 to index
          %get3A_1505 = arith.index_cast %add3A_1502 : i32 to index
          %get3A_1506 = arith.constant 80 : index
          %get3A_1507 = tpu.vector_load %arg11[%get3A_1504, %get3A_1505, %get3A_1506] {strides = array<i32>} : memref<4x32x128xf32, #tpu.memory_space<vmem>>, vector<16xf32>,
          %add3A_1508 = arith.addf %add3A_1428, %get3A_1507 : vector<16xf32>
          %mul3A_1509 = arith.constant 4 : i32
          %mul3A_1510 = arith.muli %scan3A_1280, %mul3A_1509 : i32
          %add3A_1511 = arith.constant 2 : i32
          %add3A_1512 = arith.addi %mul3A_1510, %add3A_1511 : i32
          %get3A_1513 = arith.constant 1 : i32
          %get3A_1514 = arith.index_cast %get3A_1513 : i32 to index
          %get3A_1515 = arith.index_cast %add3A_1512 : i32 to index
          %get3A_1516 = arith.constant 96 : index
          %get3A_1517 = tpu.vector_load %arg11[%get3A_1514, %get3A_1515, %get3A_1516] {strides = array<i32>} : memref<4x32x128xf32, #tpu.memory_space<vmem>>, vector<16xf32>,
          %add3A_1518 = arith.addf %add3A_1438, %get3A_1517 : vector<16xf32>
          %mul3A_1519 = arith.constant 4 : i32
          %mul3A_1520 = arith.muli %scan3A_1280, %mul3A_1519 : i32
          %add3A_1521 = arith.constant 2 : i32
          %add3A_1522 = arith.addi %mul3A_1520, %add3A_1521 : i32
          %get3A_1523 = arith.constant 1 : i32
          %get3A_1524 = arith.index_cast %get3A_1523 : i32 to index
          %get3A_1525 = arith.index_cast %add3A_1522 : i32 to index
          %get3A_1526 = arith.constant 112 : index
          %get3A_1527 = tpu.vector_load %arg11[%get3A_1524, %get3A_1525, %get3A_1526] {strides = array<i32>} : memref<4x32x128xf32, #tpu.memory_space<vmem>>, vector<16xf32>,
          %add3A_1528 = arith.addf %add3A_1448, %get3A_1527 : vector<16xf32>
          %mul3A_1529 = arith.constant 4 : i32
          %mul3A_1530 = arith.muli %scan3A_1280, %mul3A_1529 : i32
          %add3A_1531 = arith.constant 3 : i32
          %add3A_1532 = arith.addi %mul3A_1530, %add3A_1531 : i32
          %get3A_1533 = arith.constant 1 : i32
          %get3A_1534 = arith.index_cast %get3A_1533 : i32 to index
          %get3A_1535 = arith.index_cast %add3A_1532 : i32 to index
          %get3A_1536 = arith.constant 0 : index
          %get3A_1537 = tpu.vector_load %arg11[%get3A_1534, %get3A_1535, %get3A_1536] {strides = array<i32>} : memref<4x32x128xf32, #tpu.memory_space<vmem>>, vector<16xf32>,
          %add3A_1538 = arith.addf %add3A_1458, %get3A_1537 : vector<16xf32>
          %mul3A_1539 = arith.constant 4 : i32
          %mul3A_1540 = arith.muli %scan3A_1280, %mul3A_1539 : i32
          %add3A_1541 = arith.constant 3 : i32
          %add3A_1542 = arith.addi %mul3A_1540, %add3A_1541 : i32
          %get3A_1543 = arith.constant 1 : i32
          %get3A_1544 = arith.index_cast %get3A_1543 : i32 to index
          %get3A_1545 = arith.index_cast %add3A_1542 : i32 to index
          %get3A_1546 = arith.constant 16 : index
          %get3A_1547 = tpu.vector_load %arg11[%get3A_1544, %get3A_1545, %get3A_1546] {strides = array<i32>} : memref<4x32x128xf32, #tpu.memory_space<vmem>>, vector<16xf32>,
          %add3A_1548 = arith.addf %add3A_1468, %get3A_1547 : vector<16xf32>
          %mul3A_1549 = arith.constant 4 : i32
          %mul3A_1550 = arith.muli %scan3A_1280, %mul3A_1549 : i32
          %add3A_1551 = arith.constant 3 : i32
          %add3A_1552 = arith.addi %mul3A_1550, %add3A_1551 : i32
          %get3A_1553 = arith.constant 1 : i32
          %get3A_1554 = arith.index_cast %get3A_1553 : i32 to index
          %get3A_1555 = arith.index_cast %add3A_1552 : i32 to index
          %get3A_1556 = arith.constant 32 : index
          %get3A_1557 = tpu.vector_load %arg11[%get3A_1554, %get3A_1555, %get3A_1556] {strides = array<i32>} : memref<4x32x128xf32, #tpu.memory_space<vmem>>, vector<16xf32>,
          %add3A_1558 = arith.addf %add3A_1478, %get3A_1557 : vector<16xf32>
          %mul3A_1559 = arith.constant 4 : i32
          %mul3A_1560 = arith.muli %scan3A_1280, %mul3A_1559 : i32
          %add3A_1561 = arith.constant 3 : i32
          %add3A_1562 = arith.addi %mul3A_1560, %add3A_1561 : i32
          %get3A_1563 = arith.constant 1 : i32
          %get3A_1564 = arith.index_cast %get3A_1563 : i32 to index
          %get3A_1565 = arith.index_cast %add3A_1562 : i32 to index
          %get3A_1566 = arith.constant 48 : index
          %get3A_1567 = tpu.vector_load %arg11[%get3A_1564, %get3A_1565, %get3A_1566] {strides = array<i32>} : memref<4x32x128xf32, #tpu.memory_space<vmem>>, vector<16xf32>,
          %add3A_1568 = arith.addf %add3A_1488, %get3A_1567 : vector<16xf32>
          %mul3A_1569 = arith.constant 4 : i32
          %mul3A_1570 = arith.muli %scan3A_1280, %mul3A_1569 : i32
          %add3A_1571 = arith.constant 3 : i32
          %add3A_1572 = arith.addi %mul3A_1570, %add3A_1571 : i32
          %get3A_1573 = arith.constant 1 : i32
          %get3A_1574 = arith.index_cast %get3A_1573 : i32 to index
          %get3A_1575 = arith.index_cast %add3A_1572 : i32 to index
          %get3A_1576 = arith.constant 64 : index
          %get3A_1577 = tpu.vector_load %arg11[%get3A_1574, %get3A_1575, %get3A_1576] {strides = array<i32>} : memref<4x32x128xf32, #tpu.memory_space<vmem>>, vector<16xf32>,
          %add3A_1578 = arith.addf %add3A_1498, %get3A_1577 : vector<16xf32>
          %mul3A_1579 = arith.constant 4 : i32
          %mul3A_1580 = arith.muli %scan3A_1280, %mul3A_1579 : i32
          %add3A_1581 = arith.constant 3 : i32
          %add3A_1582 = arith.addi %mul3A_1580, %add3A_1581 : i32
          %get3A_1583 = arith.constant 1 : i32
          %get3A_1584 = arith.index_cast %get3A_1583 : i32 to index
          %get3A_1585 = arith.index_cast %add3A_1582 : i32 to index
          %get3A_1586 = arith.constant 80 : index
          %get3A_1587 = tpu.vector_load %arg11[%get3A_1584, %get3A_1585, %get3A_1586] {strides = array<i32>} : memref<4x32x128xf32, #tpu.memory_space<vmem>>, vector<16xf32>,
          %add3A_1588 = arith.addf %add3A_1508, %get3A_1587 : vector<16xf32>
          %mul3A_1589 = arith.constant 4 : i32
          %mul3A_1590 = arith.muli %scan3A_1280, %mul3A_1589 : i32
          %add3A_1591 = arith.constant 3 : i32
          %add3A_1592 = arith.addi %mul3A_1590, %add3A_1591 : i32
          %get3A_1593 = arith.constant 1 : i32
          %get3A_1594 = arith.index_cast %get3A_1593 : i32 to index
          %get3A_1595 = arith.index_cast %add3A_1592 : i32 to index
          %get3A_1596 = arith.constant 96 : index
          %get3A_1597 = tpu.vector_load %arg11[%get3A_1594, %get3A_1595, %get3A_1596] {strides = array<i32>} : memref<4x32x128xf32, #tpu.memory_space<vmem>>, vector<16xf32>,
          %add3A_1598 = arith.addf %add3A_1518, %get3A_1597 : vector<16xf32>
          %mul3A_1599 = arith.constant 4 : i32
          %mul3A_1600 = arith.muli %scan3A_1280, %mul3A_1599 : i32
          %add3A_1601 = arith.constant 3 : i32
          %add3A_1602 = arith.addi %mul3A_1600, %add3A_1601 : i32
          %get3A_1603 = arith.constant 1 : i32
          %get3A_1604 = arith.index_cast %get3A_1603 : i32 to index
          %get3A_1605 = arith.index_cast %add3A_1602 : i32 to index
          %get3A_1606 = arith.constant 112 : index
          %get3A_1607 = tpu.vector_load %arg11[%get3A_1604, %get3A_1605, %get3A_1606] {strides = array<i32>} : memref<4x32x128xf32, #tpu.memory_space<vmem>>, vector<16xf32>,
          %add3A_1608 = arith.addf %add3A_1528, %get3A_1607 : vector<16xf32>
          scf.yield %add3A_1538, %add3A_1548, %add3A_1558, %add3A_1568, %add3A_1578, %add3A_1588, %add3A_1598, %add3A_1608 : vector<16xf32>, vector<16xf32>, vector<16xf32>, vector<16xf32>, vector<16xf32>, vector<16xf32>, vector<16xf32>, vector<16xf32>
        }
        %scan3A_895 = arith.constant 8 : i32
        %add3A_896 = arith.constant 4 : i32
        %add3A_897 = arith.addi %add3A_862, %add3A_896 : i32
        %lt3A_898 = arith.constant 256 : i32
        %lt3A_899 = arith.cmpi slt, %add3A_897, %lt3A_898 : i32
        %convert_element_type3A_900 = arith.extui %lt3A_899 : i1 to i32
        %cond3A_901 = arith.constant 0 : i32
        %cond3A_902 = arith.cmpi ne, %convert_element_type3A_900, %cond3A_901 : i32
        scf.if %cond3A_902 {
          %mul3A_1280 = arith.constant 32 : i32
          %mul3A_1281 = arith.muli %add3A_897, %mul3A_1280 : i32
          %dma_start3A_1282 = arith.constant 1 : i32
          %dma_start3A_1283 = arith.constant 0 : i32
          %dma_start3A_1284 = arith.constant 0 : i32
          %dma_start3A_1285 = tpu.memref_slice %arg11[%dma_start3A_1282, %dma_start3A_1283, %dma_start3A_1284] : memref<4x32x128xf32, #tpu.memory_space<vmem>> -> memref<1x32x128xf32, #tpu.memory_space<vmem>>
          %dma_start3A_1286 = tpu.memref_squeeze %dma_start3A_1285 : memref<1x32x128xf32, #tpu.memory_space<vmem>> -> memref<32x128xf32, #tpu.memory_space<vmem>>
          %dma_start3A_1287 = tpu.memref_slice %arg9[%mul3A_1281] : memref<8192xi32, #tpu.memory_space<vmem>> -> memref<32xi32, #tpu.memory_space<vmem>>
          %dma_start3A_1288 = arith.constant 0 : i32
          %dma_start3A_1289 = arith.constant 0 : i32
          %dma_start3A_1290 = tpu.memref_slice %arg15[%dma_start3A_1288, %dma_start3A_1289] : memref<10000x128xf32, #tpu.memory_space<vmem_shared>> -> memref<10000x128xf32, #tpu.memory_space<vmem_shared>>
          tpu.enqueue_indirect_dma source(%dma_start3A_1290 : memref<10000x128xf32, #tpu.memory_space<vmem_shared>>) target(%dma_start3A_1286 : memref<32x128xf32, #tpu.memory_space<vmem>>) offsets(%dma_start3A_1287 : memref<32xi32, #tpu.memory_space<vmem>>) semaphore(%arg20 : memref<!tpu.dma_semaphore, #tpu.memory_space<semaphore_mem>>)
        } else {
        }
        %get3A_903 = arith.constant 0 : i32
        %get3A_904 = arith.index_cast %get3A_903 : i32 to index
        %get3A_905 = arith.index_cast %add3A_859 : i32 to index
        %get3A_906 = arith.constant 0 : index
        %get3A_907 = tpu.vector_load %arg10[%get3A_904, %get3A_905, %get3A_906] {strides = array<i32>} : memref<2x32x128xf32, #tpu.memory_space<vmem>>, vector<16xf32>,
        %add3A_908 = arith.addf %scan3A_894#0, %get3A_907 : vector<16xf32>
        %max3A_909 = arith.constant 0.000000e+00 : f32
        %max3A_910 = vector.broadcast %max3A_909 : f32 to vector<16xf32>
        %max3A_911 = arith.maximumf %add3A_908, %max3A_910 : vector<16xf32>
        %mul3A_912 = arith.mulf %max3A_911, %get3A_77 : vector<16xf32>
        %get3A_913 = arith.constant 0 : i32
        %get3A_914 = arith.index_cast %get3A_913 : i32 to index
        %get3A_915 = arith.index_cast %add3A_859 : i32 to index
        %get3A_916 = arith.constant 16 : index
        %get3A_917 = tpu.vector_load %arg10[%get3A_914, %get3A_915, %get3A_916] {strides = array<i32>} : memref<2x32x128xf32, #tpu.memory_space<vmem>>, vector<16xf32>,
        %add3A_918 = arith.addf %scan3A_894#1, %get3A_917 : vector<16xf32>
        %max3A_919 = arith.constant 0.000000e+00 : f32
        %max3A_920 = vector.broadcast %max3A_919 : f32 to vector<16xf32>
        %max3A_921 = arith.maximumf %add3A_918, %max3A_920 : vector<16xf32>
        %mul3A_922 = arith.mulf %max3A_921, %get3A_79 : vector<16xf32>
        %add3A_923 = arith.addf %mul3A_912, %mul3A_922 : vector<16xf32>
        %get3A_924 = arith.constant 0 : i32
        %get3A_925 = arith.index_cast %get3A_924 : i32 to index
        %get3A_926 = arith.index_cast %add3A_859 : i32 to index
        %get3A_927 = arith.constant 32 : index
        %get3A_928 = tpu.vector_load %arg10[%get3A_925, %get3A_926, %get3A_927] {strides = array<i32>} : memref<2x32x128xf32, #tpu.memory_space<vmem>>, vector<16xf32>,
        %add3A_929 = arith.addf %scan3A_894#2, %get3A_928 : vector<16xf32>
        %max3A_930 = arith.constant 0.000000e+00 : f32
        %max3A_931 = vector.broadcast %max3A_930 : f32 to vector<16xf32>
        %max3A_932 = arith.maximumf %add3A_929, %max3A_931 : vector<16xf32>
        %mul3A_933 = arith.mulf %max3A_932, %get3A_81 : vector<16xf32>
        %add3A_934 = arith.addf %add3A_923, %mul3A_933 : vector<16xf32>
        %get3A_935 = arith.constant 0 : i32
        %get3A_936 = arith.index_cast %get3A_935 : i32 to index
        %get3A_937 = arith.index_cast %add3A_859 : i32 to index
        %get3A_938 = arith.constant 48 : index
        %get3A_939 = tpu.vector_load %arg10[%get3A_936, %get3A_937, %get3A_938] {strides = array<i32>} : memref<2x32x128xf32, #tpu.memory_space<vmem>>, vector<16xf32>,
        %add3A_940 = arith.addf %scan3A_894#3, %get3A_939 : vector<16xf32>
        %max3A_941 = arith.constant 0.000000e+00 : f32
        %max3A_942 = vector.broadcast %max3A_941 : f32 to vector<16xf32>
        %max3A_943 = arith.maximumf %add3A_940, %max3A_942 : vector<16xf32>
        %mul3A_944 = arith.mulf %max3A_943, %get3A_83 : vector<16xf32>
        %add3A_945 = arith.addf %add3A_934, %mul3A_944 : vector<16xf32>
        %get3A_946 = arith.constant 0 : i32
        %get3A_947 = arith.index_cast %get3A_946 : i32 to index
        %get3A_948 = arith.index_cast %add3A_859 : i32 to index
        %get3A_949 = arith.constant 64 : index
        %get3A_950 = tpu.vector_load %arg10[%get3A_947, %get3A_948, %get3A_949] {strides = array<i32>} : memref<2x32x128xf32, #tpu.memory_space<vmem>>, vector<16xf32>,
        %add3A_951 = arith.addf %scan3A_894#4, %get3A_950 : vector<16xf32>
        %max3A_952 = arith.constant 0.000000e+00 : f32
        %max3A_953 = vector.broadcast %max3A_952 : f32 to vector<16xf32>
        %max3A_954 = arith.maximumf %add3A_951, %max3A_953 : vector<16xf32>
        %mul3A_955 = arith.mulf %max3A_954, %get3A_85 : vector<16xf32>
        %add3A_956 = arith.addf %add3A_945, %mul3A_955 : vector<16xf32>
        %get3A_957 = arith.constant 0 : i32
        %get3A_958 = arith.index_cast %get3A_957 : i32 to index
        %get3A_959 = arith.index_cast %add3A_859 : i32 to index
        %get3A_960 = arith.constant 80 : index
        %get3A_961 = tpu.vector_load %arg10[%get3A_958, %get3A_959, %get3A_960] {strides = array<i32>} : memref<2x32x128xf32, #tpu.memory_space<vmem>>, vector<16xf32>,
        %add3A_962 = arith.addf %scan3A_894#5, %get3A_961 : vector<16xf32>
        %max3A_963 = arith.constant 0.000000e+00 : f32
        %max3A_964 = vector.broadcast %max3A_963 : f32 to vector<16xf32>
        %max3A_965 = arith.maximumf %add3A_962, %max3A_964 : vector<16xf32>
        %mul3A_966 = arith.mulf %max3A_965, %get3A_87 : vector<16xf32>
        %add3A_967 = arith.addf %add3A_956, %mul3A_966 : vector<16xf32>
        %get3A_968 = arith.constant 0 : i32
        %get3A_969 = arith.index_cast %get3A_968 : i32 to index
        %get3A_970 = arith.index_cast %add3A_859 : i32 to index
        %get3A_971 = arith.constant 96 : index
        %get3A_972 = tpu.vector_load %arg10[%get3A_969, %get3A_970, %get3A_971] {strides = array<i32>} : memref<2x32x128xf32, #tpu.memory_space<vmem>>, vector<16xf32>,
        %add3A_973 = arith.addf %scan3A_894#6, %get3A_972 : vector<16xf32>
        %max3A_974 = arith.constant 0.000000e+00 : f32
        %max3A_975 = vector.broadcast %max3A_974 : f32 to vector<16xf32>
        %max3A_976 = arith.maximumf %add3A_973, %max3A_975 : vector<16xf32>
        %mul3A_977 = arith.mulf %max3A_976, %get3A_89 : vector<16xf32>
        %add3A_978 = arith.addf %add3A_967, %mul3A_977 : vector<16xf32>
        %get3A_979 = arith.constant 0 : i32
        %get3A_980 = arith.index_cast %get3A_979 : i32 to index
        %get3A_981 = arith.index_cast %add3A_859 : i32 to index
        %get3A_982 = arith.constant 112 : index
        %get3A_983 = tpu.vector_load %arg10[%get3A_980, %get3A_981, %get3A_982] {strides = array<i32>} : memref<2x32x128xf32, #tpu.memory_space<vmem>>, vector<16xf32>,
        %add3A_984 = arith.addf %scan3A_894#7, %get3A_983 : vector<16xf32>
        %max3A_985 = arith.constant 0.000000e+00 : f32
        %max3A_986 = vector.broadcast %max3A_985 : f32 to vector<16xf32>
        %max3A_987 = arith.maximumf %add3A_984, %max3A_986 : vector<16xf32>
        %mul3A_988 = arith.mulf %max3A_987, %get3A_91 : vector<16xf32>
        %add3A_989 = arith.addf %add3A_978, %mul3A_988 : vector<16xf32>
        %mul3A_990 = arith.constant 16 : i32
        %mul3A_991 = arith.muli %add3A_672, %mul3A_990 : i32
        %mul3A_992 = arith.constant 2 : i32
        %mul3A_993 = arith.muli %scan3A_722, %mul3A_992 : i32
        %add3A_994 = arith.addi %mul3A_991, %mul3A_993 : i32
        %add3A_995 = arith.constant 0 : i32
        %add3A_996 = arith.addi %add3A_994, %add3A_995 : i32
        %add3A_997 = arith.addf %add3A_855, %add3A_989 : vector<16xf32>
        %swap3A_998 = arith.index_cast %add3A_996 : i32 to index
        %swap3A_999 = arith.constant 0 : index
        %swap3A_1000 = tpu.vector_load %arg13[%swap3A_998, %swap3A_999] {strides = array<i32>} : memref<128x16xf32, #tpu.memory_space<vmem>>, vector<16xf32>,
        tpu.vector_store %arg13[%swap3A_998, %swap3A_999], %add3A_997 {strides = array<i32>} : memref<128x16xf32, #tpu.memory_space<vmem>>, vector<16xf32>,
        %mul3A_1001 = arith.constant 4 : i32
        %mul3A_1002 = arith.muli %scan3A_722, %mul3A_1001 : i32
        %add3A_1003 = arith.constant 2 : i32
        %add3A_1004 = arith.addi %mul3A_1002, %add3A_1003 : i32
        %mul3A_1005 = arith.constant 32 : i32
        %mul3A_1006 = arith.muli %add3A_672, %mul3A_1005 : i32
        %add3A_1007 = arith.addi %mul3A_1006, %add3A_1004 : i32
        %mul3A_1008 = arith.constant 32 : i32
        %mul3A_1009 = arith.muli %add3A_1007, %mul3A_1008 : i32
        %dma_wait3A_1010 = arith.constant 2 : i32
        %dma_wait3A_1011 = arith.constant 0 : i32
        %dma_wait3A_1012 = arith.constant 0 : i32
        %dma_wait3A_1013 = tpu.memref_slice %arg11[%dma_wait3A_1010, %dma_wait3A_1011, %dma_wait3A_1012] : memref<4x32x128xf32, #tpu.memory_space<vmem>> -> memref<1x32x128xf32, #tpu.memory_space<vmem>>
        %dma_wait3A_1014 = tpu.memref_squeeze %dma_wait3A_1013 : memref<1x32x128xf32, #tpu.memory_space<vmem>> -> memref<32x128xf32, #tpu.memory_space<vmem>>
        %dma_wait3A_1015 = tpu.memref_slice %arg9[%mul3A_1009] : memref<8192xi32, #tpu.memory_space<vmem>> -> memref<32xi32, #tpu.memory_space<vmem>>
        %dma_wait3A_1016 = arith.constant 0 : i32
        %dma_wait3A_1017 = arith.constant 0 : i32
        %dma_wait3A_1018 = tpu.memref_slice %arg15[%dma_wait3A_1016, %dma_wait3A_1017] : memref<10000x128xf32, #tpu.memory_space<vmem_shared>> -> memref<10000x128xf32, #tpu.memory_space<vmem_shared>>
        tpu.wait_indirect_dma semaphore(%arg21 : memref<!tpu.dma_semaphore, #tpu.memory_space<semaphore_mem>>) src(%dma_wait3A_1018 : memref<10000x128xf32, #tpu.memory_space<vmem_shared>>) dst(%dma_wait3A_1014 : memref<32x128xf32, #tpu.memory_space<vmem>>)
        %broadcast_in_dim3A_1019 = arith.constant 0.000000e+00 : f32
        %broadcast_in_dim3A_1020 = vector.broadcast %broadcast_in_dim3A_1019 : f32 to vector<16xf32>
        %broadcast_in_dim3A_1021 = arith.constant 0.000000e+00 : f32
        %broadcast_in_dim3A_1022 = vector.broadcast %broadcast_in_dim3A_1021 : f32 to vector<16xf32>
        %broadcast_in_dim3A_1023 = arith.constant 0.000000e+00 : f32
        %broadcast_in_dim3A_1024 = vector.broadcast %broadcast_in_dim3A_1023 : f32 to vector<16xf32>
        %broadcast_in_dim3A_1025 = arith.constant 0.000000e+00 : f32
        %broadcast_in_dim3A_1026 = vector.broadcast %broadcast_in_dim3A_1025 : f32 to vector<16xf32>
        %broadcast_in_dim3A_1027 = arith.constant 0.000000e+00 : f32
        %broadcast_in_dim3A_1028 = vector.broadcast %broadcast_in_dim3A_1027 : f32 to vector<16xf32>
        %broadcast_in_dim3A_1029 = arith.constant 0.000000e+00 : f32
        %broadcast_in_dim3A_1030 = vector.broadcast %broadcast_in_dim3A_1029 : f32 to vector<16xf32>
        %broadcast_in_dim3A_1031 = arith.constant 0.000000e+00 : f32
        %broadcast_in_dim3A_1032 = vector.broadcast %broadcast_in_dim3A_1031 : f32 to vector<16xf32>
        %broadcast_in_dim3A_1033 = arith.constant 0.000000e+00 : f32
        %broadcast_in_dim3A_1034 = vector.broadcast %broadcast_in_dim3A_1033 : f32 to vector<16xf32>
        %scan3A_1035 = arith.constant 0 : i32
        %scan3A_1036 = arith.constant 8 : i32
        %scan3A_1037 = arith.addi %scan3A_1035, %scan3A_1036 : i32
        %scan3A_1038 = arith.constant 1 : i32
        %scan3A_1039:8 = scf.for %scan3A_1280 = %scan3A_1035 to %scan3A_1037 step %scan3A_1038 iter_args(%scan3A_1281 = %broadcast_in_dim3A_1020, %scan3A_1282 = %broadcast_in_dim3A_1022, %scan3A_1283 = %broadcast_in_dim3A_1024, %scan3A_1284 = %broadcast_in_dim3A_1026, %scan3A_1285 = %broadcast_in_dim3A_1028, %scan3A_1286 = %broadcast_in_dim3A_1030, %scan3A_1287 = %broadcast_in_dim3A_1032, %scan3A_1288 = %broadcast_in_dim3A_1034) -> (vector<16xf32>, vector<16xf32>, vector<16xf32>, vector<16xf32>, vector<16xf32>, vector<16xf32>, vector<16xf32>, vector<16xf32>)  : i32 {
          %mul3A_1289 = arith.constant 4 : i32
          %mul3A_1290 = arith.muli %scan3A_1280, %mul3A_1289 : i32
          %add3A_1291 = arith.constant 0 : i32
          %add3A_1292 = arith.addi %mul3A_1290, %add3A_1291 : i32
          %get3A_1293 = arith.constant 2 : i32
          %get3A_1294 = arith.index_cast %get3A_1293 : i32 to index
          %get3A_1295 = arith.index_cast %add3A_1292 : i32 to index
          %get3A_1296 = arith.constant 0 : index
          %get3A_1297 = tpu.vector_load %arg11[%get3A_1294, %get3A_1295, %get3A_1296] {strides = array<i32>} : memref<4x32x128xf32, #tpu.memory_space<vmem>>, vector<16xf32>,
          %add3A_1298 = arith.addf %scan3A_1281, %get3A_1297 : vector<16xf32>
          %mul3A_1299 = arith.constant 4 : i32
          %mul3A_1300 = arith.muli %scan3A_1280, %mul3A_1299 : i32
          %add3A_1301 = arith.constant 0 : i32
          %add3A_1302 = arith.addi %mul3A_1300, %add3A_1301 : i32
          %get3A_1303 = arith.constant 2 : i32
          %get3A_1304 = arith.index_cast %get3A_1303 : i32 to index
          %get3A_1305 = arith.index_cast %add3A_1302 : i32 to index
          %get3A_1306 = arith.constant 16 : index
          %get3A_1307 = tpu.vector_load %arg11[%get3A_1304, %get3A_1305, %get3A_1306] {strides = array<i32>} : memref<4x32x128xf32, #tpu.memory_space<vmem>>, vector<16xf32>,
          %add3A_1308 = arith.addf %scan3A_1282, %get3A_1307 : vector<16xf32>
          %mul3A_1309 = arith.constant 4 : i32
          %mul3A_1310 = arith.muli %scan3A_1280, %mul3A_1309 : i32
          %add3A_1311 = arith.constant 0 : i32
          %add3A_1312 = arith.addi %mul3A_1310, %add3A_1311 : i32
          %get3A_1313 = arith.constant 2 : i32
          %get3A_1314 = arith.index_cast %get3A_1313 : i32 to index
          %get3A_1315 = arith.index_cast %add3A_1312 : i32 to index
          %get3A_1316 = arith.constant 32 : index
          %get3A_1317 = tpu.vector_load %arg11[%get3A_1314, %get3A_1315, %get3A_1316] {strides = array<i32>} : memref<4x32x128xf32, #tpu.memory_space<vmem>>, vector<16xf32>,
          %add3A_1318 = arith.addf %scan3A_1283, %get3A_1317 : vector<16xf32>
          %mul3A_1319 = arith.constant 4 : i32
          %mul3A_1320 = arith.muli %scan3A_1280, %mul3A_1319 : i32
          %add3A_1321 = arith.constant 0 : i32
          %add3A_1322 = arith.addi %mul3A_1320, %add3A_1321 : i32
          %get3A_1323 = arith.constant 2 : i32
          %get3A_1324 = arith.index_cast %get3A_1323 : i32 to index
          %get3A_1325 = arith.index_cast %add3A_1322 : i32 to index
          %get3A_1326 = arith.constant 48 : index
          %get3A_1327 = tpu.vector_load %arg11[%get3A_1324, %get3A_1325, %get3A_1326] {strides = array<i32>} : memref<4x32x128xf32, #tpu.memory_space<vmem>>, vector<16xf32>,
          %add3A_1328 = arith.addf %scan3A_1284, %get3A_1327 : vector<16xf32>
          %mul3A_1329 = arith.constant 4 : i32
          %mul3A_1330 = arith.muli %scan3A_1280, %mul3A_1329 : i32
          %add3A_1331 = arith.constant 0 : i32
          %add3A_1332 = arith.addi %mul3A_1330, %add3A_1331 : i32
          %get3A_1333 = arith.constant 2 : i32
          %get3A_1334 = arith.index_cast %get3A_1333 : i32 to index
          %get3A_1335 = arith.index_cast %add3A_1332 : i32 to index
          %get3A_1336 = arith.constant 64 : index
          %get3A_1337 = tpu.vector_load %arg11[%get3A_1334, %get3A_1335, %get3A_1336] {strides = array<i32>} : memref<4x32x128xf32, #tpu.memory_space<vmem>>, vector<16xf32>,
          %add3A_1338 = arith.addf %scan3A_1285, %get3A_1337 : vector<16xf32>
          %mul3A_1339 = arith.constant 4 : i32
          %mul3A_1340 = arith.muli %scan3A_1280, %mul3A_1339 : i32
          %add3A_1341 = arith.constant 0 : i32
          %add3A_1342 = arith.addi %mul3A_1340, %add3A_1341 : i32
          %get3A_1343 = arith.constant 2 : i32
          %get3A_1344 = arith.index_cast %get3A_1343 : i32 to index
          %get3A_1345 = arith.index_cast %add3A_1342 : i32 to index
          %get3A_1346 = arith.constant 80 : index
          %get3A_1347 = tpu.vector_load %arg11[%get3A_1344, %get3A_1345, %get3A_1346] {strides = array<i32>} : memref<4x32x128xf32, #tpu.memory_space<vmem>>, vector<16xf32>,
          %add3A_1348 = arith.addf %scan3A_1286, %get3A_1347 : vector<16xf32>
          %mul3A_1349 = arith.constant 4 : i32
          %mul3A_1350 = arith.muli %scan3A_1280, %mul3A_1349 : i32
          %add3A_1351 = arith.constant 0 : i32
          %add3A_1352 = arith.addi %mul3A_1350, %add3A_1351 : i32
          %get3A_1353 = arith.constant 2 : i32
          %get3A_1354 = arith.index_cast %get3A_1353 : i32 to index
          %get3A_1355 = arith.index_cast %add3A_1352 : i32 to index
          %get3A_1356 = arith.constant 96 : index
          %get3A_1357 = tpu.vector_load %arg11[%get3A_1354, %get3A_1355, %get3A_1356] {strides = array<i32>} : memref<4x32x128xf32, #tpu.memory_space<vmem>>, vector<16xf32>,
          %add3A_1358 = arith.addf %scan3A_1287, %get3A_1357 : vector<16xf32>
          %mul3A_1359 = arith.constant 4 : i32
          %mul3A_1360 = arith.muli %scan3A_1280, %mul3A_1359 : i32
          %add3A_1361 = arith.constant 0 : i32
          %add3A_1362 = arith.addi %mul3A_1360, %add3A_1361 : i32
          %get3A_1363 = arith.constant 2 : i32
          %get3A_1364 = arith.index_cast %get3A_1363 : i32 to index
          %get3A_1365 = arith.index_cast %add3A_1362 : i32 to index
          %get3A_1366 = arith.constant 112 : index
          %get3A_1367 = tpu.vector_load %arg11[%get3A_1364, %get3A_1365, %get3A_1366] {strides = array<i32>} : memref<4x32x128xf32, #tpu.memory_space<vmem>>, vector<16xf32>,
          %add3A_1368 = arith.addf %scan3A_1288, %get3A_1367 : vector<16xf32>
          %mul3A_1369 = arith.constant 4 : i32
          %mul3A_1370 = arith.muli %scan3A_1280, %mul3A_1369 : i32
          %add3A_1371 = arith.constant 1 : i32
          %add3A_1372 = arith.addi %mul3A_1370, %add3A_1371 : i32
          %get3A_1373 = arith.constant 2 : i32
          %get3A_1374 = arith.index_cast %get3A_1373 : i32 to index
          %get3A_1375 = arith.index_cast %add3A_1372 : i32 to index
          %get3A_1376 = arith.constant 0 : index
          %get3A_1377 = tpu.vector_load %arg11[%get3A_1374, %get3A_1375, %get3A_1376] {strides = array<i32>} : memref<4x32x128xf32, #tpu.memory_space<vmem>>, vector<16xf32>,
          %add3A_1378 = arith.addf %add3A_1298, %get3A_1377 : vector<16xf32>
          %mul3A_1379 = arith.constant 4 : i32
          %mul3A_1380 = arith.muli %scan3A_1280, %mul3A_1379 : i32
          %add3A_1381 = arith.constant 1 : i32
          %add3A_1382 = arith.addi %mul3A_1380, %add3A_1381 : i32
          %get3A_1383 = arith.constant 2 : i32
          %get3A_1384 = arith.index_cast %get3A_1383 : i32 to index
          %get3A_1385 = arith.index_cast %add3A_1382 : i32 to index
          %get3A_1386 = arith.constant 16 : index
          %get3A_1387 = tpu.vector_load %arg11[%get3A_1384, %get3A_1385, %get3A_1386] {strides = array<i32>} : memref<4x32x128xf32, #tpu.memory_space<vmem>>, vector<16xf32>,
          %add3A_1388 = arith.addf %add3A_1308, %get3A_1387 : vector<16xf32>
          %mul3A_1389 = arith.constant 4 : i32
          %mul3A_1390 = arith.muli %scan3A_1280, %mul3A_1389 : i32
          %add3A_1391 = arith.constant 1 : i32
          %add3A_1392 = arith.addi %mul3A_1390, %add3A_1391 : i32
          %get3A_1393 = arith.constant 2 : i32
          %get3A_1394 = arith.index_cast %get3A_1393 : i32 to index
          %get3A_1395 = arith.index_cast %add3A_1392 : i32 to index
          %get3A_1396 = arith.constant 32 : index
          %get3A_1397 = tpu.vector_load %arg11[%get3A_1394, %get3A_1395, %get3A_1396] {strides = array<i32>} : memref<4x32x128xf32, #tpu.memory_space<vmem>>, vector<16xf32>,
          %add3A_1398 = arith.addf %add3A_1318, %get3A_1397 : vector<16xf32>
          %mul3A_1399 = arith.constant 4 : i32
          %mul3A_1400 = arith.muli %scan3A_1280, %mul3A_1399 : i32
          %add3A_1401 = arith.constant 1 : i32
          %add3A_1402 = arith.addi %mul3A_1400, %add3A_1401 : i32
          %get3A_1403 = arith.constant 2 : i32
          %get3A_1404 = arith.index_cast %get3A_1403 : i32 to index
          %get3A_1405 = arith.index_cast %add3A_1402 : i32 to index
          %get3A_1406 = arith.constant 48 : index
          %get3A_1407 = tpu.vector_load %arg11[%get3A_1404, %get3A_1405, %get3A_1406] {strides = array<i32>} : memref<4x32x128xf32, #tpu.memory_space<vmem>>, vector<16xf32>,
          %add3A_1408 = arith.addf %add3A_1328, %get3A_1407 : vector<16xf32>
          %mul3A_1409 = arith.constant 4 : i32
          %mul3A_1410 = arith.muli %scan3A_1280, %mul3A_1409 : i32
          %add3A_1411 = arith.constant 1 : i32
          %add3A_1412 = arith.addi %mul3A_1410, %add3A_1411 : i32
          %get3A_1413 = arith.constant 2 : i32
          %get3A_1414 = arith.index_cast %get3A_1413 : i32 to index
          %get3A_1415 = arith.index_cast %add3A_1412 : i32 to index
          %get3A_1416 = arith.constant 64 : index
          %get3A_1417 = tpu.vector_load %arg11[%get3A_1414, %get3A_1415, %get3A_1416] {strides = array<i32>} : memref<4x32x128xf32, #tpu.memory_space<vmem>>, vector<16xf32>,
          %add3A_1418 = arith.addf %add3A_1338, %get3A_1417 : vector<16xf32>
          %mul3A_1419 = arith.constant 4 : i32
          %mul3A_1420 = arith.muli %scan3A_1280, %mul3A_1419 : i32
          %add3A_1421 = arith.constant 1 : i32
          %add3A_1422 = arith.addi %mul3A_1420, %add3A_1421 : i32
          %get3A_1423 = arith.constant 2 : i32
          %get3A_1424 = arith.index_cast %get3A_1423 : i32 to index
          %get3A_1425 = arith.index_cast %add3A_1422 : i32 to index
          %get3A_1426 = arith.constant 80 : index
          %get3A_1427 = tpu.vector_load %arg11[%get3A_1424, %get3A_1425, %get3A_1426] {strides = array<i32>} : memref<4x32x128xf32, #tpu.memory_space<vmem>>, vector<16xf32>,
          %add3A_1428 = arith.addf %add3A_1348, %get3A_1427 : vector<16xf32>
          %mul3A_1429 = arith.constant 4 : i32
          %mul3A_1430 = arith.muli %scan3A_1280, %mul3A_1429 : i32
          %add3A_1431 = arith.constant 1 : i32
          %add3A_1432 = arith.addi %mul3A_1430, %add3A_1431 : i32
          %get3A_1433 = arith.constant 2 : i32
          %get3A_1434 = arith.index_cast %get3A_1433 : i32 to index
          %get3A_1435 = arith.index_cast %add3A_1432 : i32 to index
          %get3A_1436 = arith.constant 96 : index
          %get3A_1437 = tpu.vector_load %arg11[%get3A_1434, %get3A_1435, %get3A_1436] {strides = array<i32>} : memref<4x32x128xf32, #tpu.memory_space<vmem>>, vector<16xf32>,
          %add3A_1438 = arith.addf %add3A_1358, %get3A_1437 : vector<16xf32>
          %mul3A_1439 = arith.constant 4 : i32
          %mul3A_1440 = arith.muli %scan3A_1280, %mul3A_1439 : i32
          %add3A_1441 = arith.constant 1 : i32
          %add3A_1442 = arith.addi %mul3A_1440, %add3A_1441 : i32
          %get3A_1443 = arith.constant 2 : i32
          %get3A_1444 = arith.index_cast %get3A_1443 : i32 to index
          %get3A_1445 = arith.index_cast %add3A_1442 : i32 to index
          %get3A_1446 = arith.constant 112 : index
          %get3A_1447 = tpu.vector_load %arg11[%get3A_1444, %get3A_1445, %get3A_1446] {strides = array<i32>} : memref<4x32x128xf32, #tpu.memory_space<vmem>>, vector<16xf32>,
          %add3A_1448 = arith.addf %add3A_1368, %get3A_1447 : vector<16xf32>
          %mul3A_1449 = arith.constant 4 : i32
          %mul3A_1450 = arith.muli %scan3A_1280, %mul3A_1449 : i32
          %add3A_1451 = arith.constant 2 : i32
          %add3A_1452 = arith.addi %mul3A_1450, %add3A_1451 : i32
          %get3A_1453 = arith.constant 2 : i32
          %get3A_1454 = arith.index_cast %get3A_1453 : i32 to index
          %get3A_1455 = arith.index_cast %add3A_1452 : i32 to index
          %get3A_1456 = arith.constant 0 : index
          %get3A_1457 = tpu.vector_load %arg11[%get3A_1454, %get3A_1455, %get3A_1456] {strides = array<i32>} : memref<4x32x128xf32, #tpu.memory_space<vmem>>, vector<16xf32>,
          %add3A_1458 = arith.addf %add3A_1378, %get3A_1457 : vector<16xf32>
          %mul3A_1459 = arith.constant 4 : i32
          %mul3A_1460 = arith.muli %scan3A_1280, %mul3A_1459 : i32
          %add3A_1461 = arith.constant 2 : i32
          %add3A_1462 = arith.addi %mul3A_1460, %add3A_1461 : i32
          %get3A_1463 = arith.constant 2 : i32
          %get3A_1464 = arith.index_cast %get3A_1463 : i32 to index
          %get3A_1465 = arith.index_cast %add3A_1462 : i32 to index
          %get3A_1466 = arith.constant 16 : index
          %get3A_1467 = tpu.vector_load %arg11[%get3A_1464, %get3A_1465, %get3A_1466] {strides = array<i32>} : memref<4x32x128xf32, #tpu.memory_space<vmem>>, vector<16xf32>,
          %add3A_1468 = arith.addf %add3A_1388, %get3A_1467 : vector<16xf32>
          %mul3A_1469 = arith.constant 4 : i32
          %mul3A_1470 = arith.muli %scan3A_1280, %mul3A_1469 : i32
          %add3A_1471 = arith.constant 2 : i32
          %add3A_1472 = arith.addi %mul3A_1470, %add3A_1471 : i32
          %get3A_1473 = arith.constant 2 : i32
          %get3A_1474 = arith.index_cast %get3A_1473 : i32 to index
          %get3A_1475 = arith.index_cast %add3A_1472 : i32 to index
          %get3A_1476 = arith.constant 32 : index
          %get3A_1477 = tpu.vector_load %arg11[%get3A_1474, %get3A_1475, %get3A_1476] {strides = array<i32>} : memref<4x32x128xf32, #tpu.memory_space<vmem>>, vector<16xf32>,
          %add3A_1478 = arith.addf %add3A_1398, %get3A_1477 : vector<16xf32>
          %mul3A_1479 = arith.constant 4 : i32
          %mul3A_1480 = arith.muli %scan3A_1280, %mul3A_1479 : i32
          %add3A_1481 = arith.constant 2 : i32
          %add3A_1482 = arith.addi %mul3A_1480, %add3A_1481 : i32
          %get3A_1483 = arith.constant 2 : i32
          %get3A_1484 = arith.index_cast %get3A_1483 : i32 to index
          %get3A_1485 = arith.index_cast %add3A_1482 : i32 to index
          %get3A_1486 = arith.constant 48 : index
          %get3A_1487 = tpu.vector_load %arg11[%get3A_1484, %get3A_1485, %get3A_1486] {strides = array<i32>} : memref<4x32x128xf32, #tpu.memory_space<vmem>>, vector<16xf32>,
          %add3A_1488 = arith.addf %add3A_1408, %get3A_1487 : vector<16xf32>
          %mul3A_1489 = arith.constant 4 : i32
          %mul3A_1490 = arith.muli %scan3A_1280, %mul3A_1489 : i32
          %add3A_1491 = arith.constant 2 : i32
          %add3A_1492 = arith.addi %mul3A_1490, %add3A_1491 : i32
          %get3A_1493 = arith.constant 2 : i32
          %get3A_1494 = arith.index_cast %get3A_1493 : i32 to index
          %get3A_1495 = arith.index_cast %add3A_1492 : i32 to index
          %get3A_1496 = arith.constant 64 : index
          %get3A_1497 = tpu.vector_load %arg11[%get3A_1494, %get3A_1495, %get3A_1496] {strides = array<i32>} : memref<4x32x128xf32, #tpu.memory_space<vmem>>, vector<16xf32>,
          %add3A_1498 = arith.addf %add3A_1418, %get3A_1497 : vector<16xf32>
          %mul3A_1499 = arith.constant 4 : i32
          %mul3A_1500 = arith.muli %scan3A_1280, %mul3A_1499 : i32
          %add3A_1501 = arith.constant 2 : i32
          %add3A_1502 = arith.addi %mul3A_1500, %add3A_1501 : i32
          %get3A_1503 = arith.constant 2 : i32
          %get3A_1504 = arith.index_cast %get3A_1503 : i32 to index
          %get3A_1505 = arith.index_cast %add3A_1502 : i32 to index
          %get3A_1506 = arith.constant 80 : index
          %get3A_1507 = tpu.vector_load %arg11[%get3A_1504, %get3A_1505, %get3A_1506] {strides = array<i32>} : memref<4x32x128xf32, #tpu.memory_space<vmem>>, vector<16xf32>,
          %add3A_1508 = arith.addf %add3A_1428, %get3A_1507 : vector<16xf32>
          %mul3A_1509 = arith.constant 4 : i32
          %mul3A_1510 = arith.muli %scan3A_1280, %mul3A_1509 : i32
          %add3A_1511 = arith.constant 2 : i32
          %add3A_1512 = arith.addi %mul3A_1510, %add3A_1511 : i32
          %get3A_1513 = arith.constant 2 : i32
          %get3A_1514 = arith.index_cast %get3A_1513 : i32 to index
          %get3A_1515 = arith.index_cast %add3A_1512 : i32 to index
          %get3A_1516 = arith.constant 96 : index
          %get3A_1517 = tpu.vector_load %arg11[%get3A_1514, %get3A_1515, %get3A_1516] {strides = array<i32>} : memref<4x32x128xf32, #tpu.memory_space<vmem>>, vector<16xf32>,
          %add3A_1518 = arith.addf %add3A_1438, %get3A_1517 : vector<16xf32>
          %mul3A_1519 = arith.constant 4 : i32
          %mul3A_1520 = arith.muli %scan3A_1280, %mul3A_1519 : i32
          %add3A_1521 = arith.constant 2 : i32
          %add3A_1522 = arith.addi %mul3A_1520, %add3A_1521 : i32
          %get3A_1523 = arith.constant 2 : i32
          %get3A_1524 = arith.index_cast %get3A_1523 : i32 to index
          %get3A_1525 = arith.index_cast %add3A_1522 : i32 to index
          %get3A_1526 = arith.constant 112 : index
          %get3A_1527 = tpu.vector_load %arg11[%get3A_1524, %get3A_1525, %get3A_1526] {strides = array<i32>} : memref<4x32x128xf32, #tpu.memory_space<vmem>>, vector<16xf32>,
          %add3A_1528 = arith.addf %add3A_1448, %get3A_1527 : vector<16xf32>
          %mul3A_1529 = arith.constant 4 : i32
          %mul3A_1530 = arith.muli %scan3A_1280, %mul3A_1529 : i32
          %add3A_1531 = arith.constant 3 : i32
          %add3A_1532 = arith.addi %mul3A_1530, %add3A_1531 : i32
          %get3A_1533 = arith.constant 2 : i32
          %get3A_1534 = arith.index_cast %get3A_1533 : i32 to index
          %get3A_1535 = arith.index_cast %add3A_1532 : i32 to index
          %get3A_1536 = arith.constant 0 : index
          %get3A_1537 = tpu.vector_load %arg11[%get3A_1534, %get3A_1535, %get3A_1536] {strides = array<i32>} : memref<4x32x128xf32, #tpu.memory_space<vmem>>, vector<16xf32>,
          %add3A_1538 = arith.addf %add3A_1458, %get3A_1537 : vector<16xf32>
          %mul3A_1539 = arith.constant 4 : i32
          %mul3A_1540 = arith.muli %scan3A_1280, %mul3A_1539 : i32
          %add3A_1541 = arith.constant 3 : i32
          %add3A_1542 = arith.addi %mul3A_1540, %add3A_1541 : i32
          %get3A_1543 = arith.constant 2 : i32
          %get3A_1544 = arith.index_cast %get3A_1543 : i32 to index
          %get3A_1545 = arith.index_cast %add3A_1542 : i32 to index
          %get3A_1546 = arith.constant 16 : index
          %get3A_1547 = tpu.vector_load %arg11[%get3A_1544, %get3A_1545, %get3A_1546] {strides = array<i32>} : memref<4x32x128xf32, #tpu.memory_space<vmem>>, vector<16xf32>,
          %add3A_1548 = arith.addf %add3A_1468, %get3A_1547 : vector<16xf32>
          %mul3A_1549 = arith.constant 4 : i32
          %mul3A_1550 = arith.muli %scan3A_1280, %mul3A_1549 : i32
          %add3A_1551 = arith.constant 3 : i32
          %add3A_1552 = arith.addi %mul3A_1550, %add3A_1551 : i32
          %get3A_1553 = arith.constant 2 : i32
          %get3A_1554 = arith.index_cast %get3A_1553 : i32 to index
          %get3A_1555 = arith.index_cast %add3A_1552 : i32 to index
          %get3A_1556 = arith.constant 32 : index
          %get3A_1557 = tpu.vector_load %arg11[%get3A_1554, %get3A_1555, %get3A_1556] {strides = array<i32>} : memref<4x32x128xf32, #tpu.memory_space<vmem>>, vector<16xf32>,
          %add3A_1558 = arith.addf %add3A_1478, %get3A_1557 : vector<16xf32>
          %mul3A_1559 = arith.constant 4 : i32
          %mul3A_1560 = arith.muli %scan3A_1280, %mul3A_1559 : i32
          %add3A_1561 = arith.constant 3 : i32
          %add3A_1562 = arith.addi %mul3A_1560, %add3A_1561 : i32
          %get3A_1563 = arith.constant 2 : i32
          %get3A_1564 = arith.index_cast %get3A_1563 : i32 to index
          %get3A_1565 = arith.index_cast %add3A_1562 : i32 to index
          %get3A_1566 = arith.constant 48 : index
          %get3A_1567 = tpu.vector_load %arg11[%get3A_1564, %get3A_1565, %get3A_1566] {strides = array<i32>} : memref<4x32x128xf32, #tpu.memory_space<vmem>>, vector<16xf32>,
          %add3A_1568 = arith.addf %add3A_1488, %get3A_1567 : vector<16xf32>
          %mul3A_1569 = arith.constant 4 : i32
          %mul3A_1570 = arith.muli %scan3A_1280, %mul3A_1569 : i32
          %add3A_1571 = arith.constant 3 : i32
          %add3A_1572 = arith.addi %mul3A_1570, %add3A_1571 : i32
          %get3A_1573 = arith.constant 2 : i32
          %get3A_1574 = arith.index_cast %get3A_1573 : i32 to index
          %get3A_1575 = arith.index_cast %add3A_1572 : i32 to index
          %get3A_1576 = arith.constant 64 : index
          %get3A_1577 = tpu.vector_load %arg11[%get3A_1574, %get3A_1575, %get3A_1576] {strides = array<i32>} : memref<4x32x128xf32, #tpu.memory_space<vmem>>, vector<16xf32>,
          %add3A_1578 = arith.addf %add3A_1498, %get3A_1577 : vector<16xf32>
          %mul3A_1579 = arith.constant 4 : i32
          %mul3A_1580 = arith.muli %scan3A_1280, %mul3A_1579 : i32
          %add3A_1581 = arith.constant 3 : i32
          %add3A_1582 = arith.addi %mul3A_1580, %add3A_1581 : i32
          %get3A_1583 = arith.constant 2 : i32
          %get3A_1584 = arith.index_cast %get3A_1583 : i32 to index
          %get3A_1585 = arith.index_cast %add3A_1582 : i32 to index
          %get3A_1586 = arith.constant 80 : index
          %get3A_1587 = tpu.vector_load %arg11[%get3A_1584, %get3A_1585, %get3A_1586] {strides = array<i32>} : memref<4x32x128xf32, #tpu.memory_space<vmem>>, vector<16xf32>,
          %add3A_1588 = arith.addf %add3A_1508, %get3A_1587 : vector<16xf32>
          %mul3A_1589 = arith.constant 4 : i32
          %mul3A_1590 = arith.muli %scan3A_1280, %mul3A_1589 : i32
          %add3A_1591 = arith.constant 3 : i32
          %add3A_1592 = arith.addi %mul3A_1590, %add3A_1591 : i32
          %get3A_1593 = arith.constant 2 : i32
          %get3A_1594 = arith.index_cast %get3A_1593 : i32 to index
          %get3A_1595 = arith.index_cast %add3A_1592 : i32 to index
          %get3A_1596 = arith.constant 96 : index
          %get3A_1597 = tpu.vector_load %arg11[%get3A_1594, %get3A_1595, %get3A_1596] {strides = array<i32>} : memref<4x32x128xf32, #tpu.memory_space<vmem>>, vector<16xf32>,
          %add3A_1598 = arith.addf %add3A_1518, %get3A_1597 : vector<16xf32>
          %mul3A_1599 = arith.constant 4 : i32
          %mul3A_1600 = arith.muli %scan3A_1280, %mul3A_1599 : i32
          %add3A_1601 = arith.constant 3 : i32
          %add3A_1602 = arith.addi %mul3A_1600, %add3A_1601 : i32
          %get3A_1603 = arith.constant 2 : i32
          %get3A_1604 = arith.index_cast %get3A_1603 : i32 to index
          %get3A_1605 = arith.index_cast %add3A_1602 : i32 to index
          %get3A_1606 = arith.constant 112 : index
          %get3A_1607 = tpu.vector_load %arg11[%get3A_1604, %get3A_1605, %get3A_1606] {strides = array<i32>} : memref<4x32x128xf32, #tpu.memory_space<vmem>>, vector<16xf32>,
          %add3A_1608 = arith.addf %add3A_1528, %get3A_1607 : vector<16xf32>
          scf.yield %add3A_1538, %add3A_1548, %add3A_1558, %add3A_1568, %add3A_1578, %add3A_1588, %add3A_1598, %add3A_1608 : vector<16xf32>, vector<16xf32>, vector<16xf32>, vector<16xf32>, vector<16xf32>, vector<16xf32>, vector<16xf32>, vector<16xf32>
        }
        %scan3A_1040 = arith.constant 8 : i32
        %add3A_1041 = arith.constant 4 : i32
        %add3A_1042 = arith.addi %add3A_1007, %add3A_1041 : i32
        %lt3A_1043 = arith.constant 256 : i32
        %lt3A_1044 = arith.cmpi slt, %add3A_1042, %lt3A_1043 : i32
        %convert_element_type3A_1045 = arith.extui %lt3A_1044 : i1 to i32
        %cond3A_1046 = arith.constant 0 : i32
        %cond3A_1047 = arith.cmpi ne, %convert_element_type3A_1045, %cond3A_1046 : i32
        scf.if %cond3A_1047 {
          %mul3A_1280 = arith.constant 32 : i32
          %mul3A_1281 = arith.muli %add3A_1042, %mul3A_1280 : i32
          %dma_start3A_1282 = arith.constant 2 : i32
          %dma_start3A_1283 = arith.constant 0 : i32
          %dma_start3A_1284 = arith.constant 0 : i32
          %dma_start3A_1285 = tpu.memref_slice %arg11[%dma_start3A_1282, %dma_start3A_1283, %dma_start3A_1284] : memref<4x32x128xf32, #tpu.memory_space<vmem>> -> memref<1x32x128xf32, #tpu.memory_space<vmem>>
          %dma_start3A_1286 = tpu.memref_squeeze %dma_start3A_1285 : memref<1x32x128xf32, #tpu.memory_space<vmem>> -> memref<32x128xf32, #tpu.memory_space<vmem>>
          %dma_start3A_1287 = tpu.memref_slice %arg9[%mul3A_1281] : memref<8192xi32, #tpu.memory_space<vmem>> -> memref<32xi32, #tpu.memory_space<vmem>>
          %dma_start3A_1288 = arith.constant 0 : i32
          %dma_start3A_1289 = arith.constant 0 : i32
          %dma_start3A_1290 = tpu.memref_slice %arg15[%dma_start3A_1288, %dma_start3A_1289] : memref<10000x128xf32, #tpu.memory_space<vmem_shared>> -> memref<10000x128xf32, #tpu.memory_space<vmem_shared>>
          tpu.enqueue_indirect_dma source(%dma_start3A_1290 : memref<10000x128xf32, #tpu.memory_space<vmem_shared>>) target(%dma_start3A_1286 : memref<32x128xf32, #tpu.memory_space<vmem>>) offsets(%dma_start3A_1287 : memref<32xi32, #tpu.memory_space<vmem>>) semaphore(%arg21 : memref<!tpu.dma_semaphore, #tpu.memory_space<semaphore_mem>>)
        } else {
        }
        %get3A_1048 = arith.constant 0 : i32
        %get3A_1049 = arith.index_cast %get3A_1048 : i32 to index
        %get3A_1050 = arith.index_cast %add3A_1004 : i32 to index
        %get3A_1051 = arith.constant 0 : index
        %get3A_1052 = tpu.vector_load %arg10[%get3A_1049, %get3A_1050, %get3A_1051] {strides = array<i32>} : memref<2x32x128xf32, #tpu.memory_space<vmem>>, vector<16xf32>,
        %add3A_1053 = arith.addf %scan3A_1039#0, %get3A_1052 : vector<16xf32>
        %max3A_1054 = arith.constant 0.000000e+00 : f32
        %max3A_1055 = vector.broadcast %max3A_1054 : f32 to vector<16xf32>
        %max3A_1056 = arith.maximumf %add3A_1053, %max3A_1055 : vector<16xf32>
        %mul3A_1057 = arith.mulf %max3A_1056, %get3A_77 : vector<16xf32>
        %get3A_1058 = arith.constant 0 : i32
        %get3A_1059 = arith.index_cast %get3A_1058 : i32 to index
        %get3A_1060 = arith.index_cast %add3A_1004 : i32 to index
        %get3A_1061 = arith.constant 16 : index
        %get3A_1062 = tpu.vector_load %arg10[%get3A_1059, %get3A_1060, %get3A_1061] {strides = array<i32>} : memref<2x32x128xf32, #tpu.memory_space<vmem>>, vector<16xf32>,
        %add3A_1063 = arith.addf %scan3A_1039#1, %get3A_1062 : vector<16xf32>
        %max3A_1064 = arith.constant 0.000000e+00 : f32
        %max3A_1065 = vector.broadcast %max3A_1064 : f32 to vector<16xf32>
        %max3A_1066 = arith.maximumf %add3A_1063, %max3A_1065 : vector<16xf32>
        %mul3A_1067 = arith.mulf %max3A_1066, %get3A_79 : vector<16xf32>
        %add3A_1068 = arith.addf %mul3A_1057, %mul3A_1067 : vector<16xf32>
        %get3A_1069 = arith.constant 0 : i32
        %get3A_1070 = arith.index_cast %get3A_1069 : i32 to index
        %get3A_1071 = arith.index_cast %add3A_1004 : i32 to index
        %get3A_1072 = arith.constant 32 : index
        %get3A_1073 = tpu.vector_load %arg10[%get3A_1070, %get3A_1071, %get3A_1072] {strides = array<i32>} : memref<2x32x128xf32, #tpu.memory_space<vmem>>, vector<16xf32>,
        %add3A_1074 = arith.addf %scan3A_1039#2, %get3A_1073 : vector<16xf32>
        %max3A_1075 = arith.constant 0.000000e+00 : f32
        %max3A_1076 = vector.broadcast %max3A_1075 : f32 to vector<16xf32>
        %max3A_1077 = arith.maximumf %add3A_1074, %max3A_1076 : vector<16xf32>
        %mul3A_1078 = arith.mulf %max3A_1077, %get3A_81 : vector<16xf32>
        %add3A_1079 = arith.addf %add3A_1068, %mul3A_1078 : vector<16xf32>
        %get3A_1080 = arith.constant 0 : i32
        %get3A_1081 = arith.index_cast %get3A_1080 : i32 to index
        %get3A_1082 = arith.index_cast %add3A_1004 : i32 to index
        %get3A_1083 = arith.constant 48 : index
        %get3A_1084 = tpu.vector_load %arg10[%get3A_1081, %get3A_1082, %get3A_1083] {strides = array<i32>} : memref<2x32x128xf32, #tpu.memory_space<vmem>>, vector<16xf32>,
        %add3A_1085 = arith.addf %scan3A_1039#3, %get3A_1084 : vector<16xf32>
        %max3A_1086 = arith.constant 0.000000e+00 : f32
        %max3A_1087 = vector.broadcast %max3A_1086 : f32 to vector<16xf32>
        %max3A_1088 = arith.maximumf %add3A_1085, %max3A_1087 : vector<16xf32>
        %mul3A_1089 = arith.mulf %max3A_1088, %get3A_83 : vector<16xf32>
        %add3A_1090 = arith.addf %add3A_1079, %mul3A_1089 : vector<16xf32>
        %get3A_1091 = arith.constant 0 : i32
        %get3A_1092 = arith.index_cast %get3A_1091 : i32 to index
        %get3A_1093 = arith.index_cast %add3A_1004 : i32 to index
        %get3A_1094 = arith.constant 64 : index
        %get3A_1095 = tpu.vector_load %arg10[%get3A_1092, %get3A_1093, %get3A_1094] {strides = array<i32>} : memref<2x32x128xf32, #tpu.memory_space<vmem>>, vector<16xf32>,
        %add3A_1096 = arith.addf %scan3A_1039#4, %get3A_1095 : vector<16xf32>
        %max3A_1097 = arith.constant 0.000000e+00 : f32
        %max3A_1098 = vector.broadcast %max3A_1097 : f32 to vector<16xf32>
        %max3A_1099 = arith.maximumf %add3A_1096, %max3A_1098 : vector<16xf32>
        %mul3A_1100 = arith.mulf %max3A_1099, %get3A_85 : vector<16xf32>
        %add3A_1101 = arith.addf %add3A_1090, %mul3A_1100 : vector<16xf32>
        %get3A_1102 = arith.constant 0 : i32
        %get3A_1103 = arith.index_cast %get3A_1102 : i32 to index
        %get3A_1104 = arith.index_cast %add3A_1004 : i32 to index
        %get3A_1105 = arith.constant 80 : index
        %get3A_1106 = tpu.vector_load %arg10[%get3A_1103, %get3A_1104, %get3A_1105] {strides = array<i32>} : memref<2x32x128xf32, #tpu.memory_space<vmem>>, vector<16xf32>,
        %add3A_1107 = arith.addf %scan3A_1039#5, %get3A_1106 : vector<16xf32>
        %max3A_1108 = arith.constant 0.000000e+00 : f32
        %max3A_1109 = vector.broadcast %max3A_1108 : f32 to vector<16xf32>
        %max3A_1110 = arith.maximumf %add3A_1107, %max3A_1109 : vector<16xf32>
        %mul3A_1111 = arith.mulf %max3A_1110, %get3A_87 : vector<16xf32>
        %add3A_1112 = arith.addf %add3A_1101, %mul3A_1111 : vector<16xf32>
        %get3A_1113 = arith.constant 0 : i32
        %get3A_1114 = arith.index_cast %get3A_1113 : i32 to index
        %get3A_1115 = arith.index_cast %add3A_1004 : i32 to index
        %get3A_1116 = arith.constant 96 : index
        %get3A_1117 = tpu.vector_load %arg10[%get3A_1114, %get3A_1115, %get3A_1116] {strides = array<i32>} : memref<2x32x128xf32, #tpu.memory_space<vmem>>, vector<16xf32>,
        %add3A_1118 = arith.addf %scan3A_1039#6, %get3A_1117 : vector<16xf32>
        %max3A_1119 = arith.constant 0.000000e+00 : f32
        %max3A_1120 = vector.broadcast %max3A_1119 : f32 to vector<16xf32>
        %max3A_1121 = arith.maximumf %add3A_1118, %max3A_1120 : vector<16xf32>
        %mul3A_1122 = arith.mulf %max3A_1121, %get3A_89 : vector<16xf32>
        %add3A_1123 = arith.addf %add3A_1112, %mul3A_1122 : vector<16xf32>
        %get3A_1124 = arith.constant 0 : i32
        %get3A_1125 = arith.index_cast %get3A_1124 : i32 to index
        %get3A_1126 = arith.index_cast %add3A_1004 : i32 to index
        %get3A_1127 = arith.constant 112 : index
        %get3A_1128 = tpu.vector_load %arg10[%get3A_1125, %get3A_1126, %get3A_1127] {strides = array<i32>} : memref<2x32x128xf32, #tpu.memory_space<vmem>>, vector<16xf32>,
        %add3A_1129 = arith.addf %scan3A_1039#7, %get3A_1128 : vector<16xf32>
        %max3A_1130 = arith.constant 0.000000e+00 : f32
        %max3A_1131 = vector.broadcast %max3A_1130 : f32 to vector<16xf32>
        %max3A_1132 = arith.maximumf %add3A_1129, %max3A_1131 : vector<16xf32>
        %mul3A_1133 = arith.mulf %max3A_1132, %get3A_91 : vector<16xf32>
        %add3A_1134 = arith.addf %add3A_1123, %mul3A_1133 : vector<16xf32>
        %mul3A_1135 = arith.constant 4 : i32
        %mul3A_1136 = arith.muli %scan3A_722, %mul3A_1135 : i32
        %add3A_1137 = arith.constant 3 : i32
        %add3A_1138 = arith.addi %mul3A_1136, %add3A_1137 : i32
        %mul3A_1139 = arith.constant 32 : i32
        %mul3A_1140 = arith.muli %add3A_672, %mul3A_1139 : i32
        %add3A_1141 = arith.addi %mul3A_1140, %add3A_1138 : i32
        %mul3A_1142 = arith.constant 32 : i32
        %mul3A_1143 = arith.muli %add3A_1141, %mul3A_1142 : i32
        %dma_wait3A_1144 = arith.constant 3 : i32
        %dma_wait3A_1145 = arith.constant 0 : i32
        %dma_wait3A_1146 = arith.constant 0 : i32
        %dma_wait3A_1147 = tpu.memref_slice %arg11[%dma_wait3A_1144, %dma_wait3A_1145, %dma_wait3A_1146] : memref<4x32x128xf32, #tpu.memory_space<vmem>> -> memref<1x32x128xf32, #tpu.memory_space<vmem>>
        %dma_wait3A_1148 = tpu.memref_squeeze %dma_wait3A_1147 : memref<1x32x128xf32, #tpu.memory_space<vmem>> -> memref<32x128xf32, #tpu.memory_space<vmem>>
        %dma_wait3A_1149 = tpu.memref_slice %arg9[%mul3A_1143] : memref<8192xi32, #tpu.memory_space<vmem>> -> memref<32xi32, #tpu.memory_space<vmem>>
        %dma_wait3A_1150 = arith.constant 0 : i32
        %dma_wait3A_1151 = arith.constant 0 : i32
        %dma_wait3A_1152 = tpu.memref_slice %arg15[%dma_wait3A_1150, %dma_wait3A_1151] : memref<10000x128xf32, #tpu.memory_space<vmem_shared>> -> memref<10000x128xf32, #tpu.memory_space<vmem_shared>>
        tpu.wait_indirect_dma semaphore(%arg22 : memref<!tpu.dma_semaphore, #tpu.memory_space<semaphore_mem>>) src(%dma_wait3A_1152 : memref<10000x128xf32, #tpu.memory_space<vmem_shared>>) dst(%dma_wait3A_1148 : memref<32x128xf32, #tpu.memory_space<vmem>>)
        %broadcast_in_dim3A_1153 = arith.constant 0.000000e+00 : f32
        %broadcast_in_dim3A_1154 = vector.broadcast %broadcast_in_dim3A_1153 : f32 to vector<16xf32>
        %broadcast_in_dim3A_1155 = arith.constant 0.000000e+00 : f32
        %broadcast_in_dim3A_1156 = vector.broadcast %broadcast_in_dim3A_1155 : f32 to vector<16xf32>
        %broadcast_in_dim3A_1157 = arith.constant 0.000000e+00 : f32
        %broadcast_in_dim3A_1158 = vector.broadcast %broadcast_in_dim3A_1157 : f32 to vector<16xf32>
        %broadcast_in_dim3A_1159 = arith.constant 0.000000e+00 : f32
        %broadcast_in_dim3A_1160 = vector.broadcast %broadcast_in_dim3A_1159 : f32 to vector<16xf32>
        %broadcast_in_dim3A_1161 = arith.constant 0.000000e+00 : f32
        %broadcast_in_dim3A_1162 = vector.broadcast %broadcast_in_dim3A_1161 : f32 to vector<16xf32>
        %broadcast_in_dim3A_1163 = arith.constant 0.000000e+00 : f32
        %broadcast_in_dim3A_1164 = vector.broadcast %broadcast_in_dim3A_1163 : f32 to vector<16xf32>
        %broadcast_in_dim3A_1165 = arith.constant 0.000000e+00 : f32
        %broadcast_in_dim3A_1166 = vector.broadcast %broadcast_in_dim3A_1165 : f32 to vector<16xf32>
        %broadcast_in_dim3A_1167 = arith.constant 0.000000e+00 : f32
        %broadcast_in_dim3A_1168 = vector.broadcast %broadcast_in_dim3A_1167 : f32 to vector<16xf32>
        %scan3A_1169 = arith.constant 0 : i32
        %scan3A_1170 = arith.constant 8 : i32
        %scan3A_1171 = arith.addi %scan3A_1169, %scan3A_1170 : i32
        %scan3A_1172 = arith.constant 1 : i32
        %scan3A_1173:8 = scf.for %scan3A_1280 = %scan3A_1169 to %scan3A_1171 step %scan3A_1172 iter_args(%scan3A_1281 = %broadcast_in_dim3A_1154, %scan3A_1282 = %broadcast_in_dim3A_1156, %scan3A_1283 = %broadcast_in_dim3A_1158, %scan3A_1284 = %broadcast_in_dim3A_1160, %scan3A_1285 = %broadcast_in_dim3A_1162, %scan3A_1286 = %broadcast_in_dim3A_1164, %scan3A_1287 = %broadcast_in_dim3A_1166, %scan3A_1288 = %broadcast_in_dim3A_1168) -> (vector<16xf32>, vector<16xf32>, vector<16xf32>, vector<16xf32>, vector<16xf32>, vector<16xf32>, vector<16xf32>, vector<16xf32>)  : i32 {
          %mul3A_1289 = arith.constant 4 : i32
          %mul3A_1290 = arith.muli %scan3A_1280, %mul3A_1289 : i32
          %add3A_1291 = arith.constant 0 : i32
          %add3A_1292 = arith.addi %mul3A_1290, %add3A_1291 : i32
          %get3A_1293 = arith.constant 3 : i32
          %get3A_1294 = arith.index_cast %get3A_1293 : i32 to index
          %get3A_1295 = arith.index_cast %add3A_1292 : i32 to index
          %get3A_1296 = arith.constant 0 : index
          %get3A_1297 = tpu.vector_load %arg11[%get3A_1294, %get3A_1295, %get3A_1296] {strides = array<i32>} : memref<4x32x128xf32, #tpu.memory_space<vmem>>, vector<16xf32>,
          %add3A_1298 = arith.addf %scan3A_1281, %get3A_1297 : vector<16xf32>
          %mul3A_1299 = arith.constant 4 : i32
          %mul3A_1300 = arith.muli %scan3A_1280, %mul3A_1299 : i32
          %add3A_1301 = arith.constant 0 : i32
          %add3A_1302 = arith.addi %mul3A_1300, %add3A_1301 : i32
          %get3A_1303 = arith.constant 3 : i32
          %get3A_1304 = arith.index_cast %get3A_1303 : i32 to index
          %get3A_1305 = arith.index_cast %add3A_1302 : i32 to index
          %get3A_1306 = arith.constant 16 : index
          %get3A_1307 = tpu.vector_load %arg11[%get3A_1304, %get3A_1305, %get3A_1306] {strides = array<i32>} : memref<4x32x128xf32, #tpu.memory_space<vmem>>, vector<16xf32>,
          %add3A_1308 = arith.addf %scan3A_1282, %get3A_1307 : vector<16xf32>
          %mul3A_1309 = arith.constant 4 : i32
          %mul3A_1310 = arith.muli %scan3A_1280, %mul3A_1309 : i32
          %add3A_1311 = arith.constant 0 : i32
          %add3A_1312 = arith.addi %mul3A_1310, %add3A_1311 : i32
          %get3A_1313 = arith.constant 3 : i32
          %get3A_1314 = arith.index_cast %get3A_1313 : i32 to index
          %get3A_1315 = arith.index_cast %add3A_1312 : i32 to index
          %get3A_1316 = arith.constant 32 : index
          %get3A_1317 = tpu.vector_load %arg11[%get3A_1314, %get3A_1315, %get3A_1316] {strides = array<i32>} : memref<4x32x128xf32, #tpu.memory_space<vmem>>, vector<16xf32>,
          %add3A_1318 = arith.addf %scan3A_1283, %get3A_1317 : vector<16xf32>
          %mul3A_1319 = arith.constant 4 : i32
          %mul3A_1320 = arith.muli %scan3A_1280, %mul3A_1319 : i32
          %add3A_1321 = arith.constant 0 : i32
          %add3A_1322 = arith.addi %mul3A_1320, %add3A_1321 : i32
          %get3A_1323 = arith.constant 3 : i32
          %get3A_1324 = arith.index_cast %get3A_1323 : i32 to index
          %get3A_1325 = arith.index_cast %add3A_1322 : i32 to index
          %get3A_1326 = arith.constant 48 : index
          %get3A_1327 = tpu.vector_load %arg11[%get3A_1324, %get3A_1325, %get3A_1326] {strides = array<i32>} : memref<4x32x128xf32, #tpu.memory_space<vmem>>, vector<16xf32>,
          %add3A_1328 = arith.addf %scan3A_1284, %get3A_1327 : vector<16xf32>
          %mul3A_1329 = arith.constant 4 : i32
          %mul3A_1330 = arith.muli %scan3A_1280, %mul3A_1329 : i32
          %add3A_1331 = arith.constant 0 : i32
          %add3A_1332 = arith.addi %mul3A_1330, %add3A_1331 : i32
          %get3A_1333 = arith.constant 3 : i32
          %get3A_1334 = arith.index_cast %get3A_1333 : i32 to index
          %get3A_1335 = arith.index_cast %add3A_1332 : i32 to index
          %get3A_1336 = arith.constant 64 : index
          %get3A_1337 = tpu.vector_load %arg11[%get3A_1334, %get3A_1335, %get3A_1336] {strides = array<i32>} : memref<4x32x128xf32, #tpu.memory_space<vmem>>, vector<16xf32>,
          %add3A_1338 = arith.addf %scan3A_1285, %get3A_1337 : vector<16xf32>
          %mul3A_1339 = arith.constant 4 : i32
          %mul3A_1340 = arith.muli %scan3A_1280, %mul3A_1339 : i32
          %add3A_1341 = arith.constant 0 : i32
          %add3A_1342 = arith.addi %mul3A_1340, %add3A_1341 : i32
          %get3A_1343 = arith.constant 3 : i32
          %get3A_1344 = arith.index_cast %get3A_1343 : i32 to index
          %get3A_1345 = arith.index_cast %add3A_1342 : i32 to index
          %get3A_1346 = arith.constant 80 : index
          %get3A_1347 = tpu.vector_load %arg11[%get3A_1344, %get3A_1345, %get3A_1346] {strides = array<i32>} : memref<4x32x128xf32, #tpu.memory_space<vmem>>, vector<16xf32>,
          %add3A_1348 = arith.addf %scan3A_1286, %get3A_1347 : vector<16xf32>
          %mul3A_1349 = arith.constant 4 : i32
          %mul3A_1350 = arith.muli %scan3A_1280, %mul3A_1349 : i32
          %add3A_1351 = arith.constant 0 : i32
          %add3A_1352 = arith.addi %mul3A_1350, %add3A_1351 : i32
          %get3A_1353 = arith.constant 3 : i32
          %get3A_1354 = arith.index_cast %get3A_1353 : i32 to index
          %get3A_1355 = arith.index_cast %add3A_1352 : i32 to index
          %get3A_1356 = arith.constant 96 : index
          %get3A_1357 = tpu.vector_load %arg11[%get3A_1354, %get3A_1355, %get3A_1356] {strides = array<i32>} : memref<4x32x128xf32, #tpu.memory_space<vmem>>, vector<16xf32>,
          %add3A_1358 = arith.addf %scan3A_1287, %get3A_1357 : vector<16xf32>
          %mul3A_1359 = arith.constant 4 : i32
          %mul3A_1360 = arith.muli %scan3A_1280, %mul3A_1359 : i32
          %add3A_1361 = arith.constant 0 : i32
          %add3A_1362 = arith.addi %mul3A_1360, %add3A_1361 : i32
          %get3A_1363 = arith.constant 3 : i32
          %get3A_1364 = arith.index_cast %get3A_1363 : i32 to index
          %get3A_1365 = arith.index_cast %add3A_1362 : i32 to index
          %get3A_1366 = arith.constant 112 : index
          %get3A_1367 = tpu.vector_load %arg11[%get3A_1364, %get3A_1365, %get3A_1366] {strides = array<i32>} : memref<4x32x128xf32, #tpu.memory_space<vmem>>, vector<16xf32>,
          %add3A_1368 = arith.addf %scan3A_1288, %get3A_1367 : vector<16xf32>
          %mul3A_1369 = arith.constant 4 : i32
          %mul3A_1370 = arith.muli %scan3A_1280, %mul3A_1369 : i32
          %add3A_1371 = arith.constant 1 : i32
          %add3A_1372 = arith.addi %mul3A_1370, %add3A_1371 : i32
          %get3A_1373 = arith.constant 3 : i32
          %get3A_1374 = arith.index_cast %get3A_1373 : i32 to index
          %get3A_1375 = arith.index_cast %add3A_1372 : i32 to index
          %get3A_1376 = arith.constant 0 : index
          %get3A_1377 = tpu.vector_load %arg11[%get3A_1374, %get3A_1375, %get3A_1376] {strides = array<i32>} : memref<4x32x128xf32, #tpu.memory_space<vmem>>, vector<16xf32>,
          %add3A_1378 = arith.addf %add3A_1298, %get3A_1377 : vector<16xf32>
          %mul3A_1379 = arith.constant 4 : i32
          %mul3A_1380 = arith.muli %scan3A_1280, %mul3A_1379 : i32
          %add3A_1381 = arith.constant 1 : i32
          %add3A_1382 = arith.addi %mul3A_1380, %add3A_1381 : i32
          %get3A_1383 = arith.constant 3 : i32
          %get3A_1384 = arith.index_cast %get3A_1383 : i32 to index
          %get3A_1385 = arith.index_cast %add3A_1382 : i32 to index
          %get3A_1386 = arith.constant 16 : index
          %get3A_1387 = tpu.vector_load %arg11[%get3A_1384, %get3A_1385, %get3A_1386] {strides = array<i32>} : memref<4x32x128xf32, #tpu.memory_space<vmem>>, vector<16xf32>,
          %add3A_1388 = arith.addf %add3A_1308, %get3A_1387 : vector<16xf32>
          %mul3A_1389 = arith.constant 4 : i32
          %mul3A_1390 = arith.muli %scan3A_1280, %mul3A_1389 : i32
          %add3A_1391 = arith.constant 1 : i32
          %add3A_1392 = arith.addi %mul3A_1390, %add3A_1391 : i32
          %get3A_1393 = arith.constant 3 : i32
          %get3A_1394 = arith.index_cast %get3A_1393 : i32 to index
          %get3A_1395 = arith.index_cast %add3A_1392 : i32 to index
          %get3A_1396 = arith.constant 32 : index
          %get3A_1397 = tpu.vector_load %arg11[%get3A_1394, %get3A_1395, %get3A_1396] {strides = array<i32>} : memref<4x32x128xf32, #tpu.memory_space<vmem>>, vector<16xf32>,
          %add3A_1398 = arith.addf %add3A_1318, %get3A_1397 : vector<16xf32>
          %mul3A_1399 = arith.constant 4 : i32
          %mul3A_1400 = arith.muli %scan3A_1280, %mul3A_1399 : i32
          %add3A_1401 = arith.constant 1 : i32
          %add3A_1402 = arith.addi %mul3A_1400, %add3A_1401 : i32
          %get3A_1403 = arith.constant 3 : i32
          %get3A_1404 = arith.index_cast %get3A_1403 : i32 to index
          %get3A_1405 = arith.index_cast %add3A_1402 : i32 to index
          %get3A_1406 = arith.constant 48 : index
          %get3A_1407 = tpu.vector_load %arg11[%get3A_1404, %get3A_1405, %get3A_1406] {strides = array<i32>} : memref<4x32x128xf32, #tpu.memory_space<vmem>>, vector<16xf32>,
          %add3A_1408 = arith.addf %add3A_1328, %get3A_1407 : vector<16xf32>
          %mul3A_1409 = arith.constant 4 : i32
          %mul3A_1410 = arith.muli %scan3A_1280, %mul3A_1409 : i32
          %add3A_1411 = arith.constant 1 : i32
          %add3A_1412 = arith.addi %mul3A_1410, %add3A_1411 : i32
          %get3A_1413 = arith.constant 3 : i32
          %get3A_1414 = arith.index_cast %get3A_1413 : i32 to index
          %get3A_1415 = arith.index_cast %add3A_1412 : i32 to index
          %get3A_1416 = arith.constant 64 : index
          %get3A_1417 = tpu.vector_load %arg11[%get3A_1414, %get3A_1415, %get3A_1416] {strides = array<i32>} : memref<4x32x128xf32, #tpu.memory_space<vmem>>, vector<16xf32>,
          %add3A_1418 = arith.addf %add3A_1338, %get3A_1417 : vector<16xf32>
          %mul3A_1419 = arith.constant 4 : i32
          %mul3A_1420 = arith.muli %scan3A_1280, %mul3A_1419 : i32
          %add3A_1421 = arith.constant 1 : i32
          %add3A_1422 = arith.addi %mul3A_1420, %add3A_1421 : i32
          %get3A_1423 = arith.constant 3 : i32
          %get3A_1424 = arith.index_cast %get3A_1423 : i32 to index
          %get3A_1425 = arith.index_cast %add3A_1422 : i32 to index
          %get3A_1426 = arith.constant 80 : index
          %get3A_1427 = tpu.vector_load %arg11[%get3A_1424, %get3A_1425, %get3A_1426] {strides = array<i32>} : memref<4x32x128xf32, #tpu.memory_space<vmem>>, vector<16xf32>,
          %add3A_1428 = arith.addf %add3A_1348, %get3A_1427 : vector<16xf32>
          %mul3A_1429 = arith.constant 4 : i32
          %mul3A_1430 = arith.muli %scan3A_1280, %mul3A_1429 : i32
          %add3A_1431 = arith.constant 1 : i32
          %add3A_1432 = arith.addi %mul3A_1430, %add3A_1431 : i32
          %get3A_1433 = arith.constant 3 : i32
          %get3A_1434 = arith.index_cast %get3A_1433 : i32 to index
          %get3A_1435 = arith.index_cast %add3A_1432 : i32 to index
          %get3A_1436 = arith.constant 96 : index
          %get3A_1437 = tpu.vector_load %arg11[%get3A_1434, %get3A_1435, %get3A_1436] {strides = array<i32>} : memref<4x32x128xf32, #tpu.memory_space<vmem>>, vector<16xf32>,
          %add3A_1438 = arith.addf %add3A_1358, %get3A_1437 : vector<16xf32>
          %mul3A_1439 = arith.constant 4 : i32
          %mul3A_1440 = arith.muli %scan3A_1280, %mul3A_1439 : i32
          %add3A_1441 = arith.constant 1 : i32
          %add3A_1442 = arith.addi %mul3A_1440, %add3A_1441 : i32
          %get3A_1443 = arith.constant 3 : i32
          %get3A_1444 = arith.index_cast %get3A_1443 : i32 to index
          %get3A_1445 = arith.index_cast %add3A_1442 : i32 to index
          %get3A_1446 = arith.constant 112 : index
          %get3A_1447 = tpu.vector_load %arg11[%get3A_1444, %get3A_1445, %get3A_1446] {strides = array<i32>} : memref<4x32x128xf32, #tpu.memory_space<vmem>>, vector<16xf32>,
          %add3A_1448 = arith.addf %add3A_1368, %get3A_1447 : vector<16xf32>
          %mul3A_1449 = arith.constant 4 : i32
          %mul3A_1450 = arith.muli %scan3A_1280, %mul3A_1449 : i32
          %add3A_1451 = arith.constant 2 : i32
          %add3A_1452 = arith.addi %mul3A_1450, %add3A_1451 : i32
          %get3A_1453 = arith.constant 3 : i32
          %get3A_1454 = arith.index_cast %get3A_1453 : i32 to index
          %get3A_1455 = arith.index_cast %add3A_1452 : i32 to index
          %get3A_1456 = arith.constant 0 : index
          %get3A_1457 = tpu.vector_load %arg11[%get3A_1454, %get3A_1455, %get3A_1456] {strides = array<i32>} : memref<4x32x128xf32, #tpu.memory_space<vmem>>, vector<16xf32>,
          %add3A_1458 = arith.addf %add3A_1378, %get3A_1457 : vector<16xf32>
          %mul3A_1459 = arith.constant 4 : i32
          %mul3A_1460 = arith.muli %scan3A_1280, %mul3A_1459 : i32
          %add3A_1461 = arith.constant 2 : i32
          %add3A_1462 = arith.addi %mul3A_1460, %add3A_1461 : i32
          %get3A_1463 = arith.constant 3 : i32
          %get3A_1464 = arith.index_cast %get3A_1463 : i32 to index
          %get3A_1465 = arith.index_cast %add3A_1462 : i32 to index
          %get3A_1466 = arith.constant 16 : index
          %get3A_1467 = tpu.vector_load %arg11[%get3A_1464, %get3A_1465, %get3A_1466] {strides = array<i32>} : memref<4x32x128xf32, #tpu.memory_space<vmem>>, vector<16xf32>,
          %add3A_1468 = arith.addf %add3A_1388, %get3A_1467 : vector<16xf32>
          %mul3A_1469 = arith.constant 4 : i32
          %mul3A_1470 = arith.muli %scan3A_1280, %mul3A_1469 : i32
          %add3A_1471 = arith.constant 2 : i32
          %add3A_1472 = arith.addi %mul3A_1470, %add3A_1471 : i32
          %get3A_1473 = arith.constant 3 : i32
          %get3A_1474 = arith.index_cast %get3A_1473 : i32 to index
          %get3A_1475 = arith.index_cast %add3A_1472 : i32 to index
          %get3A_1476 = arith.constant 32 : index
          %get3A_1477 = tpu.vector_load %arg11[%get3A_1474, %get3A_1475, %get3A_1476] {strides = array<i32>} : memref<4x32x128xf32, #tpu.memory_space<vmem>>, vector<16xf32>,
          %add3A_1478 = arith.addf %add3A_1398, %get3A_1477 : vector<16xf32>
          %mul3A_1479 = arith.constant 4 : i32
          %mul3A_1480 = arith.muli %scan3A_1280, %mul3A_1479 : i32
          %add3A_1481 = arith.constant 2 : i32
          %add3A_1482 = arith.addi %mul3A_1480, %add3A_1481 : i32
          %get3A_1483 = arith.constant 3 : i32
          %get3A_1484 = arith.index_cast %get3A_1483 : i32 to index
          %get3A_1485 = arith.index_cast %add3A_1482 : i32 to index
          %get3A_1486 = arith.constant 48 : index
          %get3A_1487 = tpu.vector_load %arg11[%get3A_1484, %get3A_1485, %get3A_1486] {strides = array<i32>} : memref<4x32x128xf32, #tpu.memory_space<vmem>>, vector<16xf32>,
          %add3A_1488 = arith.addf %add3A_1408, %get3A_1487 : vector<16xf32>
          %mul3A_1489 = arith.constant 4 : i32
          %mul3A_1490 = arith.muli %scan3A_1280, %mul3A_1489 : i32
          %add3A_1491 = arith.constant 2 : i32
          %add3A_1492 = arith.addi %mul3A_1490, %add3A_1491 : i32
          %get3A_1493 = arith.constant 3 : i32
          %get3A_1494 = arith.index_cast %get3A_1493 : i32 to index
          %get3A_1495 = arith.index_cast %add3A_1492 : i32 to index
          %get3A_1496 = arith.constant 64 : index
          %get3A_1497 = tpu.vector_load %arg11[%get3A_1494, %get3A_1495, %get3A_1496] {strides = array<i32>} : memref<4x32x128xf32, #tpu.memory_space<vmem>>, vector<16xf32>,
          %add3A_1498 = arith.addf %add3A_1418, %get3A_1497 : vector<16xf32>
          %mul3A_1499 = arith.constant 4 : i32
          %mul3A_1500 = arith.muli %scan3A_1280, %mul3A_1499 : i32
          %add3A_1501 = arith.constant 2 : i32
          %add3A_1502 = arith.addi %mul3A_1500, %add3A_1501 : i32
          %get3A_1503 = arith.constant 3 : i32
          %get3A_1504 = arith.index_cast %get3A_1503 : i32 to index
          %get3A_1505 = arith.index_cast %add3A_1502 : i32 to index
          %get3A_1506 = arith.constant 80 : index
          %get3A_1507 = tpu.vector_load %arg11[%get3A_1504, %get3A_1505, %get3A_1506] {strides = array<i32>} : memref<4x32x128xf32, #tpu.memory_space<vmem>>, vector<16xf32>,
          %add3A_1508 = arith.addf %add3A_1428, %get3A_1507 : vector<16xf32>
          %mul3A_1509 = arith.constant 4 : i32
          %mul3A_1510 = arith.muli %scan3A_1280, %mul3A_1509 : i32
          %add3A_1511 = arith.constant 2 : i32
          %add3A_1512 = arith.addi %mul3A_1510, %add3A_1511 : i32
          %get3A_1513 = arith.constant 3 : i32
          %get3A_1514 = arith.index_cast %get3A_1513 : i32 to index
          %get3A_1515 = arith.index_cast %add3A_1512 : i32 to index
          %get3A_1516 = arith.constant 96 : index
          %get3A_1517 = tpu.vector_load %arg11[%get3A_1514, %get3A_1515, %get3A_1516] {strides = array<i32>} : memref<4x32x128xf32, #tpu.memory_space<vmem>>, vector<16xf32>,
          %add3A_1518 = arith.addf %add3A_1438, %get3A_1517 : vector<16xf32>
          %mul3A_1519 = arith.constant 4 : i32
          %mul3A_1520 = arith.muli %scan3A_1280, %mul3A_1519 : i32
          %add3A_1521 = arith.constant 2 : i32
          %add3A_1522 = arith.addi %mul3A_1520, %add3A_1521 : i32
          %get3A_1523 = arith.constant 3 : i32
          %get3A_1524 = arith.index_cast %get3A_1523 : i32 to index
          %get3A_1525 = arith.index_cast %add3A_1522 : i32 to index
          %get3A_1526 = arith.constant 112 : index
          %get3A_1527 = tpu.vector_load %arg11[%get3A_1524, %get3A_1525, %get3A_1526] {strides = array<i32>} : memref<4x32x128xf32, #tpu.memory_space<vmem>>, vector<16xf32>,
          %add3A_1528 = arith.addf %add3A_1448, %get3A_1527 : vector<16xf32>
          %mul3A_1529 = arith.constant 4 : i32
          %mul3A_1530 = arith.muli %scan3A_1280, %mul3A_1529 : i32
          %add3A_1531 = arith.constant 3 : i32
          %add3A_1532 = arith.addi %mul3A_1530, %add3A_1531 : i32
          %get3A_1533 = arith.constant 3 : i32
          %get3A_1534 = arith.index_cast %get3A_1533 : i32 to index
          %get3A_1535 = arith.index_cast %add3A_1532 : i32 to index
          %get3A_1536 = arith.constant 0 : index
          %get3A_1537 = tpu.vector_load %arg11[%get3A_1534, %get3A_1535, %get3A_1536] {strides = array<i32>} : memref<4x32x128xf32, #tpu.memory_space<vmem>>, vector<16xf32>,
          %add3A_1538 = arith.addf %add3A_1458, %get3A_1537 : vector<16xf32>
          %mul3A_1539 = arith.constant 4 : i32
          %mul3A_1540 = arith.muli %scan3A_1280, %mul3A_1539 : i32
          %add3A_1541 = arith.constant 3 : i32
          %add3A_1542 = arith.addi %mul3A_1540, %add3A_1541 : i32
          %get3A_1543 = arith.constant 3 : i32
          %get3A_1544 = arith.index_cast %get3A_1543 : i32 to index
          %get3A_1545 = arith.index_cast %add3A_1542 : i32 to index
          %get3A_1546 = arith.constant 16 : index
          %get3A_1547 = tpu.vector_load %arg11[%get3A_1544, %get3A_1545, %get3A_1546] {strides = array<i32>} : memref<4x32x128xf32, #tpu.memory_space<vmem>>, vector<16xf32>,
          %add3A_1548 = arith.addf %add3A_1468, %get3A_1547 : vector<16xf32>
          %mul3A_1549 = arith.constant 4 : i32
          %mul3A_1550 = arith.muli %scan3A_1280, %mul3A_1549 : i32
          %add3A_1551 = arith.constant 3 : i32
          %add3A_1552 = arith.addi %mul3A_1550, %add3A_1551 : i32
          %get3A_1553 = arith.constant 3 : i32
          %get3A_1554 = arith.index_cast %get3A_1553 : i32 to index
          %get3A_1555 = arith.index_cast %add3A_1552 : i32 to index
          %get3A_1556 = arith.constant 32 : index
          %get3A_1557 = tpu.vector_load %arg11[%get3A_1554, %get3A_1555, %get3A_1556] {strides = array<i32>} : memref<4x32x128xf32, #tpu.memory_space<vmem>>, vector<16xf32>,
          %add3A_1558 = arith.addf %add3A_1478, %get3A_1557 : vector<16xf32>
          %mul3A_1559 = arith.constant 4 : i32
          %mul3A_1560 = arith.muli %scan3A_1280, %mul3A_1559 : i32
          %add3A_1561 = arith.constant 3 : i32
          %add3A_1562 = arith.addi %mul3A_1560, %add3A_1561 : i32
          %get3A_1563 = arith.constant 3 : i32
          %get3A_1564 = arith.index_cast %get3A_1563 : i32 to index
          %get3A_1565 = arith.index_cast %add3A_1562 : i32 to index
          %get3A_1566 = arith.constant 48 : index
          %get3A_1567 = tpu.vector_load %arg11[%get3A_1564, %get3A_1565, %get3A_1566] {strides = array<i32>} : memref<4x32x128xf32, #tpu.memory_space<vmem>>, vector<16xf32>,
          %add3A_1568 = arith.addf %add3A_1488, %get3A_1567 : vector<16xf32>
          %mul3A_1569 = arith.constant 4 : i32
          %mul3A_1570 = arith.muli %scan3A_1280, %mul3A_1569 : i32
          %add3A_1571 = arith.constant 3 : i32
          %add3A_1572 = arith.addi %mul3A_1570, %add3A_1571 : i32
          %get3A_1573 = arith.constant 3 : i32
          %get3A_1574 = arith.index_cast %get3A_1573 : i32 to index
          %get3A_1575 = arith.index_cast %add3A_1572 : i32 to index
          %get3A_1576 = arith.constant 64 : index
          %get3A_1577 = tpu.vector_load %arg11[%get3A_1574, %get3A_1575, %get3A_1576] {strides = array<i32>} : memref<4x32x128xf32, #tpu.memory_space<vmem>>, vector<16xf32>,
          %add3A_1578 = arith.addf %add3A_1498, %get3A_1577 : vector<16xf32>
          %mul3A_1579 = arith.constant 4 : i32
          %mul3A_1580 = arith.muli %scan3A_1280, %mul3A_1579 : i32
          %add3A_1581 = arith.constant 3 : i32
          %add3A_1582 = arith.addi %mul3A_1580, %add3A_1581 : i32
          %get3A_1583 = arith.constant 3 : i32
          %get3A_1584 = arith.index_cast %get3A_1583 : i32 to index
          %get3A_1585 = arith.index_cast %add3A_1582 : i32 to index
          %get3A_1586 = arith.constant 80 : index
          %get3A_1587 = tpu.vector_load %arg11[%get3A_1584, %get3A_1585, %get3A_1586] {strides = array<i32>} : memref<4x32x128xf32, #tpu.memory_space<vmem>>, vector<16xf32>,
          %add3A_1588 = arith.addf %add3A_1508, %get3A_1587 : vector<16xf32>
          %mul3A_1589 = arith.constant 4 : i32
          %mul3A_1590 = arith.muli %scan3A_1280, %mul3A_1589 : i32
          %add3A_1591 = arith.constant 3 : i32
          %add3A_1592 = arith.addi %mul3A_1590, %add3A_1591 : i32
          %get3A_1593 = arith.constant 3 : i32
          %get3A_1594 = arith.index_cast %get3A_1593 : i32 to index
          %get3A_1595 = arith.index_cast %add3A_1592 : i32 to index
          %get3A_1596 = arith.constant 96 : index
          %get3A_1597 = tpu.vector_load %arg11[%get3A_1594, %get3A_1595, %get3A_1596] {strides = array<i32>} : memref<4x32x128xf32, #tpu.memory_space<vmem>>, vector<16xf32>,
          %add3A_1598 = arith.addf %add3A_1518, %get3A_1597 : vector<16xf32>
          %mul3A_1599 = arith.constant 4 : i32
          %mul3A_1600 = arith.muli %scan3A_1280, %mul3A_1599 : i32
          %add3A_1601 = arith.constant 3 : i32
          %add3A_1602 = arith.addi %mul3A_1600, %add3A_1601 : i32
          %get3A_1603 = arith.constant 3 : i32
          %get3A_1604 = arith.index_cast %get3A_1603 : i32 to index
          %get3A_1605 = arith.index_cast %add3A_1602 : i32 to index
          %get3A_1606 = arith.constant 112 : index
          %get3A_1607 = tpu.vector_load %arg11[%get3A_1604, %get3A_1605, %get3A_1606] {strides = array<i32>} : memref<4x32x128xf32, #tpu.memory_space<vmem>>, vector<16xf32>,
          %add3A_1608 = arith.addf %add3A_1528, %get3A_1607 : vector<16xf32>
          scf.yield %add3A_1538, %add3A_1548, %add3A_1558, %add3A_1568, %add3A_1578, %add3A_1588, %add3A_1598, %add3A_1608 : vector<16xf32>, vector<16xf32>, vector<16xf32>, vector<16xf32>, vector<16xf32>, vector<16xf32>, vector<16xf32>, vector<16xf32>
        }
        %scan3A_1174 = arith.constant 8 : i32
        %add3A_1175 = arith.constant 4 : i32
        %add3A_1176 = arith.addi %add3A_1141, %add3A_1175 : i32
        %lt3A_1177 = arith.constant 256 : i32
        %lt3A_1178 = arith.cmpi slt, %add3A_1176, %lt3A_1177 : i32
        %convert_element_type3A_1179 = arith.extui %lt3A_1178 : i1 to i32
        %cond3A_1180 = arith.constant 0 : i32
        %cond3A_1181 = arith.cmpi ne, %convert_element_type3A_1179, %cond3A_1180 : i32
        scf.if %cond3A_1181 {
          %mul3A_1280 = arith.constant 32 : i32
          %mul3A_1281 = arith.muli %add3A_1176, %mul3A_1280 : i32
          %dma_start3A_1282 = arith.constant 3 : i32
          %dma_start3A_1283 = arith.constant 0 : i32
          %dma_start3A_1284 = arith.constant 0 : i32
          %dma_start3A_1285 = tpu.memref_slice %arg11[%dma_start3A_1282, %dma_start3A_1283, %dma_start3A_1284] : memref<4x32x128xf32, #tpu.memory_space<vmem>> -> memref<1x32x128xf32, #tpu.memory_space<vmem>>
          %dma_start3A_1286 = tpu.memref_squeeze %dma_start3A_1285 : memref<1x32x128xf32, #tpu.memory_space<vmem>> -> memref<32x128xf32, #tpu.memory_space<vmem>>
          %dma_start3A_1287 = tpu.memref_slice %arg9[%mul3A_1281] : memref<8192xi32, #tpu.memory_space<vmem>> -> memref<32xi32, #tpu.memory_space<vmem>>
          %dma_start3A_1288 = arith.constant 0 : i32
          %dma_start3A_1289 = arith.constant 0 : i32
          %dma_start3A_1290 = tpu.memref_slice %arg15[%dma_start3A_1288, %dma_start3A_1289] : memref<10000x128xf32, #tpu.memory_space<vmem_shared>> -> memref<10000x128xf32, #tpu.memory_space<vmem_shared>>
          tpu.enqueue_indirect_dma source(%dma_start3A_1290 : memref<10000x128xf32, #tpu.memory_space<vmem_shared>>) target(%dma_start3A_1286 : memref<32x128xf32, #tpu.memory_space<vmem>>) offsets(%dma_start3A_1287 : memref<32xi32, #tpu.memory_space<vmem>>) semaphore(%arg22 : memref<!tpu.dma_semaphore, #tpu.memory_space<semaphore_mem>>)
        } else {
        }
        %get3A_1182 = arith.constant 0 : i32
        %get3A_1183 = arith.index_cast %get3A_1182 : i32 to index
        %get3A_1184 = arith.index_cast %add3A_1138 : i32 to index
        %get3A_1185 = arith.constant 0 : index
        %get3A_1186 = tpu.vector_load %arg10[%get3A_1183, %get3A_1184, %get3A_1185] {strides = array<i32>} : memref<2x32x128xf32, #tpu.memory_space<vmem>>, vector<16xf32>,
        %add3A_1187 = arith.addf %scan3A_1173#0, %get3A_1186 : vector<16xf32>
        %max3A_1188 = arith.constant 0.000000e+00 : f32
        %max3A_1189 = vector.broadcast %max3A_1188 : f32 to vector<16xf32>
        %max3A_1190 = arith.maximumf %add3A_1187, %max3A_1189 : vector<16xf32>
        %mul3A_1191 = arith.mulf %max3A_1190, %get3A_77 : vector<16xf32>
        %get3A_1192 = arith.constant 0 : i32
        %get3A_1193 = arith.index_cast %get3A_1192 : i32 to index
        %get3A_1194 = arith.index_cast %add3A_1138 : i32 to index
        %get3A_1195 = arith.constant 16 : index
        %get3A_1196 = tpu.vector_load %arg10[%get3A_1193, %get3A_1194, %get3A_1195] {strides = array<i32>} : memref<2x32x128xf32, #tpu.memory_space<vmem>>, vector<16xf32>,
        %add3A_1197 = arith.addf %scan3A_1173#1, %get3A_1196 : vector<16xf32>
        %max3A_1198 = arith.constant 0.000000e+00 : f32
        %max3A_1199 = vector.broadcast %max3A_1198 : f32 to vector<16xf32>
        %max3A_1200 = arith.maximumf %add3A_1197, %max3A_1199 : vector<16xf32>
        %mul3A_1201 = arith.mulf %max3A_1200, %get3A_79 : vector<16xf32>
        %add3A_1202 = arith.addf %mul3A_1191, %mul3A_1201 : vector<16xf32>
        %get3A_1203 = arith.constant 0 : i32
        %get3A_1204 = arith.index_cast %get3A_1203 : i32 to index
        %get3A_1205 = arith.index_cast %add3A_1138 : i32 to index
        %get3A_1206 = arith.constant 32 : index
        %get3A_1207 = tpu.vector_load %arg10[%get3A_1204, %get3A_1205, %get3A_1206] {strides = array<i32>} : memref<2x32x128xf32, #tpu.memory_space<vmem>>, vector<16xf32>,
        %add3A_1208 = arith.addf %scan3A_1173#2, %get3A_1207 : vector<16xf32>
        %max3A_1209 = arith.constant 0.000000e+00 : f32
        %max3A_1210 = vector.broadcast %max3A_1209 : f32 to vector<16xf32>
        %max3A_1211 = arith.maximumf %add3A_1208, %max3A_1210 : vector<16xf32>
        %mul3A_1212 = arith.mulf %max3A_1211, %get3A_81 : vector<16xf32>
        %add3A_1213 = arith.addf %add3A_1202, %mul3A_1212 : vector<16xf32>
        %get3A_1214 = arith.constant 0 : i32
        %get3A_1215 = arith.index_cast %get3A_1214 : i32 to index
        %get3A_1216 = arith.index_cast %add3A_1138 : i32 to index
        %get3A_1217 = arith.constant 48 : index
        %get3A_1218 = tpu.vector_load %arg10[%get3A_1215, %get3A_1216, %get3A_1217] {strides = array<i32>} : memref<2x32x128xf32, #tpu.memory_space<vmem>>, vector<16xf32>,
        %add3A_1219 = arith.addf %scan3A_1173#3, %get3A_1218 : vector<16xf32>
        %max3A_1220 = arith.constant 0.000000e+00 : f32
        %max3A_1221 = vector.broadcast %max3A_1220 : f32 to vector<16xf32>
        %max3A_1222 = arith.maximumf %add3A_1219, %max3A_1221 : vector<16xf32>
        %mul3A_1223 = arith.mulf %max3A_1222, %get3A_83 : vector<16xf32>
        %add3A_1224 = arith.addf %add3A_1213, %mul3A_1223 : vector<16xf32>
        %get3A_1225 = arith.constant 0 : i32
        %get3A_1226 = arith.index_cast %get3A_1225 : i32 to index
        %get3A_1227 = arith.index_cast %add3A_1138 : i32 to index
        %get3A_1228 = arith.constant 64 : index
        %get3A_1229 = tpu.vector_load %arg10[%get3A_1226, %get3A_1227, %get3A_1228] {strides = array<i32>} : memref<2x32x128xf32, #tpu.memory_space<vmem>>, vector<16xf32>,
        %add3A_1230 = arith.addf %scan3A_1173#4, %get3A_1229 : vector<16xf32>
        %max3A_1231 = arith.constant 0.000000e+00 : f32
        %max3A_1232 = vector.broadcast %max3A_1231 : f32 to vector<16xf32>
        %max3A_1233 = arith.maximumf %add3A_1230, %max3A_1232 : vector<16xf32>
        %mul3A_1234 = arith.mulf %max3A_1233, %get3A_85 : vector<16xf32>
        %add3A_1235 = arith.addf %add3A_1224, %mul3A_1234 : vector<16xf32>
        %get3A_1236 = arith.constant 0 : i32
        %get3A_1237 = arith.index_cast %get3A_1236 : i32 to index
        %get3A_1238 = arith.index_cast %add3A_1138 : i32 to index
        %get3A_1239 = arith.constant 80 : index
        %get3A_1240 = tpu.vector_load %arg10[%get3A_1237, %get3A_1238, %get3A_1239] {strides = array<i32>} : memref<2x32x128xf32, #tpu.memory_space<vmem>>, vector<16xf32>,
        %add3A_1241 = arith.addf %scan3A_1173#5, %get3A_1240 : vector<16xf32>
        %max3A_1242 = arith.constant 0.000000e+00 : f32
        %max3A_1243 = vector.broadcast %max3A_1242 : f32 to vector<16xf32>
        %max3A_1244 = arith.maximumf %add3A_1241, %max3A_1243 : vector<16xf32>
        %mul3A_1245 = arith.mulf %max3A_1244, %get3A_87 : vector<16xf32>
        %add3A_1246 = arith.addf %add3A_1235, %mul3A_1245 : vector<16xf32>
        %get3A_1247 = arith.constant 0 : i32
        %get3A_1248 = arith.index_cast %get3A_1247 : i32 to index
        %get3A_1249 = arith.index_cast %add3A_1138 : i32 to index
        %get3A_1250 = arith.constant 96 : index
        %get3A_1251 = tpu.vector_load %arg10[%get3A_1248, %get3A_1249, %get3A_1250] {strides = array<i32>} : memref<2x32x128xf32, #tpu.memory_space<vmem>>, vector<16xf32>,
        %add3A_1252 = arith.addf %scan3A_1173#6, %get3A_1251 : vector<16xf32>
        %max3A_1253 = arith.constant 0.000000e+00 : f32
        %max3A_1254 = vector.broadcast %max3A_1253 : f32 to vector<16xf32>
        %max3A_1255 = arith.maximumf %add3A_1252, %max3A_1254 : vector<16xf32>
        %mul3A_1256 = arith.mulf %max3A_1255, %get3A_89 : vector<16xf32>
        %add3A_1257 = arith.addf %add3A_1246, %mul3A_1256 : vector<16xf32>
        %get3A_1258 = arith.constant 0 : i32
        %get3A_1259 = arith.index_cast %get3A_1258 : i32 to index
        %get3A_1260 = arith.index_cast %add3A_1138 : i32 to index
        %get3A_1261 = arith.constant 112 : index
        %get3A_1262 = tpu.vector_load %arg10[%get3A_1259, %get3A_1260, %get3A_1261] {strides = array<i32>} : memref<2x32x128xf32, #tpu.memory_space<vmem>>, vector<16xf32>,
        %add3A_1263 = arith.addf %scan3A_1173#7, %get3A_1262 : vector<16xf32>
        %max3A_1264 = arith.constant 0.000000e+00 : f32
        %max3A_1265 = vector.broadcast %max3A_1264 : f32 to vector<16xf32>
        %max3A_1266 = arith.maximumf %add3A_1263, %max3A_1265 : vector<16xf32>
        %mul3A_1267 = arith.mulf %max3A_1266, %get3A_91 : vector<16xf32>
        %add3A_1268 = arith.addf %add3A_1257, %mul3A_1267 : vector<16xf32>
        %mul3A_1269 = arith.constant 16 : i32
        %mul3A_1270 = arith.muli %add3A_672, %mul3A_1269 : i32
        %mul3A_1271 = arith.constant 2 : i32
        %mul3A_1272 = arith.muli %scan3A_722, %mul3A_1271 : i32
        %add3A_1273 = arith.addi %mul3A_1270, %mul3A_1272 : i32
        %add3A_1274 = arith.constant 1 : i32
        %add3A_1275 = arith.addi %add3A_1273, %add3A_1274 : i32
        %add3A_1276 = arith.addf %add3A_1134, %add3A_1268 : vector<16xf32>
        %swap3A_1277 = arith.index_cast %add3A_1275 : i32 to index
        %swap3A_1278 = arith.constant 0 : index
        %swap3A_1279 = tpu.vector_load %arg13[%swap3A_1277, %swap3A_1278] {strides = array<i32>} : memref<128x16xf32, #tpu.memory_space<vmem>>, vector<16xf32>,
        tpu.vector_store %arg13[%swap3A_1277, %swap3A_1278], %add3A_1276 {strides = array<i32>} : memref<128x16xf32, #tpu.memory_space<vmem>>, vector<16xf32>,
      }
      %scan3A_688 = arith.constant 8 : i32
      %add3A_689 = arith.constant 2 : i32
      %add3A_690 = arith.addi %add3A_672, %add3A_689 : i32
      %lt3A = arith.constant 8 : i32
      %lt3A_691 = arith.cmpi slt, %add3A_690, %lt3A : i32
      %convert_element_type3A_692 = arith.extui %lt3A_691 : i1 to i32
      %cond3A_693 = arith.constant 0 : i32
      %cond3A_694 = arith.cmpi ne, %convert_element_type3A_692, %cond3A_693 : i32
      scf.if %cond3A_694 {
        %mul3A_722 = arith.constant 32 : i32
        %mul3A_723 = arith.muli %add3A_690, %mul3A_722 : i32
        %dma_start3A_724 = arith.constant 0 : i32
        %dma_start3A_725 = arith.constant 0 : i32
        %dma_start3A_726 = arith.constant 0 : i32
        %dma_start3A_727 = tpu.memref_slice %arg10[%dma_start3A_724, %dma_start3A_725, %dma_start3A_726] : memref<2x32x128xf32, #tpu.memory_space<vmem>> -> memref<1x32x128xf32, #tpu.memory_space<vmem>>
        %dma_start3A_728 = tpu.memref_squeeze %dma_start3A_727 : memref<1x32x128xf32, #tpu.memory_space<vmem>> -> memref<32x128xf32, #tpu.memory_space<vmem>>
        %dma_start3A_729 = tpu.memref_slice %arg8[%mul3A_723] : memref<256xi32, #tpu.memory_space<vmem>> -> memref<32xi32, #tpu.memory_space<vmem>>
        %dma_start3A_730 = arith.constant 0 : i32
        %dma_start3A_731 = arith.constant 0 : i32
        %dma_start3A_732 = tpu.memref_slice %arg4[%dma_start3A_730, %dma_start3A_731] : memref<10000x128xf32, #tpu.memory_space<hbm>> -> memref<10000x128xf32, #tpu.memory_space<hbm>>
        tpu.enqueue_indirect_dma source(%dma_start3A_732 : memref<10000x128xf32, #tpu.memory_space<hbm>>) target(%dma_start3A_728 : memref<32x128xf32, #tpu.memory_space<vmem>>) offsets(%dma_start3A_729 : memref<32xi32, #tpu.memory_space<vmem>>) semaphore(%arg16 : memref<!tpu.dma_semaphore, #tpu.memory_space<semaphore_mem>>)
      } else {
      }
      %mul3A_695 = arith.constant 2 : i32
      %mul3A_696 = arith.muli %scan3A_668, %mul3A_695 : i32
      %add3A_697 = arith.constant 1 : i32
      %add3A_698 = arith.addi %mul3A_696, %add3A_697 : i32
      %mul3A_699 = arith.constant 32 : i32
      %mul3A_700 = arith.muli %add3A_698, %mul3A_699 : i32
      %dma_wait3A_701 = arith.constant 1 : i32
      %dma_wait3A_702 = arith.constant 0 : i32
      %dma_wait3A_703 = arith.constant 0 : i32
      %dma_wait3A_704 = tpu.memref_slice %arg10[%dma_wait3A_701, %dma_wait3A_702, %dma_wait3A_703] : memref<2x32x128xf32, #tpu.memory_space<vmem>> -> memref<1x32x128xf32, #tpu.memory_space<vmem>>
      %dma_wait3A_705 = tpu.memref_squeeze %dma_wait3A_704 : memref<1x32x128xf32, #tpu.memory_space<vmem>> -> memref<32x128xf32, #tpu.memory_space<vmem>>
      %dma_wait3A_706 = tpu.memref_slice %arg8[%mul3A_700] : memref<256xi32, #tpu.memory_space<vmem>> -> memref<32xi32, #tpu.memory_space<vmem>>
      %dma_wait3A_707 = arith.constant 0 : i32
      %dma_wait3A_708 = arith.constant 0 : i32
      %dma_wait3A_709 = tpu.memref_slice %arg4[%dma_wait3A_707, %dma_wait3A_708] : memref<10000x128xf32, #tpu.memory_space<hbm>> -> memref<10000x128xf32, #tpu.memory_space<hbm>>
      tpu.wait_indirect_dma semaphore(%arg17 : memref<!tpu.dma_semaphore, #tpu.memory_space<semaphore_mem>>) src(%dma_wait3A_709 : memref<10000x128xf32, #tpu.memory_space<hbm>>) dst(%dma_wait3A_705 : memref<32x128xf32, #tpu.memory_space<vmem>>)
      %scan3A_710 = arith.constant 0 : i32
      %scan3A_711 = arith.constant 8 : i32
      %scan3A_712 = arith.addi %scan3A_710, %scan3A_711 : i32
      %scan3A_713 = arith.constant 1 : i32
      scf.for %scan3A_722 = %scan3A_710 to %scan3A_712 step %scan3A_713  : i32 {
        %mul3A_723 = arith.constant 4 : i32
        %mul3A_724 = arith.muli %scan3A_722, %mul3A_723 : i32
        %add3A_725 = arith.constant 0 : i32
        %add3A_726 = arith.addi %mul3A_724, %add3A_725 : i32
        %mul3A_727 = arith.constant 32 : i32
        %mul3A_728 = arith.muli %add3A_698, %mul3A_727 : i32
        %add3A_729 = arith.addi %mul3A_728, %add3A_726 : i32
        %mul3A_730 = arith.constant 32 : i32
        %mul3A_731 = arith.muli %add3A_729, %mul3A_730 : i32
        %dma_wait3A_732 = arith.constant 0 : i32
        %dma_wait3A_733 = arith.constant 0 : i32
        %dma_wait3A_734 = arith.constant 0 : i32
        %dma_wait3A_735 = tpu.memref_slice %arg11[%dma_wait3A_732, %dma_wait3A_733, %dma_wait3A_734] : memref<4x32x128xf32, #tpu.memory_space<vmem>> -> memref<1x32x128xf32, #tpu.memory_space<vmem>>
        %dma_wait3A_736 = tpu.memref_squeeze %dma_wait3A_735 : memref<1x32x128xf32, #tpu.memory_space<vmem>> -> memref<32x128xf32, #tpu.memory_space<vmem>>
        %dma_wait3A_737 = tpu.memref_slice %arg9[%mul3A_731] : memref<8192xi32, #tpu.memory_space<vmem>> -> memref<32xi32, #tpu.memory_space<vmem>>
        %dma_wait3A_738 = arith.constant 0 : i32
        %dma_wait3A_739 = arith.constant 0 : i32
        %dma_wait3A_740 = tpu.memref_slice %arg15[%dma_wait3A_738, %dma_wait3A_739] : memref<10000x128xf32, #tpu.memory_space<vmem_shared>> -> memref<10000x128xf32, #tpu.memory_space<vmem_shared>>
        tpu.wait_indirect_dma semaphore(%arg19 : memref<!tpu.dma_semaphore, #tpu.memory_space<semaphore_mem>>) src(%dma_wait3A_740 : memref<10000x128xf32, #tpu.memory_space<vmem_shared>>) dst(%dma_wait3A_736 : memref<32x128xf32, #tpu.memory_space<vmem>>)
        %broadcast_in_dim3A_741 = arith.constant 0.000000e+00 : f32
        %broadcast_in_dim3A_742 = vector.broadcast %broadcast_in_dim3A_741 : f32 to vector<16xf32>
        %broadcast_in_dim3A_743 = arith.constant 0.000000e+00 : f32
        %broadcast_in_dim3A_744 = vector.broadcast %broadcast_in_dim3A_743 : f32 to vector<16xf32>
        %broadcast_in_dim3A_745 = arith.constant 0.000000e+00 : f32
        %broadcast_in_dim3A_746 = vector.broadcast %broadcast_in_dim3A_745 : f32 to vector<16xf32>
        %broadcast_in_dim3A_747 = arith.constant 0.000000e+00 : f32
        %broadcast_in_dim3A_748 = vector.broadcast %broadcast_in_dim3A_747 : f32 to vector<16xf32>
        %broadcast_in_dim3A_749 = arith.constant 0.000000e+00 : f32
        %broadcast_in_dim3A_750 = vector.broadcast %broadcast_in_dim3A_749 : f32 to vector<16xf32>
        %broadcast_in_dim3A_751 = arith.constant 0.000000e+00 : f32
        %broadcast_in_dim3A_752 = vector.broadcast %broadcast_in_dim3A_751 : f32 to vector<16xf32>
        %broadcast_in_dim3A_753 = arith.constant 0.000000e+00 : f32
        %broadcast_in_dim3A_754 = vector.broadcast %broadcast_in_dim3A_753 : f32 to vector<16xf32>
        %broadcast_in_dim3A_755 = arith.constant 0.000000e+00 : f32
        %broadcast_in_dim3A_756 = vector.broadcast %broadcast_in_dim3A_755 : f32 to vector<16xf32>
        %scan3A_757 = arith.constant 0 : i32
        %scan3A_758 = arith.constant 8 : i32
        %scan3A_759 = arith.addi %scan3A_757, %scan3A_758 : i32
        %scan3A_760 = arith.constant 1 : i32
        %scan3A_761:8 = scf.for %scan3A_1280 = %scan3A_757 to %scan3A_759 step %scan3A_760 iter_args(%scan3A_1281 = %broadcast_in_dim3A_742, %scan3A_1282 = %broadcast_in_dim3A_744, %scan3A_1283 = %broadcast_in_dim3A_746, %scan3A_1284 = %broadcast_in_dim3A_748, %scan3A_1285 = %broadcast_in_dim3A_750, %scan3A_1286 = %broadcast_in_dim3A_752, %scan3A_1287 = %broadcast_in_dim3A_754, %scan3A_1288 = %broadcast_in_dim3A_756) -> (vector<16xf32>, vector<16xf32>, vector<16xf32>, vector<16xf32>, vector<16xf32>, vector<16xf32>, vector<16xf32>, vector<16xf32>)  : i32 {
          %mul3A_1289 = arith.constant 4 : i32
          %mul3A_1290 = arith.muli %scan3A_1280, %mul3A_1289 : i32
          %add3A_1291 = arith.constant 0 : i32
          %add3A_1292 = arith.addi %mul3A_1290, %add3A_1291 : i32
          %get3A_1293 = arith.constant 0 : i32
          %get3A_1294 = arith.index_cast %get3A_1293 : i32 to index
          %get3A_1295 = arith.index_cast %add3A_1292 : i32 to index
          %get3A_1296 = arith.constant 0 : index
          %get3A_1297 = tpu.vector_load %arg11[%get3A_1294, %get3A_1295, %get3A_1296] {strides = array<i32>} : memref<4x32x128xf32, #tpu.memory_space<vmem>>, vector<16xf32>,
          %add3A_1298 = arith.addf %scan3A_1281, %get3A_1297 : vector<16xf32>
          %mul3A_1299 = arith.constant 4 : i32
          %mul3A_1300 = arith.muli %scan3A_1280, %mul3A_1299 : i32
          %add3A_1301 = arith.constant 0 : i32
          %add3A_1302 = arith.addi %mul3A_1300, %add3A_1301 : i32
          %get3A_1303 = arith.constant 0 : i32
          %get3A_1304 = arith.index_cast %get3A_1303 : i32 to index
          %get3A_1305 = arith.index_cast %add3A_1302 : i32 to index
          %get3A_1306 = arith.constant 16 : index
          %get3A_1307 = tpu.vector_load %arg11[%get3A_1304, %get3A_1305, %get3A_1306] {strides = array<i32>} : memref<4x32x128xf32, #tpu.memory_space<vmem>>, vector<16xf32>,
          %add3A_1308 = arith.addf %scan3A_1282, %get3A_1307 : vector<16xf32>
          %mul3A_1309 = arith.constant 4 : i32
          %mul3A_1310 = arith.muli %scan3A_1280, %mul3A_1309 : i32
          %add3A_1311 = arith.constant 0 : i32
          %add3A_1312 = arith.addi %mul3A_1310, %add3A_1311 : i32
          %get3A_1313 = arith.constant 0 : i32
          %get3A_1314 = arith.index_cast %get3A_1313 : i32 to index
          %get3A_1315 = arith.index_cast %add3A_1312 : i32 to index
          %get3A_1316 = arith.constant 32 : index
          %get3A_1317 = tpu.vector_load %arg11[%get3A_1314, %get3A_1315, %get3A_1316] {strides = array<i32>} : memref<4x32x128xf32, #tpu.memory_space<vmem>>, vector<16xf32>,
          %add3A_1318 = arith.addf %scan3A_1283, %get3A_1317 : vector<16xf32>
          %mul3A_1319 = arith.constant 4 : i32
          %mul3A_1320 = arith.muli %scan3A_1280, %mul3A_1319 : i32
          %add3A_1321 = arith.constant 0 : i32
          %add3A_1322 = arith.addi %mul3A_1320, %add3A_1321 : i32
          %get3A_1323 = arith.constant 0 : i32
          %get3A_1324 = arith.index_cast %get3A_1323 : i32 to index
          %get3A_1325 = arith.index_cast %add3A_1322 : i32 to index
          %get3A_1326 = arith.constant 48 : index
          %get3A_1327 = tpu.vector_load %arg11[%get3A_1324, %get3A_1325, %get3A_1326] {strides = array<i32>} : memref<4x32x128xf32, #tpu.memory_space<vmem>>, vector<16xf32>,
          %add3A_1328 = arith.addf %scan3A_1284, %get3A_1327 : vector<16xf32>
          %mul3A_1329 = arith.constant 4 : i32
          %mul3A_1330 = arith.muli %scan3A_1280, %mul3A_1329 : i32
          %add3A_1331 = arith.constant 0 : i32
          %add3A_1332 = arith.addi %mul3A_1330, %add3A_1331 : i32
          %get3A_1333 = arith.constant 0 : i32
          %get3A_1334 = arith.index_cast %get3A_1333 : i32 to index
          %get3A_1335 = arith.index_cast %add3A_1332 : i32 to index
          %get3A_1336 = arith.constant 64 : index
          %get3A_1337 = tpu.vector_load %arg11[%get3A_1334, %get3A_1335, %get3A_1336] {strides = array<i32>} : memref<4x32x128xf32, #tpu.memory_space<vmem>>, vector<16xf32>,
          %add3A_1338 = arith.addf %scan3A_1285, %get3A_1337 : vector<16xf32>
          %mul3A_1339 = arith.constant 4 : i32
          %mul3A_1340 = arith.muli %scan3A_1280, %mul3A_1339 : i32
          %add3A_1341 = arith.constant 0 : i32
          %add3A_1342 = arith.addi %mul3A_1340, %add3A_1341 : i32
          %get3A_1343 = arith.constant 0 : i32
          %get3A_1344 = arith.index_cast %get3A_1343 : i32 to index
          %get3A_1345 = arith.index_cast %add3A_1342 : i32 to index
          %get3A_1346 = arith.constant 80 : index
          %get3A_1347 = tpu.vector_load %arg11[%get3A_1344, %get3A_1345, %get3A_1346] {strides = array<i32>} : memref<4x32x128xf32, #tpu.memory_space<vmem>>, vector<16xf32>,
          %add3A_1348 = arith.addf %scan3A_1286, %get3A_1347 : vector<16xf32>
          %mul3A_1349 = arith.constant 4 : i32
          %mul3A_1350 = arith.muli %scan3A_1280, %mul3A_1349 : i32
          %add3A_1351 = arith.constant 0 : i32
          %add3A_1352 = arith.addi %mul3A_1350, %add3A_1351 : i32
          %get3A_1353 = arith.constant 0 : i32
          %get3A_1354 = arith.index_cast %get3A_1353 : i32 to index
          %get3A_1355 = arith.index_cast %add3A_1352 : i32 to index
          %get3A_1356 = arith.constant 96 : index
          %get3A_1357 = tpu.vector_load %arg11[%get3A_1354, %get3A_1355, %get3A_1356] {strides = array<i32>} : memref<4x32x128xf32, #tpu.memory_space<vmem>>, vector<16xf32>,
          %add3A_1358 = arith.addf %scan3A_1287, %get3A_1357 : vector<16xf32>
          %mul3A_1359 = arith.constant 4 : i32
          %mul3A_1360 = arith.muli %scan3A_1280, %mul3A_1359 : i32
          %add3A_1361 = arith.constant 0 : i32
          %add3A_1362 = arith.addi %mul3A_1360, %add3A_1361 : i32
          %get3A_1363 = arith.constant 0 : i32
          %get3A_1364 = arith.index_cast %get3A_1363 : i32 to index
          %get3A_1365 = arith.index_cast %add3A_1362 : i32 to index
          %get3A_1366 = arith.constant 112 : index
          %get3A_1367 = tpu.vector_load %arg11[%get3A_1364, %get3A_1365, %get3A_1366] {strides = array<i32>} : memref<4x32x128xf32, #tpu.memory_space<vmem>>, vector<16xf32>,
          %add3A_1368 = arith.addf %scan3A_1288, %get3A_1367 : vector<16xf32>
          %mul3A_1369 = arith.constant 4 : i32
          %mul3A_1370 = arith.muli %scan3A_1280, %mul3A_1369 : i32
          %add3A_1371 = arith.constant 1 : i32
          %add3A_1372 = arith.addi %mul3A_1370, %add3A_1371 : i32
          %get3A_1373 = arith.constant 0 : i32
          %get3A_1374 = arith.index_cast %get3A_1373 : i32 to index
          %get3A_1375 = arith.index_cast %add3A_1372 : i32 to index
          %get3A_1376 = arith.constant 0 : index
          %get3A_1377 = tpu.vector_load %arg11[%get3A_1374, %get3A_1375, %get3A_1376] {strides = array<i32>} : memref<4x32x128xf32, #tpu.memory_space<vmem>>, vector<16xf32>,
          %add3A_1378 = arith.addf %add3A_1298, %get3A_1377 : vector<16xf32>
          %mul3A_1379 = arith.constant 4 : i32
          %mul3A_1380 = arith.muli %scan3A_1280, %mul3A_1379 : i32
          %add3A_1381 = arith.constant 1 : i32
          %add3A_1382 = arith.addi %mul3A_1380, %add3A_1381 : i32
          %get3A_1383 = arith.constant 0 : i32
          %get3A_1384 = arith.index_cast %get3A_1383 : i32 to index
          %get3A_1385 = arith.index_cast %add3A_1382 : i32 to index
          %get3A_1386 = arith.constant 16 : index
          %get3A_1387 = tpu.vector_load %arg11[%get3A_1384, %get3A_1385, %get3A_1386] {strides = array<i32>} : memref<4x32x128xf32, #tpu.memory_space<vmem>>, vector<16xf32>,
          %add3A_1388 = arith.addf %add3A_1308, %get3A_1387 : vector<16xf32>
          %mul3A_1389 = arith.constant 4 : i32
          %mul3A_1390 = arith.muli %scan3A_1280, %mul3A_1389 : i32
          %add3A_1391 = arith.constant 1 : i32
          %add3A_1392 = arith.addi %mul3A_1390, %add3A_1391 : i32
          %get3A_1393 = arith.constant 0 : i32
          %get3A_1394 = arith.index_cast %get3A_1393 : i32 to index
          %get3A_1395 = arith.index_cast %add3A_1392 : i32 to index
          %get3A_1396 = arith.constant 32 : index
          %get3A_1397 = tpu.vector_load %arg11[%get3A_1394, %get3A_1395, %get3A_1396] {strides = array<i32>} : memref<4x32x128xf32, #tpu.memory_space<vmem>>, vector<16xf32>,
          %add3A_1398 = arith.addf %add3A_1318, %get3A_1397 : vector<16xf32>
          %mul3A_1399 = arith.constant 4 : i32
          %mul3A_1400 = arith.muli %scan3A_1280, %mul3A_1399 : i32
          %add3A_1401 = arith.constant 1 : i32
          %add3A_1402 = arith.addi %mul3A_1400, %add3A_1401 : i32
          %get3A_1403 = arith.constant 0 : i32
          %get3A_1404 = arith.index_cast %get3A_1403 : i32 to index
          %get3A_1405 = arith.index_cast %add3A_1402 : i32 to index
          %get3A_1406 = arith.constant 48 : index
          %get3A_1407 = tpu.vector_load %arg11[%get3A_1404, %get3A_1405, %get3A_1406] {strides = array<i32>} : memref<4x32x128xf32, #tpu.memory_space<vmem>>, vector<16xf32>,
          %add3A_1408 = arith.addf %add3A_1328, %get3A_1407 : vector<16xf32>
          %mul3A_1409 = arith.constant 4 : i32
          %mul3A_1410 = arith.muli %scan3A_1280, %mul3A_1409 : i32
          %add3A_1411 = arith.constant 1 : i32
          %add3A_1412 = arith.addi %mul3A_1410, %add3A_1411 : i32
          %get3A_1413 = arith.constant 0 : i32
          %get3A_1414 = arith.index_cast %get3A_1413 : i32 to index
          %get3A_1415 = arith.index_cast %add3A_1412 : i32 to index
          %get3A_1416 = arith.constant 64 : index
          %get3A_1417 = tpu.vector_load %arg11[%get3A_1414, %get3A_1415, %get3A_1416] {strides = array<i32>} : memref<4x32x128xf32, #tpu.memory_space<vmem>>, vector<16xf32>,
          %add3A_1418 = arith.addf %add3A_1338, %get3A_1417 : vector<16xf32>
          %mul3A_1419 = arith.constant 4 : i32
          %mul3A_1420 = arith.muli %scan3A_1280, %mul3A_1419 : i32
          %add3A_1421 = arith.constant 1 : i32
          %add3A_1422 = arith.addi %mul3A_1420, %add3A_1421 : i32
          %get3A_1423 = arith.constant 0 : i32
          %get3A_1424 = arith.index_cast %get3A_1423 : i32 to index
          %get3A_1425 = arith.index_cast %add3A_1422 : i32 to index
          %get3A_1426 = arith.constant 80 : index
          %get3A_1427 = tpu.vector_load %arg11[%get3A_1424, %get3A_1425, %get3A_1426] {strides = array<i32>} : memref<4x32x128xf32, #tpu.memory_space<vmem>>, vector<16xf32>,
          %add3A_1428 = arith.addf %add3A_1348, %get3A_1427 : vector<16xf32>
          %mul3A_1429 = arith.constant 4 : i32
          %mul3A_1430 = arith.muli %scan3A_1280, %mul3A_1429 : i32
          %add3A_1431 = arith.constant 1 : i32
          %add3A_1432 = arith.addi %mul3A_1430, %add3A_1431 : i32
          %get3A_1433 = arith.constant 0 : i32
          %get3A_1434 = arith.index_cast %get3A_1433 : i32 to index
          %get3A_1435 = arith.index_cast %add3A_1432 : i32 to index
          %get3A_1436 = arith.constant 96 : index
          %get3A_1437 = tpu.vector_load %arg11[%get3A_1434, %get3A_1435, %get3A_1436] {strides = array<i32>} : memref<4x32x128xf32, #tpu.memory_space<vmem>>, vector<16xf32>,
          %add3A_1438 = arith.addf %add3A_1358, %get3A_1437 : vector<16xf32>
          %mul3A_1439 = arith.constant 4 : i32
          %mul3A_1440 = arith.muli %scan3A_1280, %mul3A_1439 : i32
          %add3A_1441 = arith.constant 1 : i32
          %add3A_1442 = arith.addi %mul3A_1440, %add3A_1441 : i32
          %get3A_1443 = arith.constant 0 : i32
          %get3A_1444 = arith.index_cast %get3A_1443 : i32 to index
          %get3A_1445 = arith.index_cast %add3A_1442 : i32 to index
          %get3A_1446 = arith.constant 112 : index
          %get3A_1447 = tpu.vector_load %arg11[%get3A_1444, %get3A_1445, %get3A_1446] {strides = array<i32>} : memref<4x32x128xf32, #tpu.memory_space<vmem>>, vector<16xf32>,
          %add3A_1448 = arith.addf %add3A_1368, %get3A_1447 : vector<16xf32>
          %mul3A_1449 = arith.constant 4 : i32
          %mul3A_1450 = arith.muli %scan3A_1280, %mul3A_1449 : i32
          %add3A_1451 = arith.constant 2 : i32
          %add3A_1452 = arith.addi %mul3A_1450, %add3A_1451 : i32
          %get3A_1453 = arith.constant 0 : i32
          %get3A_1454 = arith.index_cast %get3A_1453 : i32 to index
          %get3A_1455 = arith.index_cast %add3A_1452 : i32 to index
          %get3A_1456 = arith.constant 0 : index
          %get3A_1457 = tpu.vector_load %arg11[%get3A_1454, %get3A_1455, %get3A_1456] {strides = array<i32>} : memref<4x32x128xf32, #tpu.memory_space<vmem>>, vector<16xf32>,
          %add3A_1458 = arith.addf %add3A_1378, %get3A_1457 : vector<16xf32>
          %mul3A_1459 = arith.constant 4 : i32
          %mul3A_1460 = arith.muli %scan3A_1280, %mul3A_1459 : i32
          %add3A_1461 = arith.constant 2 : i32
          %add3A_1462 = arith.addi %mul3A_1460, %add3A_1461 : i32
          %get3A_1463 = arith.constant 0 : i32
          %get3A_1464 = arith.index_cast %get3A_1463 : i32 to index
          %get3A_1465 = arith.index_cast %add3A_1462 : i32 to index
          %get3A_1466 = arith.constant 16 : index
          %get3A_1467 = tpu.vector_load %arg11[%get3A_1464, %get3A_1465, %get3A_1466] {strides = array<i32>} : memref<4x32x128xf32, #tpu.memory_space<vmem>>, vector<16xf32>,
          %add3A_1468 = arith.addf %add3A_1388, %get3A_1467 : vector<16xf32>
          %mul3A_1469 = arith.constant 4 : i32
          %mul3A_1470 = arith.muli %scan3A_1280, %mul3A_1469 : i32
          %add3A_1471 = arith.constant 2 : i32
          %add3A_1472 = arith.addi %mul3A_1470, %add3A_1471 : i32
          %get3A_1473 = arith.constant 0 : i32
          %get3A_1474 = arith.index_cast %get3A_1473 : i32 to index
          %get3A_1475 = arith.index_cast %add3A_1472 : i32 to index
          %get3A_1476 = arith.constant 32 : index
          %get3A_1477 = tpu.vector_load %arg11[%get3A_1474, %get3A_1475, %get3A_1476] {strides = array<i32>} : memref<4x32x128xf32, #tpu.memory_space<vmem>>, vector<16xf32>,
          %add3A_1478 = arith.addf %add3A_1398, %get3A_1477 : vector<16xf32>
          %mul3A_1479 = arith.constant 4 : i32
          %mul3A_1480 = arith.muli %scan3A_1280, %mul3A_1479 : i32
          %add3A_1481 = arith.constant 2 : i32
          %add3A_1482 = arith.addi %mul3A_1480, %add3A_1481 : i32
          %get3A_1483 = arith.constant 0 : i32
          %get3A_1484 = arith.index_cast %get3A_1483 : i32 to index
          %get3A_1485 = arith.index_cast %add3A_1482 : i32 to index
          %get3A_1486 = arith.constant 48 : index
          %get3A_1487 = tpu.vector_load %arg11[%get3A_1484, %get3A_1485, %get3A_1486] {strides = array<i32>} : memref<4x32x128xf32, #tpu.memory_space<vmem>>, vector<16xf32>,
          %add3A_1488 = arith.addf %add3A_1408, %get3A_1487 : vector<16xf32>
          %mul3A_1489 = arith.constant 4 : i32
          %mul3A_1490 = arith.muli %scan3A_1280, %mul3A_1489 : i32
          %add3A_1491 = arith.constant 2 : i32
          %add3A_1492 = arith.addi %mul3A_1490, %add3A_1491 : i32
          %get3A_1493 = arith.constant 0 : i32
          %get3A_1494 = arith.index_cast %get3A_1493 : i32 to index
          %get3A_1495 = arith.index_cast %add3A_1492 : i32 to index
          %get3A_1496 = arith.constant 64 : index
          %get3A_1497 = tpu.vector_load %arg11[%get3A_1494, %get3A_1495, %get3A_1496] {strides = array<i32>} : memref<4x32x128xf32, #tpu.memory_space<vmem>>, vector<16xf32>,
          %add3A_1498 = arith.addf %add3A_1418, %get3A_1497 : vector<16xf32>
          %mul3A_1499 = arith.constant 4 : i32
          %mul3A_1500 = arith.muli %scan3A_1280, %mul3A_1499 : i32
          %add3A_1501 = arith.constant 2 : i32
          %add3A_1502 = arith.addi %mul3A_1500, %add3A_1501 : i32
          %get3A_1503 = arith.constant 0 : i32
          %get3A_1504 = arith.index_cast %get3A_1503 : i32 to index
          %get3A_1505 = arith.index_cast %add3A_1502 : i32 to index
          %get3A_1506 = arith.constant 80 : index
          %get3A_1507 = tpu.vector_load %arg11[%get3A_1504, %get3A_1505, %get3A_1506] {strides = array<i32>} : memref<4x32x128xf32, #tpu.memory_space<vmem>>, vector<16xf32>,
          %add3A_1508 = arith.addf %add3A_1428, %get3A_1507 : vector<16xf32>
          %mul3A_1509 = arith.constant 4 : i32
          %mul3A_1510 = arith.muli %scan3A_1280, %mul3A_1509 : i32
          %add3A_1511 = arith.constant 2 : i32
          %add3A_1512 = arith.addi %mul3A_1510, %add3A_1511 : i32
          %get3A_1513 = arith.constant 0 : i32
          %get3A_1514 = arith.index_cast %get3A_1513 : i32 to index
          %get3A_1515 = arith.index_cast %add3A_1512 : i32 to index
          %get3A_1516 = arith.constant 96 : index
          %get3A_1517 = tpu.vector_load %arg11[%get3A_1514, %get3A_1515, %get3A_1516] {strides = array<i32>} : memref<4x32x128xf32, #tpu.memory_space<vmem>>, vector<16xf32>,
          %add3A_1518 = arith.addf %add3A_1438, %get3A_1517 : vector<16xf32>
          %mul3A_1519 = arith.constant 4 : i32
          %mul3A_1520 = arith.muli %scan3A_1280, %mul3A_1519 : i32
          %add3A_1521 = arith.constant 2 : i32
          %add3A_1522 = arith.addi %mul3A_1520, %add3A_1521 : i32
          %get3A_1523 = arith.constant 0 : i32
          %get3A_1524 = arith.index_cast %get3A_1523 : i32 to index
          %get3A_1525 = arith.index_cast %add3A_1522 : i32 to index
          %get3A_1526 = arith.constant 112 : index
          %get3A_1527 = tpu.vector_load %arg11[%get3A_1524, %get3A_1525, %get3A_1526] {strides = array<i32>} : memref<4x32x128xf32, #tpu.memory_space<vmem>>, vector<16xf32>,
          %add3A_1528 = arith.addf %add3A_1448, %get3A_1527 : vector<16xf32>
          %mul3A_1529 = arith.constant 4 : i32
          %mul3A_1530 = arith.muli %scan3A_1280, %mul3A_1529 : i32
          %add3A_1531 = arith.constant 3 : i32
          %add3A_1532 = arith.addi %mul3A_1530, %add3A_1531 : i32
          %get3A_1533 = arith.constant 0 : i32
          %get3A_1534 = arith.index_cast %get3A_1533 : i32 to index
          %get3A_1535 = arith.index_cast %add3A_1532 : i32 to index
          %get3A_1536 = arith.constant 0 : index
          %get3A_1537 = tpu.vector_load %arg11[%get3A_1534, %get3A_1535, %get3A_1536] {strides = array<i32>} : memref<4x32x128xf32, #tpu.memory_space<vmem>>, vector<16xf32>,
          %add3A_1538 = arith.addf %add3A_1458, %get3A_1537 : vector<16xf32>
          %mul3A_1539 = arith.constant 4 : i32
          %mul3A_1540 = arith.muli %scan3A_1280, %mul3A_1539 : i32
          %add3A_1541 = arith.constant 3 : i32
          %add3A_1542 = arith.addi %mul3A_1540, %add3A_1541 : i32
          %get3A_1543 = arith.constant 0 : i32
          %get3A_1544 = arith.index_cast %get3A_1543 : i32 to index
          %get3A_1545 = arith.index_cast %add3A_1542 : i32 to index
          %get3A_1546 = arith.constant 16 : index
          %get3A_1547 = tpu.vector_load %arg11[%get3A_1544, %get3A_1545, %get3A_1546] {strides = array<i32>} : memref<4x32x128xf32, #tpu.memory_space<vmem>>, vector<16xf32>,
          %add3A_1548 = arith.addf %add3A_1468, %get3A_1547 : vector<16xf32>
          %mul3A_1549 = arith.constant 4 : i32
          %mul3A_1550 = arith.muli %scan3A_1280, %mul3A_1549 : i32
          %add3A_1551 = arith.constant 3 : i32
          %add3A_1552 = arith.addi %mul3A_1550, %add3A_1551 : i32
          %get3A_1553 = arith.constant 0 : i32
          %get3A_1554 = arith.index_cast %get3A_1553 : i32 to index
          %get3A_1555 = arith.index_cast %add3A_1552 : i32 to index
          %get3A_1556 = arith.constant 32 : index
          %get3A_1557 = tpu.vector_load %arg11[%get3A_1554, %get3A_1555, %get3A_1556] {strides = array<i32>} : memref<4x32x128xf32, #tpu.memory_space<vmem>>, vector<16xf32>,
          %add3A_1558 = arith.addf %add3A_1478, %get3A_1557 : vector<16xf32>
          %mul3A_1559 = arith.constant 4 : i32
          %mul3A_1560 = arith.muli %scan3A_1280, %mul3A_1559 : i32
          %add3A_1561 = arith.constant 3 : i32
          %add3A_1562 = arith.addi %mul3A_1560, %add3A_1561 : i32
          %get3A_1563 = arith.constant 0 : i32
          %get3A_1564 = arith.index_cast %get3A_1563 : i32 to index
          %get3A_1565 = arith.index_cast %add3A_1562 : i32 to index
          %get3A_1566 = arith.constant 48 : index
          %get3A_1567 = tpu.vector_load %arg11[%get3A_1564, %get3A_1565, %get3A_1566] {strides = array<i32>} : memref<4x32x128xf32, #tpu.memory_space<vmem>>, vector<16xf32>,
          %add3A_1568 = arith.addf %add3A_1488, %get3A_1567 : vector<16xf32>
          %mul3A_1569 = arith.constant 4 : i32
          %mul3A_1570 = arith.muli %scan3A_1280, %mul3A_1569 : i32
          %add3A_1571 = arith.constant 3 : i32
          %add3A_1572 = arith.addi %mul3A_1570, %add3A_1571 : i32
          %get3A_1573 = arith.constant 0 : i32
          %get3A_1574 = arith.index_cast %get3A_1573 : i32 to index
          %get3A_1575 = arith.index_cast %add3A_1572 : i32 to index
          %get3A_1576 = arith.constant 64 : index
          %get3A_1577 = tpu.vector_load %arg11[%get3A_1574, %get3A_1575, %get3A_1576] {strides = array<i32>} : memref<4x32x128xf32, #tpu.memory_space<vmem>>, vector<16xf32>,
          %add3A_1578 = arith.addf %add3A_1498, %get3A_1577 : vector<16xf32>
          %mul3A_1579 = arith.constant 4 : i32
          %mul3A_1580 = arith.muli %scan3A_1280, %mul3A_1579 : i32
          %add3A_1581 = arith.constant 3 : i32
          %add3A_1582 = arith.addi %mul3A_1580, %add3A_1581 : i32
          %get3A_1583 = arith.constant 0 : i32
          %get3A_1584 = arith.index_cast %get3A_1583 : i32 to index
          %get3A_1585 = arith.index_cast %add3A_1582 : i32 to index
          %get3A_1586 = arith.constant 80 : index
          %get3A_1587 = tpu.vector_load %arg11[%get3A_1584, %get3A_1585, %get3A_1586] {strides = array<i32>} : memref<4x32x128xf32, #tpu.memory_space<vmem>>, vector<16xf32>,
          %add3A_1588 = arith.addf %add3A_1508, %get3A_1587 : vector<16xf32>
          %mul3A_1589 = arith.constant 4 : i32
          %mul3A_1590 = arith.muli %scan3A_1280, %mul3A_1589 : i32
          %add3A_1591 = arith.constant 3 : i32
          %add3A_1592 = arith.addi %mul3A_1590, %add3A_1591 : i32
          %get3A_1593 = arith.constant 0 : i32
          %get3A_1594 = arith.index_cast %get3A_1593 : i32 to index
          %get3A_1595 = arith.index_cast %add3A_1592 : i32 to index
          %get3A_1596 = arith.constant 96 : index
          %get3A_1597 = tpu.vector_load %arg11[%get3A_1594, %get3A_1595, %get3A_1596] {strides = array<i32>} : memref<4x32x128xf32, #tpu.memory_space<vmem>>, vector<16xf32>,
          %add3A_1598 = arith.addf %add3A_1518, %get3A_1597 : vector<16xf32>
          %mul3A_1599 = arith.constant 4 : i32
          %mul3A_1600 = arith.muli %scan3A_1280, %mul3A_1599 : i32
          %add3A_1601 = arith.constant 3 : i32
          %add3A_1602 = arith.addi %mul3A_1600, %add3A_1601 : i32
          %get3A_1603 = arith.constant 0 : i32
          %get3A_1604 = arith.index_cast %get3A_1603 : i32 to index
          %get3A_1605 = arith.index_cast %add3A_1602 : i32 to index
          %get3A_1606 = arith.constant 112 : index
          %get3A_1607 = tpu.vector_load %arg11[%get3A_1604, %get3A_1605, %get3A_1606] {strides = array<i32>} : memref<4x32x128xf32, #tpu.memory_space<vmem>>, vector<16xf32>,
          %add3A_1608 = arith.addf %add3A_1528, %get3A_1607 : vector<16xf32>
          scf.yield %add3A_1538, %add3A_1548, %add3A_1558, %add3A_1568, %add3A_1578, %add3A_1588, %add3A_1598, %add3A_1608 : vector<16xf32>, vector<16xf32>, vector<16xf32>, vector<16xf32>, vector<16xf32>, vector<16xf32>, vector<16xf32>, vector<16xf32>
        }
        %scan3A_762 = arith.constant 8 : i32
        %add3A_763 = arith.constant 4 : i32
        %add3A_764 = arith.addi %add3A_729, %add3A_763 : i32
        %lt3A_765 = arith.constant 256 : i32
        %lt3A_766 = arith.cmpi slt, %add3A_764, %lt3A_765 : i32
        %convert_element_type3A_767 = arith.extui %lt3A_766 : i1 to i32
        %cond3A_768 = arith.constant 0 : i32
        %cond3A_769 = arith.cmpi ne, %convert_element_type3A_767, %cond3A_768 : i32
        scf.if %cond3A_769 {
          %mul3A_1280 = arith.constant 32 : i32
          %mul3A_1281 = arith.muli %add3A_764, %mul3A_1280 : i32
          %dma_start3A_1282 = arith.constant 0 : i32
          %dma_start3A_1283 = arith.constant 0 : i32
          %dma_start3A_1284 = arith.constant 0 : i32
          %dma_start3A_1285 = tpu.memref_slice %arg11[%dma_start3A_1282, %dma_start3A_1283, %dma_start3A_1284] : memref<4x32x128xf32, #tpu.memory_space<vmem>> -> memref<1x32x128xf32, #tpu.memory_space<vmem>>
          %dma_start3A_1286 = tpu.memref_squeeze %dma_start3A_1285 : memref<1x32x128xf32, #tpu.memory_space<vmem>> -> memref<32x128xf32, #tpu.memory_space<vmem>>
          %dma_start3A_1287 = tpu.memref_slice %arg9[%mul3A_1281] : memref<8192xi32, #tpu.memory_space<vmem>> -> memref<32xi32, #tpu.memory_space<vmem>>
          %dma_start3A_1288 = arith.constant 0 : i32
          %dma_start3A_1289 = arith.constant 0 : i32
          %dma_start3A_1290 = tpu.memref_slice %arg15[%dma_start3A_1288, %dma_start3A_1289] : memref<10000x128xf32, #tpu.memory_space<vmem_shared>> -> memref<10000x128xf32, #tpu.memory_space<vmem_shared>>
          tpu.enqueue_indirect_dma source(%dma_start3A_1290 : memref<10000x128xf32, #tpu.memory_space<vmem_shared>>) target(%dma_start3A_1286 : memref<32x128xf32, #tpu.memory_space<vmem>>) offsets(%dma_start3A_1287 : memref<32xi32, #tpu.memory_space<vmem>>) semaphore(%arg19 : memref<!tpu.dma_semaphore, #tpu.memory_space<semaphore_mem>>)
        } else {
        }
        %get3A_770 = arith.constant 1 : i32
        %get3A_771 = arith.index_cast %get3A_770 : i32 to index
        %get3A_772 = arith.index_cast %add3A_726 : i32 to index
        %get3A_773 = arith.constant 0 : index
        %get3A_774 = tpu.vector_load %arg10[%get3A_771, %get3A_772, %get3A_773] {strides = array<i32>} : memref<2x32x128xf32, #tpu.memory_space<vmem>>, vector<16xf32>,
        %add3A_775 = arith.addf %scan3A_761#0, %get3A_774 : vector<16xf32>
        %max3A = arith.constant 0.000000e+00 : f32
        %max3A_776 = vector.broadcast %max3A : f32 to vector<16xf32>
        %max3A_777 = arith.maximumf %add3A_775, %max3A_776 : vector<16xf32>
        %mul3A_778 = arith.mulf %max3A_777, %get3A_77 : vector<16xf32>
        %get3A_779 = arith.constant 1 : i32
        %get3A_780 = arith.index_cast %get3A_779 : i32 to index
        %get3A_781 = arith.index_cast %add3A_726 : i32 to index
        %get3A_782 = arith.constant 16 : index
        %get3A_783 = tpu.vector_load %arg10[%get3A_780, %get3A_781, %get3A_782] {strides = array<i32>} : memref<2x32x128xf32, #tpu.memory_space<vmem>>, vector<16xf32>,
        %add3A_784 = arith.addf %scan3A_761#1, %get3A_783 : vector<16xf32>
        %max3A_785 = arith.constant 0.000000e+00 : f32
        %max3A_786 = vector.broadcast %max3A_785 : f32 to vector<16xf32>
        %max3A_787 = arith.maximumf %add3A_784, %max3A_786 : vector<16xf32>
        %mul3A_788 = arith.mulf %max3A_787, %get3A_79 : vector<16xf32>
        %add3A_789 = arith.addf %mul3A_778, %mul3A_788 : vector<16xf32>
        %get3A_790 = arith.constant 1 : i32
        %get3A_791 = arith.index_cast %get3A_790 : i32 to index
        %get3A_792 = arith.index_cast %add3A_726 : i32 to index
        %get3A_793 = arith.constant 32 : index
        %get3A_794 = tpu.vector_load %arg10[%get3A_791, %get3A_792, %get3A_793] {strides = array<i32>} : memref<2x32x128xf32, #tpu.memory_space<vmem>>, vector<16xf32>,
        %add3A_795 = arith.addf %scan3A_761#2, %get3A_794 : vector<16xf32>
        %max3A_796 = arith.constant 0.000000e+00 : f32
        %max3A_797 = vector.broadcast %max3A_796 : f32 to vector<16xf32>
        %max3A_798 = arith.maximumf %add3A_795, %max3A_797 : vector<16xf32>
        %mul3A_799 = arith.mulf %max3A_798, %get3A_81 : vector<16xf32>
        %add3A_800 = arith.addf %add3A_789, %mul3A_799 : vector<16xf32>
        %get3A_801 = arith.constant 1 : i32
        %get3A_802 = arith.index_cast %get3A_801 : i32 to index
        %get3A_803 = arith.index_cast %add3A_726 : i32 to index
        %get3A_804 = arith.constant 48 : index
        %get3A_805 = tpu.vector_load %arg10[%get3A_802, %get3A_803, %get3A_804] {strides = array<i32>} : memref<2x32x128xf32, #tpu.memory_space<vmem>>, vector<16xf32>,
        %add3A_806 = arith.addf %scan3A_761#3, %get3A_805 : vector<16xf32>
        %max3A_807 = arith.constant 0.000000e+00 : f32
        %max3A_808 = vector.broadcast %max3A_807 : f32 to vector<16xf32>
        %max3A_809 = arith.maximumf %add3A_806, %max3A_808 : vector<16xf32>
        %mul3A_810 = arith.mulf %max3A_809, %get3A_83 : vector<16xf32>
        %add3A_811 = arith.addf %add3A_800, %mul3A_810 : vector<16xf32>
        %get3A_812 = arith.constant 1 : i32
        %get3A_813 = arith.index_cast %get3A_812 : i32 to index
        %get3A_814 = arith.index_cast %add3A_726 : i32 to index
        %get3A_815 = arith.constant 64 : index
        %get3A_816 = tpu.vector_load %arg10[%get3A_813, %get3A_814, %get3A_815] {strides = array<i32>} : memref<2x32x128xf32, #tpu.memory_space<vmem>>, vector<16xf32>,
        %add3A_817 = arith.addf %scan3A_761#4, %get3A_816 : vector<16xf32>
        %max3A_818 = arith.constant 0.000000e+00 : f32
        %max3A_819 = vector.broadcast %max3A_818 : f32 to vector<16xf32>
        %max3A_820 = arith.maximumf %add3A_817, %max3A_819 : vector<16xf32>
        %mul3A_821 = arith.mulf %max3A_820, %get3A_85 : vector<16xf32>
        %add3A_822 = arith.addf %add3A_811, %mul3A_821 : vector<16xf32>
        %get3A_823 = arith.constant 1 : i32
        %get3A_824 = arith.index_cast %get3A_823 : i32 to index
        %get3A_825 = arith.index_cast %add3A_726 : i32 to index
        %get3A_826 = arith.constant 80 : index
        %get3A_827 = tpu.vector_load %arg10[%get3A_824, %get3A_825, %get3A_826] {strides = array<i32>} : memref<2x32x128xf32, #tpu.memory_space<vmem>>, vector<16xf32>,
        %add3A_828 = arith.addf %scan3A_761#5, %get3A_827 : vector<16xf32>
        %max3A_829 = arith.constant 0.000000e+00 : f32
        %max3A_830 = vector.broadcast %max3A_829 : f32 to vector<16xf32>
        %max3A_831 = arith.maximumf %add3A_828, %max3A_830 : vector<16xf32>
        %mul3A_832 = arith.mulf %max3A_831, %get3A_87 : vector<16xf32>
        %add3A_833 = arith.addf %add3A_822, %mul3A_832 : vector<16xf32>
        %get3A_834 = arith.constant 1 : i32
        %get3A_835 = arith.index_cast %get3A_834 : i32 to index
        %get3A_836 = arith.index_cast %add3A_726 : i32 to index
        %get3A_837 = arith.constant 96 : index
        %get3A_838 = tpu.vector_load %arg10[%get3A_835, %get3A_836, %get3A_837] {strides = array<i32>} : memref<2x32x128xf32, #tpu.memory_space<vmem>>, vector<16xf32>,
        %add3A_839 = arith.addf %scan3A_761#6, %get3A_838 : vector<16xf32>
        %max3A_840 = arith.constant 0.000000e+00 : f32
        %max3A_841 = vector.broadcast %max3A_840 : f32 to vector<16xf32>
        %max3A_842 = arith.maximumf %add3A_839, %max3A_841 : vector<16xf32>
        %mul3A_843 = arith.mulf %max3A_842, %get3A_89 : vector<16xf32>
        %add3A_844 = arith.addf %add3A_833, %mul3A_843 : vector<16xf32>
        %get3A_845 = arith.constant 1 : i32
        %get3A_846 = arith.index_cast %get3A_845 : i32 to index
        %get3A_847 = arith.index_cast %add3A_726 : i32 to index
        %get3A_848 = arith.constant 112 : index
        %get3A_849 = tpu.vector_load %arg10[%get3A_846, %get3A_847, %get3A_848] {strides = array<i32>} : memref<2x32x128xf32, #tpu.memory_space<vmem>>, vector<16xf32>,
        %add3A_850 = arith.addf %scan3A_761#7, %get3A_849 : vector<16xf32>
        %max3A_851 = arith.constant 0.000000e+00 : f32
        %max3A_852 = vector.broadcast %max3A_851 : f32 to vector<16xf32>
        %max3A_853 = arith.maximumf %add3A_850, %max3A_852 : vector<16xf32>
        %mul3A_854 = arith.mulf %max3A_853, %get3A_91 : vector<16xf32>
        %add3A_855 = arith.addf %add3A_844, %mul3A_854 : vector<16xf32>
        %mul3A_856 = arith.constant 4 : i32
        %mul3A_857 = arith.muli %scan3A_722, %mul3A_856 : i32
        %add3A_858 = arith.constant 1 : i32
        %add3A_859 = arith.addi %mul3A_857, %add3A_858 : i32
        %mul3A_860 = arith.constant 32 : i32
        %mul3A_861 = arith.muli %add3A_698, %mul3A_860 : i32
        %add3A_862 = arith.addi %mul3A_861, %add3A_859 : i32
        %mul3A_863 = arith.constant 32 : i32
        %mul3A_864 = arith.muli %add3A_862, %mul3A_863 : i32
        %dma_wait3A_865 = arith.constant 1 : i32
        %dma_wait3A_866 = arith.constant 0 : i32
        %dma_wait3A_867 = arith.constant 0 : i32
        %dma_wait3A_868 = tpu.memref_slice %arg11[%dma_wait3A_865, %dma_wait3A_866, %dma_wait3A_867] : memref<4x32x128xf32, #tpu.memory_space<vmem>> -> memref<1x32x128xf32, #tpu.memory_space<vmem>>
        %dma_wait3A_869 = tpu.memref_squeeze %dma_wait3A_868 : memref<1x32x128xf32, #tpu.memory_space<vmem>> -> memref<32x128xf32, #tpu.memory_space<vmem>>
        %dma_wait3A_870 = tpu.memref_slice %arg9[%mul3A_864] : memref<8192xi32, #tpu.memory_space<vmem>> -> memref<32xi32, #tpu.memory_space<vmem>>
        %dma_wait3A_871 = arith.constant 0 : i32
        %dma_wait3A_872 = arith.constant 0 : i32
        %dma_wait3A_873 = tpu.memref_slice %arg15[%dma_wait3A_871, %dma_wait3A_872] : memref<10000x128xf32, #tpu.memory_space<vmem_shared>> -> memref<10000x128xf32, #tpu.memory_space<vmem_shared>>
        tpu.wait_indirect_dma semaphore(%arg20 : memref<!tpu.dma_semaphore, #tpu.memory_space<semaphore_mem>>) src(%dma_wait3A_873 : memref<10000x128xf32, #tpu.memory_space<vmem_shared>>) dst(%dma_wait3A_869 : memref<32x128xf32, #tpu.memory_space<vmem>>)
        %broadcast_in_dim3A_874 = arith.constant 0.000000e+00 : f32
        %broadcast_in_dim3A_875 = vector.broadcast %broadcast_in_dim3A_874 : f32 to vector<16xf32>
        %broadcast_in_dim3A_876 = arith.constant 0.000000e+00 : f32
        %broadcast_in_dim3A_877 = vector.broadcast %broadcast_in_dim3A_876 : f32 to vector<16xf32>
        %broadcast_in_dim3A_878 = arith.constant 0.000000e+00 : f32
        %broadcast_in_dim3A_879 = vector.broadcast %broadcast_in_dim3A_878 : f32 to vector<16xf32>
        %broadcast_in_dim3A_880 = arith.constant 0.000000e+00 : f32
        %broadcast_in_dim3A_881 = vector.broadcast %broadcast_in_dim3A_880 : f32 to vector<16xf32>
        %broadcast_in_dim3A_882 = arith.constant 0.000000e+00 : f32
        %broadcast_in_dim3A_883 = vector.broadcast %broadcast_in_dim3A_882 : f32 to vector<16xf32>
        %broadcast_in_dim3A_884 = arith.constant 0.000000e+00 : f32
        %broadcast_in_dim3A_885 = vector.broadcast %broadcast_in_dim3A_884 : f32 to vector<16xf32>
        %broadcast_in_dim3A_886 = arith.constant 0.000000e+00 : f32
        %broadcast_in_dim3A_887 = vector.broadcast %broadcast_in_dim3A_886 : f32 to vector<16xf32>
        %broadcast_in_dim3A_888 = arith.constant 0.000000e+00 : f32
        %broadcast_in_dim3A_889 = vector.broadcast %broadcast_in_dim3A_888 : f32 to vector<16xf32>
        %scan3A_890 = arith.constant 0 : i32
        %scan3A_891 = arith.constant 8 : i32
        %scan3A_892 = arith.addi %scan3A_890, %scan3A_891 : i32
        %scan3A_893 = arith.constant 1 : i32
        %scan3A_894:8 = scf.for %scan3A_1280 = %scan3A_890 to %scan3A_892 step %scan3A_893 iter_args(%scan3A_1281 = %broadcast_in_dim3A_875, %scan3A_1282 = %broadcast_in_dim3A_877, %scan3A_1283 = %broadcast_in_dim3A_879, %scan3A_1284 = %broadcast_in_dim3A_881, %scan3A_1285 = %broadcast_in_dim3A_883, %scan3A_1286 = %broadcast_in_dim3A_885, %scan3A_1287 = %broadcast_in_dim3A_887, %scan3A_1288 = %broadcast_in_dim3A_889) -> (vector<16xf32>, vector<16xf32>, vector<16xf32>, vector<16xf32>, vector<16xf32>, vector<16xf32>, vector<16xf32>, vector<16xf32>)  : i32 {
          %mul3A_1289 = arith.constant 4 : i32
          %mul3A_1290 = arith.muli %scan3A_1280, %mul3A_1289 : i32
          %add3A_1291 = arith.constant 0 : i32
          %add3A_1292 = arith.addi %mul3A_1290, %add3A_1291 : i32
          %get3A_1293 = arith.constant 1 : i32
          %get3A_1294 = arith.index_cast %get3A_1293 : i32 to index
          %get3A_1295 = arith.index_cast %add3A_1292 : i32 to index
          %get3A_1296 = arith.constant 0 : index
          %get3A_1297 = tpu.vector_load %arg11[%get3A_1294, %get3A_1295, %get3A_1296] {strides = array<i32>} : memref<4x32x128xf32, #tpu.memory_space<vmem>>, vector<16xf32>,
          %add3A_1298 = arith.addf %scan3A_1281, %get3A_1297 : vector<16xf32>
          %mul3A_1299 = arith.constant 4 : i32
          %mul3A_1300 = arith.muli %scan3A_1280, %mul3A_1299 : i32
          %add3A_1301 = arith.constant 0 : i32
          %add3A_1302 = arith.addi %mul3A_1300, %add3A_1301 : i32
          %get3A_1303 = arith.constant 1 : i32
          %get3A_1304 = arith.index_cast %get3A_1303 : i32 to index
          %get3A_1305 = arith.index_cast %add3A_1302 : i32 to index
          %get3A_1306 = arith.constant 16 : index
          %get3A_1307 = tpu.vector_load %arg11[%get3A_1304, %get3A_1305, %get3A_1306] {strides = array<i32>} : memref<4x32x128xf32, #tpu.memory_space<vmem>>, vector<16xf32>,
          %add3A_1308 = arith.addf %scan3A_1282, %get3A_1307 : vector<16xf32>
          %mul3A_1309 = arith.constant 4 : i32
          %mul3A_1310 = arith.muli %scan3A_1280, %mul3A_1309 : i32
          %add3A_1311 = arith.constant 0 : i32
          %add3A_1312 = arith.addi %mul3A_1310, %add3A_1311 : i32
          %get3A_1313 = arith.constant 1 : i32
          %get3A_1314 = arith.index_cast %get3A_1313 : i32 to index
          %get3A_1315 = arith.index_cast %add3A_1312 : i32 to index
          %get3A_1316 = arith.constant 32 : index
          %get3A_1317 = tpu.vector_load %arg11[%get3A_1314, %get3A_1315, %get3A_1316] {strides = array<i32>} : memref<4x32x128xf32, #tpu.memory_space<vmem>>, vector<16xf32>,
          %add3A_1318 = arith.addf %scan3A_1283, %get3A_1317 : vector<16xf32>
          %mul3A_1319 = arith.constant 4 : i32
          %mul3A_1320 = arith.muli %scan3A_1280, %mul3A_1319 : i32
          %add3A_1321 = arith.constant 0 : i32
          %add3A_1322 = arith.addi %mul3A_1320, %add3A_1321 : i32
          %get3A_1323 = arith.constant 1 : i32
          %get3A_1324 = arith.index_cast %get3A_1323 : i32 to index
          %get3A_1325 = arith.index_cast %add3A_1322 : i32 to index
          %get3A_1326 = arith.constant 48 : index
          %get3A_1327 = tpu.vector_load %arg11[%get3A_1324, %get3A_1325, %get3A_1326] {strides = array<i32>} : memref<4x32x128xf32, #tpu.memory_space<vmem>>, vector<16xf32>,
          %add3A_1328 = arith.addf %scan3A_1284, %get3A_1327 : vector<16xf32>
          %mul3A_1329 = arith.constant 4 : i32
          %mul3A_1330 = arith.muli %scan3A_1280, %mul3A_1329 : i32
          %add3A_1331 = arith.constant 0 : i32
          %add3A_1332 = arith.addi %mul3A_1330, %add3A_1331 : i32
          %get3A_1333 = arith.constant 1 : i32
          %get3A_1334 = arith.index_cast %get3A_1333 : i32 to index
          %get3A_1335 = arith.index_cast %add3A_1332 : i32 to index
          %get3A_1336 = arith.constant 64 : index
          %get3A_1337 = tpu.vector_load %arg11[%get3A_1334, %get3A_1335, %get3A_1336] {strides = array<i32>} : memref<4x32x128xf32, #tpu.memory_space<vmem>>, vector<16xf32>,
          %add3A_1338 = arith.addf %scan3A_1285, %get3A_1337 : vector<16xf32>
          %mul3A_1339 = arith.constant 4 : i32
          %mul3A_1340 = arith.muli %scan3A_1280, %mul3A_1339 : i32
          %add3A_1341 = arith.constant 0 : i32
          %add3A_1342 = arith.addi %mul3A_1340, %add3A_1341 : i32
          %get3A_1343 = arith.constant 1 : i32
          %get3A_1344 = arith.index_cast %get3A_1343 : i32 to index
          %get3A_1345 = arith.index_cast %add3A_1342 : i32 to index
          %get3A_1346 = arith.constant 80 : index
          %get3A_1347 = tpu.vector_load %arg11[%get3A_1344, %get3A_1345, %get3A_1346] {strides = array<i32>} : memref<4x32x128xf32, #tpu.memory_space<vmem>>, vector<16xf32>,
          %add3A_1348 = arith.addf %scan3A_1286, %get3A_1347 : vector<16xf32>
          %mul3A_1349 = arith.constant 4 : i32
          %mul3A_1350 = arith.muli %scan3A_1280, %mul3A_1349 : i32
          %add3A_1351 = arith.constant 0 : i32
          %add3A_1352 = arith.addi %mul3A_1350, %add3A_1351 : i32
          %get3A_1353 = arith.constant 1 : i32
          %get3A_1354 = arith.index_cast %get3A_1353 : i32 to index
          %get3A_1355 = arith.index_cast %add3A_1352 : i32 to index
          %get3A_1356 = arith.constant 96 : index
          %get3A_1357 = tpu.vector_load %arg11[%get3A_1354, %get3A_1355, %get3A_1356] {strides = array<i32>} : memref<4x32x128xf32, #tpu.memory_space<vmem>>, vector<16xf32>,
          %add3A_1358 = arith.addf %scan3A_1287, %get3A_1357 : vector<16xf32>
          %mul3A_1359 = arith.constant 4 : i32
          %mul3A_1360 = arith.muli %scan3A_1280, %mul3A_1359 : i32
          %add3A_1361 = arith.constant 0 : i32
          %add3A_1362 = arith.addi %mul3A_1360, %add3A_1361 : i32
          %get3A_1363 = arith.constant 1 : i32
          %get3A_1364 = arith.index_cast %get3A_1363 : i32 to index
          %get3A_1365 = arith.index_cast %add3A_1362 : i32 to index
          %get3A_1366 = arith.constant 112 : index
          %get3A_1367 = tpu.vector_load %arg11[%get3A_1364, %get3A_1365, %get3A_1366] {strides = array<i32>} : memref<4x32x128xf32, #tpu.memory_space<vmem>>, vector<16xf32>,
          %add3A_1368 = arith.addf %scan3A_1288, %get3A_1367 : vector<16xf32>
          %mul3A_1369 = arith.constant 4 : i32
          %mul3A_1370 = arith.muli %scan3A_1280, %mul3A_1369 : i32
          %add3A_1371 = arith.constant 1 : i32
          %add3A_1372 = arith.addi %mul3A_1370, %add3A_1371 : i32
          %get3A_1373 = arith.constant 1 : i32
          %get3A_1374 = arith.index_cast %get3A_1373 : i32 to index
          %get3A_1375 = arith.index_cast %add3A_1372 : i32 to index
          %get3A_1376 = arith.constant 0 : index
          %get3A_1377 = tpu.vector_load %arg11[%get3A_1374, %get3A_1375, %get3A_1376] {strides = array<i32>} : memref<4x32x128xf32, #tpu.memory_space<vmem>>, vector<16xf32>,
          %add3A_1378 = arith.addf %add3A_1298, %get3A_1377 : vector<16xf32>
          %mul3A_1379 = arith.constant 4 : i32
          %mul3A_1380 = arith.muli %scan3A_1280, %mul3A_1379 : i32
          %add3A_1381 = arith.constant 1 : i32
          %add3A_1382 = arith.addi %mul3A_1380, %add3A_1381 : i32
          %get3A_1383 = arith.constant 1 : i32
          %get3A_1384 = arith.index_cast %get3A_1383 : i32 to index
          %get3A_1385 = arith.index_cast %add3A_1382 : i32 to index
          %get3A_1386 = arith.constant 16 : index
          %get3A_1387 = tpu.vector_load %arg11[%get3A_1384, %get3A_1385, %get3A_1386] {strides = array<i32>} : memref<4x32x128xf32, #tpu.memory_space<vmem>>, vector<16xf32>,
          %add3A_1388 = arith.addf %add3A_1308, %get3A_1387 : vector<16xf32>
          %mul3A_1389 = arith.constant 4 : i32
          %mul3A_1390 = arith.muli %scan3A_1280, %mul3A_1389 : i32
          %add3A_1391 = arith.constant 1 : i32
          %add3A_1392 = arith.addi %mul3A_1390, %add3A_1391 : i32
          %get3A_1393 = arith.constant 1 : i32
          %get3A_1394 = arith.index_cast %get3A_1393 : i32 to index
          %get3A_1395 = arith.index_cast %add3A_1392 : i32 to index
          %get3A_1396 = arith.constant 32 : index
          %get3A_1397 = tpu.vector_load %arg11[%get3A_1394, %get3A_1395, %get3A_1396] {strides = array<i32>} : memref<4x32x128xf32, #tpu.memory_space<vmem>>, vector<16xf32>,
          %add3A_1398 = arith.addf %add3A_1318, %get3A_1397 : vector<16xf32>
          %mul3A_1399 = arith.constant 4 : i32
          %mul3A_1400 = arith.muli %scan3A_1280, %mul3A_1399 : i32
          %add3A_1401 = arith.constant 1 : i32
          %add3A_1402 = arith.addi %mul3A_1400, %add3A_1401 : i32
          %get3A_1403 = arith.constant 1 : i32
          %get3A_1404 = arith.index_cast %get3A_1403 : i32 to index
          %get3A_1405 = arith.index_cast %add3A_1402 : i32 to index
          %get3A_1406 = arith.constant 48 : index
          %get3A_1407 = tpu.vector_load %arg11[%get3A_1404, %get3A_1405, %get3A_1406] {strides = array<i32>} : memref<4x32x128xf32, #tpu.memory_space<vmem>>, vector<16xf32>,
          %add3A_1408 = arith.addf %add3A_1328, %get3A_1407 : vector<16xf32>
          %mul3A_1409 = arith.constant 4 : i32
          %mul3A_1410 = arith.muli %scan3A_1280, %mul3A_1409 : i32
          %add3A_1411 = arith.constant 1 : i32
          %add3A_1412 = arith.addi %mul3A_1410, %add3A_1411 : i32
          %get3A_1413 = arith.constant 1 : i32
          %get3A_1414 = arith.index_cast %get3A_1413 : i32 to index
          %get3A_1415 = arith.index_cast %add3A_1412 : i32 to index
          %get3A_1416 = arith.constant 64 : index
          %get3A_1417 = tpu.vector_load %arg11[%get3A_1414, %get3A_1415, %get3A_1416] {strides = array<i32>} : memref<4x32x128xf32, #tpu.memory_space<vmem>>, vector<16xf32>,
          %add3A_1418 = arith.addf %add3A_1338, %get3A_1417 : vector<16xf32>
          %mul3A_1419 = arith.constant 4 : i32
          %mul3A_1420 = arith.muli %scan3A_1280, %mul3A_1419 : i32
          %add3A_1421 = arith.constant 1 : i32
          %add3A_1422 = arith.addi %mul3A_1420, %add3A_1421 : i32
          %get3A_1423 = arith.constant 1 : i32
          %get3A_1424 = arith.index_cast %get3A_1423 : i32 to index
          %get3A_1425 = arith.index_cast %add3A_1422 : i32 to index
          %get3A_1426 = arith.constant 80 : index
          %get3A_1427 = tpu.vector_load %arg11[%get3A_1424, %get3A_1425, %get3A_1426] {strides = array<i32>} : memref<4x32x128xf32, #tpu.memory_space<vmem>>, vector<16xf32>,
          %add3A_1428 = arith.addf %add3A_1348, %get3A_1427 : vector<16xf32>
          %mul3A_1429 = arith.constant 4 : i32
          %mul3A_1430 = arith.muli %scan3A_1280, %mul3A_1429 : i32
          %add3A_1431 = arith.constant 1 : i32
          %add3A_1432 = arith.addi %mul3A_1430, %add3A_1431 : i32
          %get3A_1433 = arith.constant 1 : i32
          %get3A_1434 = arith.index_cast %get3A_1433 : i32 to index
          %get3A_1435 = arith.index_cast %add3A_1432 : i32 to index
          %get3A_1436 = arith.constant 96 : index
          %get3A_1437 = tpu.vector_load %arg11[%get3A_1434, %get3A_1435, %get3A_1436] {strides = array<i32>} : memref<4x32x128xf32, #tpu.memory_space<vmem>>, vector<16xf32>,
          %add3A_1438 = arith.addf %add3A_1358, %get3A_1437 : vector<16xf32>
          %mul3A_1439 = arith.constant 4 : i32
          %mul3A_1440 = arith.muli %scan3A_1280, %mul3A_1439 : i32
          %add3A_1441 = arith.constant 1 : i32
          %add3A_1442 = arith.addi %mul3A_1440, %add3A_1441 : i32
          %get3A_1443 = arith.constant 1 : i32
          %get3A_1444 = arith.index_cast %get3A_1443 : i32 to index
          %get3A_1445 = arith.index_cast %add3A_1442 : i32 to index
          %get3A_1446 = arith.constant 112 : index
          %get3A_1447 = tpu.vector_load %arg11[%get3A_1444, %get3A_1445, %get3A_1446] {strides = array<i32>} : memref<4x32x128xf32, #tpu.memory_space<vmem>>, vector<16xf32>,
          %add3A_1448 = arith.addf %add3A_1368, %get3A_1447 : vector<16xf32>
          %mul3A_1449 = arith.constant 4 : i32
          %mul3A_1450 = arith.muli %scan3A_1280, %mul3A_1449 : i32
          %add3A_1451 = arith.constant 2 : i32
          %add3A_1452 = arith.addi %mul3A_1450, %add3A_1451 : i32
          %get3A_1453 = arith.constant 1 : i32
          %get3A_1454 = arith.index_cast %get3A_1453 : i32 to index
          %get3A_1455 = arith.index_cast %add3A_1452 : i32 to index
          %get3A_1456 = arith.constant 0 : index
          %get3A_1457 = tpu.vector_load %arg11[%get3A_1454, %get3A_1455, %get3A_1456] {strides = array<i32>} : memref<4x32x128xf32, #tpu.memory_space<vmem>>, vector<16xf32>,
          %add3A_1458 = arith.addf %add3A_1378, %get3A_1457 : vector<16xf32>
          %mul3A_1459 = arith.constant 4 : i32
          %mul3A_1460 = arith.muli %scan3A_1280, %mul3A_1459 : i32
          %add3A_1461 = arith.constant 2 : i32
          %add3A_1462 = arith.addi %mul3A_1460, %add3A_1461 : i32
          %get3A_1463 = arith.constant 1 : i32
          %get3A_1464 = arith.index_cast %get3A_1463 : i32 to index
          %get3A_1465 = arith.index_cast %add3A_1462 : i32 to index
          %get3A_1466 = arith.constant 16 : index
          %get3A_1467 = tpu.vector_load %arg11[%get3A_1464, %get3A_1465, %get3A_1466] {strides = array<i32>} : memref<4x32x128xf32, #tpu.memory_space<vmem>>, vector<16xf32>,
          %add3A_1468 = arith.addf %add3A_1388, %get3A_1467 : vector<16xf32>
          %mul3A_1469 = arith.constant 4 : i32
          %mul3A_1470 = arith.muli %scan3A_1280, %mul3A_1469 : i32
          %add3A_1471 = arith.constant 2 : i32
          %add3A_1472 = arith.addi %mul3A_1470, %add3A_1471 : i32
          %get3A_1473 = arith.constant 1 : i32
          %get3A_1474 = arith.index_cast %get3A_1473 : i32 to index
          %get3A_1475 = arith.index_cast %add3A_1472 : i32 to index
          %get3A_1476 = arith.constant 32 : index
          %get3A_1477 = tpu.vector_load %arg11[%get3A_1474, %get3A_1475, %get3A_1476] {strides = array<i32>} : memref<4x32x128xf32, #tpu.memory_space<vmem>>, vector<16xf32>,
          %add3A_1478 = arith.addf %add3A_1398, %get3A_1477 : vector<16xf32>
          %mul3A_1479 = arith.constant 4 : i32
          %mul3A_1480 = arith.muli %scan3A_1280, %mul3A_1479 : i32
          %add3A_1481 = arith.constant 2 : i32
          %add3A_1482 = arith.addi %mul3A_1480, %add3A_1481 : i32
          %get3A_1483 = arith.constant 1 : i32
          %get3A_1484 = arith.index_cast %get3A_1483 : i32 to index
          %get3A_1485 = arith.index_cast %add3A_1482 : i32 to index
          %get3A_1486 = arith.constant 48 : index
          %get3A_1487 = tpu.vector_load %arg11[%get3A_1484, %get3A_1485, %get3A_1486] {strides = array<i32>} : memref<4x32x128xf32, #tpu.memory_space<vmem>>, vector<16xf32>,
          %add3A_1488 = arith.addf %add3A_1408, %get3A_1487 : vector<16xf32>
          %mul3A_1489 = arith.constant 4 : i32
          %mul3A_1490 = arith.muli %scan3A_1280, %mul3A_1489 : i32
          %add3A_1491 = arith.constant 2 : i32
          %add3A_1492 = arith.addi %mul3A_1490, %add3A_1491 : i32
          %get3A_1493 = arith.constant 1 : i32
          %get3A_1494 = arith.index_cast %get3A_1493 : i32 to index
          %get3A_1495 = arith.index_cast %add3A_1492 : i32 to index
          %get3A_1496 = arith.constant 64 : index
          %get3A_1497 = tpu.vector_load %arg11[%get3A_1494, %get3A_1495, %get3A_1496] {strides = array<i32>} : memref<4x32x128xf32, #tpu.memory_space<vmem>>, vector<16xf32>,
          %add3A_1498 = arith.addf %add3A_1418, %get3A_1497 : vector<16xf32>
          %mul3A_1499 = arith.constant 4 : i32
          %mul3A_1500 = arith.muli %scan3A_1280, %mul3A_1499 : i32
          %add3A_1501 = arith.constant 2 : i32
          %add3A_1502 = arith.addi %mul3A_1500, %add3A_1501 : i32
          %get3A_1503 = arith.constant 1 : i32
          %get3A_1504 = arith.index_cast %get3A_1503 : i32 to index
          %get3A_1505 = arith.index_cast %add3A_1502 : i32 to index
          %get3A_1506 = arith.constant 80 : index
          %get3A_1507 = tpu.vector_load %arg11[%get3A_1504, %get3A_1505, %get3A_1506] {strides = array<i32>} : memref<4x32x128xf32, #tpu.memory_space<vmem>>, vector<16xf32>,
          %add3A_1508 = arith.addf %add3A_1428, %get3A_1507 : vector<16xf32>
          %mul3A_1509 = arith.constant 4 : i32
          %mul3A_1510 = arith.muli %scan3A_1280, %mul3A_1509 : i32
          %add3A_1511 = arith.constant 2 : i32
          %add3A_1512 = arith.addi %mul3A_1510, %add3A_1511 : i32
          %get3A_1513 = arith.constant 1 : i32
          %get3A_1514 = arith.index_cast %get3A_1513 : i32 to index
          %get3A_1515 = arith.index_cast %add3A_1512 : i32 to index
          %get3A_1516 = arith.constant 96 : index
          %get3A_1517 = tpu.vector_load %arg11[%get3A_1514, %get3A_1515, %get3A_1516] {strides = array<i32>} : memref<4x32x128xf32, #tpu.memory_space<vmem>>, vector<16xf32>,
          %add3A_1518 = arith.addf %add3A_1438, %get3A_1517 : vector<16xf32>
          %mul3A_1519 = arith.constant 4 : i32
          %mul3A_1520 = arith.muli %scan3A_1280, %mul3A_1519 : i32
          %add3A_1521 = arith.constant 2 : i32
          %add3A_1522 = arith.addi %mul3A_1520, %add3A_1521 : i32
          %get3A_1523 = arith.constant 1 : i32
          %get3A_1524 = arith.index_cast %get3A_1523 : i32 to index
          %get3A_1525 = arith.index_cast %add3A_1522 : i32 to index
          %get3A_1526 = arith.constant 112 : index
          %get3A_1527 = tpu.vector_load %arg11[%get3A_1524, %get3A_1525, %get3A_1526] {strides = array<i32>} : memref<4x32x128xf32, #tpu.memory_space<vmem>>, vector<16xf32>,
          %add3A_1528 = arith.addf %add3A_1448, %get3A_1527 : vector<16xf32>
          %mul3A_1529 = arith.constant 4 : i32
          %mul3A_1530 = arith.muli %scan3A_1280, %mul3A_1529 : i32
          %add3A_1531 = arith.constant 3 : i32
          %add3A_1532 = arith.addi %mul3A_1530, %add3A_1531 : i32
          %get3A_1533 = arith.constant 1 : i32
          %get3A_1534 = arith.index_cast %get3A_1533 : i32 to index
          %get3A_1535 = arith.index_cast %add3A_1532 : i32 to index
          %get3A_1536 = arith.constant 0 : index
          %get3A_1537 = tpu.vector_load %arg11[%get3A_1534, %get3A_1535, %get3A_1536] {strides = array<i32>} : memref<4x32x128xf32, #tpu.memory_space<vmem>>, vector<16xf32>,
          %add3A_1538 = arith.addf %add3A_1458, %get3A_1537 : vector<16xf32>
          %mul3A_1539 = arith.constant 4 : i32
          %mul3A_1540 = arith.muli %scan3A_1280, %mul3A_1539 : i32
          %add3A_1541 = arith.constant 3 : i32
          %add3A_1542 = arith.addi %mul3A_1540, %add3A_1541 : i32
          %get3A_1543 = arith.constant 1 : i32
          %get3A_1544 = arith.index_cast %get3A_1543 : i32 to index
          %get3A_1545 = arith.index_cast %add3A_1542 : i32 to index
          %get3A_1546 = arith.constant 16 : index
          %get3A_1547 = tpu.vector_load %arg11[%get3A_1544, %get3A_1545, %get3A_1546] {strides = array<i32>} : memref<4x32x128xf32, #tpu.memory_space<vmem>>, vector<16xf32>,
          %add3A_1548 = arith.addf %add3A_1468, %get3A_1547 : vector<16xf32>
          %mul3A_1549 = arith.constant 4 : i32
          %mul3A_1550 = arith.muli %scan3A_1280, %mul3A_1549 : i32
          %add3A_1551 = arith.constant 3 : i32
          %add3A_1552 = arith.addi %mul3A_1550, %add3A_1551 : i32
          %get3A_1553 = arith.constant 1 : i32
          %get3A_1554 = arith.index_cast %get3A_1553 : i32 to index
          %get3A_1555 = arith.index_cast %add3A_1552 : i32 to index
          %get3A_1556 = arith.constant 32 : index
          %get3A_1557 = tpu.vector_load %arg11[%get3A_1554, %get3A_1555, %get3A_1556] {strides = array<i32>} : memref<4x32x128xf32, #tpu.memory_space<vmem>>, vector<16xf32>,
          %add3A_1558 = arith.addf %add3A_1478, %get3A_1557 : vector<16xf32>
          %mul3A_1559 = arith.constant 4 : i32
          %mul3A_1560 = arith.muli %scan3A_1280, %mul3A_1559 : i32
          %add3A_1561 = arith.constant 3 : i32
          %add3A_1562 = arith.addi %mul3A_1560, %add3A_1561 : i32
          %get3A_1563 = arith.constant 1 : i32
          %get3A_1564 = arith.index_cast %get3A_1563 : i32 to index
          %get3A_1565 = arith.index_cast %add3A_1562 : i32 to index
          %get3A_1566 = arith.constant 48 : index
          %get3A_1567 = tpu.vector_load %arg11[%get3A_1564, %get3A_1565, %get3A_1566] {strides = array<i32>} : memref<4x32x128xf32, #tpu.memory_space<vmem>>, vector<16xf32>,
          %add3A_1568 = arith.addf %add3A_1488, %get3A_1567 : vector<16xf32>
          %mul3A_1569 = arith.constant 4 : i32
          %mul3A_1570 = arith.muli %scan3A_1280, %mul3A_1569 : i32
          %add3A_1571 = arith.constant 3 : i32
          %add3A_1572 = arith.addi %mul3A_1570, %add3A_1571 : i32
          %get3A_1573 = arith.constant 1 : i32
          %get3A_1574 = arith.index_cast %get3A_1573 : i32 to index
          %get3A_1575 = arith.index_cast %add3A_1572 : i32 to index
          %get3A_1576 = arith.constant 64 : index
          %get3A_1577 = tpu.vector_load %arg11[%get3A_1574, %get3A_1575, %get3A_1576] {strides = array<i32>} : memref<4x32x128xf32, #tpu.memory_space<vmem>>, vector<16xf32>,
          %add3A_1578 = arith.addf %add3A_1498, %get3A_1577 : vector<16xf32>
          %mul3A_1579 = arith.constant 4 : i32
          %mul3A_1580 = arith.muli %scan3A_1280, %mul3A_1579 : i32
          %add3A_1581 = arith.constant 3 : i32
          %add3A_1582 = arith.addi %mul3A_1580, %add3A_1581 : i32
          %get3A_1583 = arith.constant 1 : i32
          %get3A_1584 = arith.index_cast %get3A_1583 : i32 to index
          %get3A_1585 = arith.index_cast %add3A_1582 : i32 to index
          %get3A_1586 = arith.constant 80 : index
          %get3A_1587 = tpu.vector_load %arg11[%get3A_1584, %get3A_1585, %get3A_1586] {strides = array<i32>} : memref<4x32x128xf32, #tpu.memory_space<vmem>>, vector<16xf32>,
          %add3A_1588 = arith.addf %add3A_1508, %get3A_1587 : vector<16xf32>
          %mul3A_1589 = arith.constant 4 : i32
          %mul3A_1590 = arith.muli %scan3A_1280, %mul3A_1589 : i32
          %add3A_1591 = arith.constant 3 : i32
          %add3A_1592 = arith.addi %mul3A_1590, %add3A_1591 : i32
          %get3A_1593 = arith.constant 1 : i32
          %get3A_1594 = arith.index_cast %get3A_1593 : i32 to index
          %get3A_1595 = arith.index_cast %add3A_1592 : i32 to index
          %get3A_1596 = arith.constant 96 : index
          %get3A_1597 = tpu.vector_load %arg11[%get3A_1594, %get3A_1595, %get3A_1596] {strides = array<i32>} : memref<4x32x128xf32, #tpu.memory_space<vmem>>, vector<16xf32>,
          %add3A_1598 = arith.addf %add3A_1518, %get3A_1597 : vector<16xf32>
          %mul3A_1599 = arith.constant 4 : i32
          %mul3A_1600 = arith.muli %scan3A_1280, %mul3A_1599 : i32
          %add3A_1601 = arith.constant 3 : i32
          %add3A_1602 = arith.addi %mul3A_1600, %add3A_1601 : i32
          %get3A_1603 = arith.constant 1 : i32
          %get3A_1604 = arith.index_cast %get3A_1603 : i32 to index
          %get3A_1605 = arith.index_cast %add3A_1602 : i32 to index
          %get3A_1606 = arith.constant 112 : index
          %get3A_1607 = tpu.vector_load %arg11[%get3A_1604, %get3A_1605, %get3A_1606] {strides = array<i32>} : memref<4x32x128xf32, #tpu.memory_space<vmem>>, vector<16xf32>,
          %add3A_1608 = arith.addf %add3A_1528, %get3A_1607 : vector<16xf32>
          scf.yield %add3A_1538, %add3A_1548, %add3A_1558, %add3A_1568, %add3A_1578, %add3A_1588, %add3A_1598, %add3A_1608 : vector<16xf32>, vector<16xf32>, vector<16xf32>, vector<16xf32>, vector<16xf32>, vector<16xf32>, vector<16xf32>, vector<16xf32>
        }
        %scan3A_895 = arith.constant 8 : i32
        %add3A_896 = arith.constant 4 : i32
        %add3A_897 = arith.addi %add3A_862, %add3A_896 : i32
        %lt3A_898 = arith.constant 256 : i32
        %lt3A_899 = arith.cmpi slt, %add3A_897, %lt3A_898 : i32
        %convert_element_type3A_900 = arith.extui %lt3A_899 : i1 to i32
        %cond3A_901 = arith.constant 0 : i32
        %cond3A_902 = arith.cmpi ne, %convert_element_type3A_900, %cond3A_901 : i32
        scf.if %cond3A_902 {
          %mul3A_1280 = arith.constant 32 : i32
          %mul3A_1281 = arith.muli %add3A_897, %mul3A_1280 : i32
          %dma_start3A_1282 = arith.constant 1 : i32
          %dma_start3A_1283 = arith.constant 0 : i32
          %dma_start3A_1284 = arith.constant 0 : i32
          %dma_start3A_1285 = tpu.memref_slice %arg11[%dma_start3A_1282, %dma_start3A_1283, %dma_start3A_1284] : memref<4x32x128xf32, #tpu.memory_space<vmem>> -> memref<1x32x128xf32, #tpu.memory_space<vmem>>
          %dma_start3A_1286 = tpu.memref_squeeze %dma_start3A_1285 : memref<1x32x128xf32, #tpu.memory_space<vmem>> -> memref<32x128xf32, #tpu.memory_space<vmem>>
          %dma_start3A_1287 = tpu.memref_slice %arg9[%mul3A_1281] : memref<8192xi32, #tpu.memory_space<vmem>> -> memref<32xi32, #tpu.memory_space<vmem>>
          %dma_start3A_1288 = arith.constant 0 : i32
          %dma_start3A_1289 = arith.constant 0 : i32
          %dma_start3A_1290 = tpu.memref_slice %arg15[%dma_start3A_1288, %dma_start3A_1289] : memref<10000x128xf32, #tpu.memory_space<vmem_shared>> -> memref<10000x128xf32, #tpu.memory_space<vmem_shared>>
          tpu.enqueue_indirect_dma source(%dma_start3A_1290 : memref<10000x128xf32, #tpu.memory_space<vmem_shared>>) target(%dma_start3A_1286 : memref<32x128xf32, #tpu.memory_space<vmem>>) offsets(%dma_start3A_1287 : memref<32xi32, #tpu.memory_space<vmem>>) semaphore(%arg20 : memref<!tpu.dma_semaphore, #tpu.memory_space<semaphore_mem>>)
        } else {
        }
        %get3A_903 = arith.constant 1 : i32
        %get3A_904 = arith.index_cast %get3A_903 : i32 to index
        %get3A_905 = arith.index_cast %add3A_859 : i32 to index
        %get3A_906 = arith.constant 0 : index
        %get3A_907 = tpu.vector_load %arg10[%get3A_904, %get3A_905, %get3A_906] {strides = array<i32>} : memref<2x32x128xf32, #tpu.memory_space<vmem>>, vector<16xf32>,
        %add3A_908 = arith.addf %scan3A_894#0, %get3A_907 : vector<16xf32>
        %max3A_909 = arith.constant 0.000000e+00 : f32
        %max3A_910 = vector.broadcast %max3A_909 : f32 to vector<16xf32>
        %max3A_911 = arith.maximumf %add3A_908, %max3A_910 : vector<16xf32>
        %mul3A_912 = arith.mulf %max3A_911, %get3A_77 : vector<16xf32>
        %get3A_913 = arith.constant 1 : i32
        %get3A_914 = arith.index_cast %get3A_913 : i32 to index
        %get3A_915 = arith.index_cast %add3A_859 : i32 to index
        %get3A_916 = arith.constant 16 : index
        %get3A_917 = tpu.vector_load %arg10[%get3A_914, %get3A_915, %get3A_916] {strides = array<i32>} : memref<2x32x128xf32, #tpu.memory_space<vmem>>, vector<16xf32>,
        %add3A_918 = arith.addf %scan3A_894#1, %get3A_917 : vector<16xf32>
        %max3A_919 = arith.constant 0.000000e+00 : f32
        %max3A_920 = vector.broadcast %max3A_919 : f32 to vector<16xf32>
        %max3A_921 = arith.maximumf %add3A_918, %max3A_920 : vector<16xf32>
        %mul3A_922 = arith.mulf %max3A_921, %get3A_79 : vector<16xf32>
        %add3A_923 = arith.addf %mul3A_912, %mul3A_922 : vector<16xf32>
        %get3A_924 = arith.constant 1 : i32
        %get3A_925 = arith.index_cast %get3A_924 : i32 to index
        %get3A_926 = arith.index_cast %add3A_859 : i32 to index
        %get3A_927 = arith.constant 32 : index
        %get3A_928 = tpu.vector_load %arg10[%get3A_925, %get3A_926, %get3A_927] {strides = array<i32>} : memref<2x32x128xf32, #tpu.memory_space<vmem>>, vector<16xf32>,
        %add3A_929 = arith.addf %scan3A_894#2, %get3A_928 : vector<16xf32>
        %max3A_930 = arith.constant 0.000000e+00 : f32
        %max3A_931 = vector.broadcast %max3A_930 : f32 to vector<16xf32>
        %max3A_932 = arith.maximumf %add3A_929, %max3A_931 : vector<16xf32>
        %mul3A_933 = arith.mulf %max3A_932, %get3A_81 : vector<16xf32>
        %add3A_934 = arith.addf %add3A_923, %mul3A_933 : vector<16xf32>
        %get3A_935 = arith.constant 1 : i32
        %get3A_936 = arith.index_cast %get3A_935 : i32 to index
        %get3A_937 = arith.index_cast %add3A_859 : i32 to index
        %get3A_938 = arith.constant 48 : index
        %get3A_939 = tpu.vector_load %arg10[%get3A_936, %get3A_937, %get3A_938] {strides = array<i32>} : memref<2x32x128xf32, #tpu.memory_space<vmem>>, vector<16xf32>,
        %add3A_940 = arith.addf %scan3A_894#3, %get3A_939 : vector<16xf32>
        %max3A_941 = arith.constant 0.000000e+00 : f32
        %max3A_942 = vector.broadcast %max3A_941 : f32 to vector<16xf32>
        %max3A_943 = arith.maximumf %add3A_940, %max3A_942 : vector<16xf32>
        %mul3A_944 = arith.mulf %max3A_943, %get3A_83 : vector<16xf32>
        %add3A_945 = arith.addf %add3A_934, %mul3A_944 : vector<16xf32>
        %get3A_946 = arith.constant 1 : i32
        %get3A_947 = arith.index_cast %get3A_946 : i32 to index
        %get3A_948 = arith.index_cast %add3A_859 : i32 to index
        %get3A_949 = arith.constant 64 : index
        %get3A_950 = tpu.vector_load %arg10[%get3A_947, %get3A_948, %get3A_949] {strides = array<i32>} : memref<2x32x128xf32, #tpu.memory_space<vmem>>, vector<16xf32>,
        %add3A_951 = arith.addf %scan3A_894#4, %get3A_950 : vector<16xf32>
        %max3A_952 = arith.constant 0.000000e+00 : f32
        %max3A_953 = vector.broadcast %max3A_952 : f32 to vector<16xf32>
        %max3A_954 = arith.maximumf %add3A_951, %max3A_953 : vector<16xf32>
        %mul3A_955 = arith.mulf %max3A_954, %get3A_85 : vector<16xf32>
        %add3A_956 = arith.addf %add3A_945, %mul3A_955 : vector<16xf32>
        %get3A_957 = arith.constant 1 : i32
        %get3A_958 = arith.index_cast %get3A_957 : i32 to index
        %get3A_959 = arith.index_cast %add3A_859 : i32 to index
        %get3A_960 = arith.constant 80 : index
        %get3A_961 = tpu.vector_load %arg10[%get3A_958, %get3A_959, %get3A_960] {strides = array<i32>} : memref<2x32x128xf32, #tpu.memory_space<vmem>>, vector<16xf32>,
        %add3A_962 = arith.addf %scan3A_894#5, %get3A_961 : vector<16xf32>
        %max3A_963 = arith.constant 0.000000e+00 : f32
        %max3A_964 = vector.broadcast %max3A_963 : f32 to vector<16xf32>
        %max3A_965 = arith.maximumf %add3A_962, %max3A_964 : vector<16xf32>
        %mul3A_966 = arith.mulf %max3A_965, %get3A_87 : vector<16xf32>
        %add3A_967 = arith.addf %add3A_956, %mul3A_966 : vector<16xf32>
        %get3A_968 = arith.constant 1 : i32
        %get3A_969 = arith.index_cast %get3A_968 : i32 to index
        %get3A_970 = arith.index_cast %add3A_859 : i32 to index
        %get3A_971 = arith.constant 96 : index
        %get3A_972 = tpu.vector_load %arg10[%get3A_969, %get3A_970, %get3A_971] {strides = array<i32>} : memref<2x32x128xf32, #tpu.memory_space<vmem>>, vector<16xf32>,
        %add3A_973 = arith.addf %scan3A_894#6, %get3A_972 : vector<16xf32>
        %max3A_974 = arith.constant 0.000000e+00 : f32
        %max3A_975 = vector.broadcast %max3A_974 : f32 to vector<16xf32>
        %max3A_976 = arith.maximumf %add3A_973, %max3A_975 : vector<16xf32>
        %mul3A_977 = arith.mulf %max3A_976, %get3A_89 : vector<16xf32>
        %add3A_978 = arith.addf %add3A_967, %mul3A_977 : vector<16xf32>
        %get3A_979 = arith.constant 1 : i32
        %get3A_980 = arith.index_cast %get3A_979 : i32 to index
        %get3A_981 = arith.index_cast %add3A_859 : i32 to index
        %get3A_982 = arith.constant 112 : index
        %get3A_983 = tpu.vector_load %arg10[%get3A_980, %get3A_981, %get3A_982] {strides = array<i32>} : memref<2x32x128xf32, #tpu.memory_space<vmem>>, vector<16xf32>,
        %add3A_984 = arith.addf %scan3A_894#7, %get3A_983 : vector<16xf32>
        %max3A_985 = arith.constant 0.000000e+00 : f32
        %max3A_986 = vector.broadcast %max3A_985 : f32 to vector<16xf32>
        %max3A_987 = arith.maximumf %add3A_984, %max3A_986 : vector<16xf32>
        %mul3A_988 = arith.mulf %max3A_987, %get3A_91 : vector<16xf32>
        %add3A_989 = arith.addf %add3A_978, %mul3A_988 : vector<16xf32>
        %mul3A_990 = arith.constant 16 : i32
        %mul3A_991 = arith.muli %add3A_698, %mul3A_990 : i32
        %mul3A_992 = arith.constant 2 : i32
        %mul3A_993 = arith.muli %scan3A_722, %mul3A_992 : i32
        %add3A_994 = arith.addi %mul3A_991, %mul3A_993 : i32
        %add3A_995 = arith.constant 0 : i32
        %add3A_996 = arith.addi %add3A_994, %add3A_995 : i32
        %add3A_997 = arith.addf %add3A_855, %add3A_989 : vector<16xf32>
        %swap3A_998 = arith.index_cast %add3A_996 : i32 to index
        %swap3A_999 = arith.constant 0 : index
        %swap3A_1000 = tpu.vector_load %arg13[%swap3A_998, %swap3A_999] {strides = array<i32>} : memref<128x16xf32, #tpu.memory_space<vmem>>, vector<16xf32>,
        tpu.vector_store %arg13[%swap3A_998, %swap3A_999], %add3A_997 {strides = array<i32>} : memref<128x16xf32, #tpu.memory_space<vmem>>, vector<16xf32>,
        %mul3A_1001 = arith.constant 4 : i32
        %mul3A_1002 = arith.muli %scan3A_722, %mul3A_1001 : i32
        %add3A_1003 = arith.constant 2 : i32
        %add3A_1004 = arith.addi %mul3A_1002, %add3A_1003 : i32
        %mul3A_1005 = arith.constant 32 : i32
        %mul3A_1006 = arith.muli %add3A_698, %mul3A_1005 : i32
        %add3A_1007 = arith.addi %mul3A_1006, %add3A_1004 : i32
        %mul3A_1008 = arith.constant 32 : i32
        %mul3A_1009 = arith.muli %add3A_1007, %mul3A_1008 : i32
        %dma_wait3A_1010 = arith.constant 2 : i32
        %dma_wait3A_1011 = arith.constant 0 : i32
        %dma_wait3A_1012 = arith.constant 0 : i32
        %dma_wait3A_1013 = tpu.memref_slice %arg11[%dma_wait3A_1010, %dma_wait3A_1011, %dma_wait3A_1012] : memref<4x32x128xf32, #tpu.memory_space<vmem>> -> memref<1x32x128xf32, #tpu.memory_space<vmem>>
        %dma_wait3A_1014 = tpu.memref_squeeze %dma_wait3A_1013 : memref<1x32x128xf32, #tpu.memory_space<vmem>> -> memref<32x128xf32, #tpu.memory_space<vmem>>
        %dma_wait3A_1015 = tpu.memref_slice %arg9[%mul3A_1009] : memref<8192xi32, #tpu.memory_space<vmem>> -> memref<32xi32, #tpu.memory_space<vmem>>
        %dma_wait3A_1016 = arith.constant 0 : i32
        %dma_wait3A_1017 = arith.constant 0 : i32
        %dma_wait3A_1018 = tpu.memref_slice %arg15[%dma_wait3A_1016, %dma_wait3A_1017] : memref<10000x128xf32, #tpu.memory_space<vmem_shared>> -> memref<10000x128xf32, #tpu.memory_space<vmem_shared>>
        tpu.wait_indirect_dma semaphore(%arg21 : memref<!tpu.dma_semaphore, #tpu.memory_space<semaphore_mem>>) src(%dma_wait3A_1018 : memref<10000x128xf32, #tpu.memory_space<vmem_shared>>) dst(%dma_wait3A_1014 : memref<32x128xf32, #tpu.memory_space<vmem>>)
        %broadcast_in_dim3A_1019 = arith.constant 0.000000e+00 : f32
        %broadcast_in_dim3A_1020 = vector.broadcast %broadcast_in_dim3A_1019 : f32 to vector<16xf32>
        %broadcast_in_dim3A_1021 = arith.constant 0.000000e+00 : f32
        %broadcast_in_dim3A_1022 = vector.broadcast %broadcast_in_dim3A_1021 : f32 to vector<16xf32>
        %broadcast_in_dim3A_1023 = arith.constant 0.000000e+00 : f32
        %broadcast_in_dim3A_1024 = vector.broadcast %broadcast_in_dim3A_1023 : f32 to vector<16xf32>
        %broadcast_in_dim3A_1025 = arith.constant 0.000000e+00 : f32
        %broadcast_in_dim3A_1026 = vector.broadcast %broadcast_in_dim3A_1025 : f32 to vector<16xf32>
        %broadcast_in_dim3A_1027 = arith.constant 0.000000e+00 : f32
        %broadcast_in_dim3A_1028 = vector.broadcast %broadcast_in_dim3A_1027 : f32 to vector<16xf32>
        %broadcast_in_dim3A_1029 = arith.constant 0.000000e+00 : f32
        %broadcast_in_dim3A_1030 = vector.broadcast %broadcast_in_dim3A_1029 : f32 to vector<16xf32>
        %broadcast_in_dim3A_1031 = arith.constant 0.000000e+00 : f32
        %broadcast_in_dim3A_1032 = vector.broadcast %broadcast_in_dim3A_1031 : f32 to vector<16xf32>
        %broadcast_in_dim3A_1033 = arith.constant 0.000000e+00 : f32
        %broadcast_in_dim3A_1034 = vector.broadcast %broadcast_in_dim3A_1033 : f32 to vector<16xf32>
        %scan3A_1035 = arith.constant 0 : i32
        %scan3A_1036 = arith.constant 8 : i32
        %scan3A_1037 = arith.addi %scan3A_1035, %scan3A_1036 : i32
        %scan3A_1038 = arith.constant 1 : i32
        %scan3A_1039:8 = scf.for %scan3A_1280 = %scan3A_1035 to %scan3A_1037 step %scan3A_1038 iter_args(%scan3A_1281 = %broadcast_in_dim3A_1020, %scan3A_1282 = %broadcast_in_dim3A_1022, %scan3A_1283 = %broadcast_in_dim3A_1024, %scan3A_1284 = %broadcast_in_dim3A_1026, %scan3A_1285 = %broadcast_in_dim3A_1028, %scan3A_1286 = %broadcast_in_dim3A_1030, %scan3A_1287 = %broadcast_in_dim3A_1032, %scan3A_1288 = %broadcast_in_dim3A_1034) -> (vector<16xf32>, vector<16xf32>, vector<16xf32>, vector<16xf32>, vector<16xf32>, vector<16xf32>, vector<16xf32>, vector<16xf32>)  : i32 {
          %mul3A_1289 = arith.constant 4 : i32
          %mul3A_1290 = arith.muli %scan3A_1280, %mul3A_1289 : i32
          %add3A_1291 = arith.constant 0 : i32
          %add3A_1292 = arith.addi %mul3A_1290, %add3A_1291 : i32
          %get3A_1293 = arith.constant 2 : i32
          %get3A_1294 = arith.index_cast %get3A_1293 : i32 to index
          %get3A_1295 = arith.index_cast %add3A_1292 : i32 to index
          %get3A_1296 = arith.constant 0 : index
          %get3A_1297 = tpu.vector_load %arg11[%get3A_1294, %get3A_1295, %get3A_1296] {strides = array<i32>} : memref<4x32x128xf32, #tpu.memory_space<vmem>>, vector<16xf32>,
          %add3A_1298 = arith.addf %scan3A_1281, %get3A_1297 : vector<16xf32>
          %mul3A_1299 = arith.constant 4 : i32
          %mul3A_1300 = arith.muli %scan3A_1280, %mul3A_1299 : i32
          %add3A_1301 = arith.constant 0 : i32
          %add3A_1302 = arith.addi %mul3A_1300, %add3A_1301 : i32
          %get3A_1303 = arith.constant 2 : i32
          %get3A_1304 = arith.index_cast %get3A_1303 : i32 to index
          %get3A_1305 = arith.index_cast %add3A_1302 : i32 to index
          %get3A_1306 = arith.constant 16 : index
          %get3A_1307 = tpu.vector_load %arg11[%get3A_1304, %get3A_1305, %get3A_1306] {strides = array<i32>} : memref<4x32x128xf32, #tpu.memory_space<vmem>>, vector<16xf32>,
          %add3A_1308 = arith.addf %scan3A_1282, %get3A_1307 : vector<16xf32>
          %mul3A_1309 = arith.constant 4 : i32
          %mul3A_1310 = arith.muli %scan3A_1280, %mul3A_1309 : i32
          %add3A_1311 = arith.constant 0 : i32
          %add3A_1312 = arith.addi %mul3A_1310, %add3A_1311 : i32
          %get3A_1313 = arith.constant 2 : i32
          %get3A_1314 = arith.index_cast %get3A_1313 : i32 to index
          %get3A_1315 = arith.index_cast %add3A_1312 : i32 to index
          %get3A_1316 = arith.constant 32 : index
          %get3A_1317 = tpu.vector_load %arg11[%get3A_1314, %get3A_1315, %get3A_1316] {strides = array<i32>} : memref<4x32x128xf32, #tpu.memory_space<vmem>>, vector<16xf32>,
          %add3A_1318 = arith.addf %scan3A_1283, %get3A_1317 : vector<16xf32>
          %mul3A_1319 = arith.constant 4 : i32
          %mul3A_1320 = arith.muli %scan3A_1280, %mul3A_1319 : i32
          %add3A_1321 = arith.constant 0 : i32
          %add3A_1322 = arith.addi %mul3A_1320, %add3A_1321 : i32
          %get3A_1323 = arith.constant 2 : i32
          %get3A_1324 = arith.index_cast %get3A_1323 : i32 to index
          %get3A_1325 = arith.index_cast %add3A_1322 : i32 to index
          %get3A_1326 = arith.constant 48 : index
          %get3A_1327 = tpu.vector_load %arg11[%get3A_1324, %get3A_1325, %get3A_1326] {strides = array<i32>} : memref<4x32x128xf32, #tpu.memory_space<vmem>>, vector<16xf32>,
          %add3A_1328 = arith.addf %scan3A_1284, %get3A_1327 : vector<16xf32>
          %mul3A_1329 = arith.constant 4 : i32
          %mul3A_1330 = arith.muli %scan3A_1280, %mul3A_1329 : i32
          %add3A_1331 = arith.constant 0 : i32
          %add3A_1332 = arith.addi %mul3A_1330, %add3A_1331 : i32
          %get3A_1333 = arith.constant 2 : i32
          %get3A_1334 = arith.index_cast %get3A_1333 : i32 to index
          %get3A_1335 = arith.index_cast %add3A_1332 : i32 to index
          %get3A_1336 = arith.constant 64 : index
          %get3A_1337 = tpu.vector_load %arg11[%get3A_1334, %get3A_1335, %get3A_1336] {strides = array<i32>} : memref<4x32x128xf32, #tpu.memory_space<vmem>>, vector<16xf32>,
          %add3A_1338 = arith.addf %scan3A_1285, %get3A_1337 : vector<16xf32>
          %mul3A_1339 = arith.constant 4 : i32
          %mul3A_1340 = arith.muli %scan3A_1280, %mul3A_1339 : i32
          %add3A_1341 = arith.constant 0 : i32
          %add3A_1342 = arith.addi %mul3A_1340, %add3A_1341 : i32
          %get3A_1343 = arith.constant 2 : i32
          %get3A_1344 = arith.index_cast %get3A_1343 : i32 to index
          %get3A_1345 = arith.index_cast %add3A_1342 : i32 to index
          %get3A_1346 = arith.constant 80 : index
          %get3A_1347 = tpu.vector_load %arg11[%get3A_1344, %get3A_1345, %get3A_1346] {strides = array<i32>} : memref<4x32x128xf32, #tpu.memory_space<vmem>>, vector<16xf32>,
          %add3A_1348 = arith.addf %scan3A_1286, %get3A_1347 : vector<16xf32>
          %mul3A_1349 = arith.constant 4 : i32
          %mul3A_1350 = arith.muli %scan3A_1280, %mul3A_1349 : i32
          %add3A_1351 = arith.constant 0 : i32
          %add3A_1352 = arith.addi %mul3A_1350, %add3A_1351 : i32
          %get3A_1353 = arith.constant 2 : i32
          %get3A_1354 = arith.index_cast %get3A_1353 : i32 to index
          %get3A_1355 = arith.index_cast %add3A_1352 : i32 to index
          %get3A_1356 = arith.constant 96 : index
          %get3A_1357 = tpu.vector_load %arg11[%get3A_1354, %get3A_1355, %get3A_1356] {strides = array<i32>} : memref<4x32x128xf32, #tpu.memory_space<vmem>>, vector<16xf32>,
          %add3A_1358 = arith.addf %scan3A_1287, %get3A_1357 : vector<16xf32>
          %mul3A_1359 = arith.constant 4 : i32
          %mul3A_1360 = arith.muli %scan3A_1280, %mul3A_1359 : i32
          %add3A_1361 = arith.constant 0 : i32
          %add3A_1362 = arith.addi %mul3A_1360, %add3A_1361 : i32
          %get3A_1363 = arith.constant 2 : i32
          %get3A_1364 = arith.index_cast %get3A_1363 : i32 to index
          %get3A_1365 = arith.index_cast %add3A_1362 : i32 to index
          %get3A_1366 = arith.constant 112 : index
          %get3A_1367 = tpu.vector_load %arg11[%get3A_1364, %get3A_1365, %get3A_1366] {strides = array<i32>} : memref<4x32x128xf32, #tpu.memory_space<vmem>>, vector<16xf32>,
          %add3A_1368 = arith.addf %scan3A_1288, %get3A_1367 : vector<16xf32>
          %mul3A_1369 = arith.constant 4 : i32
          %mul3A_1370 = arith.muli %scan3A_1280, %mul3A_1369 : i32
          %add3A_1371 = arith.constant 1 : i32
          %add3A_1372 = arith.addi %mul3A_1370, %add3A_1371 : i32
          %get3A_1373 = arith.constant 2 : i32
          %get3A_1374 = arith.index_cast %get3A_1373 : i32 to index
          %get3A_1375 = arith.index_cast %add3A_1372 : i32 to index
          %get3A_1376 = arith.constant 0 : index
          %get3A_1377 = tpu.vector_load %arg11[%get3A_1374, %get3A_1375, %get3A_1376] {strides = array<i32>} : memref<4x32x128xf32, #tpu.memory_space<vmem>>, vector<16xf32>,
          %add3A_1378 = arith.addf %add3A_1298, %get3A_1377 : vector<16xf32>
          %mul3A_1379 = arith.constant 4 : i32
          %mul3A_1380 = arith.muli %scan3A_1280, %mul3A_1379 : i32
          %add3A_1381 = arith.constant 1 : i32
          %add3A_1382 = arith.addi %mul3A_1380, %add3A_1381 : i32
          %get3A_1383 = arith.constant 2 : i32
          %get3A_1384 = arith.index_cast %get3A_1383 : i32 to index
          %get3A_1385 = arith.index_cast %add3A_1382 : i32 to index
          %get3A_1386 = arith.constant 16 : index
          %get3A_1387 = tpu.vector_load %arg11[%get3A_1384, %get3A_1385, %get3A_1386] {strides = array<i32>} : memref<4x32x128xf32, #tpu.memory_space<vmem>>, vector<16xf32>,
          %add3A_1388 = arith.addf %add3A_1308, %get3A_1387 : vector<16xf32>
          %mul3A_1389 = arith.constant 4 : i32
          %mul3A_1390 = arith.muli %scan3A_1280, %mul3A_1389 : i32
          %add3A_1391 = arith.constant 1 : i32
          %add3A_1392 = arith.addi %mul3A_1390, %add3A_1391 : i32
          %get3A_1393 = arith.constant 2 : i32
          %get3A_1394 = arith.index_cast %get3A_1393 : i32 to index
          %get3A_1395 = arith.index_cast %add3A_1392 : i32 to index
          %get3A_1396 = arith.constant 32 : index
          %get3A_1397 = tpu.vector_load %arg11[%get3A_1394, %get3A_1395, %get3A_1396] {strides = array<i32>} : memref<4x32x128xf32, #tpu.memory_space<vmem>>, vector<16xf32>,
          %add3A_1398 = arith.addf %add3A_1318, %get3A_1397 : vector<16xf32>
          %mul3A_1399 = arith.constant 4 : i32
          %mul3A_1400 = arith.muli %scan3A_1280, %mul3A_1399 : i32
          %add3A_1401 = arith.constant 1 : i32
          %add3A_1402 = arith.addi %mul3A_1400, %add3A_1401 : i32
          %get3A_1403 = arith.constant 2 : i32
          %get3A_1404 = arith.index_cast %get3A_1403 : i32 to index
          %get3A_1405 = arith.index_cast %add3A_1402 : i32 to index
          %get3A_1406 = arith.constant 48 : index
          %get3A_1407 = tpu.vector_load %arg11[%get3A_1404, %get3A_1405, %get3A_1406] {strides = array<i32>} : memref<4x32x128xf32, #tpu.memory_space<vmem>>, vector<16xf32>,
          %add3A_1408 = arith.addf %add3A_1328, %get3A_1407 : vector<16xf32>
          %mul3A_1409 = arith.constant 4 : i32
          %mul3A_1410 = arith.muli %scan3A_1280, %mul3A_1409 : i32
          %add3A_1411 = arith.constant 1 : i32
          %add3A_1412 = arith.addi %mul3A_1410, %add3A_1411 : i32
          %get3A_1413 = arith.constant 2 : i32
          %get3A_1414 = arith.index_cast %get3A_1413 : i32 to index
          %get3A_1415 = arith.index_cast %add3A_1412 : i32 to index
          %get3A_1416 = arith.constant 64 : index
          %get3A_1417 = tpu.vector_load %arg11[%get3A_1414, %get3A_1415, %get3A_1416] {strides = array<i32>} : memref<4x32x128xf32, #tpu.memory_space<vmem>>, vector<16xf32>,
          %add3A_1418 = arith.addf %add3A_1338, %get3A_1417 : vector<16xf32>
          %mul3A_1419 = arith.constant 4 : i32
          %mul3A_1420 = arith.muli %scan3A_1280, %mul3A_1419 : i32
          %add3A_1421 = arith.constant 1 : i32
          %add3A_1422 = arith.addi %mul3A_1420, %add3A_1421 : i32
          %get3A_1423 = arith.constant 2 : i32
          %get3A_1424 = arith.index_cast %get3A_1423 : i32 to index
          %get3A_1425 = arith.index_cast %add3A_1422 : i32 to index
          %get3A_1426 = arith.constant 80 : index
          %get3A_1427 = tpu.vector_load %arg11[%get3A_1424, %get3A_1425, %get3A_1426] {strides = array<i32>} : memref<4x32x128xf32, #tpu.memory_space<vmem>>, vector<16xf32>,
          %add3A_1428 = arith.addf %add3A_1348, %get3A_1427 : vector<16xf32>
          %mul3A_1429 = arith.constant 4 : i32
          %mul3A_1430 = arith.muli %scan3A_1280, %mul3A_1429 : i32
          %add3A_1431 = arith.constant 1 : i32
          %add3A_1432 = arith.addi %mul3A_1430, %add3A_1431 : i32
          %get3A_1433 = arith.constant 2 : i32
          %get3A_1434 = arith.index_cast %get3A_1433 : i32 to index
          %get3A_1435 = arith.index_cast %add3A_1432 : i32 to index
          %get3A_1436 = arith.constant 96 : index
          %get3A_1437 = tpu.vector_load %arg11[%get3A_1434, %get3A_1435, %get3A_1436] {strides = array<i32>} : memref<4x32x128xf32, #tpu.memory_space<vmem>>, vector<16xf32>,
          %add3A_1438 = arith.addf %add3A_1358, %get3A_1437 : vector<16xf32>
          %mul3A_1439 = arith.constant 4 : i32
          %mul3A_1440 = arith.muli %scan3A_1280, %mul3A_1439 : i32
          %add3A_1441 = arith.constant 1 : i32
          %add3A_1442 = arith.addi %mul3A_1440, %add3A_1441 : i32
          %get3A_1443 = arith.constant 2 : i32
          %get3A_1444 = arith.index_cast %get3A_1443 : i32 to index
          %get3A_1445 = arith.index_cast %add3A_1442 : i32 to index
          %get3A_1446 = arith.constant 112 : index
          %get3A_1447 = tpu.vector_load %arg11[%get3A_1444, %get3A_1445, %get3A_1446] {strides = array<i32>} : memref<4x32x128xf32, #tpu.memory_space<vmem>>, vector<16xf32>,
          %add3A_1448 = arith.addf %add3A_1368, %get3A_1447 : vector<16xf32>
          %mul3A_1449 = arith.constant 4 : i32
          %mul3A_1450 = arith.muli %scan3A_1280, %mul3A_1449 : i32
          %add3A_1451 = arith.constant 2 : i32
          %add3A_1452 = arith.addi %mul3A_1450, %add3A_1451 : i32
          %get3A_1453 = arith.constant 2 : i32
          %get3A_1454 = arith.index_cast %get3A_1453 : i32 to index
          %get3A_1455 = arith.index_cast %add3A_1452 : i32 to index
          %get3A_1456 = arith.constant 0 : index
          %get3A_1457 = tpu.vector_load %arg11[%get3A_1454, %get3A_1455, %get3A_1456] {strides = array<i32>} : memref<4x32x128xf32, #tpu.memory_space<vmem>>, vector<16xf32>,
          %add3A_1458 = arith.addf %add3A_1378, %get3A_1457 : vector<16xf32>
          %mul3A_1459 = arith.constant 4 : i32
          %mul3A_1460 = arith.muli %scan3A_1280, %mul3A_1459 : i32
          %add3A_1461 = arith.constant 2 : i32
          %add3A_1462 = arith.addi %mul3A_1460, %add3A_1461 : i32
          %get3A_1463 = arith.constant 2 : i32
          %get3A_1464 = arith.index_cast %get3A_1463 : i32 to index
          %get3A_1465 = arith.index_cast %add3A_1462 : i32 to index
          %get3A_1466 = arith.constant 16 : index
          %get3A_1467 = tpu.vector_load %arg11[%get3A_1464, %get3A_1465, %get3A_1466] {strides = array<i32>} : memref<4x32x128xf32, #tpu.memory_space<vmem>>, vector<16xf32>,
          %add3A_1468 = arith.addf %add3A_1388, %get3A_1467 : vector<16xf32>
          %mul3A_1469 = arith.constant 4 : i32
          %mul3A_1470 = arith.muli %scan3A_1280, %mul3A_1469 : i32
          %add3A_1471 = arith.constant 2 : i32
          %add3A_1472 = arith.addi %mul3A_1470, %add3A_1471 : i32
          %get3A_1473 = arith.constant 2 : i32
          %get3A_1474 = arith.index_cast %get3A_1473 : i32 to index
          %get3A_1475 = arith.index_cast %add3A_1472 : i32 to index
          %get3A_1476 = arith.constant 32 : index
          %get3A_1477 = tpu.vector_load %arg11[%get3A_1474, %get3A_1475, %get3A_1476] {strides = array<i32>} : memref<4x32x128xf32, #tpu.memory_space<vmem>>, vector<16xf32>,
          %add3A_1478 = arith.addf %add3A_1398, %get3A_1477 : vector<16xf32>
          %mul3A_1479 = arith.constant 4 : i32
          %mul3A_1480 = arith.muli %scan3A_1280, %mul3A_1479 : i32
          %add3A_1481 = arith.constant 2 : i32
          %add3A_1482 = arith.addi %mul3A_1480, %add3A_1481 : i32
          %get3A_1483 = arith.constant 2 : i32
          %get3A_1484 = arith.index_cast %get3A_1483 : i32 to index
          %get3A_1485 = arith.index_cast %add3A_1482 : i32 to index
          %get3A_1486 = arith.constant 48 : index
          %get3A_1487 = tpu.vector_load %arg11[%get3A_1484, %get3A_1485, %get3A_1486] {strides = array<i32>} : memref<4x32x128xf32, #tpu.memory_space<vmem>>, vector<16xf32>,
          %add3A_1488 = arith.addf %add3A_1408, %get3A_1487 : vector<16xf32>
          %mul3A_1489 = arith.constant 4 : i32
          %mul3A_1490 = arith.muli %scan3A_1280, %mul3A_1489 : i32
          %add3A_1491 = arith.constant 2 : i32
          %add3A_1492 = arith.addi %mul3A_1490, %add3A_1491 : i32
          %get3A_1493 = arith.constant 2 : i32
          %get3A_1494 = arith.index_cast %get3A_1493 : i32 to index
          %get3A_1495 = arith.index_cast %add3A_1492 : i32 to index
          %get3A_1496 = arith.constant 64 : index
          %get3A_1497 = tpu.vector_load %arg11[%get3A_1494, %get3A_1495, %get3A_1496] {strides = array<i32>} : memref<4x32x128xf32, #tpu.memory_space<vmem>>, vector<16xf32>,
          %add3A_1498 = arith.addf %add3A_1418, %get3A_1497 : vector<16xf32>
          %mul3A_1499 = arith.constant 4 : i32
          %mul3A_1500 = arith.muli %scan3A_1280, %mul3A_1499 : i32
          %add3A_1501 = arith.constant 2 : i32
          %add3A_1502 = arith.addi %mul3A_1500, %add3A_1501 : i32
          %get3A_1503 = arith.constant 2 : i32
          %get3A_1504 = arith.index_cast %get3A_1503 : i32 to index
          %get3A_1505 = arith.index_cast %add3A_1502 : i32 to index
          %get3A_1506 = arith.constant 80 : index
          %get3A_1507 = tpu.vector_load %arg11[%get3A_1504, %get3A_1505, %get3A_1506] {strides = array<i32>} : memref<4x32x128xf32, #tpu.memory_space<vmem>>, vector<16xf32>,
          %add3A_1508 = arith.addf %add3A_1428, %get3A_1507 : vector<16xf32>
          %mul3A_1509 = arith.constant 4 : i32
          %mul3A_1510 = arith.muli %scan3A_1280, %mul3A_1509 : i32
          %add3A_1511 = arith.constant 2 : i32
          %add3A_1512 = arith.addi %mul3A_1510, %add3A_1511 : i32
          %get3A_1513 = arith.constant 2 : i32
          %get3A_1514 = arith.index_cast %get3A_1513 : i32 to index
          %get3A_1515 = arith.index_cast %add3A_1512 : i32 to index
          %get3A_1516 = arith.constant 96 : index
          %get3A_1517 = tpu.vector_load %arg11[%get3A_1514, %get3A_1515, %get3A_1516] {strides = array<i32>} : memref<4x32x128xf32, #tpu.memory_space<vmem>>, vector<16xf32>,
          %add3A_1518 = arith.addf %add3A_1438, %get3A_1517 : vector<16xf32>
          %mul3A_1519 = arith.constant 4 : i32
          %mul3A_1520 = arith.muli %scan3A_1280, %mul3A_1519 : i32
          %add3A_1521 = arith.constant 2 : i32
          %add3A_1522 = arith.addi %mul3A_1520, %add3A_1521 : i32
          %get3A_1523 = arith.constant 2 : i32
          %get3A_1524 = arith.index_cast %get3A_1523 : i32 to index
          %get3A_1525 = arith.index_cast %add3A_1522 : i32 to index
          %get3A_1526 = arith.constant 112 : index
          %get3A_1527 = tpu.vector_load %arg11[%get3A_1524, %get3A_1525, %get3A_1526] {strides = array<i32>} : memref<4x32x128xf32, #tpu.memory_space<vmem>>, vector<16xf32>,
          %add3A_1528 = arith.addf %add3A_1448, %get3A_1527 : vector<16xf32>
          %mul3A_1529 = arith.constant 4 : i32
          %mul3A_1530 = arith.muli %scan3A_1280, %mul3A_1529 : i32
          %add3A_1531 = arith.constant 3 : i32
          %add3A_1532 = arith.addi %mul3A_1530, %add3A_1531 : i32
          %get3A_1533 = arith.constant 2 : i32
          %get3A_1534 = arith.index_cast %get3A_1533 : i32 to index
          %get3A_1535 = arith.index_cast %add3A_1532 : i32 to index
          %get3A_1536 = arith.constant 0 : index
          %get3A_1537 = tpu.vector_load %arg11[%get3A_1534, %get3A_1535, %get3A_1536] {strides = array<i32>} : memref<4x32x128xf32, #tpu.memory_space<vmem>>, vector<16xf32>,
          %add3A_1538 = arith.addf %add3A_1458, %get3A_1537 : vector<16xf32>
          %mul3A_1539 = arith.constant 4 : i32
          %mul3A_1540 = arith.muli %scan3A_1280, %mul3A_1539 : i32
          %add3A_1541 = arith.constant 3 : i32
          %add3A_1542 = arith.addi %mul3A_1540, %add3A_1541 : i32
          %get3A_1543 = arith.constant 2 : i32
          %get3A_1544 = arith.index_cast %get3A_1543 : i32 to index
          %get3A_1545 = arith.index_cast %add3A_1542 : i32 to index
          %get3A_1546 = arith.constant 16 : index
          %get3A_1547 = tpu.vector_load %arg11[%get3A_1544, %get3A_1545, %get3A_1546] {strides = array<i32>} : memref<4x32x128xf32, #tpu.memory_space<vmem>>, vector<16xf32>,
          %add3A_1548 = arith.addf %add3A_1468, %get3A_1547 : vector<16xf32>
          %mul3A_1549 = arith.constant 4 : i32
          %mul3A_1550 = arith.muli %scan3A_1280, %mul3A_1549 : i32
          %add3A_1551 = arith.constant 3 : i32
          %add3A_1552 = arith.addi %mul3A_1550, %add3A_1551 : i32
          %get3A_1553 = arith.constant 2 : i32
          %get3A_1554 = arith.index_cast %get3A_1553 : i32 to index
          %get3A_1555 = arith.index_cast %add3A_1552 : i32 to index
          %get3A_1556 = arith.constant 32 : index
          %get3A_1557 = tpu.vector_load %arg11[%get3A_1554, %get3A_1555, %get3A_1556] {strides = array<i32>} : memref<4x32x128xf32, #tpu.memory_space<vmem>>, vector<16xf32>,
          %add3A_1558 = arith.addf %add3A_1478, %get3A_1557 : vector<16xf32>
          %mul3A_1559 = arith.constant 4 : i32
          %mul3A_1560 = arith.muli %scan3A_1280, %mul3A_1559 : i32
          %add3A_1561 = arith.constant 3 : i32
          %add3A_1562 = arith.addi %mul3A_1560, %add3A_1561 : i32
          %get3A_1563 = arith.constant 2 : i32
          %get3A_1564 = arith.index_cast %get3A_1563 : i32 to index
          %get3A_1565 = arith.index_cast %add3A_1562 : i32 to index
          %get3A_1566 = arith.constant 48 : index
          %get3A_1567 = tpu.vector_load %arg11[%get3A_1564, %get3A_1565, %get3A_1566] {strides = array<i32>} : memref<4x32x128xf32, #tpu.memory_space<vmem>>, vector<16xf32>,
          %add3A_1568 = arith.addf %add3A_1488, %get3A_1567 : vector<16xf32>
          %mul3A_1569 = arith.constant 4 : i32
          %mul3A_1570 = arith.muli %scan3A_1280, %mul3A_1569 : i32
          %add3A_1571 = arith.constant 3 : i32
          %add3A_1572 = arith.addi %mul3A_1570, %add3A_1571 : i32
          %get3A_1573 = arith.constant 2 : i32
          %get3A_1574 = arith.index_cast %get3A_1573 : i32 to index
          %get3A_1575 = arith.index_cast %add3A_1572 : i32 to index
          %get3A_1576 = arith.constant 64 : index
          %get3A_1577 = tpu.vector_load %arg11[%get3A_1574, %get3A_1575, %get3A_1576] {strides = array<i32>} : memref<4x32x128xf32, #tpu.memory_space<vmem>>, vector<16xf32>,
          %add3A_1578 = arith.addf %add3A_1498, %get3A_1577 : vector<16xf32>
          %mul3A_1579 = arith.constant 4 : i32
          %mul3A_1580 = arith.muli %scan3A_1280, %mul3A_1579 : i32
          %add3A_1581 = arith.constant 3 : i32
          %add3A_1582 = arith.addi %mul3A_1580, %add3A_1581 : i32
          %get3A_1583 = arith.constant 2 : i32
          %get3A_1584 = arith.index_cast %get3A_1583 : i32 to index
          %get3A_1585 = arith.index_cast %add3A_1582 : i32 to index
          %get3A_1586 = arith.constant 80 : index
          %get3A_1587 = tpu.vector_load %arg11[%get3A_1584, %get3A_1585, %get3A_1586] {strides = array<i32>} : memref<4x32x128xf32, #tpu.memory_space<vmem>>, vector<16xf32>,
          %add3A_1588 = arith.addf %add3A_1508, %get3A_1587 : vector<16xf32>
          %mul3A_1589 = arith.constant 4 : i32
          %mul3A_1590 = arith.muli %scan3A_1280, %mul3A_1589 : i32
          %add3A_1591 = arith.constant 3 : i32
          %add3A_1592 = arith.addi %mul3A_1590, %add3A_1591 : i32
          %get3A_1593 = arith.constant 2 : i32
          %get3A_1594 = arith.index_cast %get3A_1593 : i32 to index
          %get3A_1595 = arith.index_cast %add3A_1592 : i32 to index
          %get3A_1596 = arith.constant 96 : index
          %get3A_1597 = tpu.vector_load %arg11[%get3A_1594, %get3A_1595, %get3A_1596] {strides = array<i32>} : memref<4x32x128xf32, #tpu.memory_space<vmem>>, vector<16xf32>,
          %add3A_1598 = arith.addf %add3A_1518, %get3A_1597 : vector<16xf32>
          %mul3A_1599 = arith.constant 4 : i32
          %mul3A_1600 = arith.muli %scan3A_1280, %mul3A_1599 : i32
          %add3A_1601 = arith.constant 3 : i32
          %add3A_1602 = arith.addi %mul3A_1600, %add3A_1601 : i32
          %get3A_1603 = arith.constant 2 : i32
          %get3A_1604 = arith.index_cast %get3A_1603 : i32 to index
          %get3A_1605 = arith.index_cast %add3A_1602 : i32 to index
          %get3A_1606 = arith.constant 112 : index
          %get3A_1607 = tpu.vector_load %arg11[%get3A_1604, %get3A_1605, %get3A_1606] {strides = array<i32>} : memref<4x32x128xf32, #tpu.memory_space<vmem>>, vector<16xf32>,
          %add3A_1608 = arith.addf %add3A_1528, %get3A_1607 : vector<16xf32>
          scf.yield %add3A_1538, %add3A_1548, %add3A_1558, %add3A_1568, %add3A_1578, %add3A_1588, %add3A_1598, %add3A_1608 : vector<16xf32>, vector<16xf32>, vector<16xf32>, vector<16xf32>, vector<16xf32>, vector<16xf32>, vector<16xf32>, vector<16xf32>
        }
        %scan3A_1040 = arith.constant 8 : i32
        %add3A_1041 = arith.constant 4 : i32
        %add3A_1042 = arith.addi %add3A_1007, %add3A_1041 : i32
        %lt3A_1043 = arith.constant 256 : i32
        %lt3A_1044 = arith.cmpi slt, %add3A_1042, %lt3A_1043 : i32
        %convert_element_type3A_1045 = arith.extui %lt3A_1044 : i1 to i32
        %cond3A_1046 = arith.constant 0 : i32
        %cond3A_1047 = arith.cmpi ne, %convert_element_type3A_1045, %cond3A_1046 : i32
        scf.if %cond3A_1047 {
          %mul3A_1280 = arith.constant 32 : i32
          %mul3A_1281 = arith.muli %add3A_1042, %mul3A_1280 : i32
          %dma_start3A_1282 = arith.constant 2 : i32
          %dma_start3A_1283 = arith.constant 0 : i32
          %dma_start3A_1284 = arith.constant 0 : i32
          %dma_start3A_1285 = tpu.memref_slice %arg11[%dma_start3A_1282, %dma_start3A_1283, %dma_start3A_1284] : memref<4x32x128xf32, #tpu.memory_space<vmem>> -> memref<1x32x128xf32, #tpu.memory_space<vmem>>
          %dma_start3A_1286 = tpu.memref_squeeze %dma_start3A_1285 : memref<1x32x128xf32, #tpu.memory_space<vmem>> -> memref<32x128xf32, #tpu.memory_space<vmem>>
          %dma_start3A_1287 = tpu.memref_slice %arg9[%mul3A_1281] : memref<8192xi32, #tpu.memory_space<vmem>> -> memref<32xi32, #tpu.memory_space<vmem>>
          %dma_start3A_1288 = arith.constant 0 : i32
          %dma_start3A_1289 = arith.constant 0 : i32
          %dma_start3A_1290 = tpu.memref_slice %arg15[%dma_start3A_1288, %dma_start3A_1289] : memref<10000x128xf32, #tpu.memory_space<vmem_shared>> -> memref<10000x128xf32, #tpu.memory_space<vmem_shared>>
          tpu.enqueue_indirect_dma source(%dma_start3A_1290 : memref<10000x128xf32, #tpu.memory_space<vmem_shared>>) target(%dma_start3A_1286 : memref<32x128xf32, #tpu.memory_space<vmem>>) offsets(%dma_start3A_1287 : memref<32xi32, #tpu.memory_space<vmem>>) semaphore(%arg21 : memref<!tpu.dma_semaphore, #tpu.memory_space<semaphore_mem>>)
        } else {
        }
        %get3A_1048 = arith.constant 1 : i32
        %get3A_1049 = arith.index_cast %get3A_1048 : i32 to index
        %get3A_1050 = arith.index_cast %add3A_1004 : i32 to index
        %get3A_1051 = arith.constant 0 : index
        %get3A_1052 = tpu.vector_load %arg10[%get3A_1049, %get3A_1050, %get3A_1051] {strides = array<i32>} : memref<2x32x128xf32, #tpu.memory_space<vmem>>, vector<16xf32>,
        %add3A_1053 = arith.addf %scan3A_1039#0, %get3A_1052 : vector<16xf32>
        %max3A_1054 = arith.constant 0.000000e+00 : f32
        %max3A_1055 = vector.broadcast %max3A_1054 : f32 to vector<16xf32>
        %max3A_1056 = arith.maximumf %add3A_1053, %max3A_1055 : vector<16xf32>
        %mul3A_1057 = arith.mulf %max3A_1056, %get3A_77 : vector<16xf32>
        %get3A_1058 = arith.constant 1 : i32
        %get3A_1059 = arith.index_cast %get3A_1058 : i32 to index
        %get3A_1060 = arith.index_cast %add3A_1004 : i32 to index
        %get3A_1061 = arith.constant 16 : index
        %get3A_1062 = tpu.vector_load %arg10[%get3A_1059, %get3A_1060, %get3A_1061] {strides = array<i32>} : memref<2x32x128xf32, #tpu.memory_space<vmem>>, vector<16xf32>,
        %add3A_1063 = arith.addf %scan3A_1039#1, %get3A_1062 : vector<16xf32>
        %max3A_1064 = arith.constant 0.000000e+00 : f32
        %max3A_1065 = vector.broadcast %max3A_1064 : f32 to vector<16xf32>
        %max3A_1066 = arith.maximumf %add3A_1063, %max3A_1065 : vector<16xf32>
        %mul3A_1067 = arith.mulf %max3A_1066, %get3A_79 : vector<16xf32>
        %add3A_1068 = arith.addf %mul3A_1057, %mul3A_1067 : vector<16xf32>
        %get3A_1069 = arith.constant 1 : i32
        %get3A_1070 = arith.index_cast %get3A_1069 : i32 to index
        %get3A_1071 = arith.index_cast %add3A_1004 : i32 to index
        %get3A_1072 = arith.constant 32 : index
        %get3A_1073 = tpu.vector_load %arg10[%get3A_1070, %get3A_1071, %get3A_1072] {strides = array<i32>} : memref<2x32x128xf32, #tpu.memory_space<vmem>>, vector<16xf32>,
        %add3A_1074 = arith.addf %scan3A_1039#2, %get3A_1073 : vector<16xf32>
        %max3A_1075 = arith.constant 0.000000e+00 : f32
        %max3A_1076 = vector.broadcast %max3A_1075 : f32 to vector<16xf32>
        %max3A_1077 = arith.maximumf %add3A_1074, %max3A_1076 : vector<16xf32>
        %mul3A_1078 = arith.mulf %max3A_1077, %get3A_81 : vector<16xf32>
        %add3A_1079 = arith.addf %add3A_1068, %mul3A_1078 : vector<16xf32>
        %get3A_1080 = arith.constant 1 : i32
        %get3A_1081 = arith.index_cast %get3A_1080 : i32 to index
        %get3A_1082 = arith.index_cast %add3A_1004 : i32 to index
        %get3A_1083 = arith.constant 48 : index
        %get3A_1084 = tpu.vector_load %arg10[%get3A_1081, %get3A_1082, %get3A_1083] {strides = array<i32>} : memref<2x32x128xf32, #tpu.memory_space<vmem>>, vector<16xf32>,
        %add3A_1085 = arith.addf %scan3A_1039#3, %get3A_1084 : vector<16xf32>
        %max3A_1086 = arith.constant 0.000000e+00 : f32
        %max3A_1087 = vector.broadcast %max3A_1086 : f32 to vector<16xf32>
        %max3A_1088 = arith.maximumf %add3A_1085, %max3A_1087 : vector<16xf32>
        %mul3A_1089 = arith.mulf %max3A_1088, %get3A_83 : vector<16xf32>
        %add3A_1090 = arith.addf %add3A_1079, %mul3A_1089 : vector<16xf32>
        %get3A_1091 = arith.constant 1 : i32
        %get3A_1092 = arith.index_cast %get3A_1091 : i32 to index
        %get3A_1093 = arith.index_cast %add3A_1004 : i32 to index
        %get3A_1094 = arith.constant 64 : index
        %get3A_1095 = tpu.vector_load %arg10[%get3A_1092, %get3A_1093, %get3A_1094] {strides = array<i32>} : memref<2x32x128xf32, #tpu.memory_space<vmem>>, vector<16xf32>,
        %add3A_1096 = arith.addf %scan3A_1039#4, %get3A_1095 : vector<16xf32>
        %max3A_1097 = arith.constant 0.000000e+00 : f32
        %max3A_1098 = vector.broadcast %max3A_1097 : f32 to vector<16xf32>
        %max3A_1099 = arith.maximumf %add3A_1096, %max3A_1098 : vector<16xf32>
        %mul3A_1100 = arith.mulf %max3A_1099, %get3A_85 : vector<16xf32>
        %add3A_1101 = arith.addf %add3A_1090, %mul3A_1100 : vector<16xf32>
        %get3A_1102 = arith.constant 1 : i32
        %get3A_1103 = arith.index_cast %get3A_1102 : i32 to index
        %get3A_1104 = arith.index_cast %add3A_1004 : i32 to index
        %get3A_1105 = arith.constant 80 : index
        %get3A_1106 = tpu.vector_load %arg10[%get3A_1103, %get3A_1104, %get3A_1105] {strides = array<i32>} : memref<2x32x128xf32, #tpu.memory_space<vmem>>, vector<16xf32>,
        %add3A_1107 = arith.addf %scan3A_1039#5, %get3A_1106 : vector<16xf32>
        %max3A_1108 = arith.constant 0.000000e+00 : f32
        %max3A_1109 = vector.broadcast %max3A_1108 : f32 to vector<16xf32>
        %max3A_1110 = arith.maximumf %add3A_1107, %max3A_1109 : vector<16xf32>
        %mul3A_1111 = arith.mulf %max3A_1110, %get3A_87 : vector<16xf32>
        %add3A_1112 = arith.addf %add3A_1101, %mul3A_1111 : vector<16xf32>
        %get3A_1113 = arith.constant 1 : i32
        %get3A_1114 = arith.index_cast %get3A_1113 : i32 to index
        %get3A_1115 = arith.index_cast %add3A_1004 : i32 to index
        %get3A_1116 = arith.constant 96 : index
        %get3A_1117 = tpu.vector_load %arg10[%get3A_1114, %get3A_1115, %get3A_1116] {strides = array<i32>} : memref<2x32x128xf32, #tpu.memory_space<vmem>>, vector<16xf32>,
        %add3A_1118 = arith.addf %scan3A_1039#6, %get3A_1117 : vector<16xf32>
        %max3A_1119 = arith.constant 0.000000e+00 : f32
        %max3A_1120 = vector.broadcast %max3A_1119 : f32 to vector<16xf32>
        %max3A_1121 = arith.maximumf %add3A_1118, %max3A_1120 : vector<16xf32>
        %mul3A_1122 = arith.mulf %max3A_1121, %get3A_89 : vector<16xf32>
        %add3A_1123 = arith.addf %add3A_1112, %mul3A_1122 : vector<16xf32>
        %get3A_1124 = arith.constant 1 : i32
        %get3A_1125 = arith.index_cast %get3A_1124 : i32 to index
        %get3A_1126 = arith.index_cast %add3A_1004 : i32 to index
        %get3A_1127 = arith.constant 112 : index
        %get3A_1128 = tpu.vector_load %arg10[%get3A_1125, %get3A_1126, %get3A_1127] {strides = array<i32>} : memref<2x32x128xf32, #tpu.memory_space<vmem>>, vector<16xf32>,
        %add3A_1129 = arith.addf %scan3A_1039#7, %get3A_1128 : vector<16xf32>
        %max3A_1130 = arith.constant 0.000000e+00 : f32
        %max3A_1131 = vector.broadcast %max3A_1130 : f32 to vector<16xf32>
        %max3A_1132 = arith.maximumf %add3A_1129, %max3A_1131 : vector<16xf32>
        %mul3A_1133 = arith.mulf %max3A_1132, %get3A_91 : vector<16xf32>
        %add3A_1134 = arith.addf %add3A_1123, %mul3A_1133 : vector<16xf32>
        %mul3A_1135 = arith.constant 4 : i32
        %mul3A_1136 = arith.muli %scan3A_722, %mul3A_1135 : i32
        %add3A_1137 = arith.constant 3 : i32
        %add3A_1138 = arith.addi %mul3A_1136, %add3A_1137 : i32
        %mul3A_1139 = arith.constant 32 : i32
        %mul3A_1140 = arith.muli %add3A_698, %mul3A_1139 : i32
        %add3A_1141 = arith.addi %mul3A_1140, %add3A_1138 : i32
        %mul3A_1142 = arith.constant 32 : i32
        %mul3A_1143 = arith.muli %add3A_1141, %mul3A_1142 : i32
        %dma_wait3A_1144 = arith.constant 3 : i32
        %dma_wait3A_1145 = arith.constant 0 : i32
        %dma_wait3A_1146 = arith.constant 0 : i32
        %dma_wait3A_1147 = tpu.memref_slice %arg11[%dma_wait3A_1144, %dma_wait3A_1145, %dma_wait3A_1146] : memref<4x32x128xf32, #tpu.memory_space<vmem>> -> memref<1x32x128xf32, #tpu.memory_space<vmem>>
        %dma_wait3A_1148 = tpu.memref_squeeze %dma_wait3A_1147 : memref<1x32x128xf32, #tpu.memory_space<vmem>> -> memref<32x128xf32, #tpu.memory_space<vmem>>
        %dma_wait3A_1149 = tpu.memref_slice %arg9[%mul3A_1143] : memref<8192xi32, #tpu.memory_space<vmem>> -> memref<32xi32, #tpu.memory_space<vmem>>
        %dma_wait3A_1150 = arith.constant 0 : i32
        %dma_wait3A_1151 = arith.constant 0 : i32
        %dma_wait3A_1152 = tpu.memref_slice %arg15[%dma_wait3A_1150, %dma_wait3A_1151] : memref<10000x128xf32, #tpu.memory_space<vmem_shared>> -> memref<10000x128xf32, #tpu.memory_space<vmem_shared>>
        tpu.wait_indirect_dma semaphore(%arg22 : memref<!tpu.dma_semaphore, #tpu.memory_space<semaphore_mem>>) src(%dma_wait3A_1152 : memref<10000x128xf32, #tpu.memory_space<vmem_shared>>) dst(%dma_wait3A_1148 : memref<32x128xf32, #tpu.memory_space<vmem>>)
        %broadcast_in_dim3A_1153 = arith.constant 0.000000e+00 : f32
        %broadcast_in_dim3A_1154 = vector.broadcast %broadcast_in_dim3A_1153 : f32 to vector<16xf32>
        %broadcast_in_dim3A_1155 = arith.constant 0.000000e+00 : f32
        %broadcast_in_dim3A_1156 = vector.broadcast %broadcast_in_dim3A_1155 : f32 to vector<16xf32>
        %broadcast_in_dim3A_1157 = arith.constant 0.000000e+00 : f32
        %broadcast_in_dim3A_1158 = vector.broadcast %broadcast_in_dim3A_1157 : f32 to vector<16xf32>
        %broadcast_in_dim3A_1159 = arith.constant 0.000000e+00 : f32
        %broadcast_in_dim3A_1160 = vector.broadcast %broadcast_in_dim3A_1159 : f32 to vector<16xf32>
        %broadcast_in_dim3A_1161 = arith.constant 0.000000e+00 : f32
        %broadcast_in_dim3A_1162 = vector.broadcast %broadcast_in_dim3A_1161 : f32 to vector<16xf32>
        %broadcast_in_dim3A_1163 = arith.constant 0.000000e+00 : f32
        %broadcast_in_dim3A_1164 = vector.broadcast %broadcast_in_dim3A_1163 : f32 to vector<16xf32>
        %broadcast_in_dim3A_1165 = arith.constant 0.000000e+00 : f32
        %broadcast_in_dim3A_1166 = vector.broadcast %broadcast_in_dim3A_1165 : f32 to vector<16xf32>
        %broadcast_in_dim3A_1167 = arith.constant 0.000000e+00 : f32
        %broadcast_in_dim3A_1168 = vector.broadcast %broadcast_in_dim3A_1167 : f32 to vector<16xf32>
        %scan3A_1169 = arith.constant 0 : i32
        %scan3A_1170 = arith.constant 8 : i32
        %scan3A_1171 = arith.addi %scan3A_1169, %scan3A_1170 : i32
        %scan3A_1172 = arith.constant 1 : i32
        %scan3A_1173:8 = scf.for %scan3A_1280 = %scan3A_1169 to %scan3A_1171 step %scan3A_1172 iter_args(%scan3A_1281 = %broadcast_in_dim3A_1154, %scan3A_1282 = %broadcast_in_dim3A_1156, %scan3A_1283 = %broadcast_in_dim3A_1158, %scan3A_1284 = %broadcast_in_dim3A_1160, %scan3A_1285 = %broadcast_in_dim3A_1162, %scan3A_1286 = %broadcast_in_dim3A_1164, %scan3A_1287 = %broadcast_in_dim3A_1166, %scan3A_1288 = %broadcast_in_dim3A_1168) -> (vector<16xf32>, vector<16xf32>, vector<16xf32>, vector<16xf32>, vector<16xf32>, vector<16xf32>, vector<16xf32>, vector<16xf32>)  : i32 {
          %mul3A_1289 = arith.constant 4 : i32
          %mul3A_1290 = arith.muli %scan3A_1280, %mul3A_1289 : i32
          %add3A_1291 = arith.constant 0 : i32
          %add3A_1292 = arith.addi %mul3A_1290, %add3A_1291 : i32
          %get3A_1293 = arith.constant 3 : i32
          %get3A_1294 = arith.index_cast %get3A_1293 : i32 to index
          %get3A_1295 = arith.index_cast %add3A_1292 : i32 to index
          %get3A_1296 = arith.constant 0 : index
          %get3A_1297 = tpu.vector_load %arg11[%get3A_1294, %get3A_1295, %get3A_1296] {strides = array<i32>} : memref<4x32x128xf32, #tpu.memory_space<vmem>>, vector<16xf32>,
          %add3A_1298 = arith.addf %scan3A_1281, %get3A_1297 : vector<16xf32>
          %mul3A_1299 = arith.constant 4 : i32
          %mul3A_1300 = arith.muli %scan3A_1280, %mul3A_1299 : i32
          %add3A_1301 = arith.constant 0 : i32
          %add3A_1302 = arith.addi %mul3A_1300, %add3A_1301 : i32
          %get3A_1303 = arith.constant 3 : i32
          %get3A_1304 = arith.index_cast %get3A_1303 : i32 to index
          %get3A_1305 = arith.index_cast %add3A_1302 : i32 to index
          %get3A_1306 = arith.constant 16 : index
          %get3A_1307 = tpu.vector_load %arg11[%get3A_1304, %get3A_1305, %get3A_1306] {strides = array<i32>} : memref<4x32x128xf32, #tpu.memory_space<vmem>>, vector<16xf32>,
          %add3A_1308 = arith.addf %scan3A_1282, %get3A_1307 : vector<16xf32>
          %mul3A_1309 = arith.constant 4 : i32
          %mul3A_1310 = arith.muli %scan3A_1280, %mul3A_1309 : i32
          %add3A_1311 = arith.constant 0 : i32
          %add3A_1312 = arith.addi %mul3A_1310, %add3A_1311 : i32
          %get3A_1313 = arith.constant 3 : i32
          %get3A_1314 = arith.index_cast %get3A_1313 : i32 to index
          %get3A_1315 = arith.index_cast %add3A_1312 : i32 to index
          %get3A_1316 = arith.constant 32 : index
          %get3A_1317 = tpu.vector_load %arg11[%get3A_1314, %get3A_1315, %get3A_1316] {strides = array<i32>} : memref<4x32x128xf32, #tpu.memory_space<vmem>>, vector<16xf32>,
          %add3A_1318 = arith.addf %scan3A_1283, %get3A_1317 : vector<16xf32>
          %mul3A_1319 = arith.constant 4 : i32
          %mul3A_1320 = arith.muli %scan3A_1280, %mul3A_1319 : i32
          %add3A_1321 = arith.constant 0 : i32
          %add3A_1322 = arith.addi %mul3A_1320, %add3A_1321 : i32
          %get3A_1323 = arith.constant 3 : i32
          %get3A_1324 = arith.index_cast %get3A_1323 : i32 to index
          %get3A_1325 = arith.index_cast %add3A_1322 : i32 to index
          %get3A_1326 = arith.constant 48 : index
          %get3A_1327 = tpu.vector_load %arg11[%get3A_1324, %get3A_1325, %get3A_1326] {strides = array<i32>} : memref<4x32x128xf32, #tpu.memory_space<vmem>>, vector<16xf32>,
          %add3A_1328 = arith.addf %scan3A_1284, %get3A_1327 : vector<16xf32>
          %mul3A_1329 = arith.constant 4 : i32
          %mul3A_1330 = arith.muli %scan3A_1280, %mul3A_1329 : i32
          %add3A_1331 = arith.constant 0 : i32
          %add3A_1332 = arith.addi %mul3A_1330, %add3A_1331 : i32
          %get3A_1333 = arith.constant 3 : i32
          %get3A_1334 = arith.index_cast %get3A_1333 : i32 to index
          %get3A_1335 = arith.index_cast %add3A_1332 : i32 to index
          %get3A_1336 = arith.constant 64 : index
          %get3A_1337 = tpu.vector_load %arg11[%get3A_1334, %get3A_1335, %get3A_1336] {strides = array<i32>} : memref<4x32x128xf32, #tpu.memory_space<vmem>>, vector<16xf32>,
          %add3A_1338 = arith.addf %scan3A_1285, %get3A_1337 : vector<16xf32>
          %mul3A_1339 = arith.constant 4 : i32
          %mul3A_1340 = arith.muli %scan3A_1280, %mul3A_1339 : i32
          %add3A_1341 = arith.constant 0 : i32
          %add3A_1342 = arith.addi %mul3A_1340, %add3A_1341 : i32
          %get3A_1343 = arith.constant 3 : i32
          %get3A_1344 = arith.index_cast %get3A_1343 : i32 to index
          %get3A_1345 = arith.index_cast %add3A_1342 : i32 to index
          %get3A_1346 = arith.constant 80 : index
          %get3A_1347 = tpu.vector_load %arg11[%get3A_1344, %get3A_1345, %get3A_1346] {strides = array<i32>} : memref<4x32x128xf32, #tpu.memory_space<vmem>>, vector<16xf32>,
          %add3A_1348 = arith.addf %scan3A_1286, %get3A_1347 : vector<16xf32>
          %mul3A_1349 = arith.constant 4 : i32
          %mul3A_1350 = arith.muli %scan3A_1280, %mul3A_1349 : i32
          %add3A_1351 = arith.constant 0 : i32
          %add3A_1352 = arith.addi %mul3A_1350, %add3A_1351 : i32
          %get3A_1353 = arith.constant 3 : i32
          %get3A_1354 = arith.index_cast %get3A_1353 : i32 to index
          %get3A_1355 = arith.index_cast %add3A_1352 : i32 to index
          %get3A_1356 = arith.constant 96 : index
          %get3A_1357 = tpu.vector_load %arg11[%get3A_1354, %get3A_1355, %get3A_1356] {strides = array<i32>} : memref<4x32x128xf32, #tpu.memory_space<vmem>>, vector<16xf32>,
          %add3A_1358 = arith.addf %scan3A_1287, %get3A_1357 : vector<16xf32>
          %mul3A_1359 = arith.constant 4 : i32
          %mul3A_1360 = arith.muli %scan3A_1280, %mul3A_1359 : i32
          %add3A_1361 = arith.constant 0 : i32
          %add3A_1362 = arith.addi %mul3A_1360, %add3A_1361 : i32
          %get3A_1363 = arith.constant 3 : i32
          %get3A_1364 = arith.index_cast %get3A_1363 : i32 to index
          %get3A_1365 = arith.index_cast %add3A_1362 : i32 to index
          %get3A_1366 = arith.constant 112 : index
          %get3A_1367 = tpu.vector_load %arg11[%get3A_1364, %get3A_1365, %get3A_1366] {strides = array<i32>} : memref<4x32x128xf32, #tpu.memory_space<vmem>>, vector<16xf32>,
          %add3A_1368 = arith.addf %scan3A_1288, %get3A_1367 : vector<16xf32>
          %mul3A_1369 = arith.constant 4 : i32
          %mul3A_1370 = arith.muli %scan3A_1280, %mul3A_1369 : i32
          %add3A_1371 = arith.constant 1 : i32
          %add3A_1372 = arith.addi %mul3A_1370, %add3A_1371 : i32
          %get3A_1373 = arith.constant 3 : i32
          %get3A_1374 = arith.index_cast %get3A_1373 : i32 to index
          %get3A_1375 = arith.index_cast %add3A_1372 : i32 to index
          %get3A_1376 = arith.constant 0 : index
          %get3A_1377 = tpu.vector_load %arg11[%get3A_1374, %get3A_1375, %get3A_1376] {strides = array<i32>} : memref<4x32x128xf32, #tpu.memory_space<vmem>>, vector<16xf32>,
          %add3A_1378 = arith.addf %add3A_1298, %get3A_1377 : vector<16xf32>
          %mul3A_1379 = arith.constant 4 : i32
          %mul3A_1380 = arith.muli %scan3A_1280, %mul3A_1379 : i32
          %add3A_1381 = arith.constant 1 : i32
          %add3A_1382 = arith.addi %mul3A_1380, %add3A_1381 : i32
          %get3A_1383 = arith.constant 3 : i32
          %get3A_1384 = arith.index_cast %get3A_1383 : i32 to index
          %get3A_1385 = arith.index_cast %add3A_1382 : i32 to index
          %get3A_1386 = arith.constant 16 : index
          %get3A_1387 = tpu.vector_load %arg11[%get3A_1384, %get3A_1385, %get3A_1386] {strides = array<i32>} : memref<4x32x128xf32, #tpu.memory_space<vmem>>, vector<16xf32>,
          %add3A_1388 = arith.addf %add3A_1308, %get3A_1387 : vector<16xf32>
          %mul3A_1389 = arith.constant 4 : i32
          %mul3A_1390 = arith.muli %scan3A_1280, %mul3A_1389 : i32
          %add3A_1391 = arith.constant 1 : i32
          %add3A_1392 = arith.addi %mul3A_1390, %add3A_1391 : i32
          %get3A_1393 = arith.constant 3 : i32
          %get3A_1394 = arith.index_cast %get3A_1393 : i32 to index
          %get3A_1395 = arith.index_cast %add3A_1392 : i32 to index
          %get3A_1396 = arith.constant 32 : index
          %get3A_1397 = tpu.vector_load %arg11[%get3A_1394, %get3A_1395, %get3A_1396] {strides = array<i32>} : memref<4x32x128xf32, #tpu.memory_space<vmem>>, vector<16xf32>,
          %add3A_1398 = arith.addf %add3A_1318, %get3A_1397 : vector<16xf32>
          %mul3A_1399 = arith.constant 4 : i32
          %mul3A_1400 = arith.muli %scan3A_1280, %mul3A_1399 : i32
          %add3A_1401 = arith.constant 1 : i32
          %add3A_1402 = arith.addi %mul3A_1400, %add3A_1401 : i32
          %get3A_1403 = arith.constant 3 : i32
          %get3A_1404 = arith.index_cast %get3A_1403 : i32 to index
          %get3A_1405 = arith.index_cast %add3A_1402 : i32 to index
          %get3A_1406 = arith.constant 48 : index
          %get3A_1407 = tpu.vector_load %arg11[%get3A_1404, %get3A_1405, %get3A_1406] {strides = array<i32>} : memref<4x32x128xf32, #tpu.memory_space<vmem>>, vector<16xf32>,
          %add3A_1408 = arith.addf %add3A_1328, %get3A_1407 : vector<16xf32>
          %mul3A_1409 = arith.constant 4 : i32
          %mul3A_1410 = arith.muli %scan3A_1280, %mul3A_1409 : i32
          %add3A_1411 = arith.constant 1 : i32
          %add3A_1412 = arith.addi %mul3A_1410, %add3A_1411 : i32
          %get3A_1413 = arith.constant 3 : i32
          %get3A_1414 = arith.index_cast %get3A_1413 : i32 to index
          %get3A_1415 = arith.index_cast %add3A_1412 : i32 to index
          %get3A_1416 = arith.constant 64 : index
          %get3A_1417 = tpu.vector_load %arg11[%get3A_1414, %get3A_1415, %get3A_1416] {strides = array<i32>} : memref<4x32x128xf32, #tpu.memory_space<vmem>>, vector<16xf32>,
          %add3A_1418 = arith.addf %add3A_1338, %get3A_1417 : vector<16xf32>
          %mul3A_1419 = arith.constant 4 : i32
          %mul3A_1420 = arith.muli %scan3A_1280, %mul3A_1419 : i32
          %add3A_1421 = arith.constant 1 : i32
          %add3A_1422 = arith.addi %mul3A_1420, %add3A_1421 : i32
          %get3A_1423 = arith.constant 3 : i32
          %get3A_1424 = arith.index_cast %get3A_1423 : i32 to index
          %get3A_1425 = arith.index_cast %add3A_1422 : i32 to index
          %get3A_1426 = arith.constant 80 : index
          %get3A_1427 = tpu.vector_load %arg11[%get3A_1424, %get3A_1425, %get3A_1426] {strides = array<i32>} : memref<4x32x128xf32, #tpu.memory_space<vmem>>, vector<16xf32>,
          %add3A_1428 = arith.addf %add3A_1348, %get3A_1427 : vector<16xf32>
          %mul3A_1429 = arith.constant 4 : i32
          %mul3A_1430 = arith.muli %scan3A_1280, %mul3A_1429 : i32
          %add3A_1431 = arith.constant 1 : i32
          %add3A_1432 = arith.addi %mul3A_1430, %add3A_1431 : i32
          %get3A_1433 = arith.constant 3 : i32
          %get3A_1434 = arith.index_cast %get3A_1433 : i32 to index
          %get3A_1435 = arith.index_cast %add3A_1432 : i32 to index
          %get3A_1436 = arith.constant 96 : index
          %get3A_1437 = tpu.vector_load %arg11[%get3A_1434, %get3A_1435, %get3A_1436] {strides = array<i32>} : memref<4x32x128xf32, #tpu.memory_space<vmem>>, vector<16xf32>,
          %add3A_1438 = arith.addf %add3A_1358, %get3A_1437 : vector<16xf32>
          %mul3A_1439 = arith.constant 4 : i32
          %mul3A_1440 = arith.muli %scan3A_1280, %mul3A_1439 : i32
          %add3A_1441 = arith.constant 1 : i32
          %add3A_1442 = arith.addi %mul3A_1440, %add3A_1441 : i32
          %get3A_1443 = arith.constant 3 : i32
          %get3A_1444 = arith.index_cast %get3A_1443 : i32 to index
          %get3A_1445 = arith.index_cast %add3A_1442 : i32 to index
          %get3A_1446 = arith.constant 112 : index
          %get3A_1447 = tpu.vector_load %arg11[%get3A_1444, %get3A_1445, %get3A_1446] {strides = array<i32>} : memref<4x32x128xf32, #tpu.memory_space<vmem>>, vector<16xf32>,
          %add3A_1448 = arith.addf %add3A_1368, %get3A_1447 : vector<16xf32>
          %mul3A_1449 = arith.constant 4 : i32
          %mul3A_1450 = arith.muli %scan3A_1280, %mul3A_1449 : i32
          %add3A_1451 = arith.constant 2 : i32
          %add3A_1452 = arith.addi %mul3A_1450, %add3A_1451 : i32
          %get3A_1453 = arith.constant 3 : i32
          %get3A_1454 = arith.index_cast %get3A_1453 : i32 to index
          %get3A_1455 = arith.index_cast %add3A_1452 : i32 to index
          %get3A_1456 = arith.constant 0 : index
          %get3A_1457 = tpu.vector_load %arg11[%get3A_1454, %get3A_1455, %get3A_1456] {strides = array<i32>} : memref<4x32x128xf32, #tpu.memory_space<vmem>>, vector<16xf32>,
          %add3A_1458 = arith.addf %add3A_1378, %get3A_1457 : vector<16xf32>
          %mul3A_1459 = arith.constant 4 : i32
          %mul3A_1460 = arith.muli %scan3A_1280, %mul3A_1459 : i32
          %add3A_1461 = arith.constant 2 : i32
          %add3A_1462 = arith.addi %mul3A_1460, %add3A_1461 : i32
          %get3A_1463 = arith.constant 3 : i32
          %get3A_1464 = arith.index_cast %get3A_1463 : i32 to index
          %get3A_1465 = arith.index_cast %add3A_1462 : i32 to index
          %get3A_1466 = arith.constant 16 : index
          %get3A_1467 = tpu.vector_load %arg11[%get3A_1464, %get3A_1465, %get3A_1466] {strides = array<i32>} : memref<4x32x128xf32, #tpu.memory_space<vmem>>, vector<16xf32>,
          %add3A_1468 = arith.addf %add3A_1388, %get3A_1467 : vector<16xf32>
          %mul3A_1469 = arith.constant 4 : i32
          %mul3A_1470 = arith.muli %scan3A_1280, %mul3A_1469 : i32
          %add3A_1471 = arith.constant 2 : i32
          %add3A_1472 = arith.addi %mul3A_1470, %add3A_1471 : i32
          %get3A_1473 = arith.constant 3 : i32
          %get3A_1474 = arith.index_cast %get3A_1473 : i32 to index
          %get3A_1475 = arith.index_cast %add3A_1472 : i32 to index
          %get3A_1476 = arith.constant 32 : index
          %get3A_1477 = tpu.vector_load %arg11[%get3A_1474, %get3A_1475, %get3A_1476] {strides = array<i32>} : memref<4x32x128xf32, #tpu.memory_space<vmem>>, vector<16xf32>,
          %add3A_1478 = arith.addf %add3A_1398, %get3A_1477 : vector<16xf32>
          %mul3A_1479 = arith.constant 4 : i32
          %mul3A_1480 = arith.muli %scan3A_1280, %mul3A_1479 : i32
          %add3A_1481 = arith.constant 2 : i32
          %add3A_1482 = arith.addi %mul3A_1480, %add3A_1481 : i32
          %get3A_1483 = arith.constant 3 : i32
          %get3A_1484 = arith.index_cast %get3A_1483 : i32 to index
          %get3A_1485 = arith.index_cast %add3A_1482 : i32 to index
          %get3A_1486 = arith.constant 48 : index
          %get3A_1487 = tpu.vector_load %arg11[%get3A_1484, %get3A_1485, %get3A_1486] {strides = array<i32>} : memref<4x32x128xf32, #tpu.memory_space<vmem>>, vector<16xf32>,
          %add3A_1488 = arith.addf %add3A_1408, %get3A_1487 : vector<16xf32>
          %mul3A_1489 = arith.constant 4 : i32
          %mul3A_1490 = arith.muli %scan3A_1280, %mul3A_1489 : i32
          %add3A_1491 = arith.constant 2 : i32
          %add3A_1492 = arith.addi %mul3A_1490, %add3A_1491 : i32
          %get3A_1493 = arith.constant 3 : i32
          %get3A_1494 = arith.index_cast %get3A_1493 : i32 to index
          %get3A_1495 = arith.index_cast %add3A_1492 : i32 to index
          %get3A_1496 = arith.constant 64 : index
          %get3A_1497 = tpu.vector_load %arg11[%get3A_1494, %get3A_1495, %get3A_1496] {strides = array<i32>} : memref<4x32x128xf32, #tpu.memory_space<vmem>>, vector<16xf32>,
          %add3A_1498 = arith.addf %add3A_1418, %get3A_1497 : vector<16xf32>
          %mul3A_1499 = arith.constant 4 : i32
          %mul3A_1500 = arith.muli %scan3A_1280, %mul3A_1499 : i32
          %add3A_1501 = arith.constant 2 : i32
          %add3A_1502 = arith.addi %mul3A_1500, %add3A_1501 : i32
          %get3A_1503 = arith.constant 3 : i32
          %get3A_1504 = arith.index_cast %get3A_1503 : i32 to index
          %get3A_1505 = arith.index_cast %add3A_1502 : i32 to index
          %get3A_1506 = arith.constant 80 : index
          %get3A_1507 = tpu.vector_load %arg11[%get3A_1504, %get3A_1505, %get3A_1506] {strides = array<i32>} : memref<4x32x128xf32, #tpu.memory_space<vmem>>, vector<16xf32>,
          %add3A_1508 = arith.addf %add3A_1428, %get3A_1507 : vector<16xf32>
          %mul3A_1509 = arith.constant 4 : i32
          %mul3A_1510 = arith.muli %scan3A_1280, %mul3A_1509 : i32
          %add3A_1511 = arith.constant 2 : i32
          %add3A_1512 = arith.addi %mul3A_1510, %add3A_1511 : i32
          %get3A_1513 = arith.constant 3 : i32
          %get3A_1514 = arith.index_cast %get3A_1513 : i32 to index
          %get3A_1515 = arith.index_cast %add3A_1512 : i32 to index
          %get3A_1516 = arith.constant 96 : index
          %get3A_1517 = tpu.vector_load %arg11[%get3A_1514, %get3A_1515, %get3A_1516] {strides = array<i32>} : memref<4x32x128xf32, #tpu.memory_space<vmem>>, vector<16xf32>,
          %add3A_1518 = arith.addf %add3A_1438, %get3A_1517 : vector<16xf32>
          %mul3A_1519 = arith.constant 4 : i32
          %mul3A_1520 = arith.muli %scan3A_1280, %mul3A_1519 : i32
          %add3A_1521 = arith.constant 2 : i32
          %add3A_1522 = arith.addi %mul3A_1520, %add3A_1521 : i32
          %get3A_1523 = arith.constant 3 : i32
          %get3A_1524 = arith.index_cast %get3A_1523 : i32 to index
          %get3A_1525 = arith.index_cast %add3A_1522 : i32 to index
          %get3A_1526 = arith.constant 112 : index
          %get3A_1527 = tpu.vector_load %arg11[%get3A_1524, %get3A_1525, %get3A_1526] {strides = array<i32>} : memref<4x32x128xf32, #tpu.memory_space<vmem>>, vector<16xf32>,
          %add3A_1528 = arith.addf %add3A_1448, %get3A_1527 : vector<16xf32>
          %mul3A_1529 = arith.constant 4 : i32
          %mul3A_1530 = arith.muli %scan3A_1280, %mul3A_1529 : i32
          %add3A_1531 = arith.constant 3 : i32
          %add3A_1532 = arith.addi %mul3A_1530, %add3A_1531 : i32
          %get3A_1533 = arith.constant 3 : i32
          %get3A_1534 = arith.index_cast %get3A_1533 : i32 to index
          %get3A_1535 = arith.index_cast %add3A_1532 : i32 to index
          %get3A_1536 = arith.constant 0 : index
          %get3A_1537 = tpu.vector_load %arg11[%get3A_1534, %get3A_1535, %get3A_1536] {strides = array<i32>} : memref<4x32x128xf32, #tpu.memory_space<vmem>>, vector<16xf32>,
          %add3A_1538 = arith.addf %add3A_1458, %get3A_1537 : vector<16xf32>
          %mul3A_1539 = arith.constant 4 : i32
          %mul3A_1540 = arith.muli %scan3A_1280, %mul3A_1539 : i32
          %add3A_1541 = arith.constant 3 : i32
          %add3A_1542 = arith.addi %mul3A_1540, %add3A_1541 : i32
          %get3A_1543 = arith.constant 3 : i32
          %get3A_1544 = arith.index_cast %get3A_1543 : i32 to index
          %get3A_1545 = arith.index_cast %add3A_1542 : i32 to index
          %get3A_1546 = arith.constant 16 : index
          %get3A_1547 = tpu.vector_load %arg11[%get3A_1544, %get3A_1545, %get3A_1546] {strides = array<i32>} : memref<4x32x128xf32, #tpu.memory_space<vmem>>, vector<16xf32>,
          %add3A_1548 = arith.addf %add3A_1468, %get3A_1547 : vector<16xf32>
          %mul3A_1549 = arith.constant 4 : i32
          %mul3A_1550 = arith.muli %scan3A_1280, %mul3A_1549 : i32
          %add3A_1551 = arith.constant 3 : i32
          %add3A_1552 = arith.addi %mul3A_1550, %add3A_1551 : i32
          %get3A_1553 = arith.constant 3 : i32
          %get3A_1554 = arith.index_cast %get3A_1553 : i32 to index
          %get3A_1555 = arith.index_cast %add3A_1552 : i32 to index
          %get3A_1556 = arith.constant 32 : index
          %get3A_1557 = tpu.vector_load %arg11[%get3A_1554, %get3A_1555, %get3A_1556] {strides = array<i32>} : memref<4x32x128xf32, #tpu.memory_space<vmem>>, vector<16xf32>,
          %add3A_1558 = arith.addf %add3A_1478, %get3A_1557 : vector<16xf32>
          %mul3A_1559 = arith.constant 4 : i32
          %mul3A_1560 = arith.muli %scan3A_1280, %mul3A_1559 : i32
          %add3A_1561 = arith.constant 3 : i32
          %add3A_1562 = arith.addi %mul3A_1560, %add3A_1561 : i32
          %get3A_1563 = arith.constant 3 : i32
          %get3A_1564 = arith.index_cast %get3A_1563 : i32 to index
          %get3A_1565 = arith.index_cast %add3A_1562 : i32 to index
          %get3A_1566 = arith.constant 48 : index
          %get3A_1567 = tpu.vector_load %arg11[%get3A_1564, %get3A_1565, %get3A_1566] {strides = array<i32>} : memref<4x32x128xf32, #tpu.memory_space<vmem>>, vector<16xf32>,
          %add3A_1568 = arith.addf %add3A_1488, %get3A_1567 : vector<16xf32>
          %mul3A_1569 = arith.constant 4 : i32
          %mul3A_1570 = arith.muli %scan3A_1280, %mul3A_1569 : i32
          %add3A_1571 = arith.constant 3 : i32
          %add3A_1572 = arith.addi %mul3A_1570, %add3A_1571 : i32
          %get3A_1573 = arith.constant 3 : i32
          %get3A_1574 = arith.index_cast %get3A_1573 : i32 to index
          %get3A_1575 = arith.index_cast %add3A_1572 : i32 to index
          %get3A_1576 = arith.constant 64 : index
          %get3A_1577 = tpu.vector_load %arg11[%get3A_1574, %get3A_1575, %get3A_1576] {strides = array<i32>} : memref<4x32x128xf32, #tpu.memory_space<vmem>>, vector<16xf32>,
          %add3A_1578 = arith.addf %add3A_1498, %get3A_1577 : vector<16xf32>
          %mul3A_1579 = arith.constant 4 : i32
          %mul3A_1580 = arith.muli %scan3A_1280, %mul3A_1579 : i32
          %add3A_1581 = arith.constant 3 : i32
          %add3A_1582 = arith.addi %mul3A_1580, %add3A_1581 : i32
          %get3A_1583 = arith.constant 3 : i32
          %get3A_1584 = arith.index_cast %get3A_1583 : i32 to index
          %get3A_1585 = arith.index_cast %add3A_1582 : i32 to index
          %get3A_1586 = arith.constant 80 : index
          %get3A_1587 = tpu.vector_load %arg11[%get3A_1584, %get3A_1585, %get3A_1586] {strides = array<i32>} : memref<4x32x128xf32, #tpu.memory_space<vmem>>, vector<16xf32>,
          %add3A_1588 = arith.addf %add3A_1508, %get3A_1587 : vector<16xf32>
          %mul3A_1589 = arith.constant 4 : i32
          %mul3A_1590 = arith.muli %scan3A_1280, %mul3A_1589 : i32
          %add3A_1591 = arith.constant 3 : i32
          %add3A_1592 = arith.addi %mul3A_1590, %add3A_1591 : i32
          %get3A_1593 = arith.constant 3 : i32
          %get3A_1594 = arith.index_cast %get3A_1593 : i32 to index
          %get3A_1595 = arith.index_cast %add3A_1592 : i32 to index
          %get3A_1596 = arith.constant 96 : index
          %get3A_1597 = tpu.vector_load %arg11[%get3A_1594, %get3A_1595, %get3A_1596] {strides = array<i32>} : memref<4x32x128xf32, #tpu.memory_space<vmem>>, vector<16xf32>,
          %add3A_1598 = arith.addf %add3A_1518, %get3A_1597 : vector<16xf32>
          %mul3A_1599 = arith.constant 4 : i32
          %mul3A_1600 = arith.muli %scan3A_1280, %mul3A_1599 : i32
          %add3A_1601 = arith.constant 3 : i32
          %add3A_1602 = arith.addi %mul3A_1600, %add3A_1601 : i32
          %get3A_1603 = arith.constant 3 : i32
          %get3A_1604 = arith.index_cast %get3A_1603 : i32 to index
          %get3A_1605 = arith.index_cast %add3A_1602 : i32 to index
          %get3A_1606 = arith.constant 112 : index
          %get3A_1607 = tpu.vector_load %arg11[%get3A_1604, %get3A_1605, %get3A_1606] {strides = array<i32>} : memref<4x32x128xf32, #tpu.memory_space<vmem>>, vector<16xf32>,
          %add3A_1608 = arith.addf %add3A_1528, %get3A_1607 : vector<16xf32>
          scf.yield %add3A_1538, %add3A_1548, %add3A_1558, %add3A_1568, %add3A_1578, %add3A_1588, %add3A_1598, %add3A_1608 : vector<16xf32>, vector<16xf32>, vector<16xf32>, vector<16xf32>, vector<16xf32>, vector<16xf32>, vector<16xf32>, vector<16xf32>
        }
        %scan3A_1174 = arith.constant 8 : i32
        %add3A_1175 = arith.constant 4 : i32
        %add3A_1176 = arith.addi %add3A_1141, %add3A_1175 : i32
        %lt3A_1177 = arith.constant 256 : i32
        %lt3A_1178 = arith.cmpi slt, %add3A_1176, %lt3A_1177 : i32
        %convert_element_type3A_1179 = arith.extui %lt3A_1178 : i1 to i32
        %cond3A_1180 = arith.constant 0 : i32
        %cond3A_1181 = arith.cmpi ne, %convert_element_type3A_1179, %cond3A_1180 : i32
        scf.if %cond3A_1181 {
          %mul3A_1280 = arith.constant 32 : i32
          %mul3A_1281 = arith.muli %add3A_1176, %mul3A_1280 : i32
          %dma_start3A_1282 = arith.constant 3 : i32
          %dma_start3A_1283 = arith.constant 0 : i32
          %dma_start3A_1284 = arith.constant 0 : i32
          %dma_start3A_1285 = tpu.memref_slice %arg11[%dma_start3A_1282, %dma_start3A_1283, %dma_start3A_1284] : memref<4x32x128xf32, #tpu.memory_space<vmem>> -> memref<1x32x128xf32, #tpu.memory_space<vmem>>
          %dma_start3A_1286 = tpu.memref_squeeze %dma_start3A_1285 : memref<1x32x128xf32, #tpu.memory_space<vmem>> -> memref<32x128xf32, #tpu.memory_space<vmem>>
          %dma_start3A_1287 = tpu.memref_slice %arg9[%mul3A_1281] : memref<8192xi32, #tpu.memory_space<vmem>> -> memref<32xi32, #tpu.memory_space<vmem>>
          %dma_start3A_1288 = arith.constant 0 : i32
          %dma_start3A_1289 = arith.constant 0 : i32
          %dma_start3A_1290 = tpu.memref_slice %arg15[%dma_start3A_1288, %dma_start3A_1289] : memref<10000x128xf32, #tpu.memory_space<vmem_shared>> -> memref<10000x128xf32, #tpu.memory_space<vmem_shared>>
          tpu.enqueue_indirect_dma source(%dma_start3A_1290 : memref<10000x128xf32, #tpu.memory_space<vmem_shared>>) target(%dma_start3A_1286 : memref<32x128xf32, #tpu.memory_space<vmem>>) offsets(%dma_start3A_1287 : memref<32xi32, #tpu.memory_space<vmem>>) semaphore(%arg22 : memref<!tpu.dma_semaphore, #tpu.memory_space<semaphore_mem>>)
        } else {
        }
        %get3A_1182 = arith.constant 1 : i32
        %get3A_1183 = arith.index_cast %get3A_1182 : i32 to index
        %get3A_1184 = arith.index_cast %add3A_1138 : i32 to index
        %get3A_1185 = arith.constant 0 : index
        %get3A_1186 = tpu.vector_load %arg10[%get3A_1183, %get3A_1184, %get3A_1185] {strides = array<i32>} : memref<2x32x128xf32, #tpu.memory_space<vmem>>, vector<16xf32>,
        %add3A_1187 = arith.addf %scan3A_1173#0, %get3A_1186 : vector<16xf32>
        %max3A_1188 = arith.constant 0.000000e+00 : f32
        %max3A_1189 = vector.broadcast %max3A_1188 : f32 to vector<16xf32>
        %max3A_1190 = arith.maximumf %add3A_1187, %max3A_1189 : vector<16xf32>
        %mul3A_1191 = arith.mulf %max3A_1190, %get3A_77 : vector<16xf32>
        %get3A_1192 = arith.constant 1 : i32
        %get3A_1193 = arith.index_cast %get3A_1192 : i32 to index
        %get3A_1194 = arith.index_cast %add3A_1138 : i32 to index
        %get3A_1195 = arith.constant 16 : index
        %get3A_1196 = tpu.vector_load %arg10[%get3A_1193, %get3A_1194, %get3A_1195] {strides = array<i32>} : memref<2x32x128xf32, #tpu.memory_space<vmem>>, vector<16xf32>,
        %add3A_1197 = arith.addf %scan3A_1173#1, %get3A_1196 : vector<16xf32>
        %max3A_1198 = arith.constant 0.000000e+00 : f32
        %max3A_1199 = vector.broadcast %max3A_1198 : f32 to vector<16xf32>
        %max3A_1200 = arith.maximumf %add3A_1197, %max3A_1199 : vector<16xf32>
        %mul3A_1201 = arith.mulf %max3A_1200, %get3A_79 : vector<16xf32>
        %add3A_1202 = arith.addf %mul3A_1191, %mul3A_1201 : vector<16xf32>
        %get3A_1203 = arith.constant 1 : i32
        %get3A_1204 = arith.index_cast %get3A_1203 : i32 to index
        %get3A_1205 = arith.index_cast %add3A_1138 : i32 to index
        %get3A_1206 = arith.constant 32 : index
        %get3A_1207 = tpu.vector_load %arg10[%get3A_1204, %get3A_1205, %get3A_1206] {strides = array<i32>} : memref<2x32x128xf32, #tpu.memory_space<vmem>>, vector<16xf32>,
        %add3A_1208 = arith.addf %scan3A_1173#2, %get3A_1207 : vector<16xf32>
        %max3A_1209 = arith.constant 0.000000e+00 : f32
        %max3A_1210 = vector.broadcast %max3A_1209 : f32 to vector<16xf32>
        %max3A_1211 = arith.maximumf %add3A_1208, %max3A_1210 : vector<16xf32>
        %mul3A_1212 = arith.mulf %max3A_1211, %get3A_81 : vector<16xf32>
        %add3A_1213 = arith.addf %add3A_1202, %mul3A_1212 : vector<16xf32>
        %get3A_1214 = arith.constant 1 : i32
        %get3A_1215 = arith.index_cast %get3A_1214 : i32 to index
        %get3A_1216 = arith.index_cast %add3A_1138 : i32 to index
        %get3A_1217 = arith.constant 48 : index
        %get3A_1218 = tpu.vector_load %arg10[%get3A_1215, %get3A_1216, %get3A_1217] {strides = array<i32>} : memref<2x32x128xf32, #tpu.memory_space<vmem>>, vector<16xf32>,
        %add3A_1219 = arith.addf %scan3A_1173#3, %get3A_1218 : vector<16xf32>
        %max3A_1220 = arith.constant 0.000000e+00 : f32
        %max3A_1221 = vector.broadcast %max3A_1220 : f32 to vector<16xf32>
        %max3A_1222 = arith.maximumf %add3A_1219, %max3A_1221 : vector<16xf32>
        %mul3A_1223 = arith.mulf %max3A_1222, %get3A_83 : vector<16xf32>
        %add3A_1224 = arith.addf %add3A_1213, %mul3A_1223 : vector<16xf32>
        %get3A_1225 = arith.constant 1 : i32
        %get3A_1226 = arith.index_cast %get3A_1225 : i32 to index
        %get3A_1227 = arith.index_cast %add3A_1138 : i32 to index
        %get3A_1228 = arith.constant 64 : index
        %get3A_1229 = tpu.vector_load %arg10[%get3A_1226, %get3A_1227, %get3A_1228] {strides = array<i32>} : memref<2x32x128xf32, #tpu.memory_space<vmem>>, vector<16xf32>,
        %add3A_1230 = arith.addf %scan3A_1173#4, %get3A_1229 : vector<16xf32>
        %max3A_1231 = arith.constant 0.000000e+00 : f32
        %max3A_1232 = vector.broadcast %max3A_1231 : f32 to vector<16xf32>
        %max3A_1233 = arith.maximumf %add3A_1230, %max3A_1232 : vector<16xf32>
        %mul3A_1234 = arith.mulf %max3A_1233, %get3A_85 : vector<16xf32>
        %add3A_1235 = arith.addf %add3A_1224, %mul3A_1234 : vector<16xf32>
        %get3A_1236 = arith.constant 1 : i32
        %get3A_1237 = arith.index_cast %get3A_1236 : i32 to index
        %get3A_1238 = arith.index_cast %add3A_1138 : i32 to index
        %get3A_1239 = arith.constant 80 : index
        %get3A_1240 = tpu.vector_load %arg10[%get3A_1237, %get3A_1238, %get3A_1239] {strides = array<i32>} : memref<2x32x128xf32, #tpu.memory_space<vmem>>, vector<16xf32>,
        %add3A_1241 = arith.addf %scan3A_1173#5, %get3A_1240 : vector<16xf32>
        %max3A_1242 = arith.constant 0.000000e+00 : f32
        %max3A_1243 = vector.broadcast %max3A_1242 : f32 to vector<16xf32>
        %max3A_1244 = arith.maximumf %add3A_1241, %max3A_1243 : vector<16xf32>
        %mul3A_1245 = arith.mulf %max3A_1244, %get3A_87 : vector<16xf32>
        %add3A_1246 = arith.addf %add3A_1235, %mul3A_1245 : vector<16xf32>
        %get3A_1247 = arith.constant 1 : i32
        %get3A_1248 = arith.index_cast %get3A_1247 : i32 to index
        %get3A_1249 = arith.index_cast %add3A_1138 : i32 to index
        %get3A_1250 = arith.constant 96 : index
        %get3A_1251 = tpu.vector_load %arg10[%get3A_1248, %get3A_1249, %get3A_1250] {strides = array<i32>} : memref<2x32x128xf32, #tpu.memory_space<vmem>>, vector<16xf32>,
        %add3A_1252 = arith.addf %scan3A_1173#6, %get3A_1251 : vector<16xf32>
        %max3A_1253 = arith.constant 0.000000e+00 : f32
        %max3A_1254 = vector.broadcast %max3A_1253 : f32 to vector<16xf32>
        %max3A_1255 = arith.maximumf %add3A_1252, %max3A_1254 : vector<16xf32>
        %mul3A_1256 = arith.mulf %max3A_1255, %get3A_89 : vector<16xf32>
        %add3A_1257 = arith.addf %add3A_1246, %mul3A_1256 : vector<16xf32>
        %get3A_1258 = arith.constant 1 : i32
        %get3A_1259 = arith.index_cast %get3A_1258 : i32 to index
        %get3A_1260 = arith.index_cast %add3A_1138 : i32 to index
        %get3A_1261 = arith.constant 112 : index
        %get3A_1262 = tpu.vector_load %arg10[%get3A_1259, %get3A_1260, %get3A_1261] {strides = array<i32>} : memref<2x32x128xf32, #tpu.memory_space<vmem>>, vector<16xf32>,
        %add3A_1263 = arith.addf %scan3A_1173#7, %get3A_1262 : vector<16xf32>
        %max3A_1264 = arith.constant 0.000000e+00 : f32
        %max3A_1265 = vector.broadcast %max3A_1264 : f32 to vector<16xf32>
        %max3A_1266 = arith.maximumf %add3A_1263, %max3A_1265 : vector<16xf32>
        %mul3A_1267 = arith.mulf %max3A_1266, %get3A_91 : vector<16xf32>
        %add3A_1268 = arith.addf %add3A_1257, %mul3A_1267 : vector<16xf32>
        %mul3A_1269 = arith.constant 16 : i32
        %mul3A_1270 = arith.muli %add3A_698, %mul3A_1269 : i32
        %mul3A_1271 = arith.constant 2 : i32
        %mul3A_1272 = arith.muli %scan3A_722, %mul3A_1271 : i32
        %add3A_1273 = arith.addi %mul3A_1270, %mul3A_1272 : i32
        %add3A_1274 = arith.constant 1 : i32
        %add3A_1275 = arith.addi %add3A_1273, %add3A_1274 : i32
        %add3A_1276 = arith.addf %add3A_1134, %add3A_1268 : vector<16xf32>
        %swap3A_1277 = arith.index_cast %add3A_1275 : i32 to index
        %swap3A_1278 = arith.constant 0 : index
        %swap3A_1279 = tpu.vector_load %arg13[%swap3A_1277, %swap3A_1278] {strides = array<i32>} : memref<128x16xf32, #tpu.memory_space<vmem>>, vector<16xf32>,
        tpu.vector_store %arg13[%swap3A_1277, %swap3A_1278], %add3A_1276 {strides = array<i32>} : memref<128x16xf32, #tpu.memory_space<vmem>>, vector<16xf32>,
      }
      %scan3A_714 = arith.constant 8 : i32
      %add3A_715 = arith.constant 2 : i32
      %add3A_716 = arith.addi %add3A_698, %add3A_715 : i32
      %lt3A_717 = arith.constant 8 : i32
      %lt3A_718 = arith.cmpi slt, %add3A_716, %lt3A_717 : i32
      %convert_element_type3A_719 = arith.extui %lt3A_718 : i1 to i32
      %cond3A_720 = arith.constant 0 : i32
      %cond3A_721 = arith.cmpi ne, %convert_element_type3A_719, %cond3A_720 : i32
      scf.if %cond3A_721 {
        %mul3A_722 = arith.constant 32 : i32
        %mul3A_723 = arith.muli %add3A_716, %mul3A_722 : i32
        %dma_start3A_724 = arith.constant 1 : i32
        %dma_start3A_725 = arith.constant 0 : i32
        %dma_start3A_726 = arith.constant 0 : i32
        %dma_start3A_727 = tpu.memref_slice %arg10[%dma_start3A_724, %dma_start3A_725, %dma_start3A_726] : memref<2x32x128xf32, #tpu.memory_space<vmem>> -> memref<1x32x128xf32, #tpu.memory_space<vmem>>
        %dma_start3A_728 = tpu.memref_squeeze %dma_start3A_727 : memref<1x32x128xf32, #tpu.memory_space<vmem>> -> memref<32x128xf32, #tpu.memory_space<vmem>>
        %dma_start3A_729 = tpu.memref_slice %arg8[%mul3A_723] : memref<256xi32, #tpu.memory_space<vmem>> -> memref<32xi32, #tpu.memory_space<vmem>>
        %dma_start3A_730 = arith.constant 0 : i32
        %dma_start3A_731 = arith.constant 0 : i32
        %dma_start3A_732 = tpu.memref_slice %arg4[%dma_start3A_730, %dma_start3A_731] : memref<10000x128xf32, #tpu.memory_space<hbm>> -> memref<10000x128xf32, #tpu.memory_space<hbm>>
        tpu.enqueue_indirect_dma source(%dma_start3A_732 : memref<10000x128xf32, #tpu.memory_space<hbm>>) target(%dma_start3A_728 : memref<32x128xf32, #tpu.memory_space<vmem>>) offsets(%dma_start3A_729 : memref<32xi32, #tpu.memory_space<vmem>>) semaphore(%arg17 : memref<!tpu.dma_semaphore, #tpu.memory_space<semaphore_mem>>)
      } else {
      }
    }
    %scan3A_95 = arith.constant 4 : i32
    %iota3A = tpu.iota {dimensions = array<i32: 0>} : vector<16xi32>
    %add3A_96 = arith.constant 0 : i32
    %add3A_97 = vector.broadcast %add3A_96 : i32 to vector<16xi32>
    %add3A_98 = arith.addi %iota3A, %add3A_97 : vector<16xi32>
    %broadcast_in_dim3A = arith.constant 0 : i32
    %broadcast_in_dim3A_99 = vector.broadcast %broadcast_in_dim3A : i32 to vector<16xi32>
    %gather3A = tpu.vector_load_idx %arg13[%add3A_98, %broadcast_in_dim3A_99] : memref<128x16xf32, #tpu.memory_space<vmem>>[vector<16xi32>, vector<16xi32>], vector<16xf32>,
    %broadcast_in_dim3A_100 = arith.constant 1 : i32
    %broadcast_in_dim3A_101 = vector.broadcast %broadcast_in_dim3A_100 : i32 to vector<16xi32>
    %gather3A_102 = tpu.vector_load_idx %arg13[%add3A_98, %broadcast_in_dim3A_101] : memref<128x16xf32, #tpu.memory_space<vmem>>[vector<16xi32>, vector<16xi32>], vector<16xf32>,
    %add3A_103 = arith.addf %gather3A, %gather3A_102 : vector<16xf32>
    %broadcast_in_dim3A_104 = arith.constant 2 : i32
    %broadcast_in_dim3A_105 = vector.broadcast %broadcast_in_dim3A_104 : i32 to vector<16xi32>
    %gather3A_106 = tpu.vector_load_idx %arg13[%add3A_98, %broadcast_in_dim3A_105] : memref<128x16xf32, #tpu.memory_space<vmem>>[vector<16xi32>, vector<16xi32>], vector<16xf32>,
    %add3A_107 = arith.addf %add3A_103, %gather3A_106 : vector<16xf32>
    %broadcast_in_dim3A_108 = arith.constant 3 : i32
    %broadcast_in_dim3A_109 = vector.broadcast %broadcast_in_dim3A_108 : i32 to vector<16xi32>
    %gather3A_110 = tpu.vector_load_idx %arg13[%add3A_98, %broadcast_in_dim3A_109] : memref<128x16xf32, #tpu.memory_space<vmem>>[vector<16xi32>, vector<16xi32>], vector<16xf32>,
    %add3A_111 = arith.addf %add3A_107, %gather3A_110 : vector<16xf32>
    %broadcast_in_dim3A_112 = arith.constant 4 : i32
    %broadcast_in_dim3A_113 = vector.broadcast %broadcast_in_dim3A_112 : i32 to vector<16xi32>
    %gather3A_114 = tpu.vector_load_idx %arg13[%add3A_98, %broadcast_in_dim3A_113] : memref<128x16xf32, #tpu.memory_space<vmem>>[vector<16xi32>, vector<16xi32>], vector<16xf32>,
    %add3A_115 = arith.addf %add3A_111, %gather3A_114 : vector<16xf32>
    %broadcast_in_dim3A_116 = arith.constant 5 : i32
    %broadcast_in_dim3A_117 = vector.broadcast %broadcast_in_dim3A_116 : i32 to vector<16xi32>
    %gather3A_118 = tpu.vector_load_idx %arg13[%add3A_98, %broadcast_in_dim3A_117] : memref<128x16xf32, #tpu.memory_space<vmem>>[vector<16xi32>, vector<16xi32>], vector<16xf32>,
    %add3A_119 = arith.addf %add3A_115, %gather3A_118 : vector<16xf32>
    %broadcast_in_dim3A_120 = arith.constant 6 : i32
    %broadcast_in_dim3A_121 = vector.broadcast %broadcast_in_dim3A_120 : i32 to vector<16xi32>
    %gather3A_122 = tpu.vector_load_idx %arg13[%add3A_98, %broadcast_in_dim3A_121] : memref<128x16xf32, #tpu.memory_space<vmem>>[vector<16xi32>, vector<16xi32>], vector<16xf32>,
    %add3A_123 = arith.addf %add3A_119, %gather3A_122 : vector<16xf32>
    %broadcast_in_dim3A_124 = arith.constant 7 : i32
    %broadcast_in_dim3A_125 = vector.broadcast %broadcast_in_dim3A_124 : i32 to vector<16xi32>
    %gather3A_126 = tpu.vector_load_idx %arg13[%add3A_98, %broadcast_in_dim3A_125] : memref<128x16xf32, #tpu.memory_space<vmem>>[vector<16xi32>, vector<16xi32>], vector<16xf32>,
    %add3A_127 = arith.addf %add3A_123, %gather3A_126 : vector<16xf32>
    %broadcast_in_dim3A_128 = arith.constant 8 : i32
    %broadcast_in_dim3A_129 = vector.broadcast %broadcast_in_dim3A_128 : i32 to vector<16xi32>
    %gather3A_130 = tpu.vector_load_idx %arg13[%add3A_98, %broadcast_in_dim3A_129] : memref<128x16xf32, #tpu.memory_space<vmem>>[vector<16xi32>, vector<16xi32>], vector<16xf32>,
    %add3A_131 = arith.addf %add3A_127, %gather3A_130 : vector<16xf32>
    %broadcast_in_dim3A_132 = arith.constant 9 : i32
    %broadcast_in_dim3A_133 = vector.broadcast %broadcast_in_dim3A_132 : i32 to vector<16xi32>
    %gather3A_134 = tpu.vector_load_idx %arg13[%add3A_98, %broadcast_in_dim3A_133] : memref<128x16xf32, #tpu.memory_space<vmem>>[vector<16xi32>, vector<16xi32>], vector<16xf32>,
    %add3A_135 = arith.addf %add3A_131, %gather3A_134 : vector<16xf32>
    %broadcast_in_dim3A_136 = arith.constant 10 : i32
    %broadcast_in_dim3A_137 = vector.broadcast %broadcast_in_dim3A_136 : i32 to vector<16xi32>
    %gather3A_138 = tpu.vector_load_idx %arg13[%add3A_98, %broadcast_in_dim3A_137] : memref<128x16xf32, #tpu.memory_space<vmem>>[vector<16xi32>, vector<16xi32>], vector<16xf32>,
    %add3A_139 = arith.addf %add3A_135, %gather3A_138 : vector<16xf32>
    %broadcast_in_dim3A_140 = arith.constant 11 : i32
    %broadcast_in_dim3A_141 = vector.broadcast %broadcast_in_dim3A_140 : i32 to vector<16xi32>
    %gather3A_142 = tpu.vector_load_idx %arg13[%add3A_98, %broadcast_in_dim3A_141] : memref<128x16xf32, #tpu.memory_space<vmem>>[vector<16xi32>, vector<16xi32>], vector<16xf32>,
    %add3A_143 = arith.addf %add3A_139, %gather3A_142 : vector<16xf32>
    %broadcast_in_dim3A_144 = arith.constant 12 : i32
    %broadcast_in_dim3A_145 = vector.broadcast %broadcast_in_dim3A_144 : i32 to vector<16xi32>
    %gather3A_146 = tpu.vector_load_idx %arg13[%add3A_98, %broadcast_in_dim3A_145] : memref<128x16xf32, #tpu.memory_space<vmem>>[vector<16xi32>, vector<16xi32>], vector<16xf32>,
    %add3A_147 = arith.addf %add3A_143, %gather3A_146 : vector<16xf32>
    %broadcast_in_dim3A_148 = arith.constant 13 : i32
    %broadcast_in_dim3A_149 = vector.broadcast %broadcast_in_dim3A_148 : i32 to vector<16xi32>
    %gather3A_150 = tpu.vector_load_idx %arg13[%add3A_98, %broadcast_in_dim3A_149] : memref<128x16xf32, #tpu.memory_space<vmem>>[vector<16xi32>, vector<16xi32>], vector<16xf32>,
    %add3A_151 = arith.addf %add3A_147, %gather3A_150 : vector<16xf32>
    %broadcast_in_dim3A_152 = arith.constant 14 : i32
    %broadcast_in_dim3A_153 = vector.broadcast %broadcast_in_dim3A_152 : i32 to vector<16xi32>
    %gather3A_154 = tpu.vector_load_idx %arg13[%add3A_98, %broadcast_in_dim3A_153] : memref<128x16xf32, #tpu.memory_space<vmem>>[vector<16xi32>, vector<16xi32>], vector<16xf32>,
    %add3A_155 = arith.addf %add3A_151, %gather3A_154 : vector<16xf32>
    %broadcast_in_dim3A_156 = arith.constant 15 : i32
    %broadcast_in_dim3A_157 = vector.broadcast %broadcast_in_dim3A_156 : i32 to vector<16xi32>
    %gather3A_158 = tpu.vector_load_idx %arg13[%add3A_98, %broadcast_in_dim3A_157] : memref<128x16xf32, #tpu.memory_space<vmem>>[vector<16xi32>, vector<16xi32>], vector<16xf32>,
    %add3A_159 = arith.addf %add3A_155, %gather3A_158 : vector<16xf32>
    %mul3A_160 = arith.constant 5.000000e-01 : f32
    %mul3A_161 = vector.broadcast %mul3A_160 : f32 to vector<16xf32>
    %mul3A_162 = arith.mulf %add3A_159, %mul3A_161 : vector<16xf32>
    %swap3A = arith.constant 0 : index
    %swap3A_163 = tpu.vector_load %arg14[%swap3A] {strides = array<i32>} : memref<128xf32, #tpu.memory_space<vmem>>, vector<16xf32>,
    tpu.vector_store %arg14[%swap3A], %mul3A_162 {strides = array<i32>} : memref<128xf32, #tpu.memory_space<vmem>>, vector<16xf32>,
    %iota3A_164 = tpu.iota {dimensions = array<i32: 0>} : vector<16xi32>
    %add3A_165 = arith.constant 16 : i32
    %add3A_166 = vector.broadcast %add3A_165 : i32 to vector<16xi32>
    %add3A_167 = arith.addi %iota3A_164, %add3A_166 : vector<16xi32>
    %broadcast_in_dim3A_168 = arith.constant 0 : i32
    %broadcast_in_dim3A_169 = vector.broadcast %broadcast_in_dim3A_168 : i32 to vector<16xi32>
    %gather3A_170 = tpu.vector_load_idx %arg13[%add3A_167, %broadcast_in_dim3A_169] : memref<128x16xf32, #tpu.memory_space<vmem>>[vector<16xi32>, vector<16xi32>], vector<16xf32>,
    %broadcast_in_dim3A_171 = arith.constant 1 : i32
    %broadcast_in_dim3A_172 = vector.broadcast %broadcast_in_dim3A_171 : i32 to vector<16xi32>
    %gather3A_173 = tpu.vector_load_idx %arg13[%add3A_167, %broadcast_in_dim3A_172] : memref<128x16xf32, #tpu.memory_space<vmem>>[vector<16xi32>, vector<16xi32>], vector<16xf32>,
    %add3A_174 = arith.addf %gather3A_170, %gather3A_173 : vector<16xf32>
    %broadcast_in_dim3A_175 = arith.constant 2 : i32
    %broadcast_in_dim3A_176 = vector.broadcast %broadcast_in_dim3A_175 : i32 to vector<16xi32>
    %gather3A_177 = tpu.vector_load_idx %arg13[%add3A_167, %broadcast_in_dim3A_176] : memref<128x16xf32, #tpu.memory_space<vmem>>[vector<16xi32>, vector<16xi32>], vector<16xf32>,
    %add3A_178 = arith.addf %add3A_174, %gather3A_177 : vector<16xf32>
    %broadcast_in_dim3A_179 = arith.constant 3 : i32
    %broadcast_in_dim3A_180 = vector.broadcast %broadcast_in_dim3A_179 : i32 to vector<16xi32>
    %gather3A_181 = tpu.vector_load_idx %arg13[%add3A_167, %broadcast_in_dim3A_180] : memref<128x16xf32, #tpu.memory_space<vmem>>[vector<16xi32>, vector<16xi32>], vector<16xf32>,
    %add3A_182 = arith.addf %add3A_178, %gather3A_181 : vector<16xf32>
    %broadcast_in_dim3A_183 = arith.constant 4 : i32
    %broadcast_in_dim3A_184 = vector.broadcast %broadcast_in_dim3A_183 : i32 to vector<16xi32>
    %gather3A_185 = tpu.vector_load_idx %arg13[%add3A_167, %broadcast_in_dim3A_184] : memref<128x16xf32, #tpu.memory_space<vmem>>[vector<16xi32>, vector<16xi32>], vector<16xf32>,
    %add3A_186 = arith.addf %add3A_182, %gather3A_185 : vector<16xf32>
    %broadcast_in_dim3A_187 = arith.constant 5 : i32
    %broadcast_in_dim3A_188 = vector.broadcast %broadcast_in_dim3A_187 : i32 to vector<16xi32>
    %gather3A_189 = tpu.vector_load_idx %arg13[%add3A_167, %broadcast_in_dim3A_188] : memref<128x16xf32, #tpu.memory_space<vmem>>[vector<16xi32>, vector<16xi32>], vector<16xf32>,
    %add3A_190 = arith.addf %add3A_186, %gather3A_189 : vector<16xf32>
    %broadcast_in_dim3A_191 = arith.constant 6 : i32
    %broadcast_in_dim3A_192 = vector.broadcast %broadcast_in_dim3A_191 : i32 to vector<16xi32>
    %gather3A_193 = tpu.vector_load_idx %arg13[%add3A_167, %broadcast_in_dim3A_192] : memref<128x16xf32, #tpu.memory_space<vmem>>[vector<16xi32>, vector<16xi32>], vector<16xf32>,
    %add3A_194 = arith.addf %add3A_190, %gather3A_193 : vector<16xf32>
    %broadcast_in_dim3A_195 = arith.constant 7 : i32
    %broadcast_in_dim3A_196 = vector.broadcast %broadcast_in_dim3A_195 : i32 to vector<16xi32>
    %gather3A_197 = tpu.vector_load_idx %arg13[%add3A_167, %broadcast_in_dim3A_196] : memref<128x16xf32, #tpu.memory_space<vmem>>[vector<16xi32>, vector<16xi32>], vector<16xf32>,
    %add3A_198 = arith.addf %add3A_194, %gather3A_197 : vector<16xf32>
    %broadcast_in_dim3A_199 = arith.constant 8 : i32
    %broadcast_in_dim3A_200 = vector.broadcast %broadcast_in_dim3A_199 : i32 to vector<16xi32>
    %gather3A_201 = tpu.vector_load_idx %arg13[%add3A_167, %broadcast_in_dim3A_200] : memref<128x16xf32, #tpu.memory_space<vmem>>[vector<16xi32>, vector<16xi32>], vector<16xf32>,
    %add3A_202 = arith.addf %add3A_198, %gather3A_201 : vector<16xf32>
    %broadcast_in_dim3A_203 = arith.constant 9 : i32
    %broadcast_in_dim3A_204 = vector.broadcast %broadcast_in_dim3A_203 : i32 to vector<16xi32>
    %gather3A_205 = tpu.vector_load_idx %arg13[%add3A_167, %broadcast_in_dim3A_204] : memref<128x16xf32, #tpu.memory_space<vmem>>[vector<16xi32>, vector<16xi32>], vector<16xf32>,
    %add3A_206 = arith.addf %add3A_202, %gather3A_205 : vector<16xf32>
    %broadcast_in_dim3A_207 = arith.constant 10 : i32
    %broadcast_in_dim3A_208 = vector.broadcast %broadcast_in_dim3A_207 : i32 to vector<16xi32>
    %gather3A_209 = tpu.vector_load_idx %arg13[%add3A_167, %broadcast_in_dim3A_208] : memref<128x16xf32, #tpu.memory_space<vmem>>[vector<16xi32>, vector<16xi32>], vector<16xf32>,
    %add3A_210 = arith.addf %add3A_206, %gather3A_209 : vector<16xf32>
    %broadcast_in_dim3A_211 = arith.constant 11 : i32
    %broadcast_in_dim3A_212 = vector.broadcast %broadcast_in_dim3A_211 : i32 to vector<16xi32>
    %gather3A_213 = tpu.vector_load_idx %arg13[%add3A_167, %broadcast_in_dim3A_212] : memref<128x16xf32, #tpu.memory_space<vmem>>[vector<16xi32>, vector<16xi32>], vector<16xf32>,
    %add3A_214 = arith.addf %add3A_210, %gather3A_213 : vector<16xf32>
    %broadcast_in_dim3A_215 = arith.constant 12 : i32
    %broadcast_in_dim3A_216 = vector.broadcast %broadcast_in_dim3A_215 : i32 to vector<16xi32>
    %gather3A_217 = tpu.vector_load_idx %arg13[%add3A_167, %broadcast_in_dim3A_216] : memref<128x16xf32, #tpu.memory_space<vmem>>[vector<16xi32>, vector<16xi32>], vector<16xf32>,
    %add3A_218 = arith.addf %add3A_214, %gather3A_217 : vector<16xf32>
    %broadcast_in_dim3A_219 = arith.constant 13 : i32
    %broadcast_in_dim3A_220 = vector.broadcast %broadcast_in_dim3A_219 : i32 to vector<16xi32>
    %gather3A_221 = tpu.vector_load_idx %arg13[%add3A_167, %broadcast_in_dim3A_220] : memref<128x16xf32, #tpu.memory_space<vmem>>[vector<16xi32>, vector<16xi32>], vector<16xf32>,
    %add3A_222 = arith.addf %add3A_218, %gather3A_221 : vector<16xf32>
    %broadcast_in_dim3A_223 = arith.constant 14 : i32
    %broadcast_in_dim3A_224 = vector.broadcast %broadcast_in_dim3A_223 : i32 to vector<16xi32>
    %gather3A_225 = tpu.vector_load_idx %arg13[%add3A_167, %broadcast_in_dim3A_224] : memref<128x16xf32, #tpu.memory_space<vmem>>[vector<16xi32>, vector<16xi32>], vector<16xf32>,
    %add3A_226 = arith.addf %add3A_222, %gather3A_225 : vector<16xf32>
    %broadcast_in_dim3A_227 = arith.constant 15 : i32
    %broadcast_in_dim3A_228 = vector.broadcast %broadcast_in_dim3A_227 : i32 to vector<16xi32>
    %gather3A_229 = tpu.vector_load_idx %arg13[%add3A_167, %broadcast_in_dim3A_228] : memref<128x16xf32, #tpu.memory_space<vmem>>[vector<16xi32>, vector<16xi32>], vector<16xf32>,
    %add3A_230 = arith.addf %add3A_226, %gather3A_229 : vector<16xf32>
    %mul3A_231 = arith.constant 5.000000e-01 : f32
    %mul3A_232 = vector.broadcast %mul3A_231 : f32 to vector<16xf32>
    %mul3A_233 = arith.mulf %add3A_230, %mul3A_232 : vector<16xf32>
    %swap3A_234 = arith.constant 16 : index
    %swap3A_235 = tpu.vector_load %arg14[%swap3A_234] {strides = array<i32>} : memref<128xf32, #tpu.memory_space<vmem>>, vector<16xf32>,
    tpu.vector_store %arg14[%swap3A_234], %mul3A_233 {strides = array<i32>} : memref<128xf32, #tpu.memory_space<vmem>>, vector<16xf32>,
    %iota3A_236 = tpu.iota {dimensions = array<i32: 0>} : vector<16xi32>
    %add3A_237 = arith.constant 32 : i32
    %add3A_238 = vector.broadcast %add3A_237 : i32 to vector<16xi32>
    %add3A_239 = arith.addi %iota3A_236, %add3A_238 : vector<16xi32>
    %broadcast_in_dim3A_240 = arith.constant 0 : i32
    %broadcast_in_dim3A_241 = vector.broadcast %broadcast_in_dim3A_240 : i32 to vector<16xi32>
    %gather3A_242 = tpu.vector_load_idx %arg13[%add3A_239, %broadcast_in_dim3A_241] : memref<128x16xf32, #tpu.memory_space<vmem>>[vector<16xi32>, vector<16xi32>], vector<16xf32>,
    %broadcast_in_dim3A_243 = arith.constant 1 : i32
    %broadcast_in_dim3A_244 = vector.broadcast %broadcast_in_dim3A_243 : i32 to vector<16xi32>
    %gather3A_245 = tpu.vector_load_idx %arg13[%add3A_239, %broadcast_in_dim3A_244] : memref<128x16xf32, #tpu.memory_space<vmem>>[vector<16xi32>, vector<16xi32>], vector<16xf32>,
    %add3A_246 = arith.addf %gather3A_242, %gather3A_245 : vector<16xf32>
    %broadcast_in_dim3A_247 = arith.constant 2 : i32
    %broadcast_in_dim3A_248 = vector.broadcast %broadcast_in_dim3A_247 : i32 to vector<16xi32>
    %gather3A_249 = tpu.vector_load_idx %arg13[%add3A_239, %broadcast_in_dim3A_248] : memref<128x16xf32, #tpu.memory_space<vmem>>[vector<16xi32>, vector<16xi32>], vector<16xf32>,
    %add3A_250 = arith.addf %add3A_246, %gather3A_249 : vector<16xf32>
    %broadcast_in_dim3A_251 = arith.constant 3 : i32
    %broadcast_in_dim3A_252 = vector.broadcast %broadcast_in_dim3A_251 : i32 to vector<16xi32>
    %gather3A_253 = tpu.vector_load_idx %arg13[%add3A_239, %broadcast_in_dim3A_252] : memref<128x16xf32, #tpu.memory_space<vmem>>[vector<16xi32>, vector<16xi32>], vector<16xf32>,
    %add3A_254 = arith.addf %add3A_250, %gather3A_253 : vector<16xf32>
    %broadcast_in_dim3A_255 = arith.constant 4 : i32
    %broadcast_in_dim3A_256 = vector.broadcast %broadcast_in_dim3A_255 : i32 to vector<16xi32>
    %gather3A_257 = tpu.vector_load_idx %arg13[%add3A_239, %broadcast_in_dim3A_256] : memref<128x16xf32, #tpu.memory_space<vmem>>[vector<16xi32>, vector<16xi32>], vector<16xf32>,
    %add3A_258 = arith.addf %add3A_254, %gather3A_257 : vector<16xf32>
    %broadcast_in_dim3A_259 = arith.constant 5 : i32
    %broadcast_in_dim3A_260 = vector.broadcast %broadcast_in_dim3A_259 : i32 to vector<16xi32>
    %gather3A_261 = tpu.vector_load_idx %arg13[%add3A_239, %broadcast_in_dim3A_260] : memref<128x16xf32, #tpu.memory_space<vmem>>[vector<16xi32>, vector<16xi32>], vector<16xf32>,
    %add3A_262 = arith.addf %add3A_258, %gather3A_261 : vector<16xf32>
    %broadcast_in_dim3A_263 = arith.constant 6 : i32
    %broadcast_in_dim3A_264 = vector.broadcast %broadcast_in_dim3A_263 : i32 to vector<16xi32>
    %gather3A_265 = tpu.vector_load_idx %arg13[%add3A_239, %broadcast_in_dim3A_264] : memref<128x16xf32, #tpu.memory_space<vmem>>[vector<16xi32>, vector<16xi32>], vector<16xf32>,
    %add3A_266 = arith.addf %add3A_262, %gather3A_265 : vector<16xf32>
    %broadcast_in_dim3A_267 = arith.constant 7 : i32
    %broadcast_in_dim3A_268 = vector.broadcast %broadcast_in_dim3A_267 : i32 to vector<16xi32>
    %gather3A_269 = tpu.vector_load_idx %arg13[%add3A_239, %broadcast_in_dim3A_268] : memref<128x16xf32, #tpu.memory_space<vmem>>[vector<16xi32>, vector<16xi32>], vector<16xf32>,
    %add3A_270 = arith.addf %add3A_266, %gather3A_269 : vector<16xf32>
    %broadcast_in_dim3A_271 = arith.constant 8 : i32
    %broadcast_in_dim3A_272 = vector.broadcast %broadcast_in_dim3A_271 : i32 to vector<16xi32>
    %gather3A_273 = tpu.vector_load_idx %arg13[%add3A_239, %broadcast_in_dim3A_272] : memref<128x16xf32, #tpu.memory_space<vmem>>[vector<16xi32>, vector<16xi32>], vector<16xf32>,
    %add3A_274 = arith.addf %add3A_270, %gather3A_273 : vector<16xf32>
    %broadcast_in_dim3A_275 = arith.constant 9 : i32
    %broadcast_in_dim3A_276 = vector.broadcast %broadcast_in_dim3A_275 : i32 to vector<16xi32>
    %gather3A_277 = tpu.vector_load_idx %arg13[%add3A_239, %broadcast_in_dim3A_276] : memref<128x16xf32, #tpu.memory_space<vmem>>[vector<16xi32>, vector<16xi32>], vector<16xf32>,
    %add3A_278 = arith.addf %add3A_274, %gather3A_277 : vector<16xf32>
    %broadcast_in_dim3A_279 = arith.constant 10 : i32
    %broadcast_in_dim3A_280 = vector.broadcast %broadcast_in_dim3A_279 : i32 to vector<16xi32>
    %gather3A_281 = tpu.vector_load_idx %arg13[%add3A_239, %broadcast_in_dim3A_280] : memref<128x16xf32, #tpu.memory_space<vmem>>[vector<16xi32>, vector<16xi32>], vector<16xf32>,
    %add3A_282 = arith.addf %add3A_278, %gather3A_281 : vector<16xf32>
    %broadcast_in_dim3A_283 = arith.constant 11 : i32
    %broadcast_in_dim3A_284 = vector.broadcast %broadcast_in_dim3A_283 : i32 to vector<16xi32>
    %gather3A_285 = tpu.vector_load_idx %arg13[%add3A_239, %broadcast_in_dim3A_284] : memref<128x16xf32, #tpu.memory_space<vmem>>[vector<16xi32>, vector<16xi32>], vector<16xf32>,
    %add3A_286 = arith.addf %add3A_282, %gather3A_285 : vector<16xf32>
    %broadcast_in_dim3A_287 = arith.constant 12 : i32
    %broadcast_in_dim3A_288 = vector.broadcast %broadcast_in_dim3A_287 : i32 to vector<16xi32>
    %gather3A_289 = tpu.vector_load_idx %arg13[%add3A_239, %broadcast_in_dim3A_288] : memref<128x16xf32, #tpu.memory_space<vmem>>[vector<16xi32>, vector<16xi32>], vector<16xf32>,
    %add3A_290 = arith.addf %add3A_286, %gather3A_289 : vector<16xf32>
    %broadcast_in_dim3A_291 = arith.constant 13 : i32
    %broadcast_in_dim3A_292 = vector.broadcast %broadcast_in_dim3A_291 : i32 to vector<16xi32>
    %gather3A_293 = tpu.vector_load_idx %arg13[%add3A_239, %broadcast_in_dim3A_292] : memref<128x16xf32, #tpu.memory_space<vmem>>[vector<16xi32>, vector<16xi32>], vector<16xf32>,
    %add3A_294 = arith.addf %add3A_290, %gather3A_293 : vector<16xf32>
    %broadcast_in_dim3A_295 = arith.constant 14 : i32
    %broadcast_in_dim3A_296 = vector.broadcast %broadcast_in_dim3A_295 : i32 to vector<16xi32>
    %gather3A_297 = tpu.vector_load_idx %arg13[%add3A_239, %broadcast_in_dim3A_296] : memref<128x16xf32, #tpu.memory_space<vmem>>[vector<16xi32>, vector<16xi32>], vector<16xf32>,
    %add3A_298 = arith.addf %add3A_294, %gather3A_297 : vector<16xf32>
    %broadcast_in_dim3A_299 = arith.constant 15 : i32
    %broadcast_in_dim3A_300 = vector.broadcast %broadcast_in_dim3A_299 : i32 to vector<16xi32>
    %gather3A_301 = tpu.vector_load_idx %arg13[%add3A_239, %broadcast_in_dim3A_300] : memref<128x16xf32, #tpu.memory_space<vmem>>[vector<16xi32>, vector<16xi32>], vector<16xf32>,
    %add3A_302 = arith.addf %add3A_298, %gather3A_301 : vector<16xf32>
    %mul3A_303 = arith.constant 5.000000e-01 : f32
    %mul3A_304 = vector.broadcast %mul3A_303 : f32 to vector<16xf32>
    %mul3A_305 = arith.mulf %add3A_302, %mul3A_304 : vector<16xf32>
    %swap3A_306 = arith.constant 32 : index
    %swap3A_307 = tpu.vector_load %arg14[%swap3A_306] {strides = array<i32>} : memref<128xf32, #tpu.memory_space<vmem>>, vector<16xf32>,
    tpu.vector_store %arg14[%swap3A_306], %mul3A_305 {strides = array<i32>} : memref<128xf32, #tpu.memory_space<vmem>>, vector<16xf32>,
    %iota3A_308 = tpu.iota {dimensions = array<i32: 0>} : vector<16xi32>
    %add3A_309 = arith.constant 48 : i32
    %add3A_310 = vector.broadcast %add3A_309 : i32 to vector<16xi32>
    %add3A_311 = arith.addi %iota3A_308, %add3A_310 : vector<16xi32>
    %broadcast_in_dim3A_312 = arith.constant 0 : i32
    %broadcast_in_dim3A_313 = vector.broadcast %broadcast_in_dim3A_312 : i32 to vector<16xi32>
    %gather3A_314 = tpu.vector_load_idx %arg13[%add3A_311, %broadcast_in_dim3A_313] : memref<128x16xf32, #tpu.memory_space<vmem>>[vector<16xi32>, vector<16xi32>], vector<16xf32>,
    %broadcast_in_dim3A_315 = arith.constant 1 : i32
    %broadcast_in_dim3A_316 = vector.broadcast %broadcast_in_dim3A_315 : i32 to vector<16xi32>
    %gather3A_317 = tpu.vector_load_idx %arg13[%add3A_311, %broadcast_in_dim3A_316] : memref<128x16xf32, #tpu.memory_space<vmem>>[vector<16xi32>, vector<16xi32>], vector<16xf32>,
    %add3A_318 = arith.addf %gather3A_314, %gather3A_317 : vector<16xf32>
    %broadcast_in_dim3A_319 = arith.constant 2 : i32
    %broadcast_in_dim3A_320 = vector.broadcast %broadcast_in_dim3A_319 : i32 to vector<16xi32>
    %gather3A_321 = tpu.vector_load_idx %arg13[%add3A_311, %broadcast_in_dim3A_320] : memref<128x16xf32, #tpu.memory_space<vmem>>[vector<16xi32>, vector<16xi32>], vector<16xf32>,
    %add3A_322 = arith.addf %add3A_318, %gather3A_321 : vector<16xf32>
    %broadcast_in_dim3A_323 = arith.constant 3 : i32
    %broadcast_in_dim3A_324 = vector.broadcast %broadcast_in_dim3A_323 : i32 to vector<16xi32>
    %gather3A_325 = tpu.vector_load_idx %arg13[%add3A_311, %broadcast_in_dim3A_324] : memref<128x16xf32, #tpu.memory_space<vmem>>[vector<16xi32>, vector<16xi32>], vector<16xf32>,
    %add3A_326 = arith.addf %add3A_322, %gather3A_325 : vector<16xf32>
    %broadcast_in_dim3A_327 = arith.constant 4 : i32
    %broadcast_in_dim3A_328 = vector.broadcast %broadcast_in_dim3A_327 : i32 to vector<16xi32>
    %gather3A_329 = tpu.vector_load_idx %arg13[%add3A_311, %broadcast_in_dim3A_328] : memref<128x16xf32, #tpu.memory_space<vmem>>[vector<16xi32>, vector<16xi32>], vector<16xf32>,
    %add3A_330 = arith.addf %add3A_326, %gather3A_329 : vector<16xf32>
    %broadcast_in_dim3A_331 = arith.constant 5 : i32
    %broadcast_in_dim3A_332 = vector.broadcast %broadcast_in_dim3A_331 : i32 to vector<16xi32>
    %gather3A_333 = tpu.vector_load_idx %arg13[%add3A_311, %broadcast_in_dim3A_332] : memref<128x16xf32, #tpu.memory_space<vmem>>[vector<16xi32>, vector<16xi32>], vector<16xf32>,
    %add3A_334 = arith.addf %add3A_330, %gather3A_333 : vector<16xf32>
    %broadcast_in_dim3A_335 = arith.constant 6 : i32
    %broadcast_in_dim3A_336 = vector.broadcast %broadcast_in_dim3A_335 : i32 to vector<16xi32>
    %gather3A_337 = tpu.vector_load_idx %arg13[%add3A_311, %broadcast_in_dim3A_336] : memref<128x16xf32, #tpu.memory_space<vmem>>[vector<16xi32>, vector<16xi32>], vector<16xf32>,
    %add3A_338 = arith.addf %add3A_334, %gather3A_337 : vector<16xf32>
    %broadcast_in_dim3A_339 = arith.constant 7 : i32
    %broadcast_in_dim3A_340 = vector.broadcast %broadcast_in_dim3A_339 : i32 to vector<16xi32>
    %gather3A_341 = tpu.vector_load_idx %arg13[%add3A_311, %broadcast_in_dim3A_340] : memref<128x16xf32, #tpu.memory_space<vmem>>[vector<16xi32>, vector<16xi32>], vector<16xf32>,
    %add3A_342 = arith.addf %add3A_338, %gather3A_341 : vector<16xf32>
    %broadcast_in_dim3A_343 = arith.constant 8 : i32
    %broadcast_in_dim3A_344 = vector.broadcast %broadcast_in_dim3A_343 : i32 to vector<16xi32>
    %gather3A_345 = tpu.vector_load_idx %arg13[%add3A_311, %broadcast_in_dim3A_344] : memref<128x16xf32, #tpu.memory_space<vmem>>[vector<16xi32>, vector<16xi32>], vector<16xf32>,
    %add3A_346 = arith.addf %add3A_342, %gather3A_345 : vector<16xf32>
    %broadcast_in_dim3A_347 = arith.constant 9 : i32
    %broadcast_in_dim3A_348 = vector.broadcast %broadcast_in_dim3A_347 : i32 to vector<16xi32>
    %gather3A_349 = tpu.vector_load_idx %arg13[%add3A_311, %broadcast_in_dim3A_348] : memref<128x16xf32, #tpu.memory_space<vmem>>[vector<16xi32>, vector<16xi32>], vector<16xf32>,
    %add3A_350 = arith.addf %add3A_346, %gather3A_349 : vector<16xf32>
    %broadcast_in_dim3A_351 = arith.constant 10 : i32
    %broadcast_in_dim3A_352 = vector.broadcast %broadcast_in_dim3A_351 : i32 to vector<16xi32>
    %gather3A_353 = tpu.vector_load_idx %arg13[%add3A_311, %broadcast_in_dim3A_352] : memref<128x16xf32, #tpu.memory_space<vmem>>[vector<16xi32>, vector<16xi32>], vector<16xf32>,
    %add3A_354 = arith.addf %add3A_350, %gather3A_353 : vector<16xf32>
    %broadcast_in_dim3A_355 = arith.constant 11 : i32
    %broadcast_in_dim3A_356 = vector.broadcast %broadcast_in_dim3A_355 : i32 to vector<16xi32>
    %gather3A_357 = tpu.vector_load_idx %arg13[%add3A_311, %broadcast_in_dim3A_356] : memref<128x16xf32, #tpu.memory_space<vmem>>[vector<16xi32>, vector<16xi32>], vector<16xf32>,
    %add3A_358 = arith.addf %add3A_354, %gather3A_357 : vector<16xf32>
    %broadcast_in_dim3A_359 = arith.constant 12 : i32
    %broadcast_in_dim3A_360 = vector.broadcast %broadcast_in_dim3A_359 : i32 to vector<16xi32>
    %gather3A_361 = tpu.vector_load_idx %arg13[%add3A_311, %broadcast_in_dim3A_360] : memref<128x16xf32, #tpu.memory_space<vmem>>[vector<16xi32>, vector<16xi32>], vector<16xf32>,
    %add3A_362 = arith.addf %add3A_358, %gather3A_361 : vector<16xf32>
    %broadcast_in_dim3A_363 = arith.constant 13 : i32
    %broadcast_in_dim3A_364 = vector.broadcast %broadcast_in_dim3A_363 : i32 to vector<16xi32>
    %gather3A_365 = tpu.vector_load_idx %arg13[%add3A_311, %broadcast_in_dim3A_364] : memref<128x16xf32, #tpu.memory_space<vmem>>[vector<16xi32>, vector<16xi32>], vector<16xf32>,
    %add3A_366 = arith.addf %add3A_362, %gather3A_365 : vector<16xf32>
    %broadcast_in_dim3A_367 = arith.constant 14 : i32
    %broadcast_in_dim3A_368 = vector.broadcast %broadcast_in_dim3A_367 : i32 to vector<16xi32>
    %gather3A_369 = tpu.vector_load_idx %arg13[%add3A_311, %broadcast_in_dim3A_368] : memref<128x16xf32, #tpu.memory_space<vmem>>[vector<16xi32>, vector<16xi32>], vector<16xf32>,
    %add3A_370 = arith.addf %add3A_366, %gather3A_369 : vector<16xf32>
    %broadcast_in_dim3A_371 = arith.constant 15 : i32
    %broadcast_in_dim3A_372 = vector.broadcast %broadcast_in_dim3A_371 : i32 to vector<16xi32>
    %gather3A_373 = tpu.vector_load_idx %arg13[%add3A_311, %broadcast_in_dim3A_372] : memref<128x16xf32, #tpu.memory_space<vmem>>[vector<16xi32>, vector<16xi32>], vector<16xf32>,
    %add3A_374 = arith.addf %add3A_370, %gather3A_373 : vector<16xf32>
    %mul3A_375 = arith.constant 5.000000e-01 : f32
    %mul3A_376 = vector.broadcast %mul3A_375 : f32 to vector<16xf32>
    %mul3A_377 = arith.mulf %add3A_374, %mul3A_376 : vector<16xf32>
    %swap3A_378 = arith.constant 48 : index
    %swap3A_379 = tpu.vector_load %arg14[%swap3A_378] {strides = array<i32>} : memref<128xf32, #tpu.memory_space<vmem>>, vector<16xf32>,
    tpu.vector_store %arg14[%swap3A_378], %mul3A_377 {strides = array<i32>} : memref<128xf32, #tpu.memory_space<vmem>>, vector<16xf32>,
    %iota3A_380 = tpu.iota {dimensions = array<i32: 0>} : vector<16xi32>
    %add3A_381 = arith.constant 64 : i32
    %add3A_382 = vector.broadcast %add3A_381 : i32 to vector<16xi32>
    %add3A_383 = arith.addi %iota3A_380, %add3A_382 : vector<16xi32>
    %broadcast_in_dim3A_384 = arith.constant 0 : i32
    %broadcast_in_dim3A_385 = vector.broadcast %broadcast_in_dim3A_384 : i32 to vector<16xi32>
    %gather3A_386 = tpu.vector_load_idx %arg13[%add3A_383, %broadcast_in_dim3A_385] : memref<128x16xf32, #tpu.memory_space<vmem>>[vector<16xi32>, vector<16xi32>], vector<16xf32>,
    %broadcast_in_dim3A_387 = arith.constant 1 : i32
    %broadcast_in_dim3A_388 = vector.broadcast %broadcast_in_dim3A_387 : i32 to vector<16xi32>
    %gather3A_389 = tpu.vector_load_idx %arg13[%add3A_383, %broadcast_in_dim3A_388] : memref<128x16xf32, #tpu.memory_space<vmem>>[vector<16xi32>, vector<16xi32>], vector<16xf32>,
    %add3A_390 = arith.addf %gather3A_386, %gather3A_389 : vector<16xf32>
    %broadcast_in_dim3A_391 = arith.constant 2 : i32
    %broadcast_in_dim3A_392 = vector.broadcast %broadcast_in_dim3A_391 : i32 to vector<16xi32>
    %gather3A_393 = tpu.vector_load_idx %arg13[%add3A_383, %broadcast_in_dim3A_392] : memref<128x16xf32, #tpu.memory_space<vmem>>[vector<16xi32>, vector<16xi32>], vector<16xf32>,
    %add3A_394 = arith.addf %add3A_390, %gather3A_393 : vector<16xf32>
    %broadcast_in_dim3A_395 = arith.constant 3 : i32
    %broadcast_in_dim3A_396 = vector.broadcast %broadcast_in_dim3A_395 : i32 to vector<16xi32>
    %gather3A_397 = tpu.vector_load_idx %arg13[%add3A_383, %broadcast_in_dim3A_396] : memref<128x16xf32, #tpu.memory_space<vmem>>[vector<16xi32>, vector<16xi32>], vector<16xf32>,
    %add3A_398 = arith.addf %add3A_394, %gather3A_397 : vector<16xf32>
    %broadcast_in_dim3A_399 = arith.constant 4 : i32
    %broadcast_in_dim3A_400 = vector.broadcast %broadcast_in_dim3A_399 : i32 to vector<16xi32>
    %gather3A_401 = tpu.vector_load_idx %arg13[%add3A_383, %broadcast_in_dim3A_400] : memref<128x16xf32, #tpu.memory_space<vmem>>[vector<16xi32>, vector<16xi32>], vector<16xf32>,
    %add3A_402 = arith.addf %add3A_398, %gather3A_401 : vector<16xf32>
    %broadcast_in_dim3A_403 = arith.constant 5 : i32
    %broadcast_in_dim3A_404 = vector.broadcast %broadcast_in_dim3A_403 : i32 to vector<16xi32>
    %gather3A_405 = tpu.vector_load_idx %arg13[%add3A_383, %broadcast_in_dim3A_404] : memref<128x16xf32, #tpu.memory_space<vmem>>[vector<16xi32>, vector<16xi32>], vector<16xf32>,
    %add3A_406 = arith.addf %add3A_402, %gather3A_405 : vector<16xf32>
    %broadcast_in_dim3A_407 = arith.constant 6 : i32
    %broadcast_in_dim3A_408 = vector.broadcast %broadcast_in_dim3A_407 : i32 to vector<16xi32>
    %gather3A_409 = tpu.vector_load_idx %arg13[%add3A_383, %broadcast_in_dim3A_408] : memref<128x16xf32, #tpu.memory_space<vmem>>[vector<16xi32>, vector<16xi32>], vector<16xf32>,
    %add3A_410 = arith.addf %add3A_406, %gather3A_409 : vector<16xf32>
    %broadcast_in_dim3A_411 = arith.constant 7 : i32
    %broadcast_in_dim3A_412 = vector.broadcast %broadcast_in_dim3A_411 : i32 to vector<16xi32>
    %gather3A_413 = tpu.vector_load_idx %arg13[%add3A_383, %broadcast_in_dim3A_412] : memref<128x16xf32, #tpu.memory_space<vmem>>[vector<16xi32>, vector<16xi32>], vector<16xf32>,
    %add3A_414 = arith.addf %add3A_410, %gather3A_413 : vector<16xf32>
    %broadcast_in_dim3A_415 = arith.constant 8 : i32
    %broadcast_in_dim3A_416 = vector.broadcast %broadcast_in_dim3A_415 : i32 to vector<16xi32>
    %gather3A_417 = tpu.vector_load_idx %arg13[%add3A_383, %broadcast_in_dim3A_416] : memref<128x16xf32, #tpu.memory_space<vmem>>[vector<16xi32>, vector<16xi32>], vector<16xf32>,
    %add3A_418 = arith.addf %add3A_414, %gather3A_417 : vector<16xf32>
    %broadcast_in_dim3A_419 = arith.constant 9 : i32
    %broadcast_in_dim3A_420 = vector.broadcast %broadcast_in_dim3A_419 : i32 to vector<16xi32>
    %gather3A_421 = tpu.vector_load_idx %arg13[%add3A_383, %broadcast_in_dim3A_420] : memref<128x16xf32, #tpu.memory_space<vmem>>[vector<16xi32>, vector<16xi32>], vector<16xf32>,
    %add3A_422 = arith.addf %add3A_418, %gather3A_421 : vector<16xf32>
    %broadcast_in_dim3A_423 = arith.constant 10 : i32
    %broadcast_in_dim3A_424 = vector.broadcast %broadcast_in_dim3A_423 : i32 to vector<16xi32>
    %gather3A_425 = tpu.vector_load_idx %arg13[%add3A_383, %broadcast_in_dim3A_424] : memref<128x16xf32, #tpu.memory_space<vmem>>[vector<16xi32>, vector<16xi32>], vector<16xf32>,
    %add3A_426 = arith.addf %add3A_422, %gather3A_425 : vector<16xf32>
    %broadcast_in_dim3A_427 = arith.constant 11 : i32
    %broadcast_in_dim3A_428 = vector.broadcast %broadcast_in_dim3A_427 : i32 to vector<16xi32>
    %gather3A_429 = tpu.vector_load_idx %arg13[%add3A_383, %broadcast_in_dim3A_428] : memref<128x16xf32, #tpu.memory_space<vmem>>[vector<16xi32>, vector<16xi32>], vector<16xf32>,
    %add3A_430 = arith.addf %add3A_426, %gather3A_429 : vector<16xf32>
    %broadcast_in_dim3A_431 = arith.constant 12 : i32
    %broadcast_in_dim3A_432 = vector.broadcast %broadcast_in_dim3A_431 : i32 to vector<16xi32>
    %gather3A_433 = tpu.vector_load_idx %arg13[%add3A_383, %broadcast_in_dim3A_432] : memref<128x16xf32, #tpu.memory_space<vmem>>[vector<16xi32>, vector<16xi32>], vector<16xf32>,
    %add3A_434 = arith.addf %add3A_430, %gather3A_433 : vector<16xf32>
    %broadcast_in_dim3A_435 = arith.constant 13 : i32
    %broadcast_in_dim3A_436 = vector.broadcast %broadcast_in_dim3A_435 : i32 to vector<16xi32>
    %gather3A_437 = tpu.vector_load_idx %arg13[%add3A_383, %broadcast_in_dim3A_436] : memref<128x16xf32, #tpu.memory_space<vmem>>[vector<16xi32>, vector<16xi32>], vector<16xf32>,
    %add3A_438 = arith.addf %add3A_434, %gather3A_437 : vector<16xf32>
    %broadcast_in_dim3A_439 = arith.constant 14 : i32
    %broadcast_in_dim3A_440 = vector.broadcast %broadcast_in_dim3A_439 : i32 to vector<16xi32>
    %gather3A_441 = tpu.vector_load_idx %arg13[%add3A_383, %broadcast_in_dim3A_440] : memref<128x16xf32, #tpu.memory_space<vmem>>[vector<16xi32>, vector<16xi32>], vector<16xf32>,
    %add3A_442 = arith.addf %add3A_438, %gather3A_441 : vector<16xf32>
    %broadcast_in_dim3A_443 = arith.constant 15 : i32
    %broadcast_in_dim3A_444 = vector.broadcast %broadcast_in_dim3A_443 : i32 to vector<16xi32>
    %gather3A_445 = tpu.vector_load_idx %arg13[%add3A_383, %broadcast_in_dim3A_444] : memref<128x16xf32, #tpu.memory_space<vmem>>[vector<16xi32>, vector<16xi32>], vector<16xf32>,
    %add3A_446 = arith.addf %add3A_442, %gather3A_445 : vector<16xf32>
    %mul3A_447 = arith.constant 5.000000e-01 : f32
    %mul3A_448 = vector.broadcast %mul3A_447 : f32 to vector<16xf32>
    %mul3A_449 = arith.mulf %add3A_446, %mul3A_448 : vector<16xf32>
    %swap3A_450 = arith.constant 64 : index
    %swap3A_451 = tpu.vector_load %arg14[%swap3A_450] {strides = array<i32>} : memref<128xf32, #tpu.memory_space<vmem>>, vector<16xf32>,
    tpu.vector_store %arg14[%swap3A_450], %mul3A_449 {strides = array<i32>} : memref<128xf32, #tpu.memory_space<vmem>>, vector<16xf32>,
    %iota3A_452 = tpu.iota {dimensions = array<i32: 0>} : vector<16xi32>
    %add3A_453 = arith.constant 80 : i32
    %add3A_454 = vector.broadcast %add3A_453 : i32 to vector<16xi32>
    %add3A_455 = arith.addi %iota3A_452, %add3A_454 : vector<16xi32>
    %broadcast_in_dim3A_456 = arith.constant 0 : i32
    %broadcast_in_dim3A_457 = vector.broadcast %broadcast_in_dim3A_456 : i32 to vector<16xi32>
    %gather3A_458 = tpu.vector_load_idx %arg13[%add3A_455, %broadcast_in_dim3A_457] : memref<128x16xf32, #tpu.memory_space<vmem>>[vector<16xi32>, vector<16xi32>], vector<16xf32>,
    %broadcast_in_dim3A_459 = arith.constant 1 : i32
    %broadcast_in_dim3A_460 = vector.broadcast %broadcast_in_dim3A_459 : i32 to vector<16xi32>
    %gather3A_461 = tpu.vector_load_idx %arg13[%add3A_455, %broadcast_in_dim3A_460] : memref<128x16xf32, #tpu.memory_space<vmem>>[vector<16xi32>, vector<16xi32>], vector<16xf32>,
    %add3A_462 = arith.addf %gather3A_458, %gather3A_461 : vector<16xf32>
    %broadcast_in_dim3A_463 = arith.constant 2 : i32
    %broadcast_in_dim3A_464 = vector.broadcast %broadcast_in_dim3A_463 : i32 to vector<16xi32>
    %gather3A_465 = tpu.vector_load_idx %arg13[%add3A_455, %broadcast_in_dim3A_464] : memref<128x16xf32, #tpu.memory_space<vmem>>[vector<16xi32>, vector<16xi32>], vector<16xf32>,
    %add3A_466 = arith.addf %add3A_462, %gather3A_465 : vector<16xf32>
    %broadcast_in_dim3A_467 = arith.constant 3 : i32
    %broadcast_in_dim3A_468 = vector.broadcast %broadcast_in_dim3A_467 : i32 to vector<16xi32>
    %gather3A_469 = tpu.vector_load_idx %arg13[%add3A_455, %broadcast_in_dim3A_468] : memref<128x16xf32, #tpu.memory_space<vmem>>[vector<16xi32>, vector<16xi32>], vector<16xf32>,
    %add3A_470 = arith.addf %add3A_466, %gather3A_469 : vector<16xf32>
    %broadcast_in_dim3A_471 = arith.constant 4 : i32
    %broadcast_in_dim3A_472 = vector.broadcast %broadcast_in_dim3A_471 : i32 to vector<16xi32>
    %gather3A_473 = tpu.vector_load_idx %arg13[%add3A_455, %broadcast_in_dim3A_472] : memref<128x16xf32, #tpu.memory_space<vmem>>[vector<16xi32>, vector<16xi32>], vector<16xf32>,
    %add3A_474 = arith.addf %add3A_470, %gather3A_473 : vector<16xf32>
    %broadcast_in_dim3A_475 = arith.constant 5 : i32
    %broadcast_in_dim3A_476 = vector.broadcast %broadcast_in_dim3A_475 : i32 to vector<16xi32>
    %gather3A_477 = tpu.vector_load_idx %arg13[%add3A_455, %broadcast_in_dim3A_476] : memref<128x16xf32, #tpu.memory_space<vmem>>[vector<16xi32>, vector<16xi32>], vector<16xf32>,
    %add3A_478 = arith.addf %add3A_474, %gather3A_477 : vector<16xf32>
    %broadcast_in_dim3A_479 = arith.constant 6 : i32
    %broadcast_in_dim3A_480 = vector.broadcast %broadcast_in_dim3A_479 : i32 to vector<16xi32>
    %gather3A_481 = tpu.vector_load_idx %arg13[%add3A_455, %broadcast_in_dim3A_480] : memref<128x16xf32, #tpu.memory_space<vmem>>[vector<16xi32>, vector<16xi32>], vector<16xf32>,
    %add3A_482 = arith.addf %add3A_478, %gather3A_481 : vector<16xf32>
    %broadcast_in_dim3A_483 = arith.constant 7 : i32
    %broadcast_in_dim3A_484 = vector.broadcast %broadcast_in_dim3A_483 : i32 to vector<16xi32>
    %gather3A_485 = tpu.vector_load_idx %arg13[%add3A_455, %broadcast_in_dim3A_484] : memref<128x16xf32, #tpu.memory_space<vmem>>[vector<16xi32>, vector<16xi32>], vector<16xf32>,
    %add3A_486 = arith.addf %add3A_482, %gather3A_485 : vector<16xf32>
    %broadcast_in_dim3A_487 = arith.constant 8 : i32
    %broadcast_in_dim3A_488 = vector.broadcast %broadcast_in_dim3A_487 : i32 to vector<16xi32>
    %gather3A_489 = tpu.vector_load_idx %arg13[%add3A_455, %broadcast_in_dim3A_488] : memref<128x16xf32, #tpu.memory_space<vmem>>[vector<16xi32>, vector<16xi32>], vector<16xf32>,
    %add3A_490 = arith.addf %add3A_486, %gather3A_489 : vector<16xf32>
    %broadcast_in_dim3A_491 = arith.constant 9 : i32
    %broadcast_in_dim3A_492 = vector.broadcast %broadcast_in_dim3A_491 : i32 to vector<16xi32>
    %gather3A_493 = tpu.vector_load_idx %arg13[%add3A_455, %broadcast_in_dim3A_492] : memref<128x16xf32, #tpu.memory_space<vmem>>[vector<16xi32>, vector<16xi32>], vector<16xf32>,
    %add3A_494 = arith.addf %add3A_490, %gather3A_493 : vector<16xf32>
    %broadcast_in_dim3A_495 = arith.constant 10 : i32
    %broadcast_in_dim3A_496 = vector.broadcast %broadcast_in_dim3A_495 : i32 to vector<16xi32>
    %gather3A_497 = tpu.vector_load_idx %arg13[%add3A_455, %broadcast_in_dim3A_496] : memref<128x16xf32, #tpu.memory_space<vmem>>[vector<16xi32>, vector<16xi32>], vector<16xf32>,
    %add3A_498 = arith.addf %add3A_494, %gather3A_497 : vector<16xf32>
    %broadcast_in_dim3A_499 = arith.constant 11 : i32
    %broadcast_in_dim3A_500 = vector.broadcast %broadcast_in_dim3A_499 : i32 to vector<16xi32>
    %gather3A_501 = tpu.vector_load_idx %arg13[%add3A_455, %broadcast_in_dim3A_500] : memref<128x16xf32, #tpu.memory_space<vmem>>[vector<16xi32>, vector<16xi32>], vector<16xf32>,
    %add3A_502 = arith.addf %add3A_498, %gather3A_501 : vector<16xf32>
    %broadcast_in_dim3A_503 = arith.constant 12 : i32
    %broadcast_in_dim3A_504 = vector.broadcast %broadcast_in_dim3A_503 : i32 to vector<16xi32>
    %gather3A_505 = tpu.vector_load_idx %arg13[%add3A_455, %broadcast_in_dim3A_504] : memref<128x16xf32, #tpu.memory_space<vmem>>[vector<16xi32>, vector<16xi32>], vector<16xf32>,
    %add3A_506 = arith.addf %add3A_502, %gather3A_505 : vector<16xf32>
    %broadcast_in_dim3A_507 = arith.constant 13 : i32
    %broadcast_in_dim3A_508 = vector.broadcast %broadcast_in_dim3A_507 : i32 to vector<16xi32>
    %gather3A_509 = tpu.vector_load_idx %arg13[%add3A_455, %broadcast_in_dim3A_508] : memref<128x16xf32, #tpu.memory_space<vmem>>[vector<16xi32>, vector<16xi32>], vector<16xf32>,
    %add3A_510 = arith.addf %add3A_506, %gather3A_509 : vector<16xf32>
    %broadcast_in_dim3A_511 = arith.constant 14 : i32
    %broadcast_in_dim3A_512 = vector.broadcast %broadcast_in_dim3A_511 : i32 to vector<16xi32>
    %gather3A_513 = tpu.vector_load_idx %arg13[%add3A_455, %broadcast_in_dim3A_512] : memref<128x16xf32, #tpu.memory_space<vmem>>[vector<16xi32>, vector<16xi32>], vector<16xf32>,
    %add3A_514 = arith.addf %add3A_510, %gather3A_513 : vector<16xf32>
    %broadcast_in_dim3A_515 = arith.constant 15 : i32
    %broadcast_in_dim3A_516 = vector.broadcast %broadcast_in_dim3A_515 : i32 to vector<16xi32>
    %gather3A_517 = tpu.vector_load_idx %arg13[%add3A_455, %broadcast_in_dim3A_516] : memref<128x16xf32, #tpu.memory_space<vmem>>[vector<16xi32>, vector<16xi32>], vector<16xf32>,
    %add3A_518 = arith.addf %add3A_514, %gather3A_517 : vector<16xf32>
    %mul3A_519 = arith.constant 5.000000e-01 : f32
    %mul3A_520 = vector.broadcast %mul3A_519 : f32 to vector<16xf32>
    %mul3A_521 = arith.mulf %add3A_518, %mul3A_520 : vector<16xf32>
    %swap3A_522 = arith.constant 80 : index
    %swap3A_523 = tpu.vector_load %arg14[%swap3A_522] {strides = array<i32>} : memref<128xf32, #tpu.memory_space<vmem>>, vector<16xf32>,
    tpu.vector_store %arg14[%swap3A_522], %mul3A_521 {strides = array<i32>} : memref<128xf32, #tpu.memory_space<vmem>>, vector<16xf32>,
    %iota3A_524 = tpu.iota {dimensions = array<i32: 0>} : vector<16xi32>
    %add3A_525 = arith.constant 96 : i32
    %add3A_526 = vector.broadcast %add3A_525 : i32 to vector<16xi32>
    %add3A_527 = arith.addi %iota3A_524, %add3A_526 : vector<16xi32>
    %broadcast_in_dim3A_528 = arith.constant 0 : i32
    %broadcast_in_dim3A_529 = vector.broadcast %broadcast_in_dim3A_528 : i32 to vector<16xi32>
    %gather3A_530 = tpu.vector_load_idx %arg13[%add3A_527, %broadcast_in_dim3A_529] : memref<128x16xf32, #tpu.memory_space<vmem>>[vector<16xi32>, vector<16xi32>], vector<16xf32>,
    %broadcast_in_dim3A_531 = arith.constant 1 : i32
    %broadcast_in_dim3A_532 = vector.broadcast %broadcast_in_dim3A_531 : i32 to vector<16xi32>
    %gather3A_533 = tpu.vector_load_idx %arg13[%add3A_527, %broadcast_in_dim3A_532] : memref<128x16xf32, #tpu.memory_space<vmem>>[vector<16xi32>, vector<16xi32>], vector<16xf32>,
    %add3A_534 = arith.addf %gather3A_530, %gather3A_533 : vector<16xf32>
    %broadcast_in_dim3A_535 = arith.constant 2 : i32
    %broadcast_in_dim3A_536 = vector.broadcast %broadcast_in_dim3A_535 : i32 to vector<16xi32>
    %gather3A_537 = tpu.vector_load_idx %arg13[%add3A_527, %broadcast_in_dim3A_536] : memref<128x16xf32, #tpu.memory_space<vmem>>[vector<16xi32>, vector<16xi32>], vector<16xf32>,
    %add3A_538 = arith.addf %add3A_534, %gather3A_537 : vector<16xf32>
    %broadcast_in_dim3A_539 = arith.constant 3 : i32
    %broadcast_in_dim3A_540 = vector.broadcast %broadcast_in_dim3A_539 : i32 to vector<16xi32>
    %gather3A_541 = tpu.vector_load_idx %arg13[%add3A_527, %broadcast_in_dim3A_540] : memref<128x16xf32, #tpu.memory_space<vmem>>[vector<16xi32>, vector<16xi32>], vector<16xf32>,
    %add3A_542 = arith.addf %add3A_538, %gather3A_541 : vector<16xf32>
    %broadcast_in_dim3A_543 = arith.constant 4 : i32
    %broadcast_in_dim3A_544 = vector.broadcast %broadcast_in_dim3A_543 : i32 to vector<16xi32>
    %gather3A_545 = tpu.vector_load_idx %arg13[%add3A_527, %broadcast_in_dim3A_544] : memref<128x16xf32, #tpu.memory_space<vmem>>[vector<16xi32>, vector<16xi32>], vector<16xf32>,
    %add3A_546 = arith.addf %add3A_542, %gather3A_545 : vector<16xf32>
    %broadcast_in_dim3A_547 = arith.constant 5 : i32
    %broadcast_in_dim3A_548 = vector.broadcast %broadcast_in_dim3A_547 : i32 to vector<16xi32>
    %gather3A_549 = tpu.vector_load_idx %arg13[%add3A_527, %broadcast_in_dim3A_548] : memref<128x16xf32, #tpu.memory_space<vmem>>[vector<16xi32>, vector<16xi32>], vector<16xf32>,
    %add3A_550 = arith.addf %add3A_546, %gather3A_549 : vector<16xf32>
    %broadcast_in_dim3A_551 = arith.constant 6 : i32
    %broadcast_in_dim3A_552 = vector.broadcast %broadcast_in_dim3A_551 : i32 to vector<16xi32>
    %gather3A_553 = tpu.vector_load_idx %arg13[%add3A_527, %broadcast_in_dim3A_552] : memref<128x16xf32, #tpu.memory_space<vmem>>[vector<16xi32>, vector<16xi32>], vector<16xf32>,
    %add3A_554 = arith.addf %add3A_550, %gather3A_553 : vector<16xf32>
    %broadcast_in_dim3A_555 = arith.constant 7 : i32
    %broadcast_in_dim3A_556 = vector.broadcast %broadcast_in_dim3A_555 : i32 to vector<16xi32>
    %gather3A_557 = tpu.vector_load_idx %arg13[%add3A_527, %broadcast_in_dim3A_556] : memref<128x16xf32, #tpu.memory_space<vmem>>[vector<16xi32>, vector<16xi32>], vector<16xf32>,
    %add3A_558 = arith.addf %add3A_554, %gather3A_557 : vector<16xf32>
    %broadcast_in_dim3A_559 = arith.constant 8 : i32
    %broadcast_in_dim3A_560 = vector.broadcast %broadcast_in_dim3A_559 : i32 to vector<16xi32>
    %gather3A_561 = tpu.vector_load_idx %arg13[%add3A_527, %broadcast_in_dim3A_560] : memref<128x16xf32, #tpu.memory_space<vmem>>[vector<16xi32>, vector<16xi32>], vector<16xf32>,
    %add3A_562 = arith.addf %add3A_558, %gather3A_561 : vector<16xf32>
    %broadcast_in_dim3A_563 = arith.constant 9 : i32
    %broadcast_in_dim3A_564 = vector.broadcast %broadcast_in_dim3A_563 : i32 to vector<16xi32>
    %gather3A_565 = tpu.vector_load_idx %arg13[%add3A_527, %broadcast_in_dim3A_564] : memref<128x16xf32, #tpu.memory_space<vmem>>[vector<16xi32>, vector<16xi32>], vector<16xf32>,
    %add3A_566 = arith.addf %add3A_562, %gather3A_565 : vector<16xf32>
    %broadcast_in_dim3A_567 = arith.constant 10 : i32
    %broadcast_in_dim3A_568 = vector.broadcast %broadcast_in_dim3A_567 : i32 to vector<16xi32>
    %gather3A_569 = tpu.vector_load_idx %arg13[%add3A_527, %broadcast_in_dim3A_568] : memref<128x16xf32, #tpu.memory_space<vmem>>[vector<16xi32>, vector<16xi32>], vector<16xf32>,
    %add3A_570 = arith.addf %add3A_566, %gather3A_569 : vector<16xf32>
    %broadcast_in_dim3A_571 = arith.constant 11 : i32
    %broadcast_in_dim3A_572 = vector.broadcast %broadcast_in_dim3A_571 : i32 to vector<16xi32>
    %gather3A_573 = tpu.vector_load_idx %arg13[%add3A_527, %broadcast_in_dim3A_572] : memref<128x16xf32, #tpu.memory_space<vmem>>[vector<16xi32>, vector<16xi32>], vector<16xf32>,
    %add3A_574 = arith.addf %add3A_570, %gather3A_573 : vector<16xf32>
    %broadcast_in_dim3A_575 = arith.constant 12 : i32
    %broadcast_in_dim3A_576 = vector.broadcast %broadcast_in_dim3A_575 : i32 to vector<16xi32>
    %gather3A_577 = tpu.vector_load_idx %arg13[%add3A_527, %broadcast_in_dim3A_576] : memref<128x16xf32, #tpu.memory_space<vmem>>[vector<16xi32>, vector<16xi32>], vector<16xf32>,
    %add3A_578 = arith.addf %add3A_574, %gather3A_577 : vector<16xf32>
    %broadcast_in_dim3A_579 = arith.constant 13 : i32
    %broadcast_in_dim3A_580 = vector.broadcast %broadcast_in_dim3A_579 : i32 to vector<16xi32>
    %gather3A_581 = tpu.vector_load_idx %arg13[%add3A_527, %broadcast_in_dim3A_580] : memref<128x16xf32, #tpu.memory_space<vmem>>[vector<16xi32>, vector<16xi32>], vector<16xf32>,
    %add3A_582 = arith.addf %add3A_578, %gather3A_581 : vector<16xf32>
    %broadcast_in_dim3A_583 = arith.constant 14 : i32
    %broadcast_in_dim3A_584 = vector.broadcast %broadcast_in_dim3A_583 : i32 to vector<16xi32>
    %gather3A_585 = tpu.vector_load_idx %arg13[%add3A_527, %broadcast_in_dim3A_584] : memref<128x16xf32, #tpu.memory_space<vmem>>[vector<16xi32>, vector<16xi32>], vector<16xf32>,
    %add3A_586 = arith.addf %add3A_582, %gather3A_585 : vector<16xf32>
    %broadcast_in_dim3A_587 = arith.constant 15 : i32
    %broadcast_in_dim3A_588 = vector.broadcast %broadcast_in_dim3A_587 : i32 to vector<16xi32>
    %gather3A_589 = tpu.vector_load_idx %arg13[%add3A_527, %broadcast_in_dim3A_588] : memref<128x16xf32, #tpu.memory_space<vmem>>[vector<16xi32>, vector<16xi32>], vector<16xf32>,
    %add3A_590 = arith.addf %add3A_586, %gather3A_589 : vector<16xf32>
    %mul3A_591 = arith.constant 5.000000e-01 : f32
    %mul3A_592 = vector.broadcast %mul3A_591 : f32 to vector<16xf32>
    %mul3A_593 = arith.mulf %add3A_590, %mul3A_592 : vector<16xf32>
    %swap3A_594 = arith.constant 96 : index
    %swap3A_595 = tpu.vector_load %arg14[%swap3A_594] {strides = array<i32>} : memref<128xf32, #tpu.memory_space<vmem>>, vector<16xf32>,
    tpu.vector_store %arg14[%swap3A_594], %mul3A_593 {strides = array<i32>} : memref<128xf32, #tpu.memory_space<vmem>>, vector<16xf32>,
    %iota3A_596 = tpu.iota {dimensions = array<i32: 0>} : vector<16xi32>
    %add3A_597 = arith.constant 112 : i32
    %add3A_598 = vector.broadcast %add3A_597 : i32 to vector<16xi32>
    %add3A_599 = arith.addi %iota3A_596, %add3A_598 : vector<16xi32>
    %broadcast_in_dim3A_600 = arith.constant 0 : i32
    %broadcast_in_dim3A_601 = vector.broadcast %broadcast_in_dim3A_600 : i32 to vector<16xi32>
    %gather3A_602 = tpu.vector_load_idx %arg13[%add3A_599, %broadcast_in_dim3A_601] : memref<128x16xf32, #tpu.memory_space<vmem>>[vector<16xi32>, vector<16xi32>], vector<16xf32>,
    %broadcast_in_dim3A_603 = arith.constant 1 : i32
    %broadcast_in_dim3A_604 = vector.broadcast %broadcast_in_dim3A_603 : i32 to vector<16xi32>
    %gather3A_605 = tpu.vector_load_idx %arg13[%add3A_599, %broadcast_in_dim3A_604] : memref<128x16xf32, #tpu.memory_space<vmem>>[vector<16xi32>, vector<16xi32>], vector<16xf32>,
    %add3A_606 = arith.addf %gather3A_602, %gather3A_605 : vector<16xf32>
    %broadcast_in_dim3A_607 = arith.constant 2 : i32
    %broadcast_in_dim3A_608 = vector.broadcast %broadcast_in_dim3A_607 : i32 to vector<16xi32>
    %gather3A_609 = tpu.vector_load_idx %arg13[%add3A_599, %broadcast_in_dim3A_608] : memref<128x16xf32, #tpu.memory_space<vmem>>[vector<16xi32>, vector<16xi32>], vector<16xf32>,
    %add3A_610 = arith.addf %add3A_606, %gather3A_609 : vector<16xf32>
    %broadcast_in_dim3A_611 = arith.constant 3 : i32
    %broadcast_in_dim3A_612 = vector.broadcast %broadcast_in_dim3A_611 : i32 to vector<16xi32>
    %gather3A_613 = tpu.vector_load_idx %arg13[%add3A_599, %broadcast_in_dim3A_612] : memref<128x16xf32, #tpu.memory_space<vmem>>[vector<16xi32>, vector<16xi32>], vector<16xf32>,
    %add3A_614 = arith.addf %add3A_610, %gather3A_613 : vector<16xf32>
    %broadcast_in_dim3A_615 = arith.constant 4 : i32
    %broadcast_in_dim3A_616 = vector.broadcast %broadcast_in_dim3A_615 : i32 to vector<16xi32>
    %gather3A_617 = tpu.vector_load_idx %arg13[%add3A_599, %broadcast_in_dim3A_616] : memref<128x16xf32, #tpu.memory_space<vmem>>[vector<16xi32>, vector<16xi32>], vector<16xf32>,
    %add3A_618 = arith.addf %add3A_614, %gather3A_617 : vector<16xf32>
    %broadcast_in_dim3A_619 = arith.constant 5 : i32
    %broadcast_in_dim3A_620 = vector.broadcast %broadcast_in_dim3A_619 : i32 to vector<16xi32>
    %gather3A_621 = tpu.vector_load_idx %arg13[%add3A_599, %broadcast_in_dim3A_620] : memref<128x16xf32, #tpu.memory_space<vmem>>[vector<16xi32>, vector<16xi32>], vector<16xf32>,
    %add3A_622 = arith.addf %add3A_618, %gather3A_621 : vector<16xf32>
    %broadcast_in_dim3A_623 = arith.constant 6 : i32
    %broadcast_in_dim3A_624 = vector.broadcast %broadcast_in_dim3A_623 : i32 to vector<16xi32>
    %gather3A_625 = tpu.vector_load_idx %arg13[%add3A_599, %broadcast_in_dim3A_624] : memref<128x16xf32, #tpu.memory_space<vmem>>[vector<16xi32>, vector<16xi32>], vector<16xf32>,
    %add3A_626 = arith.addf %add3A_622, %gather3A_625 : vector<16xf32>
    %broadcast_in_dim3A_627 = arith.constant 7 : i32
    %broadcast_in_dim3A_628 = vector.broadcast %broadcast_in_dim3A_627 : i32 to vector<16xi32>
    %gather3A_629 = tpu.vector_load_idx %arg13[%add3A_599, %broadcast_in_dim3A_628] : memref<128x16xf32, #tpu.memory_space<vmem>>[vector<16xi32>, vector<16xi32>], vector<16xf32>,
    %add3A_630 = arith.addf %add3A_626, %gather3A_629 : vector<16xf32>
    %broadcast_in_dim3A_631 = arith.constant 8 : i32
    %broadcast_in_dim3A_632 = vector.broadcast %broadcast_in_dim3A_631 : i32 to vector<16xi32>
    %gather3A_633 = tpu.vector_load_idx %arg13[%add3A_599, %broadcast_in_dim3A_632] : memref<128x16xf32, #tpu.memory_space<vmem>>[vector<16xi32>, vector<16xi32>], vector<16xf32>,
    %add3A_634 = arith.addf %add3A_630, %gather3A_633 : vector<16xf32>
    %broadcast_in_dim3A_635 = arith.constant 9 : i32
    %broadcast_in_dim3A_636 = vector.broadcast %broadcast_in_dim3A_635 : i32 to vector<16xi32>
    %gather3A_637 = tpu.vector_load_idx %arg13[%add3A_599, %broadcast_in_dim3A_636] : memref<128x16xf32, #tpu.memory_space<vmem>>[vector<16xi32>, vector<16xi32>], vector<16xf32>,
    %add3A_638 = arith.addf %add3A_634, %gather3A_637 : vector<16xf32>
    %broadcast_in_dim3A_639 = arith.constant 10 : i32
    %broadcast_in_dim3A_640 = vector.broadcast %broadcast_in_dim3A_639 : i32 to vector<16xi32>
    %gather3A_641 = tpu.vector_load_idx %arg13[%add3A_599, %broadcast_in_dim3A_640] : memref<128x16xf32, #tpu.memory_space<vmem>>[vector<16xi32>, vector<16xi32>], vector<16xf32>,
    %add3A_642 = arith.addf %add3A_638, %gather3A_641 : vector<16xf32>
    %broadcast_in_dim3A_643 = arith.constant 11 : i32
    %broadcast_in_dim3A_644 = vector.broadcast %broadcast_in_dim3A_643 : i32 to vector<16xi32>
    %gather3A_645 = tpu.vector_load_idx %arg13[%add3A_599, %broadcast_in_dim3A_644] : memref<128x16xf32, #tpu.memory_space<vmem>>[vector<16xi32>, vector<16xi32>], vector<16xf32>,
    %add3A_646 = arith.addf %add3A_642, %gather3A_645 : vector<16xf32>
    %broadcast_in_dim3A_647 = arith.constant 12 : i32
    %broadcast_in_dim3A_648 = vector.broadcast %broadcast_in_dim3A_647 : i32 to vector<16xi32>
    %gather3A_649 = tpu.vector_load_idx %arg13[%add3A_599, %broadcast_in_dim3A_648] : memref<128x16xf32, #tpu.memory_space<vmem>>[vector<16xi32>, vector<16xi32>], vector<16xf32>,
    %add3A_650 = arith.addf %add3A_646, %gather3A_649 : vector<16xf32>
    %broadcast_in_dim3A_651 = arith.constant 13 : i32
    %broadcast_in_dim3A_652 = vector.broadcast %broadcast_in_dim3A_651 : i32 to vector<16xi32>
    %gather3A_653 = tpu.vector_load_idx %arg13[%add3A_599, %broadcast_in_dim3A_652] : memref<128x16xf32, #tpu.memory_space<vmem>>[vector<16xi32>, vector<16xi32>], vector<16xf32>,
    %add3A_654 = arith.addf %add3A_650, %gather3A_653 : vector<16xf32>
    %broadcast_in_dim3A_655 = arith.constant 14 : i32
    %broadcast_in_dim3A_656 = vector.broadcast %broadcast_in_dim3A_655 : i32 to vector<16xi32>
    %gather3A_657 = tpu.vector_load_idx %arg13[%add3A_599, %broadcast_in_dim3A_656] : memref<128x16xf32, #tpu.memory_space<vmem>>[vector<16xi32>, vector<16xi32>], vector<16xf32>,
    %add3A_658 = arith.addf %add3A_654, %gather3A_657 : vector<16xf32>
    %broadcast_in_dim3A_659 = arith.constant 15 : i32
    %broadcast_in_dim3A_660 = vector.broadcast %broadcast_in_dim3A_659 : i32 to vector<16xi32>
    %gather3A_661 = tpu.vector_load_idx %arg13[%add3A_599, %broadcast_in_dim3A_660] : memref<128x16xf32, #tpu.memory_space<vmem>>[vector<16xi32>, vector<16xi32>], vector<16xf32>,
    %add3A_662 = arith.addf %add3A_658, %gather3A_661 : vector<16xf32>
    %mul3A_663 = arith.constant 5.000000e-01 : f32
    %mul3A_664 = vector.broadcast %mul3A_663 : f32 to vector<16xf32>
    %mul3A_665 = arith.mulf %add3A_662, %mul3A_664 : vector<16xf32>
    %swap3A_666 = arith.constant 112 : index
    %swap3A_667 = tpu.vector_load %arg14[%swap3A_666] {strides = array<i32>} : memref<128xf32, #tpu.memory_space<vmem>>, vector<16xf32>,
    tpu.vector_store %arg14[%swap3A_666], %mul3A_665 {strides = array<i32>} : memref<128xf32, #tpu.memory_space<vmem>>, vector<16xf32>,
    "tpu.region"() ({
      %run_scoped3A = tpu.sem_alloc : memref<!tpu.dma_semaphore, #tpu.memory_space<semaphore_mem>>
      %dma_start3A_668 = tpu.memref_slice %arg7[%mul3A_2] : memref<4096xf32, #tpu.memory_space<hbm>> -> memref<128xf32, #tpu.memory_space<hbm>>
      %dma_start3A_669 = tpu.memref_slice %arg7[%mul3A_2] : memref<4096xf32, #tpu.memory_space<hbm>> -> memref<128xf32, #tpu.memory_space<hbm>>
      tpu.enqueue_dma source(%arg14 : memref<128xf32, #tpu.memory_space<vmem>>) target(%dma_start3A_669 : memref<128xf32, #tpu.memory_space<hbm>>) target_semaphore(%run_scoped3A : memref<!tpu.dma_semaphore, #tpu.memory_space<semaphore_mem>>)
      %dma_wait3A_670 = tpu.memref_slice %arg7[%mul3A_2] : memref<4096xf32, #tpu.memory_space<hbm>> -> memref<128xf32, #tpu.memory_space<hbm>>
      %dma_wait3A_671 = tpu.memref_slice %arg7[%mul3A_2] : memref<4096xf32, #tpu.memory_space<hbm>> -> memref<128xf32, #tpu.memory_space<hbm>>
      tpu.wait_dma2 semaphore(%run_scoped3A : memref<!tpu.dma_semaphore, #tpu.memory_space<semaphore_mem>>) src(%arg14 : memref<128xf32, #tpu.memory_space<vmem>>) dst(%dma_wait3A_671 : memref<128xf32, #tpu.memory_space<hbm>>)
      tpu.yield
    }) : () -> ()
    return
  }
}

module attributes {stable_mosaic.version = 14 : i64} {
  func.func @_tc_body(%arg0: i32, %arg1: memref<1000x128xf32, #tpu.memory_space<vmem>>, %arg2: memref<128x128xf32, #tpu.memory_space<vmem>>, %arg3: memref<128x128xf32, #tpu.memory_space<vmem>>, %arg4: memref<1000x128xf32, #tpu.memory_space<vmem>>, %arg5: memref<1000x128xf32, #tpu.memory_space<vmem>>) attributes {dimension_semantics = [#tpu.dimension_semantics<arbitrary>], iteration_bounds = array<i64: 10>, scalar_prefetch = 0 : i64, scratch_operands = 0 : i64, tpu.core_type = #tpu.core_type<tc>, window_params = [{transform_indices = @transform_0, window_bounds = array<i64: 1000, 128>}, {transform_indices = @transform_1, window_bounds = array<i64: 128, 128>}, {transform_indices = @transform_2, window_bounds = array<i64: 128, 128>}, {transform_indices = @transform_3, window_bounds = array<i64: 1000, 128>}, {transform_indices = @transform_4, window_bounds = array<i64: 1000, 128>}]} {
    %get3A = arith.constant 0 : index
    %get3A_0 = arith.constant 0 : index
    %get3A_1 = vector.load %arg1[%get3A, %get3A_0] : memref<1000x128xf32, #tpu.memory_space<vmem>>, vector<1000x128xf32>
    %get3A_2 = arith.constant 0 : index
    %get3A_3 = arith.constant 0 : index
    %get3A_4 = vector.load %arg2[%get3A_2, %get3A_3] : memref<128x128xf32, #tpu.memory_space<vmem>>, vector<128x128xf32>
    %dot_general3A = arith.constant dense<0.000000e+00> : vector<1000x128xf32>
    %dot_general3A_5 = tpu.matmul %get3A_1, %get3A_4, %dot_general3A {dimension_numbers = #tpu.dot_dimension_numbers<[1], [1], [0], [0], [0, 0, 1, 0], [], []>, transpose_lhs_hint = false} : vector<1000x128xf32>, vector<128x128xf32>, vector<1000x128xf32> -> vector<1000x128xf32>
    %swap3A = arith.constant 0 : index
    %swap3A_6 = arith.constant 0 : index
    %swap3A_7 = vector.load %arg4[%swap3A, %swap3A_6] : memref<1000x128xf32, #tpu.memory_space<vmem>>, vector<1000x128xf32>
    tpu.vector_store %arg4[%swap3A, %swap3A_6], %dot_general3A_5 {strides = array<i32>} : memref<1000x128xf32, #tpu.memory_space<vmem>>, vector<1000x128xf32>,
    %get3A_8 = arith.constant 0 : index
    %get3A_9 = arith.constant 0 : index
    %get3A_10 = vector.load %arg3[%get3A_8, %get3A_9] : memref<128x128xf32, #tpu.memory_space<vmem>>, vector<128x128xf32>
    %dot_general3A_11 = arith.constant dense<0.000000e+00> : vector<1000x128xf32>
    %dot_general3A_12 = tpu.matmul %get3A_1, %get3A_10, %dot_general3A_11 {dimension_numbers = #tpu.dot_dimension_numbers<[1], [1], [0], [0], [0, 0, 1, 0], [], []>, transpose_lhs_hint = false} : vector<1000x128xf32>, vector<128x128xf32>, vector<1000x128xf32> -> vector<1000x128xf32>
    %mul3A = arith.constant 3.125000e-02 : f32
    %mul3A_13 = vector.broadcast %mul3A : f32 to vector<1000x128xf32>
    %mul3A_14 = arith.mulf %dot_general3A_12, %mul3A_13 : vector<1000x128xf32>
    %swap3A_15 = arith.constant 0 : index
    %swap3A_16 = arith.constant 0 : index
    %swap3A_17 = vector.load %arg5[%swap3A_15, %swap3A_16] : memref<1000x128xf32, #tpu.memory_space<vmem>>, vector<1000x128xf32>
    tpu.vector_store %arg5[%swap3A_15, %swap3A_16], %mul3A_14 {strides = array<i32>} : memref<1000x128xf32, #tpu.memory_space<vmem>>, vector<1000x128xf32>,
    return
  }
  func.func @transform_0(%arg0: i32) -> (i32, i32) {
    %c0_i32 = arith.constant 0 : i32
    %c0_i32_0 = arith.constant 0 : i32
    return %arg0, %c0_i32 : i32, i32
  }
  func.func @transform_1(%arg0: i32) -> (i32, i32) {
    %c0_i32 = arith.constant 0 : i32
    %c0_i32_0 = arith.constant 0 : i32
    %c0_i32_1 = arith.constant 0 : i32
    return %c0_i32, %c0_i32_0 : i32, i32
  }
  func.func @transform_2(%arg0: i32) -> (i32, i32) {
    %c0_i32 = arith.constant 0 : i32
    %c1_i32 = arith.constant 1 : i32
    %c0_i32_0 = arith.constant 0 : i32
    return %c0_i32, %c1_i32 : i32, i32
  }
  func.func @transform_3(%arg0: i32) -> (i32, i32) {
    %c0_i32 = arith.constant 0 : i32
    %c0_i32_0 = arith.constant 0 : i32
    return %arg0, %c0_i32 : i32, i32
  }
  func.func @transform_4(%arg0: i32) -> (i32, i32) {
    %c0_i32 = arith.constant 0 : i32
    %c0_i32_0 = arith.constant 0 : i32
    return %arg0, %c0_i32 : i32, i32
  }
}

</mosaic_0001>

<sc_bundles>
// kernel: gather_offload_async_start.1
scs
__scs_entry_jumppad:
0x0: {  	(pc) =	sbr.rel $0x88, $3  }
0x1: {  	(tag) =	ssettag $0x0;
	lr =	simm.s32 $0x1  }
0x2: {  	[smem:$0x3F9B] =	sst lr;
	_ =	strace $0xD0000000  }
0x3: {  	_ = 	snop  }
0x4: {  	_ = 	snop  }
0x5: {  	_ = 	snop  }
0x6: {  	_ = 	snop  }
0x7: {  	_ = 	snop  }
__scs_overlays_trampoline_lowered:
0x8: {  	[smem:$0x3FAA] =	sst s0  }
0x9: {  	[smem:$0x3FAB] =	sst s1  }
0xa: {  	[smem:$0x3FAC] =	sst s2  }
0xb: {  	[smem:$0x3FAD] =	sst s3  }
0xc: {  	[smem:$0x3FAE] =	sst s4  }
0xd: {  	[smem:$0x3FAF] =	sst s5  }
0xe: {  	[smem:$0x3FB0] =	sst s6  }
0xf: {  	[smem:$0x3FB1] =	sst s7  }
0x10: {  	[smem:$0x3FB2] =	sst s8  }
0x11: {  	[smem:$0x3FB3] =	sst s9;
	s0 =	simm.s32 @!p0 $0x0  }
0x12: {  	s1 =	sld [smem:$0x3F99];
	s0 =	simm.s32 @p0 $0x1  }
0x13: {  	[smem:$0x3FB4] =	sst s0;
	s0 =	simm.s32 @!p1 $0x0  }
0x14: {  	s2 =	sld [smem:$0x3F98];
	s0 =	simm.s32 @p1 $0x1  }
0x15: {  	[smem:$0x3FB5] =	sst s0;
	s0 =	simm.s32 @!p2 $0x0  }
0x16: {  	s3 =	sld [smem:$0x3FDB];
	s0 =	simm.s32 @p2 $0x1  }
0x17: {  	s4 =	simm.s32 $0x1BF5;
	[smem:$0x3FB7] =	sst s0  }
0x18: {  	s0 =	sld [smem:$0x3F9A];
	_ =	swait.ge [sflag:s4], $0x0  }
0x19: {  	s7 =	sld [smem:$0x3F9B]  }
0x1a: {  	s8 =	sadd.s32 $0xFFFFE003, lr  }
0x1b: {  	s9 =	sadd.s32 $0xFFFFFEF7, lr;
	s5 =	simm.s32 $0xFFFFFFFF;
	p2 =	slt.u32 s8, $0xFFFFF086  }
0x1c: {  	p1 =	slt.u32 s9, $0xF7A;
	s5 =	simm.s32 @!p2 $0x0  }
0x1d: {  	s5 =	simm.s32 @p1 $0x1;
	p0 =	seq.s32 s7, s2  }
0x1e: {  	s7 =	smul.u32 @!p0 $0xF7A, s2;
	p2 =	seq.s32 @!p0 s5, $0x0  }
0x1f: {  	s9 =	smul.u32 $0xF7A, s1;
	s8 =	simm.s32 @!p0 $0x1BF5;
	p2 =	por !p2, p0  }
0x20: {  	[sflag:s8] =	ssyncset.s32 @!p0 $0xFFFFF086;
	s6 =	sadd.s32 @!p0 s3, s7;
	s7 =	simm.s32 @!p0 $0x108  }
0x21: {  	s3 =	sadd.s32 s3, s9;
	s6 =	sadd.s32 @!p0 $0x88, s6;
	s7 =	simm.s32 @p2 $0x1082  }
0x22: {  	[simem:s7], [sflag:s8] =	dma.local @!p0 [hbm:s6], $0xF7A  }
0x23: {  	s9 =	sor.u32 $0xD0000000, s2;
	s6 =	simm.s32 $0x108;
	_ =	swait.ge @!p0 [sflag:s8], $0x0  }
0x24: {  	s3 =	sadd.s32 $0x88, s3;
	s6 =	simm.s32 @!p1 $0x1082;
	[sflag:s4] =	ssyncset.s32 $0xFFFFF086  }
0x25: {  	[simem:s6], [sflag:s4] =	dma.local [hbm:s3], $0xF7A  }
0x26: {  	[smem:$0x3F9B] =	sst s1;
	(tag) =	ssettag s2;
	_ =	strace s9  }
0x27: {  	s1 =	sld [smem:$0x3FAB]  }
0x28: {  	s2 =	sld [smem:$0x3FAC]  }
0x29: {  	s4 =	sld [smem:$0x3FAE]  }
0x2a: {  	p0 =	seq.s32 s5, $0x0;
	s5 =	sld [smem:$0x3FAF]  }
0x2b: {  	s6 =	sld [smem:$0x3FB0]  }
0x2c: {  	s7 =	sld [smem:$0x3FB1]  }
0x2d: {  	s3 =	simm.s32 $0x108;
	s8 =	sld [smem:$0x3FB2]  }
0x2e: {  	s3 =	simm.s32 @!p0 $0x1082;
	s9 =	sld [smem:$0x3FB3]  }
0x2f: {  	lr =	sadd.s32 s0, s3;
	s0 =	sld [smem:$0x3FAA]  }
0x30: {  	s3 =	sld [smem:$0x3FAD]  }
0x31: {  	[smem:$0x3FB6] =	sst s10  }
0x32: {  	s10 =	sld [smem:$0x3FB4];
	_ =	sdelay $0x3  }
0x33: {  	p0 =	seq.s32 s10, $0x1;
	s10 =	sld [smem:$0x3FB6];
	_ =	sdelay $0x3  }
0x34: {  	[smem:$0x3FB6] =	sst s10  }
0x35: {  	s10 =	sld [smem:$0x3FB5];
	_ =	sdelay $0x3  }
0x36: {  	p1 =	seq.s32 s10, $0x1;
	s10 =	sld [smem:$0x3FB6];
	_ =	sdelay $0x3  }
0x37: {  	[smem:$0x3FB6] =	sst s10  }
0x38: {  	s10 =	sld [smem:$0x3FB7]  }
0x39: {  	_ = 	snop;
	(pc) =	sbr.ind lr, $3  }
0x3a: {  	_ = 	snop  }
0x3b: {  	_ = 	snop  }
0x3c: {  	p2 =	seq.s32 s10, $0x1;
	s10 =	sld [smem:$0x3FB6]  }
0x3d: {  	_ =	shalt  }
0x3e: {  	_ =	shalt  }
0x3f: {  	_ =	shalt  }
0x40: {  	_ =	shalt  }
0x41: {  	_ =	shalt  }
0x42: {  	_ =	shalt  }
0x43: {  	_ =	shalt  }
0x44: {  	_ =	shalt  }
0x45: {  	_ =	shalt  }
0x46: {  	_ =	shalt  }
0x47: {  	_ =	shalt  }
0x48: {  	_ =	shalt  }
0x49: {  	_ =	shalt  }
0x4a: {  	_ =	shalt  }
0x4b: {  	_ =	shalt  }
0x4c: {  	_ =	shalt  }
0x4d: {  	_ =	shalt  }
0x4e: {  	_ =	shalt  }
0x4f: {  	_ =	shalt  }
0x50: {  	_ =	shalt  }
0x51: {  	_ =	shalt  }
0x52: {  	_ =	shalt  }
0x53: {  	_ =	shalt  }
0x54: {  	_ =	shalt  }
0x55: {  	_ =	shalt  }
0x56: {  	_ =	shalt  }
0x57: {  	_ =	shalt  }
0x58: {  	_ =	shalt  }
0x59: {  	_ =	shalt  }
0x5a: {  	_ =	shalt  }
0x5b: {  	_ =	shalt  }
0x5c: {  	_ =	shalt  }
0x5d: {  	_ =	shalt  }
0x5e: {  	_ =	shalt  }
0x5f: {  	_ =	shalt  }
0x60: {  	_ =	shalt  }
0x61: {  	_ =	shalt  }
0x62: {  	_ =	shalt  }
0x63: {  	_ =	shalt  }
0x64: {  	_ =	shalt  }
0x65: {  	_ =	shalt  }
0x66: {  	_ =	shalt  }
0x67: {  	_ =	shalt  }
0x68: {  	_ =	shalt  }
0x69: {  	_ =	shalt  }
0x6a: {  	_ =	shalt  }
0x6b: {  	_ =	shalt  }
0x6c: {  	_ =	shalt  }
0x6d: {  	_ =	shalt  }
0x6e: {  	_ =	shalt  }
0x6f: {  	_ =	shalt  }
0x70: {  	_ =	shalt  }
0x71: {  	_ =	shalt  }
0x72: {  	_ =	shalt  }
0x73: {  	_ =	shalt  }
0x74: {  	_ =	shalt  }
0x75: {  	_ =	shalt  }
0x76: {  	_ =	shalt  }
0x77: {  	_ =	shalt  }
0x78: {  	_ =	shalt  }
0x79: {  	_ =	shalt  }
0x7a: {  	_ =	shalt  }
0x7b: {  	_ =	shalt  }
0x7c: {  	_ =	shalt  }
0x7d: {  	_ =	shalt  }
0x7e: {  	_ =	shalt  }
0x7f: {  	_ =	shalt  }
0x80: {  	_ =	shalt  }
0x81: {  	_ =	shalt  }
0x82: {  	_ =	shalt  }
0x83: {  	_ =	shalt  }
0x84: {  	_ =	shalt  }
0x85: {  	_ =	shalt  }
0x86: {  	_ =	shalt  }
0x87: {  	_ =	shalt  }
.Lfunc_end0:
.L_simem_size_0:
called_computation.1_lowered:
.L_overlay_start_0:
0x88: {  	s2 =	sld [smem:$0x3FD9]  }
0x89: {  	s3 =	sld [smem:$0x3FFE];
	_ =	sdelay $0x1  }
0x8a: {  	s1 =	srdreg.scid  }
0x8b: {  	s0 =	sand.u32 $0x1, s1  }
0x8c: {  	s16 =	sshll.u32 s0, $0xA;
	s2 =	sadd.s32 s3, s2  }
0x8d: {  	s2 =	sadd.s32 s2, s16  }
0x8e: {  	[smem:$0x3FC2] =	sst s2  }
0x8f: {  	_ = 	snop  }
0x90: {  	(tm) =	ssettm $0x1  }
0x91: {  	s17 =	sld [smem:$0x3FFB];
	_ =	sdelay $0x3  }
0x92: {  	_ =	strace s17  }
0x93: {  	s2 =	sld [smem:$0x3FFC];
	_ =	sdelay $0x3  }
0x94: {  	_ =	strace s2  }
0x95: {  	s2 =	sld [smem:$0x3FFD];
	_ =	sdelay $0x3  }
0x96: {  	_ =	strace s2  }
0x97: {  	_ =	strace $0x8FFFFFFF  }
0x98: {  	s18 =	sld [smem:$0x3FDB];
	_ =	sdelay $0x1  }
0x99: {  	s19 =	simm.s32 $_scs_section_size  }
0x9a: {  	s4 =	simm.s32 $_size__tile_overlayer_lowered;
	s5 =	simm.s32 $_tile_overlayer_lowered  }
0x9b: {  	s22 =	simm.s32 $0x1BFF;
	s21 =	sshll.u32 s5, $0x1;
	s2 =	sadd.s32 s19, s18  }
0x9c: {  	s6 =	simm.s32 $0x0;
	s20 =	sshll.u32 s4, $0x1;
	s4 =	sadd.s32 s21, s2  }
0x9d: {  	[timem:s6], [sflag:s22] =	dma.local [hbm:s4], s20  }
0x9e: {  	_ =	swait.ge [sflag:s22], s20  }
0x9f: {  	s3 =	ssub.s32 $0x0, s20;
	[sflag:s22] =	ssyncset.done $0x0  }
0xa0: {  	[sflag:s22] =	ssyncadd.s32 s3;
	_ =	sdelay $0x1  }
0xa1: {  	s23 =	simm.s32 $0x1B8B  }
0xa2: {  	_ =	swait.ge [sflag:s23], $0x1  }
0xa3: {  	[sflag:s23] =	ssyncset.done $0x0  }
0xa4: {  	s25 =	simm.s32 $0x1B8E;
	s24 =	sld [smem:$0x3FFE];
	[sflag:s23] =	ssyncadd.s32 $0xFFFFFFFF  }
0xa5: {  	s26 =	simm.s32 $execute0_lowered;
	[smem:$0x3FD2] =	sst s25  }
0xa6: {  	s4 =	sshll.u32 s26, $0x1;
	_ =	strace $0x80000049;
	[dreg:$0x1] =	wrdreg $0xFFFFFFFF  }
0xa7: {  	s28 =	simm.s32 $_size_execute0_lowered;
	s2 =	sadd.s32 s2, s4;
	[dreg:$0x0] =	wrdreg $0x0  }
0xa8: {  	s4 =	sshll.u32 s28, $0x1;
	[dreg:$0x2] =	wrdreg s2  }
0xa9: {  	[dreg:$0x3] =	wrdreg s4  }
0xaa: {  	[dreg:$0x4] =	wrdreg $0xC0  }
0xab: {  	_ =	task [dreg:s6], $0x5FFFF  }
0xac: {  	[dreg:$0x1] =	wrdreg $0xFFFFFFFF  }
0xad: {  	[dreg:$0x0] =	wrdreg $0x60  }
0xae: {  	[dreg:$0x2] =	wrdreg s24  }
0xaf: {  	[dreg:$0x3] =	wrdreg $0x9  }
0xb0: {  	_ =	task.clear_ibuf [dreg:s6], $0x4FFFF;
	_ =	strace $0x90000049  }
0xb1: {  	s29 =	simm.s32 $0x9;
	_ =	strace $0x8000004B  }
0xb2: {  	_ =	swait.ge [sflag:s29], $0x1  }
0xb3: {  	[sflag:s29] =	ssyncadd.s32 $0xFFFFFFFF  }
0xb4: {  	_ =	strace $0x9000004B  }
0xb5: {  	_ =	sfence  }
0xb6: {  	s30 =	sld [smem:$0x0];
	_ =	sdelay $0x2  }
0xb7: {  	s31 =	sshll.u32 s1, $0xD;
	s1 =	sshrl.u32 s1, $0x2  }
0xb8: {  	s3 =	sand.u32 $0x4000, s31;
	s1 =	sadd.s32 s1, s30  }
0xb9: {  	s0 =	sor.u32 s3, s0;
	s1 =	sshll.u32 s1, $0x11  }
0xba: {  	s0 =	sor.u32 s1, s0  }
0xbb: {  	s0 =	sadd.s32 $0x8F2B, s0  }
0xbc: {  	[sflag:s0] =	ssyncadd.remote.s32 $0x1  }
0xbd: {  	_ =	sfence.sel $0xFFFF  }
0xbe: {  	[dreg:$0x0] =	wrdreg $0xFFFFFFFF;
	(pc) =	sbr.abs _section_cstart, $3  }
0xbf: {  	[dreg:$0x1] =	wrdreg $0xFFFFFFFF  }
0xc0: {  	_ =	task.clear_ibuf [dreg:s6], $0x2FFFF;
	_ =	strace $0x9FFFFFFF  }
0xc1: {  	(tm) =	ssettm $0x7FFFFFFF  }
tec
execute0_lowered:
.L_overlay_start_1:
0x0: {  	(tag) =	ssettag $0x1  }
0x1: {  	s7 =	rddreg [dreg:$0x0]  }
0x2: {  	s0 =	rddreg [dreg:$0x1];
	_ =	strace $0x8000004A  }
0x3: {  	s1 =	srdreg.scid;
	s4 =	simm.s32 $0x1;
	s9 =	simm.s32 $0x3  }
0x4: {  	s12 =	simm.s32 $0x0;
	s10 =	simm.s32 $0x0;
	s5 =	sshll.u32 s1, $0x4  }
.Ltmp0:
0x5: {  	s1 =	stileid.u32;
	s5 =	sand.u32 $0x10, s5;
	(pc) =	sbr.rel .LBB2_1-.Ltmp0, $4  }
0x6: {  	s2 =	sadd.s32 $0x2200, s7;
	s3 =	sadd.s32 $0x1E00, s7;
	s6 =	sor.u32 s1, s5  }
0x7: {  	[sflag:s4] =	ssyncpa.u1 $0x0;
	s5 =	simm.s32 $0x2;
	s6 =	sshll.u32 s6, $0x8  }
0x8: {  	s7 =	sadd.s32 $0x29400, s7;
	[sflag:s5] =	ssyncpa.u1 $0x0;
	s8 =	sadd.s32 $0x100, s6  }
0x9: {  	vm0 =	vmmov $0xff;
	vm1 =	vcmask $0x3F20;
	[sflag:s9] =	ssyncpa.u1 $0x0;
	s9 =	simm.s32 $0x100;
	s11 =	smov.u32 s6  }
.LBB2_9:
0xa: {  	p0 =	seq.s32 s10, $0x2  }
.Ltmp1:
0xb: {  	_ = 	snop;
	(pc) =	sbr.rel @p0 .LBB2_11-.Ltmp1, $1  }
0xc: {  	_ =	sdelay $0x3  }
.LBB2_10:
0xd: {  	s12 =	sadd.s32 $0x100, s11  }
0xe: {  	s13 =	smov.u32 s6;
	p0 =	slt.s32 s12, s8  }
0xf: {  	s13 =	smov.u32 @p0 s12  }
0x10: {  	s10 =	sadd.s32 $0x1, s10;
	s12 =	smov.u32 s11;
	s11 =	smov.u32 s13  }
.LBB2_1:
0x11: {  	p0 =	sne.s32 s10, $0x0  }
.Ltmp2:
0x12: {  	_ = 	snop;
	(pc) =	sbr.rel @!p0 .LBB2_2-.Ltmp2, $1  }
0x13: {  	_ =	sdelay $0x3  }
0x14: {  	s13 =	sand.u32 $0x1, s10  }
0x15: {  	p0 =	seq.s32 s13, $0x0  }
.Ltmp3:
0x16: {  	_ = 	snop;
	(pc) =	sbr.rel @p0 .LBB2_9-.Ltmp3, $1  }
0x17: {  	_ =	sdelay $0x3  }
0x18: {  	_ =	swait.ge [sflag:s5], $0x100  }
0x19: {  	[sflag:s5] =	ssyncset.done $0x0  }
0x1a: {  	s13 =	simm.s32 $0x0;
	[sflag:s5] =	ssyncadd.s32 $0xFFFFFF00  }
0x1b: {  	v0 =	vld.msk [tilespmem:s13+$0x100 ss:$0x1], $0xffff;
	_ =	sdelay $0x4  }
0x1c: {  	vm2 =	vgt.s32 v0, $0x0  }
0x1d: {  	v0 =	vnsel vm2, $0x0, v0  }
0x1e: {  	v0 =	vmin.u32 v0, $0x270F  }
0x1f: {  	v0 =	vshll.u32 v0, $0x4;
	_ =	sdelay $0x3  }
0x20: {  	s13 =	simm.s32 $0x8200  }
0x21: {  	[tilespmem:s13], [sflag:$0x1] =	stream.indirect_vreg.gather [hbm:s2], $0x80, v0, vm0, $0x38;
	[tilespmem:$0x10200] =	vst v63  }
0x22: {  	s14 =	simm.s32 $0x8600;
	s31 =	simm.s32 $0x10  }
0x23: {  	[tilespmem:s14], [sflag:$0x1] =	stream.indirect_vreg.gather [hbm:s2], $0x80, v0, vm1, $0x38;
	[tilespmem:$0x10200] =	vst v63  }
0x24: {  	s14 =	simm.s32 $0x80;
	v0 =	vld.msk [tilespmem:s31+$0x100 ss:$0x1], $0xffff  }
.LBB2_5:
0x25: {  	p0 =	sne.s32 s14, $0x3C0;
	_ =	sdelay $0x4  }
0x26: {  	vm2 =	vgt.s32 v0, $0x0  }
0x27: {  	v0 =	vnsel vm2, $0x0, v0  }
0x28: {  	v0 =	vmin.u32 v0, $0x270F  }
0x29: {  	v0 =	vshll.u32 v0, $0x4;
	_ =	sdelay $0x3  }
.Ltmp4:
0x2a: {  	s13 =	sadd.s32 $0x800, s13;
	(pc) =	sbr.rel @p0 .LBB2_5-.Ltmp4, $4  }
0x2b: {  	[tilespmem:s13], [sflag:$0x1] =	stream.indirect_vreg.gather [hbm:s2], $0x80, v0, vm0, $0x38;
	[tilespmem:$0x10200] =	vst v63  }
0x2c: {  	s15 =	sshra.s32 s14, $0x2;
	s16 =	sadd.s32 $0x400, s13  }
0x2d: {  	[tilespmem:s16], [sflag:$0x1] =	stream.indirect_vreg.gather [hbm:s2], $0x80, v0, vm1, $0x38;
	[tilespmem:$0x10200] =	vst v63  }
0x2e: {  	s14 =	sadd.s32 $0x40, s14;
	v0 =	vld.msk [tilespmem:s15+$0x100 ss:$0x1], $0xffff  }
0x2f: {  	_ =	sdelay $0x3  }
0x30: {  	vm2 =	vgt.s32 v0, $0x0  }
0x31: {  	v0 =	vnsel vm2, $0x0, v0  }
0x32: {  	v0 =	vmin.u32 v0, $0x270F  }
0x33: {  	v0 =	vshll.u32 v0, $0x4;
	_ =	sdelay $0x3  }
0x34: {  	s13 =	sadd.s32 $0x800, s13  }
0x35: {  	[tilespmem:s13], [sflag:$0x1] =	stream.indirect_vreg.gather [hbm:s2], $0x80, v0, vm0, $0x38;
	[tilespmem:$0x10200] =	vst v63  }
0x36: {  	s13 =	sadd.s32 $0x400, s13  }
0x37: {  	[tilespmem:s13], [sflag:$0x1] =	stream.indirect_vreg.gather [hbm:s2], $0x80, v0, vm1, $0x38;
	[tilespmem:$0x10200] =	vst v63  }
0x38: {  	s12 =	sshll.u32 s12, $0x4;
	s14 =	simm.s32 $0x80;
	_ =	swait.ge [sflag:s4], $0x8000  }
0x39: {  	s15 =	simm.s32 $0x8600;
	s12 =	sadd.s32 s12, s7;
	[sflag:s4] =	ssyncset.done $0x0  }
0x3a: {  	s16 =	sadd.s32 $0x0, s12;
	s13 =	simm.s32 $0x8200;
	[sflag:s4] =	ssyncadd.s32 $0xFFFF8000  }
.LBB2_7:
0x3b: {  	[hbm:s16] =	stream.linear.scatter [tilespmem:s13], [sflag:$0x3], $0x400, $0x38;
	[tilespmem:$0x10200] =	vst v63  }
0x3c: {  	s16 =	smov.u32 s14;
	s13 =	smov.u32 s15;
	p0 =	sne.s32 s14, $0xF80  }
.Ltmp5:
0x3d: {  	s14 =	sadd.s32 $0x80, s14;
	(pc) =	sbr.rel @p0 .LBB2_7-.Ltmp5, $2  }
0x3e: {  	_ =	sdelay $0x2  }
0x3f: {  	s15 =	sadd.s32 $0x400, s15;
	s16 =	sadd.s32 s16, s12  }
.Ltmp6:
0x40: {  	(pc) =	sbr.rel .LBB2_9-.Ltmp6, $2  }
0x41: {  	_ =	sdelay $0x2  }
0x42: {  	[hbm:s16] =	stream.linear.scatter [tilespmem:s13], [sflag:$0x3], $0x400, $0x38;
	[tilespmem:$0x10200] =	vst v63  }
.LBB2_2:
.Ltmp7:
0x43: {  	(pc) =	sbr.rel .LBB2_10-.Ltmp7, $4  }
0x44: {  	_ = 	snop  }
0x45: {  	s12 =	sshrl.u32 s11, $0x3  }
0x46: {  	s13 =	sand.u32 $0x7, s11;
	s12 =	sadd.s32 s3, s12  }
0x47: {  	[tilespmem:s9], [sflag:$0x2] =	stream.linear.gather [hbm4b:s12+s13], $0x100, $0x38;
	[tilespmem:$0x10200] =	vst v63  }
.LBB2_11:
0x48: {  	s2 =	simm.s32 $0x3  }
0x49: {  	_ =	swait.ge [sflag:s2], $0x8000  }
0x4a: {  	[sflag:s2] =	ssyncset.done $0x0  }
0x4b: {  	[sflag:s2] =	ssyncadd.s32 $0xFFFF8000  }
0x4c: {  	_ =	sfence.sel $0x180000  }
0x4d: {  	s3 =	simm.s32 $0x2;
	[bflag:$0x0] =	sbarrier.arrive $0xFFFF  }
0x4e: {  	[sflag:s3] =	ssyncpa.u1 $0x1  }
0x4f: {  	s31 =	simm.s32 $0x1;
	[sflag:s2] =	ssyncpa.u1 $0x1  }
0x50: {  	[sflag:s31] =	ssyncpa.u1 $0x1  }
0x51: {  	p0 =	sne.s32 s1, $0x0;
	_ =	strace $0x9000004A  }
0x52: {  	s0 =	sadd.s32 @!p0 $0x100000, s0;
	[bflag:$0x2] =	sbarrier.arrive $0xFFFF  }
0x53: {  	[sflag:s0] =	ssyncadd.tile.s32 @!p0 $0x1;
	_ =	shalt  }
.Lfunc_end2:
_tile_overlayer_lowered:
.L_overlay_start_2:
0x54: {  	(tag) =	ssettag $0x2  }
0x55: {  	s0 =	rddreg [dreg:$0x0];
	s2 =	stileid.u32  }
0x56: {  	s1 =	rddreg [dreg:$0x1];
	p0 =	sne.s32 s2, $0x0  }
0x57: {  	s3 =	rddreg [dreg:$0x2];
	[bflag:$0x3] =	sbarrier.arrive $0xFFFF;
	s2 =	simm.s32 @!p0 $0x1C01  }
0x58: {  	[timem:s3], [sflag:s2] =	dma.local @!p0 [hbm:s0], s1  }
0x59: {  	s0 =	simm.s32 @!p0 $0x1  }
0x5a: {  	_ =	swait.ge @!p0 [sflag:s0], s1  }
0x5b: {  	s1 =	ssub.s32 @!p0 $0x0, s1;
	[sflag:s0] =	ssyncset.done @!p0 $0x0  }
0x5c: {  	[sflag:s0] =	ssyncadd.s32 @!p0 s1  }
0x5d: {  	[bflag:$0x3] =	sbarrier.arrive $0xFFFF  }
0x5e: {  	_ =	shalt  }

// kernel: gather_offload_async_start
scs
__scs_entry_jumppad:
0x0: {  	(pc) =	sbr.rel $0x88, $3  }
0x1: {  	(tag) =	ssettag $0x0;
	lr =	simm.s32 $0x1  }
0x2: {  	[smem:$0x3F9B] =	sst lr;
	_ =	strace $0xD0000000  }
0x3: {  	_ = 	snop  }
0x4: {  	_ = 	snop  }
0x5: {  	_ = 	snop  }
0x6: {  	_ = 	snop  }
0x7: {  	_ = 	snop  }
__scs_overlays_trampoline_lowered:
0x8: {  	[smem:$0x3FAA] =	sst s0  }
0x9: {  	[smem:$0x3FAB] =	sst s1  }
0xa: {  	[smem:$0x3FAC] =	sst s2  }
0xb: {  	[smem:$0x3FAD] =	sst s3  }
0xc: {  	[smem:$0x3FAE] =	sst s4  }
0xd: {  	[smem:$0x3FAF] =	sst s5  }
0xe: {  	[smem:$0x3FB0] =	sst s6  }
0xf: {  	[smem:$0x3FB1] =	sst s7  }
0x10: {  	[smem:$0x3FB2] =	sst s8  }
0x11: {  	[smem:$0x3FB3] =	sst s9;
	s0 =	simm.s32 @!p0 $0x0  }
0x12: {  	s1 =	sld [smem:$0x3F99];
	s0 =	simm.s32 @p0 $0x1  }
0x13: {  	[smem:$0x3FB4] =	sst s0;
	s0 =	simm.s32 @!p1 $0x0  }
0x14: {  	s2 =	sld [smem:$0x3F98];
	s0 =	simm.s32 @p1 $0x1  }
0x15: {  	[smem:$0x3FB5] =	sst s0;
	s0 =	simm.s32 @!p2 $0x0  }
0x16: {  	s3 =	sld [smem:$0x3FDB];
	s0 =	simm.s32 @p2 $0x1  }
0x17: {  	s4 =	simm.s32 $0x1BF5;
	[smem:$0x3FB7] =	sst s0  }
0x18: {  	s0 =	sld [smem:$0x3F9A];
	_ =	swait.ge [sflag:s4], $0x0  }
0x19: {  	s7 =	sld [smem:$0x3F9B]  }
0x1a: {  	s8 =	sadd.s32 $0xFFFFE003, lr  }
0x1b: {  	s9 =	sadd.s32 $0xFFFFFEF7, lr;
	s5 =	simm.s32 $0xFFFFFFFF;
	p2 =	slt.u32 s8, $0xFFFFF086  }
0x1c: {  	p1 =	slt.u32 s9, $0xF7A;
	s5 =	simm.s32 @!p2 $0x0  }
0x1d: {  	s5 =	simm.s32 @p1 $0x1;
	p0 =	seq.s32 s7, s2  }
0x1e: {  	s7 =	smul.u32 @!p0 $0xF7A, s2;
	p2 =	seq.s32 @!p0 s5, $0x0  }
0x1f: {  	s9 =	smul.u32 $0xF7A, s1;
	s8 =	simm.s32 @!p0 $0x1BF5;
	p2 =	por !p2, p0  }
0x20: {  	[sflag:s8] =	ssyncset.s32 @!p0 $0xFFFFF086;
	s6 =	sadd.s32 @!p0 s3, s7;
	s7 =	simm.s32 @!p0 $0x108  }
0x21: {  	s3 =	sadd.s32 s3, s9;
	s6 =	sadd.s32 @!p0 $0x88, s6;
	s7 =	simm.s32 @p2 $0x1082  }
0x22: {  	[simem:s7], [sflag:s8] =	dma.local @!p0 [hbm:s6], $0xF7A  }
0x23: {  	s9 =	sor.u32 $0xD0000000, s2;
	s6 =	simm.s32 $0x108;
	_ =	swait.ge @!p0 [sflag:s8], $0x0  }
0x24: {  	s3 =	sadd.s32 $0x88, s3;
	s6 =	simm.s32 @!p1 $0x1082;
	[sflag:s4] =	ssyncset.s32 $0xFFFFF086  }
0x25: {  	[simem:s6], [sflag:s4] =	dma.local [hbm:s3], $0xF7A  }
0x26: {  	[smem:$0x3F9B] =	sst s1;
	(tag) =	ssettag s2;
	_ =	strace s9  }
0x27: {  	s1 =	sld [smem:$0x3FAB]  }
0x28: {  	s2 =	sld [smem:$0x3FAC]  }
0x29: {  	s4 =	sld [smem:$0x3FAE]  }
0x2a: {  	p0 =	seq.s32 s5, $0x0;
	s5 =	sld [smem:$0x3FAF]  }
0x2b: {  	s6 =	sld [smem:$0x3FB0]  }
0x2c: {  	s7 =	sld [smem:$0x3FB1]  }
0x2d: {  	s3 =	simm.s32 $0x108;
	s8 =	sld [smem:$0x3FB2]  }
0x2e: {  	s3 =	simm.s32 @!p0 $0x1082;
	s9 =	sld [smem:$0x3FB3]  }
0x2f: {  	lr =	sadd.s32 s0, s3;
	s0 =	sld [smem:$0x3FAA]  }
0x30: {  	s3 =	sld [smem:$0x3FAD]  }
0x31: {  	[smem:$0x3FB6] =	sst s10  }
0x32: {  	s10 =	sld [smem:$0x3FB4];
	_ =	sdelay $0x3  }
0x33: {  	p0 =	seq.s32 s10, $0x1;
	s10 =	sld [smem:$0x3FB6];
	_ =	sdelay $0x3  }
0x34: {  	[smem:$0x3FB6] =	sst s10  }
0x35: {  	s10 =	sld [smem:$0x3FB5];
	_ =	sdelay $0x3  }
0x36: {  	p1 =	seq.s32 s10, $0x1;
	s10 =	sld [smem:$0x3FB6];
	_ =	sdelay $0x3  }
0x37: {  	[smem:$0x3FB6] =	sst s10  }
0x38: {  	s10 =	sld [smem:$0x3FB7]  }
0x39: {  	_ = 	snop;
	(pc) =	sbr.ind lr, $3  }
0x3a: {  	_ = 	snop  }
0x3b: {  	_ = 	snop  }
0x3c: {  	p2 =	seq.s32 s10, $0x1;
	s10 =	sld [smem:$0x3FB6]  }
0x3d: {  	_ =	shalt  }
0x3e: {  	_ =	shalt  }
0x3f: {  	_ =	shalt  }
0x40: {  	_ =	shalt  }
0x41: {  	_ =	shalt  }
0x42: {  	_ =	shalt  }
0x43: {  	_ =	shalt  }
0x44: {  	_ =	shalt  }
0x45: {  	_ =	shalt  }
0x46: {  	_ =	shalt  }
0x47: {  	_ =	shalt  }
0x48: {  	_ =	shalt  }
0x49: {  	_ =	shalt  }
0x4a: {  	_ =	shalt  }
0x4b: {  	_ =	shalt  }
0x4c: {  	_ =	shalt  }
0x4d: {  	_ =	shalt  }
0x4e: {  	_ =	shalt  }
0x4f: {  	_ =	shalt  }
0x50: {  	_ =	shalt  }
0x51: {  	_ =	shalt  }
0x52: {  	_ =	shalt  }
0x53: {  	_ =	shalt  }
0x54: {  	_ =	shalt  }
0x55: {  	_ =	shalt  }
0x56: {  	_ =	shalt  }
0x57: {  	_ =	shalt  }
0x58: {  	_ =	shalt  }
0x59: {  	_ =	shalt  }
0x5a: {  	_ =	shalt  }
0x5b: {  	_ =	shalt  }
0x5c: {  	_ =	shalt  }
0x5d: {  	_ =	shalt  }
0x5e: {  	_ =	shalt  }
0x5f: {  	_ =	shalt  }
0x60: {  	_ =	shalt  }
0x61: {  	_ =	shalt  }
0x62: {  	_ =	shalt  }
0x63: {  	_ =	shalt  }
0x64: {  	_ =	shalt  }
0x65: {  	_ =	shalt  }
0x66: {  	_ =	shalt  }
0x67: {  	_ =	shalt  }
0x68: {  	_ =	shalt  }
0x69: {  	_ =	shalt  }
0x6a: {  	_ =	shalt  }
0x6b: {  	_ =	shalt  }
0x6c: {  	_ =	shalt  }
0x6d: {  	_ =	shalt  }
0x6e: {  	_ =	shalt  }
0x6f: {  	_ =	shalt  }
0x70: {  	_ =	shalt  }
0x71: {  	_ =	shalt  }
0x72: {  	_ =	shalt  }
0x73: {  	_ =	shalt  }
0x74: {  	_ =	shalt  }
0x75: {  	_ =	shalt  }
0x76: {  	_ =	shalt  }
0x77: {  	_ =	shalt  }
0x78: {  	_ =	shalt  }
0x79: {  	_ =	shalt  }
0x7a: {  	_ =	shalt  }
0x7b: {  	_ =	shalt  }
0x7c: {  	_ =	shalt  }
0x7d: {  	_ =	shalt  }
0x7e: {  	_ =	shalt  }
0x7f: {  	_ =	shalt  }
0x80: {  	_ =	shalt  }
0x81: {  	_ =	shalt  }
0x82: {  	_ =	shalt  }
0x83: {  	_ =	shalt  }
0x84: {  	_ =	shalt  }
0x85: {  	_ =	shalt  }
0x86: {  	_ =	shalt  }
0x87: {  	_ =	shalt  }
.Lfunc_end0:
.L_simem_size_0:
called_computation_lowered:
.L_overlay_start_0:
0x88: {  	s2 =	sld [smem:$0x3FD9]  }
0x89: {  	s3 =	sld [smem:$0x3FFE];
	_ =	sdelay $0x1  }
0x8a: {  	s1 =	srdreg.scid  }
0x8b: {  	s0 =	sand.u32 $0x1, s1  }
0x8c: {  	s17 =	sshll.u32 s0, $0xA;
	s2 =	sadd.s32 s3, s2  }
0x8d: {  	s2 =	sadd.s32 s2, s17  }
0x8e: {  	[smem:$0x3FC2] =	sst s2  }
0x8f: {  	_ = 	snop  }
0x90: {  	s2 =	sld [smem:$0x3FC8]  }
0x91: {  	s18 =	sld [smem:$0x3FD0];
	(tm) =	ssettm $0x1  }
0x92: {  	s4 =	sld [smem:$0x3FFB];
	_ =	sdelay $0x3  }
0x93: {  	_ =	strace s4  }
0x94: {  	s4 =	sld [smem:$0x3FFC];
	_ =	sdelay $0x3  }
0x95: {  	_ =	strace s4  }
0x96: {  	s4 =	sld [smem:$0x3FFD];
	_ =	sdelay $0x3  }
0x97: {  	_ =	strace s4  }
0x98: {  	_ =	strace $0x8FFFFFFF  }
0x99: {  	s19 =	sld [smem:$0x3FDB];
	_ =	sdelay $0x1  }
0x9a: {  	s5 =	simm.s32 $_scs_section_size  }
0x9b: {  	s6 =	simm.s32 $_size__tile_overlayer_lowered;
	s7 =	simm.s32 $_tile_overlayer_lowered  }
0x9c: {  	s22 =	simm.s32 $0x1BFF;
	s21 =	sshll.u32 s7, $0x1;
	s4 =	sadd.s32 s5, s19  }
0x9d: {  	s8 =	simm.s32 $0x0;
	s20 =	sshll.u32 s6, $0x1;
	s6 =	sadd.s32 s21, s4  }
0x9e: {  	[timem:s8], [sflag:s22] =	dma.local [hbm:s6], s20  }
0x9f: {  	_ =	swait.ge [sflag:s22], s20  }
0xa0: {  	s5 =	ssub.s32 $0x0, s20;
	[sflag:s22] =	ssyncset.done $0x0  }
0xa1: {  	[sflag:s22] =	ssyncadd.s32 s5;
	_ =	sdelay $0x1  }
0xa2: {  	s23 =	simm.s32 $0x1B8B  }
0xa3: {  	_ =	swait.ge [sflag:s23], $0x1  }
0xa4: {  	[sflag:s23] =	ssyncset.done $0x0  }
0xa5: {  	s25 =	simm.s32 $0x1B8E;
	s24 =	sld [smem:$0x3FFE];
	[sflag:s23] =	ssyncadd.s32 $0xFFFFFFFF  }
0xa6: {  	s26 =	simm.s32 $execute0_lowered;
	[smem:$0x3FD2] =	sst s25  }
0xa7: {  	s6 =	sshll.u32 s26, $0x1;
	_ =	strace $0x80000046;
	[dreg:$0x1] =	wrdreg $0xFFFFFFFF  }
0xa8: {  	s28 =	simm.s32 $_size_execute0_lowered;
	s4 =	sadd.s32 s4, s6;
	[dreg:$0x0] =	wrdreg $0x0  }
0xa9: {  	s6 =	sshll.u32 s28, $0x1;
	[dreg:$0x2] =	wrdreg s4  }
0xaa: {  	[dreg:$0x3] =	wrdreg s6  }
0xab: {  	[dreg:$0x4] =	wrdreg $0xC0  }
0xac: {  	_ =	task [dreg:s8], $0x5FFFF  }
0xad: {  	[dreg:$0x1] =	wrdreg $0xFFFFFFFF  }
0xae: {  	[dreg:$0x0] =	wrdreg $0x60  }
0xaf: {  	[dreg:$0x2] =	wrdreg s2  }
0xb0: {  	[dreg:$0x3] =	wrdreg s18  }
0xb1: {  	[dreg:$0x4] =	wrdreg s24  }
0xb2: {  	[dreg:$0x5] =	wrdreg $0x9  }
0xb3: {  	_ =	task.clear_ibuf [dreg:s8], $0x6FFFF;
	_ =	strace $0x90000046  }
0xb4: {  	s29 =	simm.s32 $0x9;
	_ =	strace $0x80000048  }
0xb5: {  	_ =	swait.ge [sflag:s29], $0x1  }
0xb6: {  	[sflag:s29] =	ssyncadd.s32 $0xFFFFFFFF  }
0xb7: {  	_ =	strace $0x90000048  }
0xb8: {  	_ =	sfence  }
0xb9: {  	s30 =	sld [smem:$0x0];
	_ =	sdelay $0x2  }
0xba: {  	s31 =	sshll.u32 s1, $0xD;
	s1 =	sshrl.u32 s1, $0x2  }
0xbb: {  	s3 =	sand.u32 $0x4000, s31;
	s1 =	sadd.s32 s1, s30  }
0xbc: {  	s0 =	sor.u32 s3, s0;
	s1 =	sshll.u32 s1, $0x11  }
0xbd: {  	s0 =	sor.u32 s1, s0  }
0xbe: {  	s0 =	sadd.s32 $0x8F2B, s0  }
0xbf: {  	[sflag:s0] =	ssyncadd.remote.s32 $0x1  }
0xc0: {  	_ =	sfence.sel $0xFFFF  }
0xc1: {  	[dreg:$0x0] =	wrdreg $0xFFFFFFFF;
	(pc) =	sbr.abs _section_cstart, $3  }
0xc2: {  	[dreg:$0x1] =	wrdreg $0xFFFFFFFF  }
0xc3: {  	_ =	task.clear_ibuf [dreg:s8], $0x2FFFF;
	_ =	strace $0x9FFFFFFF  }
0xc4: {  	(tm) =	ssettm $0x7FFFFFFF  }
0xc5: {  	_ =	shalt  }
tec
execute0_lowered:
.L_overlay_start_1:
0x0: {  	(tag) =	ssettag $0x1  }
0x1: {  	s2 =	rddreg [dreg:$0x0]  }
0x2: {  	s8 =	rddreg [dreg:$0x1];
	s0 =	srdreg.scid  }
0x3: {  	s4 =	rddreg [dreg:$0x2];
	s1 =	stileid.u32;
	s6 =	simm.s32 $0x2  }
0x4: {  	s10 =	simm.s32 $0x3;
	s12 =	simm.s32 $0x0;
	s3 =	sshll.u32 s0, $0x7  }
0x5: {  	s11 =	simm.s32 $0x0;
	s5 =	sshll.u32 s1, $0x8;
	s3 =	sand.u32 $0x80, s3  }
0x6: {  	s0 =	rddreg [dreg:$0x3];
	_ =	strace $0x80000047;
	s3 =	sor.u32 s5, s3  }
0x7: {  	s4 =	sadd.s32 $0x1E00, s4;
	s5 =	simm.s32 $0x1;
	s7 =	ssub.s32 $0x1000, s3  }
.Ltmp0:
0x8: {  	[sflag:s5] =	ssyncpa.u1 $0x0;
	s9 =	sand.u32 $0xF80, s7;
	(pc) =	sbr.rel .LBB2_1-.Ltmp0, $4  }
0x9: {  	s31 =	sshrl.u32 s3, $0x3;
	p0 =	sne.s32 s9, $0x0;
	s9 =	simm.s32 $0x1  }
0xa: {  	[sflag:s6] =	ssyncpa.u1 $0x0;
	s7 =	sshrl.u32 s7, $0xC;
	s9 =	simm.s32 @!p0 $0x0  }
0xb: {  	s8 =	sadd.s32 s8, s31;
	[sflag:s10] =	ssyncpa.u1 $0x0;
	s7 =	sadd.s32 s9, s7  }
0xc: {  	vm0 =	vmmov $0xffff;
	s10 =	simm.s32 $0x0;
	p0 =	por $0x0, $0x0;
	s9 =	sadd.s32 $0x1, s7  }
.LBB2_4:
0xd: {  	vm1 =	vgt.s32 v0, $0x0  }
0xe: {  	v0 =	vnsel vm1, $0x0, v0  }
0xf: {  	v0 =	vmin.u32 v0, $0x4E1FF  }
0x10: {  	v1 =	vshll.u32 v0, $0x1  }
0x11: {  	v0 =	vand.u32 $0x7F, v0;
	v1 =	vand.u32 $0xFFF00, v1  }
0x12: {  	v0 =	vor.u32 v0, v1;
	_ =	sdelay $0x2  }
0x13: {  	(ifvalue) =	ssetifvalue $0x7FFFFFFF;
	v1 =	vor.u32 $0x80, v0  }
0x14: {  	s14 =	sadd.s32 s16, s14;
	(ifvalue) =	ssetifvalue $0x7FFFFFFF  }
0x15: {  	[tilespmem:s14], [sflag:$0x1] =	stream.indirect_vreg.gather [hbm4b:s2+s10], $0x1, v0, vm0, $0x4038;
	[tilespmem:$0x300] =	vst v63  }
0x16: {  	(ifvalue) =	ssetifvalue $0x7FFFFFFF  }
0x17: {  	s30 =	sshll.u32 s12, $0x1;
	s14 =	sadd.s32 $0x80, s14;
	(ifvalue) =	ssetifvalue $0x7FFFFFFF  }
0x18: {  	[tilespmem:s14], [sflag:$0x1] =	stream.indirect_vreg.gather [hbm4b:s2+s10], $0x1, v1, vm0, $0x4038;
	[tilespmem:$0x300] =	vst v63  }
0x19: {  	s31 =	sand.u32 $0x78, s12;
	s14 =	sand.u32 $0x7FFFFF00, s30  }
0x1a: {  	_ =	swait.ge [sflag:s5], $0x100;
	s12 =	sor.u32 s31, s14  }
0x1b: {  	[sflag:s5] =	ssyncset.done $0x0;
	s12 =	sshrl.u32 s12, $0x3  }
0x1c: {  	[sflag:s5] =	ssyncadd.s32 $0xFFFFFF00;
	s12 =	sadd.s32 s4, s12  }
0x1d: {  	[hbm:s12] =	stream.linear.scatter [tilespmem:s13], [sflag:$0x3], $0x100, $0x38;
	[tilespmem:$0x300] =	vst v63  }
.LBB2_5:
0x1e: {  	p2 =	sne.s32 s11, s9  }
.Ltmp1:
0x1f: {  	p1 =	slt.u32 s11, $0x2;
	(pc) =	sbr.rel @!p2 .LBB2_6-.Ltmp1, $4  }
0x20: {  	s12 =	simm.s32 @!p1 $0x3  }
0x21: {  	_ =	swait.ge @!p1 [sflag:s12], $0x100  }
0x22: {  	s13 =	sadd.s32 $0x1, s11;
	p0 =	por !p0, !p0;
	[sflag:s12] =	ssyncset.done @!p1 $0x0  }
0x23: {  	s11 =	smov.u32 s13;
	[sflag:s12] =	ssyncadd.s32 @!p1 $0xFFFFFF00;
	s12 =	smov.u32 s3  }
.LBB2_1:
0x24: {  	p1 =	sge.u32 s11, s7  }
0x25: {  	s13 =	sxor.u32 @!p1 $0xFFFFFFFF, s11  }
0x26: {  	s13 =	sshll.u32 @!p1 s13, $0x7  }
0x27: {  	s31 =	sadd.s32 $0xFFFFFFFF, s11;
	s14 =	simm.s32 @!p1 $0x0;
	s13 =	sand.u32 @!p1 $0x80, s13  }
0x28: {  	[tilespmem:s13], [sflag:$0x2] =	stream.linear.gather @!p1 [hbm4b:s8+s14], $0x80, $0x38;
	[tilespmem:$0x300] =	vst v63  }
0x29: {  	p1 =	sge.u32 s31, s7  }
.Ltmp2:
0x2a: {  	_ = 	snop;
	(pc) =	sbr.rel @p1 .LBB2_5-.Ltmp2, $1  }
0x2b: {  	_ =	sdelay $0x3  }
0x2c: {  	s13 =	simm.s32 $0x1;
	_ =	swait.ge [sflag:s6], $0x80  }
0x2d: {  	s31 =	sand.u32 $0x1, s11;
	s16 =	simm.s32 $0x0;
	s13 =	simm.s32 @!p0 $0x0  }
0x2e: {  	[sflag:s6] =	ssyncset.done $0x0;
	s14 =	sshll.u32 s13, $0x8;
	s15 =	sshll.u32 s13, $0x7  }
0x2f: {  	[sflag:s6] =	ssyncadd.s32 $0xFFFFFF80;
	s13 =	sshll.u32 s31, $0x8;
	s17 =	sadd.s32 $0x0, s15  }
0x30: {  	s14 =	sadd.s32 $0x100, s14;
	s13 =	sadd.s32 $0x100, s13;
	v0 =	vld.msk [tilespmem:s17+$0x0 ss:$0x1], $0xffff;
	s17 =	simm.s32 $0x40  }
.LBB2_3:
0x31: {  	p1 =	sne.s32 s17, $0x1C0;
	_ =	sdelay $0x4  }
0x32: {  	vm1 =	vgt.s32 v0, $0x0  }
0x33: {  	v0 =	vnsel vm1, $0x0, v0  }
0x34: {  	v0 =	vmin.u32 v0, $0x4E1FF  }
0x35: {  	v1 =	vshll.u32 v0, $0x1  }
0x36: {  	v0 =	vand.u32 $0x7F, v0;
	v1 =	vand.u32 $0xFFF00, v1  }
0x37: {  	v0 =	vor.u32 v0, v1;
	_ =	sdelay $0x2  }
0x38: {  	v1 =	vor.u32 $0x80, v0;
	(ifvalue) =	ssetifvalue $0x7FFFFFFF  }
0x39: {  	s18 =	sadd.s32 s16, s14;
	(ifvalue) =	ssetifvalue $0x7FFFFFFF  }
0x3a: {  	[tilespmem:s18], [sflag:$0x1] =	stream.indirect_vreg.gather [hbm4b:s2+s10], $0x1, v0, vm0, $0x4038;
	[tilespmem:$0x300] =	vst v63  }
.Ltmp3:
0x3b: {  	_ = 	snop;
	(pc) =	sbr.rel @p1 .LBB2_3-.Ltmp3, $4  }
0x3c: {  	s16 =	sshra.s32 s17, $0x2;
	(ifvalue) =	ssetifvalue $0x7FFFFFFF  }
0x3d: {  	s19 =	sadd.s32 s16, s15;
	s18 =	sadd.s32 $0x80, s18;
	(ifvalue) =	ssetifvalue $0x7FFFFFFF  }
0x3e: {  	[tilespmem:s18], [sflag:$0x1] =	stream.indirect_vreg.gather [hbm4b:s2+s10], $0x1, v1, vm0, $0x4038;
	[tilespmem:$0x300] =	vst v63  }
0x3f: {  	s17 =	sadd.s32 $0x40, s17;
	v0 =	vld.msk [tilespmem:s19+$0x0 ss:$0x1], $0xffff  }
.Ltmp4:
0x40: {  	_ = 	snop;
	(pc) =	sbr.rel .LBB2_4-.Ltmp4, $1  }
0x41: {  	_ =	sdelay $0x3  }
.LBB2_6:
0x42: {  	_ =	sfence.sel $0x180000  }
0x43: {  	s2 =	simm.s32 $0x2;
	[bflag:$0x0] =	sbarrier.arrive $0xFFFF  }
0x44: {  	s30 =	simm.s32 $0x3;
	[sflag:s2] =	ssyncpa.u1 $0x1  }
0x45: {  	s31 =	simm.s32 $0x1;
	[sflag:s30] =	ssyncpa.u1 $0x1  }
0x46: {  	[sflag:s31] =	ssyncpa.u1 $0x1  }
0x47: {  	p0 =	sne.s32 s1, $0x0;
	_ =	strace $0x90000047  }
0x48: {  	s0 =	sadd.s32 @!p0 $0x100000, s0;
	[bflag:$0x2] =	sbarrier.arrive $0xFFFF  }
0x49: {  	[sflag:s0] =	ssyncadd.tile.s32 @!p0 $0x1;
	_ =	shalt  }
.Lfunc_end2:
_tile_overlayer_lowered:
.L_overlay_start_2:
0x4a: {  	(tag) =	ssettag $0x2  }
0x4b: {  	s0 =	rddreg [dreg:$0x0];
	s2 =	stileid.u32  }
0x4c: {  	s1 =	rddreg [dreg:$0x1];
	p0 =	sne.s32 s2, $0x0  }
0x4d: {  	s3 =	rddreg [dreg:$0x2];
	[bflag:$0x3] =	sbarrier.arrive $0xFFFF;
	s2 =	simm.s32 @!p0 $0x1C01  }
0x4e: {  	[timem:s3], [sflag:s2] =	dma.local @!p0 [hbm:s0], s1  }
0x4f: {  	s0 =	simm.s32 @!p0 $0x1  }
0x50: {  	_ =	swait.ge @!p0 [sflag:s0], s1  }
0x51: {  	s1 =	ssub.s32 @!p0 $0x0, s1;
	[sflag:s0] =	ssyncset.done @!p0 $0x0  }
0x52: {  	[sflag:s0] =	ssyncadd.s32 @!p0 s1  }
0x53: {  	[bflag:$0x3] =	sbarrier.arrive $0xFFFF  }
0x54: {  	_ =	shalt  }

// kernel: kernel.4.cloned.1.call-start
scs
__scs_entry_jumppad:
0x0: {  	(pc) =	sbr.rel $0x88, $3  }
0x1: {  	(tag) =	ssettag $0x0;
	lr =	simm.s32 $0x1  }
0x2: {  	[smem:$0x3F9B] =	sst lr;
	_ =	strace $0xD0000000  }
0x3: {  	_ = 	snop  }
0x4: {  	_ = 	snop  }
0x5: {  	_ = 	snop  }
0x6: {  	_ = 	snop  }
0x7: {  	_ = 	snop  }
__scs_overlays_trampoline_lowered:
0x8: {  	[smem:$0x3FAA] =	sst s0  }
0x9: {  	[smem:$0x3FAB] =	sst s1  }
0xa: {  	[smem:$0x3FAC] =	sst s2  }
0xb: {  	[smem:$0x3FAD] =	sst s3  }
0xc: {  	[smem:$0x3FAE] =	sst s4  }
0xd: {  	[smem:$0x3FAF] =	sst s5  }
0xe: {  	[smem:$0x3FB0] =	sst s6  }
0xf: {  	[smem:$0x3FB1] =	sst s7  }
0x10: {  	[smem:$0x3FB2] =	sst s8  }
0x11: {  	[smem:$0x3FB3] =	sst s9;
	s0 =	simm.s32 @!p0 $0x0  }
0x12: {  	s1 =	sld [smem:$0x3F99];
	s0 =	simm.s32 @p0 $0x1  }
0x13: {  	[smem:$0x3FB4] =	sst s0;
	s0 =	simm.s32 @!p1 $0x0  }
0x14: {  	s2 =	sld [smem:$0x3F98];
	s0 =	simm.s32 @p1 $0x1  }
0x15: {  	[smem:$0x3FB5] =	sst s0;
	s0 =	simm.s32 @!p2 $0x0  }
0x16: {  	s3 =	sld [smem:$0x3FDB];
	s0 =	simm.s32 @p2 $0x1  }
0x17: {  	s4 =	simm.s32 $0x1BF5;
	[smem:$0x3FB7] =	sst s0  }
0x18: {  	s0 =	sld [smem:$0x3F9A];
	_ =	swait.ge [sflag:s4], $0x0  }
0x19: {  	s7 =	sld [smem:$0x3F9B]  }
0x1a: {  	s8 =	sadd.s32 $0xFFFFE003, lr  }
0x1b: {  	s9 =	sadd.s32 $0xFFFFFEF7, lr;
	s5 =	simm.s32 $0xFFFFFFFF;
	p2 =	slt.u32 s8, $0xFFFFF086  }
0x1c: {  	p1 =	slt.u32 s9, $0xF7A;
	s5 =	simm.s32 @!p2 $0x0  }
0x1d: {  	s5 =	simm.s32 @p1 $0x1;
	p0 =	seq.s32 s7, s2  }
0x1e: {  	s7 =	smul.u32 @!p0 $0xF7A, s2;
	p2 =	seq.s32 @!p0 s5, $0x0  }
0x1f: {  	s9 =	smul.u32 $0xF7A, s1;
	s8 =	simm.s32 @!p0 $0x1BF5;
	p2 =	por !p2, p0  }
0x20: {  	[sflag:s8] =	ssyncset.s32 @!p0 $0xFFFFF086;
	s6 =	sadd.s32 @!p0 s3, s7;
	s7 =	simm.s32 @!p0 $0x108  }
0x21: {  	s3 =	sadd.s32 s3, s9;
	s6 =	sadd.s32 @!p0 $0x88, s6;
	s7 =	simm.s32 @p2 $0x1082  }
0x22: {  	[simem:s7], [sflag:s8] =	dma.local @!p0 [hbm:s6], $0xF7A  }
0x23: {  	s9 =	sor.u32 $0xD0000000, s2;
	s6 =	simm.s32 $0x108;
	_ =	swait.ge @!p0 [sflag:s8], $0x0  }
0x24: {  	s3 =	sadd.s32 $0x88, s3;
	s6 =	simm.s32 @!p1 $0x1082;
	[sflag:s4] =	ssyncset.s32 $0xFFFFF086  }
0x25: {  	[simem:s6], [sflag:s4] =	dma.local [hbm:s3], $0xF7A  }
0x26: {  	[smem:$0x3F9B] =	sst s1;
	(tag) =	ssettag s2;
	_ =	strace s9  }
0x27: {  	s1 =	sld [smem:$0x3FAB]  }
0x28: {  	s2 =	sld [smem:$0x3FAC]  }
0x29: {  	s4 =	sld [smem:$0x3FAE]  }
0x2a: {  	p0 =	seq.s32 s5, $0x0;
	s5 =	sld [smem:$0x3FAF]  }
0x2b: {  	s6 =	sld [smem:$0x3FB0]  }
0x2c: {  	s7 =	sld [smem:$0x3FB1]  }
0x2d: {  	s3 =	simm.s32 $0x108;
	s8 =	sld [smem:$0x3FB2]  }
0x2e: {  	s3 =	simm.s32 @!p0 $0x1082;
	s9 =	sld [smem:$0x3FB3]  }
0x2f: {  	lr =	sadd.s32 s0, s3;
	s0 =	sld [smem:$0x3FAA]  }
0x30: {  	s3 =	sld [smem:$0x3FAD]  }
0x31: {  	[smem:$0x3FB6] =	sst s10  }
0x32: {  	s10 =	sld [smem:$0x3FB4];
	_ =	sdelay $0x3  }
0x33: {  	p0 =	seq.s32 s10, $0x1;
	s10 =	sld [smem:$0x3FB6];
	_ =	sdelay $0x3  }
0x34: {  	[smem:$0x3FB6] =	sst s10  }
0x35: {  	s10 =	sld [smem:$0x3FB5];
	_ =	sdelay $0x3  }
0x36: {  	p1 =	seq.s32 s10, $0x1;
	s10 =	sld [smem:$0x3FB6];
	_ =	sdelay $0x3  }
0x37: {  	[smem:$0x3FB6] =	sst s10  }
0x38: {  	s10 =	sld [smem:$0x3FB7]  }
0x39: {  	_ = 	snop;
	(pc) =	sbr.ind lr, $3  }
0x3a: {  	_ = 	snop  }
0x3b: {  	_ = 	snop  }
0x3c: {  	p2 =	seq.s32 s10, $0x1;
	s10 =	sld [smem:$0x3FB6]  }
0x3d: {  	_ =	shalt  }
0x3e: {  	_ =	shalt  }
0x3f: {  	_ =	shalt  }
0x40: {  	_ =	shalt  }
0x41: {  	_ =	shalt  }
0x42: {  	_ =	shalt  }
0x43: {  	_ =	shalt  }
0x44: {  	_ =	shalt  }
0x45: {  	_ =	shalt  }
0x46: {  	_ =	shalt  }
0x47: {  	_ =	shalt  }
0x48: {  	_ =	shalt  }
0x49: {  	_ =	shalt  }
0x4a: {  	_ =	shalt  }
0x4b: {  	_ =	shalt  }
0x4c: {  	_ =	shalt  }
0x4d: {  	_ =	shalt  }
0x4e: {  	_ =	shalt  }
0x4f: {  	_ =	shalt  }
0x50: {  	_ =	shalt  }
0x51: {  	_ =	shalt  }
0x52: {  	_ =	shalt  }
0x53: {  	_ =	shalt  }
0x54: {  	_ =	shalt  }
0x55: {  	_ =	shalt  }
0x56: {  	_ =	shalt  }
0x57: {  	_ =	shalt  }
0x58: {  	_ =	shalt  }
0x59: {  	_ =	shalt  }
0x5a: {  	_ =	shalt  }
0x5b: {  	_ =	shalt  }
0x5c: {  	_ =	shalt  }
0x5d: {  	_ =	shalt  }
0x5e: {  	_ =	shalt  }
0x5f: {  	_ =	shalt  }
0x60: {  	_ =	shalt  }
0x61: {  	_ =	shalt  }
0x62: {  	_ =	shalt  }
0x63: {  	_ =	shalt  }
0x64: {  	_ =	shalt  }
0x65: {  	_ =	shalt  }
0x66: {  	_ =	shalt  }
0x67: {  	_ =	shalt  }
0x68: {  	_ =	shalt  }
0x69: {  	_ =	shalt  }
0x6a: {  	_ =	shalt  }
0x6b: {  	_ =	shalt  }
0x6c: {  	_ =	shalt  }
0x6d: {  	_ =	shalt  }
0x6e: {  	_ =	shalt  }
0x6f: {  	_ =	shalt  }
0x70: {  	_ =	shalt  }
0x71: {  	_ =	shalt  }
0x72: {  	_ =	shalt  }
0x73: {  	_ =	shalt  }
0x74: {  	_ =	shalt  }
0x75: {  	_ =	shalt  }
0x76: {  	_ =	shalt  }
0x77: {  	_ =	shalt  }
0x78: {  	_ =	shalt  }
0x79: {  	_ =	shalt  }
0x7a: {  	_ =	shalt  }
0x7b: {  	_ =	shalt  }
0x7c: {  	_ =	shalt  }
0x7d: {  	_ =	shalt  }
0x7e: {  	_ =	shalt  }
0x7f: {  	_ =	shalt  }
0x80: {  	_ =	shalt  }
0x81: {  	_ =	shalt  }
0x82: {  	_ =	shalt  }
0x83: {  	_ =	shalt  }
0x84: {  	_ =	shalt  }
0x85: {  	_ =	shalt  }
0x86: {  	_ =	shalt  }
0x87: {  	_ =	shalt  }
.Lfunc_end0:
.L_simem_size_0:
called_computation.2_lowered:
.L_overlay_start_0:
0x88: {  	s2 =	sld [smem:$0x3FD9]  }
0x89: {  	s3 =	sld [smem:$0x3FFE];
	_ =	sdelay $0x1  }
0x8a: {  	s1 =	srdreg.scid  }
0x8b: {  	s0 =	sand.u32 $0x1, s1  }
0x8c: {  	s17 =	sshll.u32 s0, $0xA;
	s2 =	sadd.s32 s3, s2  }
0x8d: {  	s2 =	sadd.s32 s2, s17  }
0x8e: {  	[smem:$0x3FC2] =	sst s2  }
0x8f: {  	_ = 	snop  }
0x90: {  	s2 =	sld [smem:$0x3FC4]  }
0x91: {  	s18 =	sld [smem:$0x3FD0];
	(tm) =	ssettm $0x1  }
0x92: {  	s4 =	sld [smem:$0x3FFB];
	_ =	sdelay $0x3  }
0x93: {  	_ =	strace s4  }
0x94: {  	s4 =	sld [smem:$0x3FFC];
	_ =	sdelay $0x3  }
0x95: {  	_ =	strace s4  }
0x96: {  	s4 =	sld [smem:$0x3FFD];
	_ =	sdelay $0x3  }
0x97: {  	_ =	strace s4  }
0x98: {  	_ =	strace $0x8FFFFFFF  }
0x99: {  	s19 =	sld [smem:$0x3FDB];
	_ =	sdelay $0x1  }
0x9a: {  	s5 =	simm.s32 $_scs_section_size  }
0x9b: {  	s6 =	simm.s32 $_size__tile_overlayer_lowered;
	s7 =	simm.s32 $_tile_overlayer_lowered  }
0x9c: {  	s22 =	simm.s32 $0x1BFF;
	s21 =	sshll.u32 s7, $0x1;
	s4 =	sadd.s32 s5, s19  }
0x9d: {  	s8 =	simm.s32 $0x0;
	s20 =	sshll.u32 s6, $0x1;
	s6 =	sadd.s32 s21, s4  }
0x9e: {  	[timem:s8], [sflag:s22] =	dma.local [hbm:s6], s20  }
0x9f: {  	_ =	swait.ge [sflag:s22], s20  }
0xa0: {  	s5 =	ssub.s32 $0x0, s20;
	[sflag:s22] =	ssyncset.done $0x0  }
0xa1: {  	[sflag:s22] =	ssyncadd.s32 s5;
	_ =	sdelay $0x1  }
0xa2: {  	s23 =	simm.s32 $0x1B8B  }
0xa3: {  	_ =	swait.ge [sflag:s23], $0x1  }
0xa4: {  	[sflag:s23] =	ssyncset.done $0x0  }
0xa5: {  	s25 =	simm.s32 $0x1B8E;
	s24 =	sld [smem:$0x3FFE];
	[sflag:s23] =	ssyncadd.s32 $0xFFFFFFFF  }
0xa6: {  	s26 =	simm.s32 $execute0_lowered;
	[smem:$0x3FD2] =	sst s25  }
0xa7: {  	s6 =	sshll.u32 s26, $0x1;
	_ =	strace $0x8000004C;
	[dreg:$0x1] =	wrdreg $0xFFFFFFFF  }
0xa8: {  	s28 =	simm.s32 $_size_execute0_lowered;
	s4 =	sadd.s32 s4, s6;
	[dreg:$0x0] =	wrdreg $0x0  }
0xa9: {  	s6 =	sshll.u32 s28, $0x1;
	[dreg:$0x2] =	wrdreg s4  }
0xaa: {  	[dreg:$0x3] =	wrdreg s6  }
0xab: {  	[dreg:$0x4] =	wrdreg $0xC0  }
0xac: {  	_ =	task [dreg:s8], $0x5FFFF  }
0xad: {  	[dreg:$0x1] =	wrdreg $0xFFFFFFFF  }
0xae: {  	[dreg:$0x0] =	wrdreg $0x60  }
0xaf: {  	[dreg:$0x2] =	wrdreg s24  }
0xb0: {  	[dreg:$0x3] =	wrdreg s2  }
0xb1: {  	[dreg:$0x4] =	wrdreg s18  }
0xb2: {  	[dreg:$0x5] =	wrdreg $0xC2000  }
0xb3: {  	[dreg:$0x6] =	wrdreg $0x9  }
0xb4: {  	_ =	task.clear_ibuf [dreg:s8], $0x7FFFF;
	_ =	strace $0x9000004C  }
0xb5: {  	s29 =	simm.s32 $0x9;
	_ =	strace $0x8000004E  }
0xb6: {  	_ =	swait.ge [sflag:s29], $0x1  }
0xb7: {  	[sflag:s29] =	ssyncadd.s32 $0xFFFFFFFF  }
0xb8: {  	_ =	strace $0x9000004E  }
0xb9: {  	_ =	sfence  }
0xba: {  	s30 =	sld [smem:$0x0];
	_ =	sdelay $0x2  }
0xbb: {  	s31 =	sshll.u32 s1, $0xD;
	s1 =	sshrl.u32 s1, $0x2  }
0xbc: {  	s3 =	sand.u32 $0x4000, s31;
	s1 =	sadd.s32 s1, s30  }
0xbd: {  	s0 =	sor.u32 s3, s0;
	s1 =	sshll.u32 s1, $0x11  }
0xbe: {  	s0 =	sor.u32 s1, s0  }
0xbf: {  	s0 =	sadd.s32 $0x8F2B, s0  }
0xc0: {  	[sflag:s0] =	ssyncadd.remote.s32 $0x1  }
0xc1: {  	_ =	sfence.sel $0xFFFF  }
0xc2: {  	[dreg:$0x0] =	wrdreg $0xFFFFFFFF;
	(pc) =	sbr.abs _section_cstart, $3  }
0xc3: {  	[dreg:$0x1] =	wrdreg $0xFFFFFFFF  }
0xc4: {  	_ =	task.clear_ibuf [dreg:s8], $0x2FFFF;
	_ =	strace $0x9FFFFFFF  }
0xc5: {  	(tm) =	ssettm $0x7FFFFFFF  }
tec
execute0_lowered:
.L_overlay_start_1:
0x0: {  	(tag) =	ssettag $0x1  }
0x1: {  	s0 =	rddreg [dreg:$0x0]  }
0x2: {  	s1 =	rddreg [dreg:$0x2]  }
0x3: {  	s2 =	rddreg [dreg:$0x3]  }
0x4: {  	s4 =	srdreg.scid;
	s5 =	stileid.u32  }
0x5: {  	s3 =	simm.s32 $0x0;
	s16 =	simm.s32 $0x20;
	s18 =	simm.s32 $0x3100  }
0x6: {  	s20 =	simm.s32 $0x3;
	s28 =	simm.s32 $0x7100;
	s29 =	simm.s32 $0x1  }
0x7: {  	s30 =	simm.s32 $0x4;
	s31 =	simm.s32 $0x5;
	s15 =	simm.s32 $0x2  }
0x8: {  	s17 =	simm.s32 $0x8180;
	s4 =	sand.u32 $0x1, s4;
	s9 =	smul.u32 $0x2700, s5  }
0x9: {  	s6 =	sshll.u32 s5, $0x1;
	[smem:$0x7FF] =	sst s3;
	s11 =	smul.u32 $0x4E000, s5  }
0xa: {  	s21 =	sshll.u32 s5, $0x6;
	p0 =	sne.s32 s5, $0x0;
	s6 =	sor.u32 s4, s6  }
0xb: {  	_ =	strace $0x8000004D;
	s10 =	ssub.s32 $0x2, s4;
	s4 =	sadd.s32 $0x70600, s0  }
0xc: {  	s22 =	sor.u32 $0x1C03, s21;
	s21 =	simm.s32 $0x4100;
	s7 =	sshll.u32 s6, $0x5  }
0xd: {  	s8 =	sshll.u32 s6, $0xA;
	s9 =	sadd.s32 s9, s0;
	s12 =	sshrl.u32 s10, $0x1  }
0xe: {  	s11 =	sshrl.u32 s11, $0x2;
	[dreg:$0x6] =	wrdreg s22;
	s6 =	sshll.u32 s6, $0x4  }
0xf: {  	s7 =	sadd.s32 s7, s0;
	s8 =	sadd.s32 s8, s0;
	s9 =	sadd.s32 $0x49400, s9  }
0x10: {  	s10 =	ssub.s32 s10, s12;
	s0 =	sadd.s32 $0x70400, s0;
	[dreg:$0x5] =	wrdreg s9  }
0x11: {  	s13 =	sadd.s32 s11, s2;
	s24 =	sadd.s32 s1, s6;
	[dreg:$0x9] =	wrdreg s0  }
0x12: {  	s1 =	simm.s32 $0x7;
	s7 =	sadd.s32 $0x97800, s7;
	[dreg:$0xa] =	wrdreg s24  }
.Ltmp0:
0x13: {  	s23 =	sadd.s32 $0x1E00, s8;
	[dreg:$0x7] =	wrdreg s7;
	(pc) =	sbr.rel .LBB2_1-.Ltmp0, $4  }
0x14: {  	s25 =	smax.u32 s10, $0x1;
	s26 =	sshrl.u32 s13, $0x3;
	[dreg:$0x8] =	wrdreg s23  }
0x15: {  	s13 =	simm.s32 $0x8;
	s0 =	simm.s32 $0x6;
	[dreg:$0xb] =	wrdreg s25  }
0x16: {  	v0 =	vlaneseq.u32;
	s24 =	simm.s32 $0x0;
	s7 =	sadd.s32 $0x138000, s2;
	[dreg:$0xc] =	wrdreg s26  }
0x17: {  	v0 =	vmul.u32 $0x80, v0;
	s23 =	simm.s32 $0x5100;
	s25 =	simm.s32 $0x6100;
	s19 =	sshrl.u32 @!p0 s7, $0x3  }
.LBB2_24:
0x18: {  	_ = 	snop  }
0x19: {  	v1 =	vor.u32 $0x1, v0;
	_ =	sdelay $0x1  }
0x1a: {  	v2 =	vor.u32 $0x2, v0;
	_ =	sdelay $0x1  }
0x1b: {  	v3 =	vld.idx.msk [tilespmem:v0+s17+$0x0], $0xffff;
	v4 =	vor.u32 $0x3, v0  }
0x1c: {  	v1 =	vld.idx.msk [tilespmem:v1+s17+$0x0], $0xffff  }
0x1d: {  	v5 =	vor.u32 $0x4, v0  }
0x1e: {  	v2 =	vld.idx.msk [tilespmem:v2+s17+$0x0], $0xffff  }
0x1f: {  	v6 =	vor.u32 $0x5, v0  }
0x20: {  	v4 =	vld.idx.msk [tilespmem:v4+s17+$0x0], $0xffff  }
0x21: {  	v1 =	vadd.f32 v1, v3;
	v3 =	vor.u32 $0x6, v0  }
0x22: {  	v5 =	vld.idx.msk [tilespmem:v5+s17+$0x0], $0xffff  }
0x23: {  	v1 =	vadd.f32 v2, v1;
	v2 =	vor.u32 $0x7, v0  }
0x24: {  	v6 =	vld.idx.msk [tilespmem:v6+s17+$0x0], $0xffff  }
0x25: {  	v43 =	vor.u32 $0x8, v0;
	v1 =	vadd.f32 v4, v1  }
0x26: {  	v3 =	vld.idx.msk [tilespmem:v3+s17+$0x0], $0xffff  }
0x27: {  	v44 =	vor.u32 $0x9, v0;
	v1 =	vadd.f32 v5, v1  }
0x28: {  	v2 =	vld.idx.msk [tilespmem:v2+s17+$0x0], $0xffff  }
0x29: {  	v45 =	vor.u32 $0xA, v0;
	v1 =	vadd.f32 v6, v1  }
0x2a: {  	v4 =	vld.idx.msk [tilespmem:v43+s17+$0x0], $0xffff  }
0x2b: {  	v1 =	vadd.f32 v3, v1;
	v3 =	vor.u32 $0xB, v0  }
0x2c: {  	v5 =	vld.idx.msk [tilespmem:v44+s17+$0x0], $0xffff  }
0x2d: {  	v1 =	vadd.f32 v2, v1;
	v2 =	vor.u32 $0xC, v0  }
0x2e: {  	v6 =	vld.idx.msk [tilespmem:v45+s17+$0x0], $0xffff  }
0x2f: {  	v46 =	vor.u32 $0xD, v0;
	v1 =	vadd.f32 v4, v1  }
0x30: {  	v3 =	vld.idx.msk [tilespmem:v3+s17+$0x0], $0xffff  }
0x31: {  	v47 =	vor.u32 $0xE, v0;
	v1 =	vadd.f32 v5, v1  }
0x32: {  	v2 =	vld.idx.msk [tilespmem:v2+s17+$0x0], $0xffff  }
0x33: {  	v48 =	vor.u32 $0xF, v0;
	v1 =	vadd.f32 v6, v1  }
0x34: {  	v4 =	vld.idx.msk [tilespmem:v46+s17+$0x0], $0xffff  }
0x35: {  	v1 =	vadd.f32 v3, v1  }
0x36: {  	v3 =	vld.idx.msk [tilespmem:v47+s17+$0x0], $0xffff  }
0x37: {  	v1 =	vadd.f32 v2, v1  }
0x38: {  	v2 =	vld.idx.msk [tilespmem:v48+s17+$0x0], $0xffff  }
0x39: {  	v1 =	vadd.f32 v4, v1;
	_ =	sdelay $0x1  }
0x3a: {  	v1 =	vadd.f32 v3, v1;
	_ =	sdelay $0x1  }
0x3b: {  	v1 =	vadd.f32 v2, v1;
	v2 =	vor.u32 $0x800, v0  }
0x3c: {  	v3 =	vor.u32 $0x801, v0  }
0x3d: {  	v1 =	vmul.f32 $5.000000000e-01, v1  }
0x3e: {  	v49 =	vor.u32 $0x802, v0  }
0x3f: {  	[tilespmem:$0xC180] =	vst v1  }
0x40: {  	v1 =	vld.idx.msk [tilespmem:v2+s17+$0x0], $0xffff;
	v2 =	vor.u32 $0x803, v0  }
0x41: {  	v3 =	vld.idx.msk [tilespmem:v3+s17+$0x0], $0xffff  }
0x42: {  	v50 =	vor.u32 $0x804, v0  }
0x43: {  	v4 =	vld.idx.msk [tilespmem:v49+s17+$0x0], $0xffff  }
0x44: {  	v51 =	vor.u32 $0x805, v0  }
0x45: {  	v2 =	vld.idx.msk [tilespmem:v2+s17+$0x0], $0xffff  }
0x46: {  	v1 =	vadd.f32 v3, v1;
	v3 =	vor.u32 $0x806, v0  }
0x47: {  	v5 =	vld.idx.msk [tilespmem:v50+s17+$0x0], $0xffff  }
0x48: {  	v52 =	vor.u32 $0x807, v0;
	v1 =	vadd.f32 v4, v1  }
0x49: {  	v6 =	vld.idx.msk [tilespmem:v51+s17+$0x0], $0xffff  }
0x4a: {  	v1 =	vadd.f32 v2, v1;
	v2 =	vor.u32 $0x808, v0  }
0x4b: {  	v3 =	vld.idx.msk [tilespmem:v3+s17+$0x0], $0xffff  }
0x4c: {  	v53 =	vor.u32 $0x809, v0;
	v1 =	vadd.f32 v5, v1  }
0x4d: {  	v4 =	vld.idx.msk [tilespmem:v52+s17+$0x0], $0xffff  }
0x4e: {  	v54 =	vor.u32 $0x80A, v0;
	v1 =	vadd.f32 v6, v1  }
0x4f: {  	v2 =	vld.idx.msk [tilespmem:v2+s17+$0x0], $0xffff  }
0x50: {  	v1 =	vadd.f32 v3, v1;
	v3 =	vor.u32 $0x80B, v0  }
0x51: {  	v5 =	vld.idx.msk [tilespmem:v53+s17+$0x0], $0xffff  }
0x52: {  	v55 =	vor.u32 $0x80C, v0;
	v1 =	vadd.f32 v4, v1  }
0x53: {  	v6 =	vld.idx.msk [tilespmem:v54+s17+$0x0], $0xffff  }
0x54: {  	v1 =	vadd.f32 v2, v1;
	v2 =	vor.u32 $0x80D, v0  }
0x55: {  	v3 =	vld.idx.msk [tilespmem:v3+s17+$0x0], $0xffff  }
0x56: {  	v56 =	vor.u32 $0x80E, v0;
	v1 =	vadd.f32 v5, v1  }
0x57: {  	v4 =	vld.idx.msk [tilespmem:v55+s17+$0x0], $0xffff  }
0x58: {  	v57 =	vor.u32 $0x80F, v0;
	v1 =	vadd.f32 v6, v1  }
0x59: {  	v2 =	vld.idx.msk [tilespmem:v2+s17+$0x0], $0xffff  }
0x5a: {  	v1 =	vadd.f32 v3, v1  }
0x5b: {  	v3 =	vld.idx.msk [tilespmem:v56+s17+$0x0], $0xffff  }
0x5c: {  	v1 =	vadd.f32 v4, v1  }
0x5d: {  	v58 =	vld.idx.msk [tilespmem:v57+s17+$0x0], $0xffff  }
0x5e: {  	v1 =	vadd.f32 v2, v1;
	_ =	sdelay $0x1  }
0x5f: {  	v1 =	vadd.f32 v3, v1;
	_ =	sdelay $0x1  }
0x60: {  	v2 =	vor.u32 $0x1000, v0;
	v1 =	vadd.f32 v58, v1  }
0x61: {  	v3 =	vor.u32 $0x1001, v0  }
0x62: {  	v1 =	vmul.f32 $5.000000000e-01, v1  }
0x63: {  	v59 =	vor.u32 $0x1002, v0  }
0x64: {  	[tilespmem:$0xC190] =	vst v1  }
0x65: {  	v1 =	vld.idx.msk [tilespmem:v2+s17+$0x0], $0xffff;
	v2 =	vor.u32 $0x1003, v0  }
0x66: {  	v3 =	vld.idx.msk [tilespmem:v3+s17+$0x0], $0xffff  }
0x67: {  	v60 =	vor.u32 $0x1004, v0  }
0x68: {  	v4 =	vld.idx.msk [tilespmem:v59+s17+$0x0], $0xffff  }
0x69: {  	v61 =	vor.u32 $0x1005, v0  }
0x6a: {  	v2 =	vld.idx.msk [tilespmem:v2+s17+$0x0], $0xffff  }
0x6b: {  	v1 =	vadd.f32 v3, v1;
	v3 =	vor.u32 $0x1006, v0  }
0x6c: {  	v5 =	vld.idx.msk [tilespmem:v60+s17+$0x0], $0xffff  }
0x6d: {  	v62 =	vor.u32 $0x1007, v0;
	v1 =	vadd.f32 v4, v1  }
0x6e: {  	v6 =	vld.idx.msk [tilespmem:v61+s17+$0x0], $0xffff  }
0x6f: {  	v1 =	vadd.f32 v2, v1;
	v2 =	vor.u32 $0x1008, v0  }
0x70: {  	v3 =	vld.idx.msk [tilespmem:v3+s17+$0x0], $0xffff  }
0x71: {  	v63 =	vor.u32 $0x1009, v0;
	v1 =	vadd.f32 v5, v1  }
0x72: {  	v4 =	vld.idx.msk [tilespmem:v62+s17+$0x0], $0xffff  }
0x73: {  	v9 =	vor.u32 $0x100A, v0;
	v1 =	vadd.f32 v6, v1  }
0x74: {  	v2 =	vld.idx.msk [tilespmem:v2+s17+$0x0], $0xffff  }
0x75: {  	v1 =	vadd.f32 v3, v1;
	v3 =	vor.u32 $0x100B, v0  }
0x76: {  	v5 =	vld.idx.msk [tilespmem:v63+s17+$0x0], $0xffff  }
0x77: {  	v10 =	vor.u32 $0x100C, v0;
	v1 =	vadd.f32 v4, v1  }
0x78: {  	v6 =	vld.idx.msk [tilespmem:v9+s17+$0x0], $0xffff  }
0x79: {  	v1 =	vadd.f32 v2, v1;
	v2 =	vor.u32 $0x100D, v0  }
0x7a: {  	v3 =	vld.idx.msk [tilespmem:v3+s17+$0x0], $0xffff  }
0x7b: {  	v11 =	vor.u32 $0x100E, v0;
	v1 =	vadd.f32 v5, v1  }
0x7c: {  	v4 =	vld.idx.msk [tilespmem:v10+s17+$0x0], $0xffff  }
0x7d: {  	v12 =	vor.u32 $0x100F, v0;
	v1 =	vadd.f32 v6, v1  }
0x7e: {  	v2 =	vld.idx.msk [tilespmem:v2+s17+$0x0], $0xffff  }
0x7f: {  	v1 =	vadd.f32 v3, v1  }
0x80: {  	v3 =	vld.idx.msk [tilespmem:v11+s17+$0x0], $0xffff  }
0x81: {  	v1 =	vadd.f32 v4, v1  }
0x82: {  	v13 =	vld.idx.msk [tilespmem:v12+s17+$0x0], $0xffff  }
0x83: {  	v1 =	vadd.f32 v2, v1;
	_ =	sdelay $0x1  }
0x84: {  	v1 =	vadd.f32 v3, v1;
	_ =	sdelay $0x1  }
0x85: {  	v2 =	vor.u32 $0x1800, v0;
	v1 =	vadd.f32 v13, v1  }
0x86: {  	v3 =	vor.u32 $0x1801, v0  }
0x87: {  	v1 =	vmul.f32 $5.000000000e-01, v1  }
0x88: {  	v14 =	vor.u32 $0x1802, v0  }
0x89: {  	[tilespmem:$0xC1A0] =	vst v1  }
0x8a: {  	v1 =	vld.idx.msk [tilespmem:v2+s17+$0x0], $0xffff;
	v2 =	vor.u32 $0x1803, v0  }
0x8b: {  	v3 =	vld.idx.msk [tilespmem:v3+s17+$0x0], $0xffff  }
0x8c: {  	v15 =	vor.u32 $0x1804, v0  }
0x8d: {  	v4 =	vld.idx.msk [tilespmem:v14+s17+$0x0], $0xffff  }
0x8e: {  	v16 =	vor.u32 $0x1805, v0  }
0x8f: {  	v2 =	vld.idx.msk [tilespmem:v2+s17+$0x0], $0xffff  }
0x90: {  	v1 =	vadd.f32 v3, v1;
	v3 =	vor.u32 $0x1806, v0  }
0x91: {  	v5 =	vld.idx.msk [tilespmem:v15+s17+$0x0], $0xffff  }
0x92: {  	v17 =	vor.u32 $0x1807, v0;
	v1 =	vadd.f32 v4, v1  }
0x93: {  	v6 =	vld.idx.msk [tilespmem:v16+s17+$0x0], $0xffff  }
0x94: {  	v1 =	vadd.f32 v2, v1;
	v2 =	vor.u32 $0x1808, v0  }
0x95: {  	v3 =	vld.idx.msk [tilespmem:v3+s17+$0x0], $0xffff  }
0x96: {  	v18 =	vor.u32 $0x1809, v0;
	v1 =	vadd.f32 v5, v1  }
0x97: {  	v4 =	vld.idx.msk [tilespmem:v17+s17+$0x0], $0xffff  }
0x98: {  	v19 =	vor.u32 $0x180A, v0;
	v1 =	vadd.f32 v6, v1  }
0x99: {  	v2 =	vld.idx.msk [tilespmem:v2+s17+$0x0], $0xffff  }
0x9a: {  	v1 =	vadd.f32 v3, v1;
	v3 =	vor.u32 $0x180B, v0  }
0x9b: {  	v5 =	vld.idx.msk [tilespmem:v18+s17+$0x0], $0xffff  }
0x9c: {  	v20 =	vor.u32 $0x180C, v0;
	v1 =	vadd.f32 v4, v1  }
0x9d: {  	v6 =	vld.idx.msk [tilespmem:v19+s17+$0x0], $0xffff  }
0x9e: {  	v1 =	vadd.f32 v2, v1;
	v2 =	vor.u32 $0x180D, v0  }
0x9f: {  	v3 =	vld.idx.msk [tilespmem:v3+s17+$0x0], $0xffff  }
0xa0: {  	v21 =	vor.u32 $0x180E, v0;
	v1 =	vadd.f32 v5, v1  }
0xa1: {  	v4 =	vld.idx.msk [tilespmem:v20+s17+$0x0], $0xffff  }
0xa2: {  	v22 =	vor.u32 $0x180F, v0;
	v1 =	vadd.f32 v6, v1  }
0xa3: {  	v2 =	vld.idx.msk [tilespmem:v2+s17+$0x0], $0xffff  }
0xa4: {  	v1 =	vadd.f32 v3, v1  }
0xa5: {  	v3 =	vld.idx.msk [tilespmem:v21+s17+$0x0], $0xffff  }
0xa6: {  	v1 =	vadd.f32 v4, v1  }
0xa7: {  	v23 =	vld.idx.msk [tilespmem:v22+s17+$0x0], $0xffff  }
0xa8: {  	v1 =	vadd.f32 v2, v1;
	_ =	sdelay $0x1  }
0xa9: {  	v1 =	vadd.f32 v3, v1;
	_ =	sdelay $0x1  }
0xaa: {  	v2 =	vor.u32 $0x2000, v0;
	v1 =	vadd.f32 v23, v1  }
0xab: {  	v3 =	vor.u32 $0x2001, v0  }
0xac: {  	v1 =	vmul.f32 $5.000000000e-01, v1  }
0xad: {  	v24 =	vor.u32 $0x2002, v0  }
0xae: {  	[tilespmem:$0xC1B0] =	vst v1  }
0xaf: {  	v1 =	vld.idx.msk [tilespmem:v2+s17+$0x0], $0xffff;
	v2 =	vor.u32 $0x2003, v0  }
0xb0: {  	v3 =	vld.idx.msk [tilespmem:v3+s17+$0x0], $0xffff  }
0xb1: {  	v25 =	vor.u32 $0x2004, v0  }
0xb2: {  	v4 =	vld.idx.msk [tilespmem:v24+s17+$0x0], $0xffff  }
0xb3: {  	v26 =	vor.u32 $0x2005, v0  }
0xb4: {  	v2 =	vld.idx.msk [tilespmem:v2+s17+$0x0], $0xffff  }
0xb5: {  	v1 =	vadd.f32 v3, v1;
	v3 =	vor.u32 $0x2006, v0  }
0xb6: {  	v5 =	vld.idx.msk [tilespmem:v25+s17+$0x0], $0xffff  }
0xb7: {  	v27 =	vor.u32 $0x2007, v0;
	v1 =	vadd.f32 v4, v1  }
0xb8: {  	v6 =	vld.idx.msk [tilespmem:v26+s17+$0x0], $0xffff  }
0xb9: {  	v1 =	vadd.f32 v2, v1;
	v2 =	vor.u32 $0x2008, v0  }
0xba: {  	v3 =	vld.idx.msk [tilespmem:v3+s17+$0x0], $0xffff  }
0xbb: {  	v28 =	vor.u32 $0x2009, v0;
	v1 =	vadd.f32 v5, v1  }
0xbc: {  	v4 =	vld.idx.msk [tilespmem:v27+s17+$0x0], $0xffff  }
0xbd: {  	v29 =	vor.u32 $0x200A, v0;
	v1 =	vadd.f32 v6, v1  }
0xbe: {  	v2 =	vld.idx.msk [tilespmem:v2+s17+$0x0], $0xffff  }
0xbf: {  	v1 =	vadd.f32 v3, v1;
	v3 =	vor.u32 $0x200B, v0  }
0xc0: {  	v5 =	vld.idx.msk [tilespmem:v28+s17+$0x0], $0xffff  }
0xc1: {  	v30 =	vor.u32 $0x200C, v0;
	v1 =	vadd.f32 v4, v1  }
0xc2: {  	v6 =	vld.idx.msk [tilespmem:v29+s17+$0x0], $0xffff  }
0xc3: {  	v1 =	vadd.f32 v2, v1;
	v2 =	vor.u32 $0x200D, v0  }
0xc4: {  	v3 =	vld.idx.msk [tilespmem:v3+s17+$0x0], $0xffff  }
0xc5: {  	v31 =	vor.u32 $0x200E, v0;
	v1 =	vadd.f32 v5, v1  }
0xc6: {  	v4 =	vld.idx.msk [tilespmem:v30+s17+$0x0], $0xffff  }
0xc7: {  	v32 =	vor.u32 $0x200F, v0;
	v1 =	vadd.f32 v6, v1  }
0xc8: {  	v2 =	vld.idx.msk [tilespmem:v2+s17+$0x0], $0xffff  }
0xc9: {  	v1 =	vadd.f32 v3, v1  }
0xca: {  	v3 =	vld.idx.msk [tilespmem:v31+s17+$0x0], $0xffff  }
0xcb: {  	v1 =	vadd.f32 v4, v1  }
0xcc: {  	v33 =	vld.idx.msk [tilespmem:v32+s17+$0x0], $0xffff  }
0xcd: {  	v1 =	vadd.f32 v2, v1;
	_ =	sdelay $0x1  }
0xce: {  	v1 =	vadd.f32 v3, v1;
	_ =	sdelay $0x1  }
0xcf: {  	v2 =	vor.u32 $0x2800, v0;
	v1 =	vadd.f32 v33, v1  }
0xd0: {  	v3 =	vor.u32 $0x2801, v0  }
0xd1: {  	v1 =	vmul.f32 $5.000000000e-01, v1  }
0xd2: {  	v34 =	vor.u32 $0x2802, v0  }
0xd3: {  	[tilespmem:$0xC1C0] =	vst v1  }
0xd4: {  	v1 =	vld.idx.msk [tilespmem:v2+s17+$0x0], $0xffff;
	v2 =	vor.u32 $0x2803, v0  }
0xd5: {  	v3 =	vld.idx.msk [tilespmem:v3+s17+$0x0], $0xffff  }
0xd6: {  	v35 =	vor.u32 $0x2804, v0  }
0xd7: {  	v4 =	vld.idx.msk [tilespmem:v34+s17+$0x0], $0xffff  }
0xd8: {  	v36 =	vor.u32 $0x2805, v0  }
0xd9: {  	v2 =	vld.idx.msk [tilespmem:v2+s17+$0x0], $0xffff  }
0xda: {  	v1 =	vadd.f32 v3, v1;
	v3 =	vor.u32 $0x2806, v0  }
0xdb: {  	v5 =	vld.idx.msk [tilespmem:v35+s17+$0x0], $0xffff  }
0xdc: {  	v37 =	vor.u32 $0x2807, v0;
	v1 =	vadd.f32 v4, v1  }
0xdd: {  	v6 =	vld.idx.msk [tilespmem:v36+s17+$0x0], $0xffff  }
0xde: {  	v1 =	vadd.f32 v2, v1;
	v2 =	vor.u32 $0x2808, v0  }
0xdf: {  	v3 =	vld.idx.msk [tilespmem:v3+s17+$0x0], $0xffff  }
0xe0: {  	v38 =	vor.u32 $0x2809, v0;
	v1 =	vadd.f32 v5, v1  }
0xe1: {  	v4 =	vld.idx.msk [tilespmem:v37+s17+$0x0], $0xffff  }
0xe2: {  	v39 =	vor.u32 $0x280A, v0;
	v1 =	vadd.f32 v6, v1  }
0xe3: {  	v2 =	vld.idx.msk [tilespmem:v2+s17+$0x0], $0xffff  }
0xe4: {  	v1 =	vadd.f32 v3, v1;
	v3 =	vor.u32 $0x280B, v0  }
0xe5: {  	v5 =	vld.idx.msk [tilespmem:v38+s17+$0x0], $0xffff  }
0xe6: {  	v40 =	vor.u32 $0x280C, v0;
	v1 =	vadd.f32 v4, v1  }
0xe7: {  	v6 =	vld.idx.msk [tilespmem:v39+s17+$0x0], $0xffff  }
0xe8: {  	v1 =	vadd.f32 v2, v1;
	v2 =	vor.u32 $0x280D, v0  }
0xe9: {  	v3 =	vld.idx.msk [tilespmem:v3+s17+$0x0], $0xffff  }
0xea: {  	v41 =	vor.u32 $0x280E, v0;
	v1 =	vadd.f32 v5, v1  }
0xeb: {  	v4 =	vld.idx.msk [tilespmem:v40+s17+$0x0], $0xffff  }
0xec: {  	v42 =	vor.u32 $0x280F, v0;
	v1 =	vadd.f32 v6, v1  }
0xed: {  	v2 =	vld.idx.msk [tilespmem:v2+s17+$0x0], $0xffff  }
0xee: {  	v1 =	vadd.f32 v3, v1  }
0xef: {  	v3 =	vld.idx.msk [tilespmem:v41+s17+$0x0], $0xffff  }
0xf0: {  	v1 =	vadd.f32 v4, v1  }
0xf1: {  	v43 =	vld.idx.msk [tilespmem:v42+s17+$0x0], $0xffff  }
0xf2: {  	v1 =	vadd.f32 v2, v1;
	_ =	sdelay $0x1  }
0xf3: {  	v1 =	vadd.f32 v3, v1;
	_ =	sdelay $0x1  }
0xf4: {  	v2 =	vor.u32 $0x3000, v0;
	v1 =	vadd.f32 v43, v1  }
0xf5: {  	v3 =	vor.u32 $0x3001, v0  }
0xf6: {  	v1 =	vmul.f32 $5.000000000e-01, v1  }
0xf7: {  	v44 =	vor.u32 $0x3002, v0  }
0xf8: {  	[tilespmem:$0xC1D0] =	vst v1  }
0xf9: {  	v1 =	vld.idx.msk [tilespmem:v2+s17+$0x0], $0xffff;
	v2 =	vor.u32 $0x3003, v0  }
0xfa: {  	v3 =	vld.idx.msk [tilespmem:v3+s17+$0x0], $0xffff  }
0xfb: {  	v45 =	vor.u32 $0x3004, v0  }
0xfc: {  	v4 =	vld.idx.msk [tilespmem:v44+s17+$0x0], $0xffff  }
0xfd: {  	v46 =	vor.u32 $0x3005, v0  }
0xfe: {  	v2 =	vld.idx.msk [tilespmem:v2+s17+$0x0], $0xffff  }
0xff: {  	v1 =	vadd.f32 v3, v1;
	v3 =	vor.u32 $0x3006, v0  }
0x100: {  	v5 =	vld.idx.msk [tilespmem:v45+s17+$0x0], $0xffff  }
0x101: {  	v47 =	vor.u32 $0x3007, v0;
	v1 =	vadd.f32 v4, v1  }
0x102: {  	v6 =	vld.idx.msk [tilespmem:v46+s17+$0x0], $0xffff  }
0x103: {  	v1 =	vadd.f32 v2, v1;
	v2 =	vor.u32 $0x3008, v0  }
0x104: {  	v3 =	vld.idx.msk [tilespmem:v3+s17+$0x0], $0xffff  }
0x105: {  	v48 =	vor.u32 $0x3009, v0;
	v1 =	vadd.f32 v5, v1  }
0x106: {  	v4 =	vld.idx.msk [tilespmem:v47+s17+$0x0], $0xffff  }
0x107: {  	v49 =	vor.u32 $0x300A, v0;
	v1 =	vadd.f32 v6, v1  }
0x108: {  	v2 =	vld.idx.msk [tilespmem:v2+s17+$0x0], $0xffff  }
0x109: {  	v1 =	vadd.f32 v3, v1;
	v3 =	vor.u32 $0x300B, v0  }
0x10a: {  	v5 =	vld.idx.msk [tilespmem:v48+s17+$0x0], $0xffff  }
0x10b: {  	v50 =	vor.u32 $0x300C, v0;
	v1 =	vadd.f32 v4, v1  }
0x10c: {  	v6 =	vld.idx.msk [tilespmem:v49+s17+$0x0], $0xffff  }
0x10d: {  	v1 =	vadd.f32 v2, v1;
	v2 =	vor.u32 $0x300D, v0  }
0x10e: {  	v3 =	vld.idx.msk [tilespmem:v3+s17+$0x0], $0xffff  }
0x10f: {  	v51 =	vor.u32 $0x300E, v0;
	v1 =	vadd.f32 v5, v1  }
0x110: {  	v4 =	vld.idx.msk [tilespmem:v50+s17+$0x0], $0xffff  }
0x111: {  	v52 =	vor.u32 $0x300F, v0;
	v1 =	vadd.f32 v6, v1  }
0x112: {  	v2 =	vld.idx.msk [tilespmem:v2+s17+$0x0], $0xffff  }
0x113: {  	v1 =	vadd.f32 v3, v1  }
0x114: {  	v3 =	vld.idx.msk [tilespmem:v51+s17+$0x0], $0xffff  }
0x115: {  	v1 =	vadd.f32 v4, v1  }
0x116: {  	v53 =	vld.idx.msk [tilespmem:v52+s17+$0x0], $0xffff  }
0x117: {  	v1 =	vadd.f32 v2, v1;
	_ =	sdelay $0x1  }
0x118: {  	v1 =	vadd.f32 v3, v1;
	_ =	sdelay $0x1  }
0x119: {  	v2 =	vor.u32 $0x3800, v0;
	v1 =	vadd.f32 v53, v1  }
0x11a: {  	v3 =	vor.u32 $0x3801, v0  }
0x11b: {  	v1 =	vmul.f32 $5.000000000e-01, v1  }
0x11c: {  	v54 =	vor.u32 $0x3802, v0  }
0x11d: {  	[tilespmem:$0xC1E0] =	vst v1  }
0x11e: {  	v1 =	vld.idx.msk [tilespmem:v2+s17+$0x0], $0xffff;
	v2 =	vor.u32 $0x3803, v0  }
0x11f: {  	v3 =	vld.idx.msk [tilespmem:v3+s17+$0x0], $0xffff  }
0x120: {  	v55 =	vor.u32 $0x3804, v0  }
0x121: {  	v4 =	vld.idx.msk [tilespmem:v54+s17+$0x0], $0xffff  }
0x122: {  	v56 =	vor.u32 $0x3805, v0  }
0x123: {  	v2 =	vld.idx.msk [tilespmem:v2+s17+$0x0], $0xffff  }
0x124: {  	v1 =	vadd.f32 v3, v1;
	v3 =	vor.u32 $0x3806, v0  }
0x125: {  	v5 =	vld.idx.msk [tilespmem:v55+s17+$0x0], $0xffff  }
0x126: {  	v57 =	vor.u32 $0x3807, v0;
	v1 =	vadd.f32 v4, v1  }
0x127: {  	v6 =	vld.idx.msk [tilespmem:v56+s17+$0x0], $0xffff  }
0x128: {  	v1 =	vadd.f32 v2, v1;
	v2 =	vor.u32 $0x3808, v0  }
0x129: {  	v3 =	vld.idx.msk [tilespmem:v3+s17+$0x0], $0xffff  }
0x12a: {  	v58 =	vor.u32 $0x3809, v0;
	v1 =	vadd.f32 v5, v1  }
0x12b: {  	v4 =	vld.idx.msk [tilespmem:v57+s17+$0x0], $0xffff  }
0x12c: {  	v59 =	vor.u32 $0x380A, v0;
	v1 =	vadd.f32 v6, v1  }
0x12d: {  	v2 =	vld.idx.msk [tilespmem:v2+s17+$0x0], $0xffff  }
0x12e: {  	v1 =	vadd.f32 v3, v1;
	v3 =	vor.u32 $0x380B, v0  }
0x12f: {  	v5 =	vld.idx.msk [tilespmem:v58+s17+$0x0], $0xffff  }
0x130: {  	v60 =	vor.u32 $0x380C, v0;
	v1 =	vadd.f32 v4, v1  }
0x131: {  	v6 =	vld.idx.msk [tilespmem:v59+s17+$0x0], $0xffff  }
0x132: {  	v1 =	vadd.f32 v2, v1;
	v2 =	vor.u32 $0x380D, v0  }
0x133: {  	v3 =	vld.idx.msk [tilespmem:v3+s17+$0x0], $0xffff  }
0x134: {  	v61 =	vor.u32 $0x380E, v0;
	v1 =	vadd.f32 v5, v1  }
0x135: {  	v4 =	vld.idx.msk [tilespmem:v60+s17+$0x0], $0xffff  }
0x136: {  	v62 =	vor.u32 $0x380F, v0;
	v1 =	vadd.f32 v6, v1  }
0x137: {  	v2 =	vld.idx.msk [tilespmem:v2+s17+$0x0], $0xffff  }
0x138: {  	v1 =	vadd.f32 v3, v1  }
0x139: {  	v3 =	vld.idx.msk [tilespmem:v61+s17+$0x0], $0xffff  }
0x13a: {  	v1 =	vadd.f32 v4, v1  }
0x13b: {  	v63 =	vld.idx.msk [tilespmem:v62+s17+$0x0], $0xffff  }
0x13c: {  	v1 =	vadd.f32 v2, v1;
	_ =	sdelay $0x1  }
0x13d: {  	v1 =	vadd.f32 v3, v1;
	_ =	sdelay $0x1  }
0x13e: {  	v1 =	vadd.f32 v63, v1;
	_ =	sdelay $0x1  }
0x13f: {  	v1 =	vmul.f32 $5.000000000e-01, v1;
	_ =	sdelay $0x1  }
0x140: {  	s5 =	rddreg [dreg:$0xa];
	s6 =	simm.s32 $0xC180;
	[tilespmem:$0xC1F0] =	vst v1  }
0x141: {  	[hbm4b:s5+s3] =	stream.linear.scatter [tilespmem:s6], [sflag:$0x8], $0x80, $0x38;
	[tilespmem:$0x1FA80] =	vst v63  }
0x142: {  	_ =	swait.ge [sflag:s13], $0x80  }
0x143: {  	s24 =	sadd.s32 $0x1, s24;
	s26 =	rddreg [dreg:$0xb]  }
0x144: {  	p1 =	sne.s32 s24, s26  }
.Ltmp1:
0x145: {  	_ = 	snop;
	(pc) =	sbr.rel @!p1 .LBB2_25-.Ltmp1, $3  }
0x146: {  	_ =	sdelay $0x1  }
0x147: {  	[sflag:s13] =	ssyncset.done $0x0  }
0x148: {  	[sflag:s13] =	ssyncadd.s32 $0xFFFFFF80  }
.LBB2_1:
0x149: {  	s5 =	rddreg [dreg:$0x5]  }
0x14a: {  	s6 =	rddreg [dreg:$0x6]  }
0x14b: {  	s7 =	rddreg [dreg:$0xc]  }
0x14c: {  	[spmem:s7], [sflag:s6] =	dma.local [hbm:s5], $0x2700  }
0x14d: {  	s5 =	rddreg [dreg:$0x7]  }
0x14e: {  	[tilespmem:s3], [sflag:$0x8] =	stream.linear.gather [hbm4b:s5+s3], $0x100, $0x38;
	[tilespmem:$0x1FA80] =	vst v63  }
0x14f: {  	_ =	swait.ge [sflag:s13], $0x100  }
0x150: {  	[sflag:s13] =	ssyncset.done $0x0  }
0x151: {  	s9 =	simm.s32 $0x100;
	s8 =	rddreg [dreg:$0x8];
	[sflag:s13] =	ssyncadd.s32 $0xFFFFFF00  }
0x152: {  	[tilespmem:s9], [sflag:$0x8] =	stream.linear.gather [hbm4b:s8+s3], $0x2000, $0x38;
	[tilespmem:$0x1FA80] =	vst v63  }
0x153: {  	_ =	swait.ge [sflag:s13], $0x2000  }
0x154: {  	[sflag:s13] =	ssyncset.done $0x0  }
0x155: {  	[sflag:s13] =	ssyncadd.s32 $0xFFFFE000  }
0x156: {  	s11 =	simm.s32 $0x8100;
	s10 =	rddreg [dreg:$0x1]  }
0x157: {  	[tilespmem:s11], [sflag:$0x8] =	stream.linear.gather [hbm4b:s10+s3], $0x80, $0x38;
	[tilespmem:$0x1FA80] =	vst v63  }
0x158: {  	_ =	swait.ge [sflag:s13], $0x80  }
0x159: {  	[sflag:s13] =	ssyncset.done $0x0  }
0x15a: {  	s12 =	simm.s32 $0x2100;
	[sflag:s13] =	ssyncadd.s32 $0xFFFFFF80  }
0x15b: {  	[tilespmem:s12], [sflag:$0x1] =	stream.indirect.gather [hbm4b:s4+s16], $0x80, s3, s16, $0xb8;
	[tilespmem:$0x1FA80] =	vst v63  }
0x15c: {  	s5 =	simm.s32 @!p0 $0x1C08;
	s6 =	rddreg [dreg:$0x9]  }
0x15d: {  	[tilespmem:s18], [sflag:$0x2] =	stream.indirect.gather [hbm4b:s4+s16], $0x80, s16, s16, $0xb8;
	[tilespmem:$0x1FA80] =	vst v63  }
0x15e: {  	[spmem:s19], [sflag:s5] =	dma.local @!p0 [hbm:s6], $0x100  }
0x15f: {  	s5 =	simm.s32 @!p0 $0x8  }
0x160: {  	_ =	swait.ge @!p0 [sflag:s5], $0x100  }
0x161: {  	[sflag:s5] =	ssyncset.done @!p0 $0x0  }
0x162: {  	[sflag:s5] =	ssyncadd.s32 @!p0 $0xFFFFFF00  }
0x163: {  	_ =	swait.ge [sflag:s20], $0x2700  }
0x164: {  	[sflag:s20] =	ssyncset.done $0x0  }
0x165: {  	[sflag:s20] =	ssyncadd.s32 $0xFFFFD900  }
0x166: {  	[bflag:$0x0] =	sbarrier.arrive $0xFFFF  }
0x167: {  	[tilespmem:s21], [sflag:$0x4] =	stream.indirect.gather [spmem:s2], $0x80, s9, s16, $0xb8;
	[tilespmem:$0x1FA80] =	vst v63  }
0x168: {  	s14 =	simm.s32 $0x120  }
0x169: {  	[tilespmem:s23], [sflag:$0x5] =	stream.indirect.gather [spmem:s2], $0x80, s14, s16, $0xb8;
	[tilespmem:$0x1FA80] =	vst v63  }
0x16a: {  	s22 =	simm.s32 $0x140  }
0x16b: {  	[tilespmem:s25], [sflag:$0x6] =	stream.indirect.gather [spmem:s2], $0x80, s22, s16, $0xb8;
	[tilespmem:$0x1FA80] =	vst v63  }
0x16c: {  	s26 =	simm.s32 $0x160  }
0x16d: {  	[tilespmem:s28], [sflag:$0x7] =	stream.indirect.gather [spmem:s2], $0x80, s26, s16, $0xb8;
	[tilespmem:$0x1FA80] =	vst v63  }
0x16e: {  	v1 =	vld [tilespmem:$0x8100]  }
0x16f: {  	v2 =	vld [tilespmem:$0x8110]  }
0x170: {  	v3 =	vld [tilespmem:$0x8120]  }
0x171: {  	v4 =	vld [tilespmem:$0x8130]  }
0x172: {  	v5 =	vld [tilespmem:$0x8140]  }
0x173: {  	v6 =	vld [tilespmem:$0x8150]  }
0x174: {  	v7 =	vld [tilespmem:$0x8160]  }
0x175: {  	s26 =	simm.s32 $0x0;
	v8 =	vld [tilespmem:$0x8170]  }
.LBB2_2:
0x176: {  	s5 =	sshll.u32 s26, $0xC  }
0x177: {  	_ =	swait.ge [sflag:s29], $0x1000;
	s5 =	sand.u32 $0x3FFFF000, s5  }
0x178: {  	[sflag:s29] =	ssyncset.done $0x0;
	s5 =	sadd.s32 $0x8180, s5  }
0x179: {  	s22 =	sshll.u32 s26, $0x6;
	s6 =	simm.s32 $0x0;
	[sflag:s29] =	ssyncadd.s32 $0xFFFFF000;
	v9 =	vmov s5  }
.LBB2_3:
0x17a: {  	_ =	swait.ge [sflag:s30], $0x1000  }
0x17b: {  	[sflag:s30] =	ssyncset.done $0x0  }
0x17c: {  	s8 =	simm.s32 $0x0;
	[sflag:s30] =	ssyncadd.s32 $0xFFFFF000  }
0x17d: {  	v21 =	vld [tilespmem:s8+$0x4280]  }
0x17e: {  	v23 =	vld [tilespmem:s8+$0x4290]  }
0x17f: {  	v27 =	vld [tilespmem:s8+$0x42A0]  }
0x180: {  	v28 =	vld [tilespmem:s8+$0x42B0]  }
0x181: {  	v16 =	vld [tilespmem:s8+$0x42C0]  }
0x182: {  	v19 =	vld [tilespmem:s8+$0x42D0]  }
0x183: {  	v26 =	vld [tilespmem:s8+$0x4200]  }
0x184: {  	v39 =	vld [tilespmem:s8+$0x4210]  }
0x185: {  	v25 =	vld [tilespmem:s8+$0x4220]  }
0x186: {  	v30 =	vld [tilespmem:s8+$0x4230]  }
0x187: {  	v20 =	vld [tilespmem:s8+$0x4240]  }
0x188: {  	v10 =	vld [tilespmem:s8+$0x4180]  }
0x189: {  	v11 =	vld [tilespmem:s8+$0x4190]  }
0x18a: {  	v12 =	vld [tilespmem:s8+$0x4100]  }
0x18b: {  	v13 =	vld [tilespmem:s8+$0x4110]  }
0x18c: {  	v14 =	vld [tilespmem:s8+$0x4120]  }
0x18d: {  	v15 =	vld [tilespmem:s8+$0x4130]  }
0x18e: {  	v17 =	vld [tilespmem:s8+$0x41A0]  }
0x18f: {  	v18 =	vld [tilespmem:s8+$0x41B0]  }
0x190: {  	v29 =	vld [tilespmem:s8+$0x4250]  }
0x191: {  	v35 =	vimm.f32 $0.0e+00;
	v40 =	vld [tilespmem:s8+$0x41C0]  }
0x192: {  	v41 =	vld [tilespmem:s8+$0x41D0];
	v12 =	vadd.f32 v12, v35;
	v13 =	vadd.f32 v13, v35  }
0x193: {  	v38 =	vimm.f32 $0.0e+00;
	v45 =	vld [tilespmem:s8+$0x4140];
	v14 =	vadd.f32 v14, v35;
	v15 =	vadd.f32 v15, v35  }
0x194: {  	v36 =	vimm.f32 $0.0e+00;
	v46 =	vld [tilespmem:s8+$0x4150];
	v44 =	vadd.f32 v10, v12;
	v48 =	vadd.f32 v11, v13  }
0x195: {  	s7 =	simm.s32 $0x800;
	v37 =	vimm.f32 $0.0e+00;
	v47 =	vld [tilespmem:s8+$0x4160];
	v49 =	vadd.f32 v17, v14;
	v50 =	vadd.f32 v18, v15  }
.LBB2_4:
0x196: {  	p1 =	sne.s32 s7, $0x3800;
	v10 =	vld [tilespmem:s8+$0x4170];
	v11 =	vadd.f32 v26, v44;
	v12 =	vadd.f32 v39, v48  }
0x197: {  	v13 =	vld [tilespmem:s8+$0x41E0];
	v14 =	vadd.f32 v25, v49;
	v15 =	vadd.f32 v30, v50  }
0x198: {  	v17 =	vld [tilespmem:s8+$0x41F0];
	v11 =	vadd.f32 v21, v11;
	v12 =	vadd.f32 v23, v12  }
0x199: {  	v18 =	vld [tilespmem:s8+$0x4260];
	v14 =	vadd.f32 v27, v14;
	v15 =	vadd.f32 v28, v15  }
0x19a: {  	v21 =	vadd.f32 v45, v35;
	v22 =	vadd.f32 v46, v38;
	v24 =	vld [tilespmem:s8+$0x4270]  }
0x19b: {  	v23 =	vadd.f32 v47, v36;
	v10 =	vadd.f32 v10, v37;
	v25 =	vld [tilespmem:s8+$0x42E0]  }
0x19c: {  	v26 =	vadd.f32 v40, v21;
	v22 =	vadd.f32 v41, v22;
	v30 =	vld [tilespmem:s8+$0x42F0];
	s8 =	sshra.s32 s7, $0x2  }
0x19d: {  	v13 =	vadd.f32 v13, v23;
	v21 =	vld [tilespmem:s8+$0x4280];
	v10 =	vadd.f32 v17, v10  }
0x19e: {  	v17 =	vadd.f32 v20, v26;
	v20 =	vadd.f32 v29, v22;
	v23 =	vld [tilespmem:s8+$0x4290]  }
0x19f: {  	v13 =	vadd.f32 v18, v13;
	v27 =	vld [tilespmem:s8+$0x42A0];
	v10 =	vadd.f32 v24, v10  }
0x1a0: {  	v35 =	vadd.f32 v16, v17;
	v38 =	vadd.f32 v19, v20;
	v28 =	vld [tilespmem:s8+$0x42B0]  }
0x1a1: {  	v36 =	vadd.f32 v25, v13;
	v16 =	vld [tilespmem:s8+$0x42C0];
	v37 =	vadd.f32 v30, v10  }
0x1a2: {  	v19 =	vld [tilespmem:s8+$0x42D0]  }
0x1a3: {  	v26 =	vld [tilespmem:s8+$0x4200]  }
0x1a4: {  	v39 =	vld [tilespmem:s8+$0x4210]  }
0x1a5: {  	v25 =	vld [tilespmem:s8+$0x4220]  }
0x1a6: {  	v30 =	vld [tilespmem:s8+$0x4230]  }
0x1a7: {  	v20 =	vld [tilespmem:s8+$0x4240]  }
0x1a8: {  	v29 =	vld [tilespmem:s8+$0x4250]  }
0x1a9: {  	v10 =	vld [tilespmem:s8+$0x4180]  }
0x1aa: {  	v13 =	vld [tilespmem:s8+$0x4190]  }
0x1ab: {  	v17 =	vld [tilespmem:s8+$0x4100]  }
0x1ac: {  	v18 =	vld [tilespmem:s8+$0x4110]  }
0x1ad: {  	v22 =	vld [tilespmem:s8+$0x4120]  }
0x1ae: {  	v24 =	vld [tilespmem:s8+$0x4130]  }
0x1af: {  	v31 =	vld [tilespmem:s8+$0x41A0]  }
0x1b0: {  	v32 =	vld [tilespmem:s8+$0x41B0]  }
.Ltmp2:
0x1b1: {  	v40 =	vld [tilespmem:s8+$0x41C0];
	(pc) =	sbr.rel @p1 .LBB2_4-.Ltmp2, $4  }
0x1b2: {  	v11 =	vadd.f32 v17, v11;
	v12 =	vadd.f32 v18, v12;
	v41 =	vld [tilespmem:s8+$0x41D0]  }
0x1b3: {  	v14 =	vadd.f32 v22, v14;
	v15 =	vadd.f32 v24, v15;
	v45 =	vld [tilespmem:s8+$0x4140]  }
0x1b4: {  	v44 =	vadd.f32 v10, v11;
	v48 =	vadd.f32 v13, v12;
	v46 =	vld [tilespmem:s8+$0x4150]  }
0x1b5: {  	s7 =	sadd.s32 $0x800, s7;
	v49 =	vadd.f32 v31, v14;
	v47 =	vld [tilespmem:s8+$0x4160];
	v50 =	vadd.f32 v32, v15  }
0x1b6: {  	v51 =	vld [tilespmem:s8+$0x4170]  }
0x1b7: {  	v52 =	vld [tilespmem:s8+$0x41E0]  }
0x1b8: {  	v53 =	vld [tilespmem:s8+$0x41F0];
	s7 =	sshll.u32 s6, $0x2  }
0x1b9: {  	v54 =	vld [tilespmem:s8+$0x4260];
	s9 =	sor.u32 s22, s7  }
0x1ba: {  	v55 =	vld [tilespmem:s8+$0x4270];
	s9 =	sshll.u32 s9, $0x5  }
0x1bb: {  	v56 =	vld [tilespmem:s8+$0x42E0];
	s14 =	sshll.u32 s6, $0x9;
	s9 =	sand.u32 $0x3FFFFFE0, s9  }
0x1bc: {  	v57 =	vld [tilespmem:s8+$0x42F0];
	s8 =	sand.u32 $0x3FFFFE00, s14;
	s12 =	sadd.s32 $0x180, s9  }
0x1bd: {  	[tilespmem:s21], [sflag:$0x4] =	stream.indirect.gather [spmem:s2], $0x80, s12, s16, $0xb8;
	[tilespmem:$0x1FA80] =	vst v63  }
0x1be: {  	v17 =	vld [tilespmem:s8+$0x2100]  }
0x1bf: {  	v18 =	vld [tilespmem:s8+$0x2110]  }
0x1c0: {  	v15 =	vld [tilespmem:s8+$0x2120]  }
0x1c1: {  	v14 =	vld [tilespmem:s8+$0x2130]  }
0x1c2: {  	v13 =	vld [tilespmem:s8+$0x2140]  }
0x1c3: {  	v12 =	vld [tilespmem:s8+$0x2150]  }
0x1c4: {  	v11 =	vld [tilespmem:s8+$0x2160]  }
0x1c5: {  	v10 =	vld [tilespmem:s8+$0x2170];
	_ =	swait.ge [sflag:s31], $0x1000  }
0x1c6: {  	[sflag:s31] =	ssyncset.done $0x0  }
0x1c7: {  	s8 =	simm.s32 $0x0;
	[sflag:s31] =	ssyncadd.s32 $0xFFFFF000  }
0x1c8: {  	v31 =	vld [tilespmem:s8+$0x5280]  }
0x1c9: {  	v32 =	vld [tilespmem:s8+$0x5290]  }
0x1ca: {  	v33 =	vld [tilespmem:s8+$0x52A0]  }
0x1cb: {  	v34 =	vld [tilespmem:s8+$0x52B0]  }
0x1cc: {  	v24 =	vld [tilespmem:s8+$0x52C0]  }
0x1cd: {  	v22 =	vld [tilespmem:s8+$0x52D0]  }
0x1ce: {  	v42 =	vld [tilespmem:s8+$0x5200]  }
0x1cf: {  	v43 =	vld [tilespmem:s8+$0x5210]  }
0x1d0: {  	v48 =	vadd.f32 v39, v48;
	v39 =	vld [tilespmem:s8+$0x5220]  }
0x1d1: {  	v26 =	vadd.f32 v26, v44;
	v44 =	vld [tilespmem:s8+$0x5230]  }
0x1d2: {  	v49 =	vadd.f32 v25, v49;
	v50 =	vadd.f32 v30, v50;
	v30 =	vld [tilespmem:s8+$0x5240]  }
0x1d3: {  	v25 =	vadd.f32 v21, v26;
	v26 =	vadd.f32 v23, v48;
	v48 =	vld [tilespmem:s8+$0x5180]  }
0x1d4: {  	v23 =	vadd.f32 v27, v49;
	v27 =	vadd.f32 v45, v35;
	v35 =	vld [tilespmem:s8+$0x5190]  }
0x1d5: {  	v21 =	vadd.f32 v28, v50;
	v28 =	vadd.f32 v46, v38;
	v61 =	vld [tilespmem:s8+$0x5100]  }
0x1d6: {  	v36 =	vadd.f32 v47, v36;
	v37 =	vadd.f32 v51, v37;
	v62 =	vld [tilespmem:s8+$0x5110]  }
0x1d7: {  	v27 =	vadd.f32 v40, v27;
	v28 =	vadd.f32 v41, v28;
	v63 =	vld [tilespmem:s8+$0x5120]  }
0x1d8: {  	v36 =	vadd.f32 v52, v36;
	v37 =	vadd.f32 v53, v37;
	v46 =	vld [tilespmem:s8+$0x5130]  }
0x1d9: {  	v20 =	vadd.f32 v20, v27;
	v28 =	vadd.f32 v29, v28;
	v59 =	vld [tilespmem:s8+$0x51A0]  }
0x1da: {  	v29 =	vadd.f32 v54, v36;
	v58 =	vadd.f32 v55, v37;
	v60 =	vld [tilespmem:s8+$0x51B0]  }
0x1db: {  	v27 =	vadd.f32 v16, v20;
	v20 =	vadd.f32 v19, v28;
	v28 =	vld [tilespmem:s8+$0x5250]  }
0x1dc: {  	v38 =	vld [tilespmem:s8+$0x51C0];
	v19 =	vadd.f32 v56, v29;
	v29 =	vimm.f32 $0.0e+00;
	v16 =	vadd.f32 v57, v58  }
0x1dd: {  	v40 =	vld [tilespmem:s8+$0x51D0];
	v61 =	vadd.f32 v61, v29;
	v62 =	vadd.f32 v62, v29  }
0x1de: {  	v36 =	vimm.f32 $0.0e+00;
	v41 =	vld [tilespmem:s8+$0x5140];
	v63 =	vadd.f32 v63, v29;
	v46 =	vadd.f32 v46, v29  }
0x1df: {  	v45 =	vld [tilespmem:s8+$0x5150];
	v37 =	vimm.f32 $0.0e+00;
	v49 =	vadd.f32 v48, v61;
	v47 =	vadd.f32 v35, v62  }
0x1e0: {  	s9 =	simm.s32 $0x800;
	v50 =	vadd.f32 v59, v63;
	v48 =	vadd.f32 v60, v46;
	v46 =	vld [tilespmem:s8+$0x5160];
	v35 =	vimm.f32 $0.0e+00  }
.LBB2_6:
0x1e1: {  	p1 =	sne.s32 s9, $0x3800;
	v51 =	vld [tilespmem:s8+$0x5170];
	v42 =	vadd.f32 v42, v49;
	v43 =	vadd.f32 v43, v47  }
0x1e2: {  	v47 =	vld [tilespmem:s8+$0x51E0];
	v39 =	vadd.f32 v39, v50;
	v44 =	vadd.f32 v44, v48  }
0x1e3: {  	v48 =	vld [tilespmem:s8+$0x51F0];
	v49 =	vadd.f32 v31, v42;
	v50 =	vadd.f32 v32, v43  }
0x1e4: {  	v42 =	vld [tilespmem:s8+$0x5260];
	v52 =	vadd.f32 v33, v39;
	v53 =	vadd.f32 v34, v44  }
0x1e5: {  	v29 =	vadd.f32 v41, v29;
	v31 =	vadd.f32 v45, v37;
	v34 =	vld [tilespmem:s8+$0x5270]  }
0x1e6: {  	v32 =	vadd.f32 v46, v36;
	v33 =	vadd.f32 v51, v35;
	v35 =	vld [tilespmem:s8+$0x52E0]  }
0x1e7: {  	v29 =	vadd.f32 v38, v29;
	v36 =	vadd.f32 v40, v31;
	v38 =	vld [tilespmem:s8+$0x52F0];
	s8 =	sshra.s32 s9, $0x2  }
0x1e8: {  	v37 =	vadd.f32 v47, v32;
	v31 =	vld [tilespmem:s8+$0x5280];
	v39 =	vadd.f32 v48, v33  }
0x1e9: {  	v29 =	vadd.f32 v30, v29;
	v28 =	vadd.f32 v28, v36;
	v32 =	vld [tilespmem:s8+$0x5290]  }
0x1ea: {  	v30 =	vadd.f32 v42, v37;
	v33 =	vld [tilespmem:s8+$0x52A0];
	v39 =	vadd.f32 v34, v39  }
0x1eb: {  	v29 =	vadd.f32 v24, v29;
	v37 =	vadd.f32 v22, v28;
	v34 =	vld [tilespmem:s8+$0x52B0]  }
0x1ec: {  	v36 =	vadd.f32 v35, v30;
	v24 =	vld [tilespmem:s8+$0x52C0];
	v35 =	vadd.f32 v38, v39  }
0x1ed: {  	v22 =	vld [tilespmem:s8+$0x52D0]  }
0x1ee: {  	v42 =	vld [tilespmem:s8+$0x5200]  }
0x1ef: {  	v43 =	vld [tilespmem:s8+$0x5210]  }
0x1f0: {  	v39 =	vld [tilespmem:s8+$0x5220]  }
0x1f1: {  	v44 =	vld [tilespmem:s8+$0x5230]  }
0x1f2: {  	v30 =	vld [tilespmem:s8+$0x5240]  }
0x1f3: {  	v28 =	vld [tilespmem:s8+$0x5250]  }
0x1f4: {  	v46 =	vld [tilespmem:s8+$0x5180]  }
0x1f5: {  	v47 =	vld [tilespmem:s8+$0x5190]  }
0x1f6: {  	v40 =	vld [tilespmem:s8+$0x5100]  }
0x1f7: {  	v41 =	vld [tilespmem:s8+$0x5110]  }
0x1f8: {  	v45 =	vld [tilespmem:s8+$0x5120]  }
0x1f9: {  	v48 =	vld [tilespmem:s8+$0x5130]  }
0x1fa: {  	v51 =	vld [tilespmem:s8+$0x51A0]  }
0x1fb: {  	v54 =	vld [tilespmem:s8+$0x51B0]  }
.Ltmp3:
0x1fc: {  	v38 =	vld [tilespmem:s8+$0x51C0];
	(pc) =	sbr.rel @p1 .LBB2_6-.Ltmp3, $4  }
0x1fd: {  	v49 =	vadd.f32 v40, v49;
	v50 =	vadd.f32 v41, v50;
	v40 =	vld [tilespmem:s8+$0x51D0]  }
0x1fe: {  	v52 =	vadd.f32 v45, v52;
	v48 =	vadd.f32 v48, v53;
	v41 =	vld [tilespmem:s8+$0x5140]  }
0x1ff: {  	v49 =	vadd.f32 v46, v49;
	v47 =	vadd.f32 v47, v50;
	v45 =	vld [tilespmem:s8+$0x5150]  }
0x200: {  	s9 =	sadd.s32 $0x800, s9;
	v50 =	vadd.f32 v51, v52;
	v46 =	vld [tilespmem:s8+$0x5160];
	v48 =	vadd.f32 v54, v48  }
0x201: {  	v42 =	vadd.f32 v42, v49;
	v43 =	vadd.f32 v43, v47  }
0x202: {  	v62 =	vld [tilespmem:s8+$0x5170];
	v17 =	vadd.f32 v17, v25;
	v18 =	vadd.f32 v18, v26  }
0x203: {  	v63 =	vld [tilespmem:s8+$0x51E0];
	v15 =	vadd.f32 v15, v23;
	v14 =	vadd.f32 v14, v21  }
0x204: {  	s9 =	sor.u32 $0x1, s7;
	v51 =	vld [tilespmem:s8+$0x5260];
	v13 =	vadd.f32 v13, v27;
	v12 =	vadd.f32 v12, v20  }
0x205: {  	v52 =	vld [tilespmem:s8+$0x5270];
	v11 =	vadd.f32 v11, v19;
	s10 =	sor.u32 s22, s9;
	v37 =	vadd.f32 v45, v37  }
0x206: {  	v53 =	vld [tilespmem:s8+$0x52E0];
	v10 =	vadd.f32 v10, v16;
	v39 =	vadd.f32 v39, v50;
	s10 =	sshll.u32 s10, $0x5  }
0x207: {  	v54 =	vld [tilespmem:s8+$0x52F0];
	v44 =	vadd.f32 v44, v48;
	s12 =	sshll.u32 s9, $0x7;
	s10 =	sand.u32 $0x3FFFFFE0, s10;
	v37 =	vadd.f32 v40, v37  }
0x208: {  	v50 =	vld [tilespmem:s8+$0x51F0];
	v31 =	vadd.f32 v31, v42;
	v32 =	vadd.f32 v32, v43;
	s8 =	sand.u32 $0x3FFFFF80, s12;
	s11 =	sadd.s32 $0x180, s10  }
0x209: {  	v29 =	vadd.f32 v41, v29;
	v17 =	vmax.f32 v17, $0.0e+00;
	[tilespmem:s23], [sflag:$0x5] =	stream.indirect.gather [spmem:s2], $0x80, s11, s16, $0xb8;
	v28 =	vadd.f32 v28, v37;
	[tilespmem:$0x1FA80] =	vst v63  }
0x20a: {  	v18 =	vmax.f32 v18, $0.0e+00;
	v15 =	vmax.f32 v15, $0.0e+00;
	v14 =	vmax.f32 v14, $0.0e+00;
	v25 =	vld [tilespmem:s8+$0x2100]  }
0x20b: {  	v13 =	vmax.f32 v13, $0.0e+00;
	v33 =	vadd.f32 v33, v39;
	v22 =	vadd.f32 v22, v28;
	v28 =	vld [tilespmem:s8+$0x2110]  }
0x20c: {  	v34 =	vadd.f32 v34, v44;
	v17 =	vmul.f32 v17, v1;
	v18 =	vmul.f32 v18, v2  }
0x20d: {  	v12 =	vmax.f32 v12, $0.0e+00;
	v36 =	vadd.f32 v46, v36;
	v29 =	vadd.f32 v38, v29;
	v21 =	vld [tilespmem:s8+$0x2120]  }
0x20e: {  	v11 =	vmax.f32 v11, $0.0e+00;
	v35 =	vadd.f32 v62, v35;
	v17 =	vadd.f32 v18, v17  }
0x20f: {  	v15 =	vmul.f32 v15, v3;
	v36 =	vadd.f32 v63, v36;
	v29 =	vadd.f32 v30, v29;
	v18 =	vld [tilespmem:s8+$0x2130]  }
0x210: {  	v14 =	vmul.f32 v14, v4;
	v25 =	vadd.f32 v25, v31;
	v27 =	vadd.f32 v28, v32  }
0x211: {  	v13 =	vmul.f32 v13, v5;
	v35 =	vadd.f32 v50, v35;
	v15 =	vadd.f32 v15, v17;
	v17 =	vld [tilespmem:s8+$0x2140]  }
0x212: {  	v21 =	vadd.f32 v21, v33;
	v25 =	vmax.f32 v25, $0.0e+00;
	v27 =	vmax.f32 v27, $0.0e+00  }
0x213: {  	v14 =	vadd.f32 v14, v15;
	v15 =	vmul.f32 v25, v1;
	v25 =	vmul.f32 v27, v2;
	v27 =	vld [tilespmem:s8+$0x2150]  }
0x214: {  	v24 =	vadd.f32 v24, v29;
	v18 =	vadd.f32 v18, v34;
	v20 =	vmax.f32 v21, $0.0e+00  }
0x215: {  	v30 =	vadd.f32 v51, v36;
	v55 =	vadd.f32 v25, v15;
	v15 =	vmul.f32 v20, v3;
	v20 =	vld [tilespmem:s8+$0x2160]  }
0x216: {  	v35 =	vadd.f32 v52, v35;
	v17 =	vadd.f32 v17, v24;
	v18 =	vmax.f32 v18, $0.0e+00  }
0x217: {  	v13 =	vadd.f32 v13, v14;
	v14 =	vadd.f32 v15, v55;
	v15 =	vmul.f32 v18, v4;
	v18 =	vld [tilespmem:s8+$0x2170]  }
0x218: {  	v26 =	vadd.f32 v53, v30;
	v17 =	vmax.f32 v17, $0.0e+00;
	v19 =	vadd.f32 v27, v22  }
0x219: {  	v12 =	vmul.f32 v12, v6;
	v57 =	vmul.f32 v17, v5;
	v56 =	vadd.f32 v15, v14  }
0x21a: {  	v23 =	vadd.f32 v54, v35;
	v15 =	vmax.f32 v19, $0.0e+00;
	v17 =	vadd.f32 v20, v26  }
0x21b: {  	v12 =	vadd.f32 v12, v13;
	v13 =	vadd.f32 v57, v56;
	v58 =	vmul.f32 v15, v6  }
0x21c: {  	v10 =	vmax.f32 v10, $0.0e+00;
	v15 =	vmax.f32 v17, $0.0e+00;
	v16 =	vadd.f32 v18, v23  }
0x21d: {  	v11 =	vmul.f32 v11, v7;
	v13 =	vadd.f32 v58, v13;
	v59 =	vmul.f32 v15, v7  }
0x21e: {  	v10 =	vmul.f32 v10, v8;
	v60 =	vmax.f32 v16, $0.0e+00  }
0x21f: {  	v11 =	vadd.f32 v11, v12;
	v13 =	vadd.f32 v59, v13;
	v12 =	vmul.f32 v60, v8;
	_ =	sdelay $0x1  }
0x220: {  	v10 =	vadd.f32 v10, v11;
	v11 =	vadd.f32 v12, v13;
	_ =	sdelay $0x1  }
0x221: {  	s14 =	sshll.u32 s6, $0x8;
	v10 =	vadd.f32 v11, v10  }
0x222: {  	s8 =	sand.u32 $0x3FFFFF00, s14  }
0x223: {  	[tilespmem:v9+s8+$0x0 ss:$0x1] =	vst.idx.msk $0xffff, v10  }
0x224: {  	_ =	swait.ge [sflag:s0], $0x1000  }
0x225: {  	[sflag:s0] =	ssyncset.done $0x0  }
0x226: {  	s9 =	simm.s32 $0x0;
	[sflag:s0] =	ssyncadd.s32 $0xFFFFF000  }
0x227: {  	v21 =	vld [tilespmem:s9+$0x6280]  }
0x228: {  	v23 =	vld [tilespmem:s9+$0x6290]  }
0x229: {  	v27 =	vld [tilespmem:s9+$0x62A0]  }
0x22a: {  	v28 =	vld [tilespmem:s9+$0x62B0]  }
0x22b: {  	v16 =	vld [tilespmem:s9+$0x62C0]  }
0x22c: {  	v19 =	vld [tilespmem:s9+$0x62D0]  }
0x22d: {  	v26 =	vld [tilespmem:s9+$0x6200]  }
0x22e: {  	v39 =	vld [tilespmem:s9+$0x6210]  }
0x22f: {  	v25 =	vld [tilespmem:s9+$0x6220]  }
0x230: {  	v30 =	vld [tilespmem:s9+$0x6230]  }
0x231: {  	v20 =	vld [tilespmem:s9+$0x6240]  }
0x232: {  	v10 =	vld [tilespmem:s9+$0x6180]  }
0x233: {  	v11 =	vld [tilespmem:s9+$0x6190]  }
0x234: {  	v61 =	vld [tilespmem:s9+$0x6100]  }
0x235: {  	v62 =	vld [tilespmem:s9+$0x6110]  }
0x236: {  	v63 =	vld [tilespmem:s9+$0x6120]  }
0x237: {  	v15 =	vld [tilespmem:s9+$0x6130]  }
0x238: {  	v17 =	vld [tilespmem:s9+$0x61A0]  }
0x239: {  	v18 =	vld [tilespmem:s9+$0x61B0]  }
0x23a: {  	v29 =	vld [tilespmem:s9+$0x6250]  }
0x23b: {  	v35 =	vimm.f32 $0.0e+00;
	v40 =	vld [tilespmem:s9+$0x61C0]  }
0x23c: {  	v41 =	vld [tilespmem:s9+$0x61D0];
	v12 =	vadd.f32 v61, v35;
	v13 =	vadd.f32 v62, v35  }
0x23d: {  	v38 =	vimm.f32 $0.0e+00;
	v45 =	vld [tilespmem:s9+$0x6140];
	v14 =	vadd.f32 v63, v35;
	v15 =	vadd.f32 v15, v35  }
0x23e: {  	v37 =	vimm.f32 $0.0e+00;
	v46 =	vld [tilespmem:s9+$0x6150];
	v44 =	vadd.f32 v10, v12;
	v48 =	vadd.f32 v11, v13  }
0x23f: {  	v36 =	vimm.f32 $0.0e+00;
	s14 =	simm.s32 $0x800;
	s8 =	sadd.s32 s8, s5;
	v47 =	vld [tilespmem:s9+$0x6160];
	v49 =	vadd.f32 v17, v14;
	v50 =	vadd.f32 v18, v15  }
.LBB2_8:
0x240: {  	p1 =	sne.s32 s14, $0x3800;
	v10 =	vld [tilespmem:s9+$0x6170];
	v11 =	vadd.f32 v26, v44;
	v12 =	vadd.f32 v39, v48  }
0x241: {  	v13 =	vld [tilespmem:s9+$0x61E0];
	v14 =	vadd.f32 v25, v49;
	v15 =	vadd.f32 v30, v50  }
0x242: {  	v17 =	vld [tilespmem:s9+$0x61F0];
	v11 =	vadd.f32 v21, v11;
	v12 =	vadd.f32 v23, v12  }
0x243: {  	v18 =	vld [tilespmem:s9+$0x6260];
	v14 =	vadd.f32 v27, v14;
	v15 =	vadd.f32 v28, v15  }
0x244: {  	v21 =	vadd.f32 v45, v35;
	v22 =	vadd.f32 v46, v38;
	v24 =	vld [tilespmem:s9+$0x6270]  }
0x245: {  	v23 =	vadd.f32 v47, v36;
	v10 =	vadd.f32 v10, v37;
	v25 =	vld [tilespmem:s9+$0x62E0]  }
0x246: {  	v26 =	vadd.f32 v40, v21;
	v22 =	vadd.f32 v41, v22;
	v30 =	vld [tilespmem:s9+$0x62F0];
	s9 =	sshra.s32 s14, $0x2  }
0x247: {  	v13 =	vadd.f32 v13, v23;
	v21 =	vld [tilespmem:s9+$0x6280];
	v10 =	vadd.f32 v17, v10  }
0x248: {  	v17 =	vadd.f32 v20, v26;
	v20 =	vadd.f32 v29, v22;
	v23 =	vld [tilespmem:s9+$0x6290]  }
0x249: {  	v13 =	vadd.f32 v18, v13;
	v27 =	vld [tilespmem:s9+$0x62A0];
	v10 =	vadd.f32 v24, v10  }
0x24a: {  	v35 =	vadd.f32 v16, v17;
	v38 =	vadd.f32 v19, v20;
	v28 =	vld [tilespmem:s9+$0x62B0]  }
0x24b: {  	v36 =	vadd.f32 v25, v13;
	v16 =	vld [tilespmem:s9+$0x62C0];
	v37 =	vadd.f32 v30, v10  }
0x24c: {  	v19 =	vld [tilespmem:s9+$0x62D0]  }
0x24d: {  	v26 =	vld [tilespmem:s9+$0x6200]  }
0x24e: {  	v39 =	vld [tilespmem:s9+$0x6210]  }
0x24f: {  	v25 =	vld [tilespmem:s9+$0x6220]  }
0x250: {  	v30 =	vld [tilespmem:s9+$0x6230]  }
0x251: {  	v20 =	vld [tilespmem:s9+$0x6240]  }
0x252: {  	v29 =	vld [tilespmem:s9+$0x6250]  }
0x253: {  	v10 =	vld [tilespmem:s9+$0x6180]  }
0x254: {  	v13 =	vld [tilespmem:s9+$0x6190]  }
0x255: {  	v17 =	vld [tilespmem:s9+$0x6100]  }
0x256: {  	v18 =	vld [tilespmem:s9+$0x6110]  }
0x257: {  	v22 =	vld [tilespmem:s9+$0x6120]  }
0x258: {  	v24 =	vld [tilespmem:s9+$0x6130]  }
0x259: {  	v31 =	vld [tilespmem:s9+$0x61A0]  }
0x25a: {  	v32 =	vld [tilespmem:s9+$0x61B0]  }
.Ltmp4:
0x25b: {  	v40 =	vld [tilespmem:s9+$0x61C0];
	(pc) =	sbr.rel @p1 .LBB2_8-.Ltmp4, $4  }
0x25c: {  	v11 =	vadd.f32 v17, v11;
	v12 =	vadd.f32 v18, v12;
	v41 =	vld [tilespmem:s9+$0x61D0]  }
0x25d: {  	v14 =	vadd.f32 v22, v14;
	v15 =	vadd.f32 v24, v15;
	v45 =	vld [tilespmem:s9+$0x6140]  }
0x25e: {  	v44 =	vadd.f32 v10, v11;
	v48 =	vadd.f32 v13, v12;
	v46 =	vld [tilespmem:s9+$0x6150]  }
0x25f: {  	s14 =	sadd.s32 $0x800, s14;
	v49 =	vadd.f32 v31, v14;
	v47 =	vld [tilespmem:s9+$0x6160];
	v50 =	vadd.f32 v32, v15  }
0x260: {  	v51 =	vld [tilespmem:s9+$0x6170]  }
0x261: {  	v52 =	vld [tilespmem:s9+$0x61E0];
	s10 =	sor.u32 $0x2, s7  }
0x262: {  	v53 =	vld [tilespmem:s9+$0x61F0];
	s14 =	sor.u32 s22, s10  }
0x263: {  	v54 =	vld [tilespmem:s9+$0x6260];
	s14 =	sshll.u32 s14, $0x5  }
0x264: {  	v55 =	vld [tilespmem:s9+$0x6270];
	s14 =	sand.u32 $0x3FFFFFE0, s14  }
0x265: {  	v56 =	vld [tilespmem:s9+$0x62E0];
	s12 =	sadd.s32 $0x180, s14;
	s14 =	sshll.u32 s10, $0x7  }
0x266: {  	v57 =	vld [tilespmem:s9+$0x62F0];
	[tilespmem:s25], [sflag:$0x6] =	stream.indirect.gather [spmem:s2], $0x80, s12, s16, $0xb8  }
0x267: {  	s9 =	sand.u32 $0x3FFFFF80, s14  }
0x268: {  	v17 =	vld [tilespmem:s9+$0x2100]  }
0x269: {  	v18 =	vld [tilespmem:s9+$0x2110]  }
0x26a: {  	v15 =	vld [tilespmem:s9+$0x2120]  }
0x26b: {  	v14 =	vld [tilespmem:s9+$0x2130]  }
0x26c: {  	v13 =	vld [tilespmem:s9+$0x2140]  }
0x26d: {  	v12 =	vld [tilespmem:s9+$0x2150]  }
0x26e: {  	v11 =	vld [tilespmem:s9+$0x2160]  }
0x26f: {  	v10 =	vld [tilespmem:s9+$0x2170];
	_ =	swait.ge [sflag:s1], $0x1000  }
0x270: {  	[sflag:s1] =	ssyncset.done $0x0  }
0x271: {  	s9 =	simm.s32 $0x0;
	[sflag:s1] =	ssyncadd.s32 $0xFFFFF000  }
0x272: {  	v31 =	vld [tilespmem:s9+$0x7280]  }
0x273: {  	v32 =	vld [tilespmem:s9+$0x7290]  }
0x274: {  	v33 =	vld [tilespmem:s9+$0x72A0]  }
0x275: {  	v34 =	vld [tilespmem:s9+$0x72B0]  }
0x276: {  	v24 =	vld [tilespmem:s9+$0x72C0]  }
0x277: {  	v22 =	vld [tilespmem:s9+$0x72D0]  }
0x278: {  	v42 =	vld [tilespmem:s9+$0x7200]  }
0x279: {  	v43 =	vld [tilespmem:s9+$0x7210]  }
0x27a: {  	v48 =	vadd.f32 v39, v48;
	v39 =	vld [tilespmem:s9+$0x7220]  }
0x27b: {  	v26 =	vadd.f32 v26, v44;
	v44 =	vld [tilespmem:s9+$0x7230]  }
0x27c: {  	v49 =	vadd.f32 v25, v49;
	v50 =	vadd.f32 v30, v50;
	v30 =	vld [tilespmem:s9+$0x7240]  }
0x27d: {  	v25 =	vadd.f32 v21, v26;
	v26 =	vadd.f32 v23, v48;
	v48 =	vld [tilespmem:s9+$0x7180]  }
0x27e: {  	v23 =	vadd.f32 v27, v49;
	v27 =	vadd.f32 v45, v35;
	v35 =	vld [tilespmem:s9+$0x7190]  }
0x27f: {  	v21 =	vadd.f32 v28, v50;
	v28 =	vadd.f32 v46, v38;
	v61 =	vld [tilespmem:s9+$0x7100]  }
0x280: {  	v36 =	vadd.f32 v47, v36;
	v37 =	vadd.f32 v51, v37;
	v62 =	vld [tilespmem:s9+$0x7110]  }
0x281: {  	v27 =	vadd.f32 v40, v27;
	v28 =	vadd.f32 v41, v28;
	v63 =	vld [tilespmem:s9+$0x7120]  }
0x282: {  	v36 =	vadd.f32 v52, v36;
	v37 =	vadd.f32 v53, v37;
	v46 =	vld [tilespmem:s9+$0x7130]  }
0x283: {  	v20 =	vadd.f32 v20, v27;
	v28 =	vadd.f32 v29, v28;
	v59 =	vld [tilespmem:s9+$0x71A0]  }
0x284: {  	v29 =	vadd.f32 v54, v36;
	v58 =	vadd.f32 v55, v37;
	v60 =	vld [tilespmem:s9+$0x71B0]  }
0x285: {  	v27 =	vadd.f32 v16, v20;
	v20 =	vadd.f32 v19, v28;
	v28 =	vld [tilespmem:s9+$0x7250]  }
0x286: {  	v38 =	vld [tilespmem:s9+$0x71C0];
	v19 =	vadd.f32 v56, v29;
	v29 =	vimm.f32 $0.0e+00;
	v16 =	vadd.f32 v57, v58  }
0x287: {  	v40 =	vld [tilespmem:s9+$0x71D0];
	v61 =	vadd.f32 v61, v29;
	v62 =	vadd.f32 v62, v29  }
0x288: {  	v36 =	vimm.f32 $0.0e+00;
	v41 =	vld [tilespmem:s9+$0x7140];
	v63 =	vadd.f32 v63, v29;
	v46 =	vadd.f32 v46, v29  }
0x289: {  	v45 =	vld [tilespmem:s9+$0x7150];
	v37 =	vimm.f32 $0.0e+00;
	v49 =	vadd.f32 v48, v61;
	v47 =	vadd.f32 v35, v62  }
0x28a: {  	s14 =	simm.s32 $0x800;
	v50 =	vadd.f32 v59, v63;
	v48 =	vadd.f32 v60, v46;
	v46 =	vld [tilespmem:s9+$0x7160];
	v35 =	vimm.f32 $0.0e+00  }
.LBB2_10:
0x28b: {  	p1 =	sne.s32 s14, $0x3800;
	v51 =	vld [tilespmem:s9+$0x7170];
	v42 =	vadd.f32 v42, v49;
	v43 =	vadd.f32 v43, v47  }
0x28c: {  	v47 =	vld [tilespmem:s9+$0x71E0];
	v39 =	vadd.f32 v39, v50;
	v44 =	vadd.f32 v44, v48  }
0x28d: {  	v48 =	vld [tilespmem:s9+$0x71F0];
	v49 =	vadd.f32 v31, v42;
	v50 =	vadd.f32 v32, v43  }
0x28e: {  	v42 =	vld [tilespmem:s9+$0x7260];
	v52 =	vadd.f32 v33, v39;
	v53 =	vadd.f32 v34, v44  }
0x28f: {  	v29 =	vadd.f32 v41, v29;
	v31 =	vadd.f32 v45, v37;
	v34 =	vld [tilespmem:s9+$0x7270]  }
0x290: {  	v32 =	vadd.f32 v46, v36;
	v33 =	vadd.f32 v51, v35;
	v35 =	vld [tilespmem:s9+$0x72E0]  }
0x291: {  	v29 =	vadd.f32 v38, v29;
	v36 =	vadd.f32 v40, v31;
	v38 =	vld [tilespmem:s9+$0x72F0];
	s9 =	sshra.s32 s14, $0x2  }
0x292: {  	v37 =	vadd.f32 v47, v32;
	v31 =	vld [tilespmem:s9+$0x7280];
	v39 =	vadd.f32 v48, v33  }
0x293: {  	v29 =	vadd.f32 v30, v29;
	v28 =	vadd.f32 v28, v36;
	v32 =	vld [tilespmem:s9+$0x7290]  }
0x294: {  	v30 =	vadd.f32 v42, v37;
	v33 =	vld [tilespmem:s9+$0x72A0];
	v39 =	vadd.f32 v34, v39  }
0x295: {  	v29 =	vadd.f32 v24, v29;
	v37 =	vadd.f32 v22, v28;
	v34 =	vld [tilespmem:s9+$0x72B0]  }
0x296: {  	v36 =	vadd.f32 v35, v30;
	v24 =	vld [tilespmem:s9+$0x72C0];
	v35 =	vadd.f32 v38, v39  }
0x297: {  	v22 =	vld [tilespmem:s9+$0x72D0]  }
0x298: {  	v42 =	vld [tilespmem:s9+$0x7200]  }
0x299: {  	v43 =	vld [tilespmem:s9+$0x7210]  }
0x29a: {  	v39 =	vld [tilespmem:s9+$0x7220]  }
0x29b: {  	v44 =	vld [tilespmem:s9+$0x7230]  }
0x29c: {  	v30 =	vld [tilespmem:s9+$0x7240]  }
0x29d: {  	v28 =	vld [tilespmem:s9+$0x7250]  }
0x29e: {  	v46 =	vld [tilespmem:s9+$0x7180]  }
0x29f: {  	v47 =	vld [tilespmem:s9+$0x7190]  }
0x2a0: {  	v40 =	vld [tilespmem:s9+$0x7100]  }
0x2a1: {  	v41 =	vld [tilespmem:s9+$0x7110]  }
0x2a2: {  	v45 =	vld [tilespmem:s9+$0x7120]  }
0x2a3: {  	v48 =	vld [tilespmem:s9+$0x7130]  }
0x2a4: {  	v51 =	vld [tilespmem:s9+$0x71A0]  }
0x2a5: {  	v54 =	vld [tilespmem:s9+$0x71B0]  }
.Ltmp5:
0x2a6: {  	v38 =	vld [tilespmem:s9+$0x71C0];
	(pc) =	sbr.rel @p1 .LBB2_10-.Ltmp5, $4  }
0x2a7: {  	v49 =	vadd.f32 v40, v49;
	v50 =	vadd.f32 v41, v50;
	v40 =	vld [tilespmem:s9+$0x71D0]  }
0x2a8: {  	v52 =	vadd.f32 v45, v52;
	v48 =	vadd.f32 v48, v53;
	v41 =	vld [tilespmem:s9+$0x7140]  }
0x2a9: {  	v49 =	vadd.f32 v46, v49;
	v47 =	vadd.f32 v47, v50;
	v45 =	vld [tilespmem:s9+$0x7150]  }
0x2aa: {  	s14 =	sadd.s32 $0x800, s14;
	v50 =	vadd.f32 v51, v52;
	v46 =	vld [tilespmem:s9+$0x7160];
	v48 =	vadd.f32 v54, v48  }
0x2ab: {  	v42 =	vadd.f32 v42, v49;
	v43 =	vadd.f32 v43, v47  }
0x2ac: {  	v17 =	vadd.f32 v17, v25;
	v18 =	vadd.f32 v18, v26  }
0x2ad: {  	v56 =	vld [tilespmem:s9+$0x7170];
	v15 =	vadd.f32 v15, v23;
	v14 =	vadd.f32 v14, v21  }
0x2ae: {  	v57 =	vld [tilespmem:s9+$0x71E0];
	s7 =	sor.u32 $0x3, s7;
	v13 =	vadd.f32 v13, v27;
	v12 =	vadd.f32 v12, v20  }
0x2af: {  	v58 =	vld [tilespmem:s9+$0x71F0];
	v11 =	vadd.f32 v11, v19;
	v10 =	vadd.f32 v10, v16;
	s10 =	sor.u32 s22, s7  }
0x2b0: {  	v59 =	vld [tilespmem:s9+$0x7260];
	v39 =	vadd.f32 v39, v50;
	v44 =	vadd.f32 v44, v48;
	s10 =	sshll.u32 s10, $0x5  }
0x2b1: {  	v60 =	vld [tilespmem:s9+$0x7270];
	s7 =	sshll.u32 s7, $0x7;
	v31 =	vadd.f32 v31, v42;
	s10 =	sand.u32 $0x3FFFFFE0, s10;
	v36 =	vadd.f32 v46, v36  }
0x2b2: {  	v61 =	vld [tilespmem:s9+$0x72E0];
	v32 =	vadd.f32 v32, v43;
	v29 =	vadd.f32 v41, v29;
	s7 =	sand.u32 $0x3FFFFF80, s7;
	s14 =	sadd.s32 $0x180, s10  }
0x2b3: {  	v62 =	vld [tilespmem:s9+$0x72F0];
	v17 =	vmax.f32 v17, $0.0e+00;
	v18 =	vmax.f32 v18, $0.0e+00;
	[tilespmem:s28], [sflag:$0x7] =	stream.indirect.gather [spmem:s2], $0x80, s14, s16, $0xb8;
	v36 =	vadd.f32 v57, v36  }
0x2b4: {  	v15 =	vmax.f32 v15, $0.0e+00;
	v14 =	vmax.f32 v14, $0.0e+00;
	v33 =	vadd.f32 v33, v39;
	v39 =	vld [tilespmem:s7+$0x2110]  }
0x2b5: {  	v13 =	vmax.f32 v13, $0.0e+00;
	v37 =	vadd.f32 v45, v37;
	v63 =	vadd.f32 v59, v36;
	v36 =	vld [tilespmem:s7+$0x2100]  }
0x2b6: {  	v17 =	vmul.f32 v17, v1;
	v18 =	vmul.f32 v18, v2;
	v29 =	vadd.f32 v38, v29  }
0x2b7: {  	v12 =	vmax.f32 v12, $0.0e+00;
	v35 =	vadd.f32 v56, v35;
	v37 =	vadd.f32 v40, v37;
	v40 =	vld [tilespmem:s7+$0x2120]  }
0x2b8: {  	v11 =	vmax.f32 v11, $0.0e+00;
	v34 =	vadd.f32 v34, v44;
	v17 =	vadd.f32 v18, v17  }
0x2b9: {  	v15 =	vmul.f32 v15, v3;
	v29 =	vadd.f32 v30, v29;
	v42 =	vld [tilespmem:s7+$0x2130];
	v35 =	vadd.f32 v58, v35  }
0x2ba: {  	v14 =	vmul.f32 v14, v4;
	v43 =	vadd.f32 v39, v32;
	v25 =	vadd.f32 v36, v31  }
0x2bb: {  	v13 =	vmul.f32 v13, v5;
	v44 =	vld [tilespmem:s7+$0x2140];
	v28 =	vadd.f32 v28, v37;
	v15 =	vadd.f32 v15, v17  }
0x2bc: {  	v21 =	vadd.f32 v40, v33;
	v27 =	vmax.f32 v43, $0.0e+00;
	v25 =	vmax.f32 v25, $0.0e+00  }
0x2bd: {  	v47 =	vld [tilespmem:s7+$0x2150];
	v24 =	vadd.f32 v24, v29;
	v46 =	vmul.f32 v27, v2;
	v45 =	vmul.f32 v25, v1  }
0x2be: {  	v35 =	vadd.f32 v60, v35;
	v18 =	vadd.f32 v42, v34;
	v48 =	vmax.f32 v21, $0.0e+00  }
0x2bf: {  	v51 =	vld [tilespmem:s7+$0x2160];
	v14 =	vadd.f32 v14, v15;
	v50 =	vmul.f32 v48, v3;
	v49 =	vadd.f32 v46, v45  }
0x2c0: {  	v22 =	vadd.f32 v22, v28;
	v17 =	vadd.f32 v44, v24;
	v18 =	vmax.f32 v18, $0.0e+00  }
0x2c1: {  	v53 =	vld [tilespmem:s7+$0x2170];
	v13 =	vadd.f32 v13, v14;
	v52 =	vmul.f32 v18, v4;
	v14 =	vadd.f32 v50, v49  }
0x2c2: {  	v37 =	vadd.f32 v61, v63;
	v54 =	vadd.f32 v47, v22;
	v17 =	vmax.f32 v17, $0.0e+00  }
0x2c3: {  	v12 =	vmul.f32 v12, v6;
	v56 =	vmul.f32 v17, v5;
	v55 =	vadd.f32 v52, v14  }
0x2c4: {  	v41 =	vadd.f32 v62, v35;
	v58 =	vadd.f32 v51, v37;
	v57 =	vmax.f32 v54, $0.0e+00  }
0x2c5: {  	v12 =	vadd.f32 v12, v13;
	v59 =	vmul.f32 v57, v6;
	v13 =	vadd.f32 v56, v55  }
0x2c6: {  	v10 =	vmax.f32 v10, $0.0e+00;
	v61 =	vadd.f32 v53, v41;
	v60 =	vmax.f32 v58, $0.0e+00  }
0x2c7: {  	v11 =	vmul.f32 v11, v7;
	v62 =	vmul.f32 v60, v7;
	v13 =	vadd.f32 v59, v13  }
0x2c8: {  	v10 =	vmul.f32 v10, v8;
	v63 =	vmax.f32 v61, $0.0e+00  }
0x2c9: {  	s6 =	sadd.s32 $0x1, s6;
	v11 =	vadd.f32 v11, v12;
	v12 =	vmul.f32 v63, v8;
	v13 =	vadd.f32 v62, v13  }
0x2ca: {  	p1 =	sne.s32 s6, $0x8  }
.Ltmp6:
0x2cb: {  	v10 =	vadd.f32 v10, v11;
	v11 =	vadd.f32 v12, v13;
	(pc) =	sbr.rel @p1 .LBB2_3-.Ltmp6, $3  }
0x2cc: {  	_ = 	snop  }
0x2cd: {  	v10 =	vadd.f32 v11, v10;
	_ =	sdelay $0x1  }
0x2ce: {  	[tilespmem:s8+$0x80] =	vst v10  }
0x2cf: {  	p1 =	seq.s32 s26, $0x3  }
0x2d0: {  	s6 =	sshll.u32 s26, $0x1;
	s5 =	sshll.u32 @!p1 s26, $0x6  }
0x2d1: {  	s7 =	simm.s32 @!p1 $0x20;
	s12 =	sor.u32 $0x1, s6;
	s5 =	sand.u32 @!p1 $0x3FFFFFC0, s5  }
0x2d2: {  	s8 =	simm.s32 @!p1 $0x2100;
	s6 =	sshll.u32 s12, $0xB;
	s5 =	sadd.s32 @!p1 $0x40, s5  }
0x2d3: {  	[tilespmem:s8], [sflag:$0x1] =	stream.indirect.gather @!p1 [hbm4b:s4+s7], $0x80, s5, s7, $0xb8;
	[tilespmem:$0x1FA80] =	vst v63  }
0x2d4: {  	s6 =	sand.u32 $0x3FFFF800, s6;
	_ =	swait.ge [sflag:s15], $0x1000  }
0x2d5: {  	s14 =	sadd.s32 $0x8180, s6;
	[sflag:s15] =	ssyncset.done $0x0  }
0x2d6: {  	s5 =	sshll.u32 s12, $0x5;
	s6 =	simm.s32 $0x0;
	v9 =	vmov s14;
	[sflag:s15] =	ssyncadd.s32 $0xFFFFF000  }
.LBB2_13:
0x2d7: {  	_ =	swait.ge [sflag:s30], $0x1000  }
0x2d8: {  	[sflag:s30] =	ssyncset.done $0x0  }
0x2d9: {  	s8 =	simm.s32 $0x0;
	[sflag:s30] =	ssyncadd.s32 $0xFFFFF000  }
0x2da: {  	v21 =	vld [tilespmem:s8+$0x4280]  }
0x2db: {  	v23 =	vld [tilespmem:s8+$0x4290]  }
0x2dc: {  	v27 =	vld [tilespmem:s8+$0x42A0]  }
0x2dd: {  	v28 =	vld [tilespmem:s8+$0x42B0]  }
0x2de: {  	v16 =	vld [tilespmem:s8+$0x42C0]  }
0x2df: {  	v19 =	vld [tilespmem:s8+$0x42D0]  }
0x2e0: {  	v26 =	vld [tilespmem:s8+$0x4200]  }
0x2e1: {  	v39 =	vld [tilespmem:s8+$0x4210]  }
0x2e2: {  	v25 =	vld [tilespmem:s8+$0x4220]  }
0x2e3: {  	v30 =	vld [tilespmem:s8+$0x4230]  }
0x2e4: {  	v20 =	vld [tilespmem:s8+$0x4240]  }
0x2e5: {  	v10 =	vld [tilespmem:s8+$0x4180]  }
0x2e6: {  	v11 =	vld [tilespmem:s8+$0x4190]  }
0x2e7: {  	v12 =	vld [tilespmem:s8+$0x4100]  }
0x2e8: {  	v13 =	vld [tilespmem:s8+$0x4110]  }
0x2e9: {  	v14 =	vld [tilespmem:s8+$0x4120]  }
0x2ea: {  	v15 =	vld [tilespmem:s8+$0x4130]  }
0x2eb: {  	v17 =	vld [tilespmem:s8+$0x41A0]  }
0x2ec: {  	v18 =	vld [tilespmem:s8+$0x41B0]  }
0x2ed: {  	v29 =	vld [tilespmem:s8+$0x4250]  }
0x2ee: {  	v35 =	vimm.f32 $0.0e+00;
	v40 =	vld [tilespmem:s8+$0x41C0]  }
0x2ef: {  	v41 =	vld [tilespmem:s8+$0x41D0];
	v12 =	vadd.f32 v12, v35;
	v13 =	vadd.f32 v13, v35  }
0x2f0: {  	v38 =	vimm.f32 $0.0e+00;
	v45 =	vld [tilespmem:s8+$0x4140];
	v14 =	vadd.f32 v14, v35;
	v15 =	vadd.f32 v15, v35  }
0x2f1: {  	v36 =	vimm.f32 $0.0e+00;
	v46 =	vld [tilespmem:s8+$0x4150];
	v44 =	vadd.f32 v10, v12;
	v48 =	vadd.f32 v11, v13  }
0x2f2: {  	s7 =	simm.s32 $0x800;
	v37 =	vimm.f32 $0.0e+00;
	v47 =	vld [tilespmem:s8+$0x4160];
	v49 =	vadd.f32 v17, v14;
	v50 =	vadd.f32 v18, v15  }
.LBB2_14:
0x2f3: {  	p2 =	sne.s32 s7, $0x3800;
	v10 =	vld [tilespmem:s8+$0x4170];
	v11 =	vadd.f32 v26, v44;
	v12 =	vadd.f32 v39, v48  }
0x2f4: {  	v13 =	vld [tilespmem:s8+$0x41E0];
	v14 =	vadd.f32 v25, v49;
	v15 =	vadd.f32 v30, v50  }
0x2f5: {  	v17 =	vld [tilespmem:s8+$0x41F0];
	v11 =	vadd.f32 v21, v11;
	v12 =	vadd.f32 v23, v12  }
0x2f6: {  	v18 =	vld [tilespmem:s8+$0x4260];
	v14 =	vadd.f32 v27, v14;
	v15 =	vadd.f32 v28, v15  }
0x2f7: {  	v21 =	vadd.f32 v45, v35;
	v22 =	vadd.f32 v46, v38;
	v24 =	vld [tilespmem:s8+$0x4270]  }
0x2f8: {  	v23 =	vadd.f32 v47, v36;
	v10 =	vadd.f32 v10, v37;
	v25 =	vld [tilespmem:s8+$0x42E0]  }
0x2f9: {  	v26 =	vadd.f32 v40, v21;
	v22 =	vadd.f32 v41, v22;
	v30 =	vld [tilespmem:s8+$0x42F0];
	s8 =	sshra.s32 s7, $0x2  }
0x2fa: {  	v13 =	vadd.f32 v13, v23;
	v21 =	vld [tilespmem:s8+$0x4280];
	v10 =	vadd.f32 v17, v10  }
0x2fb: {  	v17 =	vadd.f32 v20, v26;
	v20 =	vadd.f32 v29, v22;
	v23 =	vld [tilespmem:s8+$0x4290]  }
0x2fc: {  	v13 =	vadd.f32 v18, v13;
	v27 =	vld [tilespmem:s8+$0x42A0];
	v10 =	vadd.f32 v24, v10  }
0x2fd: {  	v35 =	vadd.f32 v16, v17;
	v38 =	vadd.f32 v19, v20;
	v28 =	vld [tilespmem:s8+$0x42B0]  }
0x2fe: {  	v36 =	vadd.f32 v25, v13;
	v16 =	vld [tilespmem:s8+$0x42C0];
	v37 =	vadd.f32 v30, v10  }
0x2ff: {  	v19 =	vld [tilespmem:s8+$0x42D0]  }
0x300: {  	v26 =	vld [tilespmem:s8+$0x4200]  }
0x301: {  	v39 =	vld [tilespmem:s8+$0x4210]  }
0x302: {  	v25 =	vld [tilespmem:s8+$0x4220]  }
0x303: {  	v30 =	vld [tilespmem:s8+$0x4230]  }
0x304: {  	v20 =	vld [tilespmem:s8+$0x4240]  }
0x305: {  	v29 =	vld [tilespmem:s8+$0x4250]  }
0x306: {  	v10 =	vld [tilespmem:s8+$0x4180]  }
0x307: {  	v13 =	vld [tilespmem:s8+$0x4190]  }
0x308: {  	v17 =	vld [tilespmem:s8+$0x4100]  }
0x309: {  	v18 =	vld [tilespmem:s8+$0x4110]  }
0x30a: {  	v22 =	vld [tilespmem:s8+$0x4120]  }
0x30b: {  	v24 =	vld [tilespmem:s8+$0x4130]  }
0x30c: {  	v31 =	vld [tilespmem:s8+$0x41A0]  }
0x30d: {  	v32 =	vld [tilespmem:s8+$0x41B0]  }
.Ltmp7:
0x30e: {  	v40 =	vld [tilespmem:s8+$0x41C0];
	(pc) =	sbr.rel @p2 .LBB2_14-.Ltmp7, $4  }
0x30f: {  	v11 =	vadd.f32 v17, v11;
	v12 =	vadd.f32 v18, v12;
	v41 =	vld [tilespmem:s8+$0x41D0]  }
0x310: {  	v14 =	vadd.f32 v22, v14;
	v15 =	vadd.f32 v24, v15;
	v45 =	vld [tilespmem:s8+$0x4140]  }
0x311: {  	v44 =	vadd.f32 v10, v11;
	v48 =	vadd.f32 v13, v12;
	v46 =	vld [tilespmem:s8+$0x4150]  }
0x312: {  	s7 =	sadd.s32 $0x800, s7;
	v49 =	vadd.f32 v31, v14;
	v47 =	vld [tilespmem:s8+$0x4160];
	v50 =	vadd.f32 v32, v15  }
0x313: {  	v51 =	vld [tilespmem:s8+$0x4170]  }
0x314: {  	v52 =	vld [tilespmem:s8+$0x41E0];
	s7 =	sshll.u32 s6, $0x2  }
0x315: {  	v53 =	vld [tilespmem:s8+$0x41F0];
	s9 =	sor.u32 s5, s7  }
0x316: {  	v54 =	vld [tilespmem:s8+$0x4260];
	p2 =	sgt.u32 s9, $0xFB  }
0x317: {  	v55 =	vld [tilespmem:s8+$0x4270];
	s9 =	sshll.u32 @!p2 s9, $0x5  }
0x318: {  	v56 =	vld [tilespmem:s8+$0x42E0];
	s12 =	sshll.u32 s6, $0x9;
	s9 =	sand.u32 @!p2 $0x3FFFFFE0, s9  }
0x319: {  	v57 =	vld [tilespmem:s8+$0x42F0];
	s10 =	simm.s32 @!p2 $0x4100;
	s8 =	sadd.s32 @!p2 $0x180, s9;
	s9 =	simm.s32 @!p2 $0x20  }
0x31a: {  	[tilespmem:s10], [sflag:$0x4] =	stream.indirect.gather @!p2 [spmem:s2], $0x80, s8, s9, $0xb8;
	[tilespmem:$0x1FA80] =	vst v63  }
0x31b: {  	s8 =	sand.u32 $0x3FFFFE00, s12  }
0x31c: {  	v17 =	vld [tilespmem:s8+$0x3100]  }
0x31d: {  	v18 =	vld [tilespmem:s8+$0x3110]  }
0x31e: {  	v15 =	vld [tilespmem:s8+$0x3120]  }
0x31f: {  	v14 =	vld [tilespmem:s8+$0x3130]  }
0x320: {  	v13 =	vld [tilespmem:s8+$0x3140]  }
0x321: {  	v12 =	vld [tilespmem:s8+$0x3150]  }
0x322: {  	v11 =	vld [tilespmem:s8+$0x3160]  }
0x323: {  	v10 =	vld [tilespmem:s8+$0x3170];
	_ =	swait.ge [sflag:s31], $0x1000  }
0x324: {  	[sflag:s31] =	ssyncset.done $0x0  }
0x325: {  	s8 =	simm.s32 $0x0;
	[sflag:s31] =	ssyncadd.s32 $0xFFFFF000  }
0x326: {  	v31 =	vld [tilespmem:s8+$0x5280]  }
0x327: {  	v32 =	vld [tilespmem:s8+$0x5290]  }
0x328: {  	v33 =	vld [tilespmem:s8+$0x52A0]  }
0x329: {  	v34 =	vld [tilespmem:s8+$0x52B0]  }
0x32a: {  	v24 =	vld [tilespmem:s8+$0x52C0]  }
0x32b: {  	v22 =	vld [tilespmem:s8+$0x52D0]  }
0x32c: {  	v42 =	vld [tilespmem:s8+$0x5200]  }
0x32d: {  	v43 =	vld [tilespmem:s8+$0x5210]  }
0x32e: {  	v48 =	vadd.f32 v39, v48;
	v39 =	vld [tilespmem:s8+$0x5220]  }
0x32f: {  	v26 =	vadd.f32 v26, v44;
	v44 =	vld [tilespmem:s8+$0x5230]  }
0x330: {  	v49 =	vadd.f32 v25, v49;
	v50 =	vadd.f32 v30, v50;
	v30 =	vld [tilespmem:s8+$0x5240]  }
0x331: {  	v25 =	vadd.f32 v21, v26;
	v26 =	vadd.f32 v23, v48;
	v48 =	vld [tilespmem:s8+$0x5180]  }
0x332: {  	v23 =	vadd.f32 v27, v49;
	v27 =	vadd.f32 v45, v35;
	v35 =	vld [tilespmem:s8+$0x5190]  }
0x333: {  	v21 =	vadd.f32 v28, v50;
	v28 =	vadd.f32 v46, v38;
	v61 =	vld [tilespmem:s8+$0x5100]  }
0x334: {  	v36 =	vadd.f32 v47, v36;
	v37 =	vadd.f32 v51, v37;
	v62 =	vld [tilespmem:s8+$0x5110]  }
0x335: {  	v27 =	vadd.f32 v40, v27;
	v28 =	vadd.f32 v41, v28;
	v63 =	vld [tilespmem:s8+$0x5120]  }
0x336: {  	v36 =	vadd.f32 v52, v36;
	v37 =	vadd.f32 v53, v37;
	v46 =	vld [tilespmem:s8+$0x5130]  }
0x337: {  	v20 =	vadd.f32 v20, v27;
	v28 =	vadd.f32 v29, v28;
	v59 =	vld [tilespmem:s8+$0x51A0]  }
0x338: {  	v29 =	vadd.f32 v54, v36;
	v58 =	vadd.f32 v55, v37;
	v60 =	vld [tilespmem:s8+$0x51B0]  }
0x339: {  	v27 =	vadd.f32 v16, v20;
	v20 =	vadd.f32 v19, v28;
	v28 =	vld [tilespmem:s8+$0x5250]  }
0x33a: {  	v19 =	vadd.f32 v56, v29;
	v29 =	vimm.f32 $0.0e+00;
	v38 =	vld [tilespmem:s8+$0x51C0];
	v16 =	vadd.f32 v57, v58  }
0x33b: {  	v40 =	vld [tilespmem:s8+$0x51D0];
	v61 =	vadd.f32 v61, v29;
	v62 =	vadd.f32 v62, v29  }
0x33c: {  	v36 =	vimm.f32 $0.0e+00;
	v41 =	vld [tilespmem:s8+$0x5140];
	v63 =	vadd.f32 v63, v29;
	v46 =	vadd.f32 v46, v29  }
0x33d: {  	v37 =	vimm.f32 $0.0e+00;
	v45 =	vld [tilespmem:s8+$0x5150];
	v49 =	vadd.f32 v48, v61;
	v47 =	vadd.f32 v35, v62  }
0x33e: {  	s9 =	simm.s32 $0x800;
	v50 =	vadd.f32 v59, v63;
	v48 =	vadd.f32 v60, v46;
	v46 =	vld [tilespmem:s8+$0x5160];
	v35 =	vimm.f32 $0.0e+00  }
.LBB2_16:
0x33f: {  	p2 =	sne.s32 s9, $0x3800;
	v51 =	vld [tilespmem:s8+$0x5170];
	v42 =	vadd.f32 v42, v49;
	v43 =	vadd.f32 v43, v47  }
0x340: {  	v47 =	vld [tilespmem:s8+$0x51E0];
	v39 =	vadd.f32 v39, v50;
	v44 =	vadd.f32 v44, v48  }
0x341: {  	v48 =	vld [tilespmem:s8+$0x51F0];
	v49 =	vadd.f32 v31, v42;
	v50 =	vadd.f32 v32, v43  }
0x342: {  	v42 =	vld [tilespmem:s8+$0x5260];
	v52 =	vadd.f32 v33, v39;
	v53 =	vadd.f32 v34, v44  }
0x343: {  	v29 =	vadd.f32 v41, v29;
	v31 =	vadd.f32 v45, v37;
	v34 =	vld [tilespmem:s8+$0x5270]  }
0x344: {  	v32 =	vadd.f32 v46, v36;
	v33 =	vadd.f32 v51, v35;
	v35 =	vld [tilespmem:s8+$0x52E0]  }
0x345: {  	v29 =	vadd.f32 v38, v29;
	v36 =	vadd.f32 v40, v31;
	v38 =	vld [tilespmem:s8+$0x52F0];
	s8 =	sshra.s32 s9, $0x2  }
0x346: {  	v37 =	vadd.f32 v47, v32;
	v31 =	vld [tilespmem:s8+$0x5280];
	v39 =	vadd.f32 v48, v33  }
0x347: {  	v29 =	vadd.f32 v30, v29;
	v28 =	vadd.f32 v28, v36;
	v32 =	vld [tilespmem:s8+$0x5290]  }
0x348: {  	v30 =	vadd.f32 v42, v37;
	v33 =	vld [tilespmem:s8+$0x52A0];
	v39 =	vadd.f32 v34, v39  }
0x349: {  	v29 =	vadd.f32 v24, v29;
	v37 =	vadd.f32 v22, v28;
	v34 =	vld [tilespmem:s8+$0x52B0]  }
0x34a: {  	v36 =	vadd.f32 v35, v30;
	v24 =	vld [tilespmem:s8+$0x52C0];
	v35 =	vadd.f32 v38, v39  }
0x34b: {  	v22 =	vld [tilespmem:s8+$0x52D0]  }
0x34c: {  	v42 =	vld [tilespmem:s8+$0x5200]  }
0x34d: {  	v43 =	vld [tilespmem:s8+$0x5210]  }
0x34e: {  	v39 =	vld [tilespmem:s8+$0x5220]  }
0x34f: {  	v44 =	vld [tilespmem:s8+$0x5230]  }
0x350: {  	v30 =	vld [tilespmem:s8+$0x5240]  }
0x351: {  	v28 =	vld [tilespmem:s8+$0x5250]  }
0x352: {  	v46 =	vld [tilespmem:s8+$0x5180]  }
0x353: {  	v47 =	vld [tilespmem:s8+$0x5190]  }
0x354: {  	v40 =	vld [tilespmem:s8+$0x5100]  }
0x355: {  	v41 =	vld [tilespmem:s8+$0x5110]  }
0x356: {  	v45 =	vld [tilespmem:s8+$0x5120]  }
0x357: {  	v48 =	vld [tilespmem:s8+$0x5130]  }
0x358: {  	v51 =	vld [tilespmem:s8+$0x51A0]  }
0x359: {  	v54 =	vld [tilespmem:s8+$0x51B0]  }
.Ltmp8:
0x35a: {  	v38 =	vld [tilespmem:s8+$0x51C0];
	(pc) =	sbr.rel @p2 .LBB2_16-.Ltmp8, $4  }
0x35b: {  	v49 =	vadd.f32 v40, v49;
	v50 =	vadd.f32 v41, v50;
	v40 =	vld [tilespmem:s8+$0x51D0]  }
0x35c: {  	v52 =	vadd.f32 v45, v52;
	v48 =	vadd.f32 v48, v53;
	v41 =	vld [tilespmem:s8+$0x5140]  }
0x35d: {  	v49 =	vadd.f32 v46, v49;
	v47 =	vadd.f32 v47, v50;
	v45 =	vld [tilespmem:s8+$0x5150]  }
0x35e: {  	s9 =	sadd.s32 $0x800, s9;
	v50 =	vadd.f32 v51, v52;
	v46 =	vld [tilespmem:s8+$0x5160];
	v48 =	vadd.f32 v54, v48  }
0x35f: {  	v62 =	vld [tilespmem:s8+$0x5170]  }
0x360: {  	v42 =	vadd.f32 v42, v49;
	v43 =	vadd.f32 v43, v47;
	v63 =	vld [tilespmem:s8+$0x51E0];
	s9 =	sor.u32 $0x1, s7  }
0x361: {  	v51 =	vld [tilespmem:s8+$0x5260];
	v17 =	vadd.f32 v17, v25;
	v18 =	vadd.f32 v18, v26;
	s10 =	sor.u32 s5, s9  }
0x362: {  	v52 =	vld [tilespmem:s8+$0x5270];
	v15 =	vadd.f32 v15, v23;
	v14 =	vadd.f32 v14, v21;
	p2 =	sgt.u32 s10, $0xFB  }
0x363: {  	v53 =	vld [tilespmem:s8+$0x52E0];
	v13 =	vadd.f32 v13, v27;
	v12 =	vadd.f32 v12, v20;
	s10 =	sshll.u32 @!p2 s10, $0x5  }
0x364: {  	v54 =	vld [tilespmem:s8+$0x52F0];
	v11 =	vadd.f32 v11, v19;
	v37 =	vadd.f32 v45, v37;
	s10 =	sand.u32 @!p2 $0x3FFFFFE0, s10  }
0x365: {  	v10 =	vadd.f32 v10, v16;
	v39 =	vadd.f32 v39, v50;
	v50 =	vld [tilespmem:s8+$0x51F0];
	s11 =	simm.s32 @!p2 $0x5100;
	s8 =	sadd.s32 @!p2 $0x180, s10;
	s10 =	simm.s32 @!p2 $0x20  }
0x366: {  	v44 =	vadd.f32 v44, v48;
	v37 =	vadd.f32 v40, v37;
	[tilespmem:s11], [sflag:$0x5] =	stream.indirect.gather @!p2 [spmem:s2], $0x80, s8, s10, $0xb8;
	[tilespmem:$0x1FA80] =	vst v63  }
0x367: {  	v31 =	vadd.f32 v31, v42;
	v32 =	vadd.f32 v32, v43;
	s11 =	sshll.u32 s9, $0x7  }
0x368: {  	v29 =	vadd.f32 v41, v29;
	v17 =	vmax.f32 v17, $0.0e+00;
	v28 =	vadd.f32 v28, v37;
	s8 =	sand.u32 $0x3FFFFF80, s11  }
0x369: {  	v18 =	vmax.f32 v18, $0.0e+00;
	v15 =	vmax.f32 v15, $0.0e+00;
	v14 =	vmax.f32 v14, $0.0e+00;
	v25 =	vld [tilespmem:s8+$0x3100]  }
0x36a: {  	v13 =	vmax.f32 v13, $0.0e+00;
	v33 =	vadd.f32 v33, v39;
	v22 =	vadd.f32 v22, v28;
	v28 =	vld [tilespmem:s8+$0x3110]  }
0x36b: {  	v34 =	vadd.f32 v34, v44;
	v17 =	vmul.f32 v17, v1;
	v18 =	vmul.f32 v18, v2  }
0x36c: {  	v12 =	vmax.f32 v12, $0.0e+00;
	v36 =	vadd.f32 v46, v36;
	v29 =	vadd.f32 v38, v29;
	v21 =	vld [tilespmem:s8+$0x3120]  }
0x36d: {  	v11 =	vmax.f32 v11, $0.0e+00;
	v35 =	vadd.f32 v62, v35;
	v17 =	vadd.f32 v18, v17  }
0x36e: {  	v15 =	vmul.f32 v15, v3;
	v36 =	vadd.f32 v63, v36;
	v29 =	vadd.f32 v30, v29;
	v18 =	vld [tilespmem:s8+$0x3130]  }
0x36f: {  	v14 =	vmul.f32 v14, v4;
	v25 =	vadd.f32 v25, v31;
	v27 =	vadd.f32 v28, v32  }
0x370: {  	v13 =	vmul.f32 v13, v5;
	v35 =	vadd.f32 v50, v35;
	v15 =	vadd.f32 v15, v17;
	v17 =	vld [tilespmem:s8+$0x3140]  }
0x371: {  	v21 =	vadd.f32 v21, v33;
	v25 =	vmax.f32 v25, $0.0e+00;
	v27 =	vmax.f32 v27, $0.0e+00  }
0x372: {  	v14 =	vadd.f32 v14, v15;
	v15 =	vmul.f32 v25, v1;
	v25 =	vmul.f32 v27, v2;
	v27 =	vld [tilespmem:s8+$0x3150]  }
0x373: {  	v24 =	vadd.f32 v24, v29;
	v18 =	vadd.f32 v18, v34;
	v20 =	vmax.f32 v21, $0.0e+00  }
0x374: {  	v30 =	vadd.f32 v51, v36;
	v55 =	vadd.f32 v25, v15;
	v15 =	vmul.f32 v20, v3;
	v20 =	vld [tilespmem:s8+$0x3160]  }
0x375: {  	v35 =	vadd.f32 v52, v35;
	v17 =	vadd.f32 v17, v24;
	v18 =	vmax.f32 v18, $0.0e+00  }
0x376: {  	v13 =	vadd.f32 v13, v14;
	v14 =	vadd.f32 v15, v55;
	v15 =	vmul.f32 v18, v4;
	v18 =	vld [tilespmem:s8+$0x3170]  }
0x377: {  	v26 =	vadd.f32 v53, v30;
	v17 =	vmax.f32 v17, $0.0e+00;
	v19 =	vadd.f32 v27, v22  }
0x378: {  	v12 =	vmul.f32 v12, v6;
	v57 =	vmul.f32 v17, v5;
	v56 =	vadd.f32 v15, v14  }
0x379: {  	v23 =	vadd.f32 v54, v35;
	v15 =	vmax.f32 v19, $0.0e+00;
	v17 =	vadd.f32 v20, v26  }
0x37a: {  	v12 =	vadd.f32 v12, v13;
	v13 =	vadd.f32 v57, v56;
	v58 =	vmul.f32 v15, v6  }
0x37b: {  	v10 =	vmax.f32 v10, $0.0e+00;
	v15 =	vmax.f32 v17, $0.0e+00;
	v16 =	vadd.f32 v18, v23  }
0x37c: {  	v11 =	vmul.f32 v11, v7;
	v13 =	vadd.f32 v58, v13;
	v59 =	vmul.f32 v15, v7  }
0x37d: {  	v10 =	vmul.f32 v10, v8;
	v60 =	vmax.f32 v16, $0.0e+00  }
0x37e: {  	v11 =	vadd.f32 v11, v12;
	v13 =	vadd.f32 v59, v13;
	v12 =	vmul.f32 v60, v8;
	_ =	sdelay $0x1  }
0x37f: {  	v10 =	vadd.f32 v10, v11;
	v11 =	vadd.f32 v12, v13;
	_ =	sdelay $0x1  }
0x380: {  	s12 =	sshll.u32 s6, $0x8;
	v10 =	vadd.f32 v11, v10  }
0x381: {  	s8 =	sand.u32 $0x3FFFFF00, s12  }
0x382: {  	[tilespmem:v9+s8+$0x0 ss:$0x1] =	vst.idx.msk $0xffff, v10  }
0x383: {  	_ =	swait.ge [sflag:s0], $0x1000  }
0x384: {  	[sflag:s0] =	ssyncset.done $0x0  }
0x385: {  	s9 =	simm.s32 $0x0;
	[sflag:s0] =	ssyncadd.s32 $0xFFFFF000  }
0x386: {  	v21 =	vld [tilespmem:s9+$0x6280]  }
0x387: {  	v23 =	vld [tilespmem:s9+$0x6290]  }
0x388: {  	v27 =	vld [tilespmem:s9+$0x62A0]  }
0x389: {  	v28 =	vld [tilespmem:s9+$0x62B0]  }
0x38a: {  	v16 =	vld [tilespmem:s9+$0x62C0]  }
0x38b: {  	v19 =	vld [tilespmem:s9+$0x62D0]  }
0x38c: {  	v26 =	vld [tilespmem:s9+$0x6200]  }
0x38d: {  	v39 =	vld [tilespmem:s9+$0x6210]  }
0x38e: {  	v25 =	vld [tilespmem:s9+$0x6220]  }
0x38f: {  	v30 =	vld [tilespmem:s9+$0x6230]  }
0x390: {  	v20 =	vld [tilespmem:s9+$0x6240]  }
0x391: {  	v10 =	vld [tilespmem:s9+$0x6180]  }
0x392: {  	v11 =	vld [tilespmem:s9+$0x6190]  }
0x393: {  	v61 =	vld [tilespmem:s9+$0x6100]  }
0x394: {  	v62 =	vld [tilespmem:s9+$0x6110]  }
0x395: {  	v63 =	vld [tilespmem:s9+$0x6120]  }
0x396: {  	v15 =	vld [tilespmem:s9+$0x6130]  }
0x397: {  	v17 =	vld [tilespmem:s9+$0x61A0]  }
0x398: {  	v18 =	vld [tilespmem:s9+$0x61B0]  }
0x399: {  	v29 =	vld [tilespmem:s9+$0x6250]  }
0x39a: {  	v35 =	vimm.f32 $0.0e+00;
	v40 =	vld [tilespmem:s9+$0x61C0]  }
0x39b: {  	v41 =	vld [tilespmem:s9+$0x61D0];
	v12 =	vadd.f32 v61, v35;
	v13 =	vadd.f32 v62, v35  }
0x39c: {  	v38 =	vimm.f32 $0.0e+00;
	v45 =	vld [tilespmem:s9+$0x6140];
	v14 =	vadd.f32 v63, v35;
	v15 =	vadd.f32 v15, v35  }
0x39d: {  	v37 =	vimm.f32 $0.0e+00;
	v46 =	vld [tilespmem:s9+$0x6150];
	v44 =	vadd.f32 v10, v12;
	v48 =	vadd.f32 v11, v13  }
0x39e: {  	s10 =	simm.s32 $0x800;
	v36 =	vimm.f32 $0.0e+00;
	s8 =	sadd.s32 s8, s14;
	v47 =	vld [tilespmem:s9+$0x6160];
	v49 =	vadd.f32 v17, v14;
	v50 =	vadd.f32 v18, v15  }
.LBB2_18:
0x39f: {  	p2 =	sne.s32 s10, $0x3800;
	v10 =	vld [tilespmem:s9+$0x6170];
	v11 =	vadd.f32 v26, v44;
	v12 =	vadd.f32 v39, v48  }
0x3a0: {  	v13 =	vld [tilespmem:s9+$0x61E0];
	v14 =	vadd.f32 v25, v49;
	v15 =	vadd.f32 v30, v50  }
0x3a1: {  	v17 =	vld [tilespmem:s9+$0x61F0];
	v11 =	vadd.f32 v21, v11;
	v12 =	vadd.f32 v23, v12  }
0x3a2: {  	v18 =	vld [tilespmem:s9+$0x6260];
	v14 =	vadd.f32 v27, v14;
	v15 =	vadd.f32 v28, v15  }
0x3a3: {  	v21 =	vadd.f32 v45, v35;
	v22 =	vadd.f32 v46, v38;
	v24 =	vld [tilespmem:s9+$0x6270]  }
0x3a4: {  	v23 =	vadd.f32 v47, v36;
	v10 =	vadd.f32 v10, v37;
	v25 =	vld [tilespmem:s9+$0x62E0]  }
0x3a5: {  	v26 =	vadd.f32 v40, v21;
	v22 =	vadd.f32 v41, v22;
	v30 =	vld [tilespmem:s9+$0x62F0];
	s9 =	sshra.s32 s10, $0x2  }
0x3a6: {  	v13 =	vadd.f32 v13, v23;
	v21 =	vld [tilespmem:s9+$0x6280];
	v10 =	vadd.f32 v17, v10  }
0x3a7: {  	v17 =	vadd.f32 v20, v26;
	v20 =	vadd.f32 v29, v22;
	v23 =	vld [tilespmem:s9+$0x6290]  }
0x3a8: {  	v13 =	vadd.f32 v18, v13;
	v27 =	vld [tilespmem:s9+$0x62A0];
	v10 =	vadd.f32 v24, v10  }
0x3a9: {  	v35 =	vadd.f32 v16, v17;
	v38 =	vadd.f32 v19, v20;
	v28 =	vld [tilespmem:s9+$0x62B0]  }
0x3aa: {  	v36 =	vadd.f32 v25, v13;
	v16 =	vld [tilespmem:s9+$0x62C0];
	v37 =	vadd.f32 v30, v10  }
0x3ab: {  	v19 =	vld [tilespmem:s9+$0x62D0]  }
0x3ac: {  	v26 =	vld [tilespmem:s9+$0x6200]  }
0x3ad: {  	v39 =	vld [tilespmem:s9+$0x6210]  }
0x3ae: {  	v25 =	vld [tilespmem:s9+$0x6220]  }
0x3af: {  	v30 =	vld [tilespmem:s9+$0x6230]  }
0x3b0: {  	v20 =	vld [tilespmem:s9+$0x6240]  }
0x3b1: {  	v29 =	vld [tilespmem:s9+$0x6250]  }
0x3b2: {  	v10 =	vld [tilespmem:s9+$0x6180]  }
0x3b3: {  	v13 =	vld [tilespmem:s9+$0x6190]  }
0x3b4: {  	v17 =	vld [tilespmem:s9+$0x6100]  }
0x3b5: {  	v18 =	vld [tilespmem:s9+$0x6110]  }
0x3b6: {  	v22 =	vld [tilespmem:s9+$0x6120]  }
0x3b7: {  	v24 =	vld [tilespmem:s9+$0x6130]  }
0x3b8: {  	v31 =	vld [tilespmem:s9+$0x61A0]  }
0x3b9: {  	v32 =	vld [tilespmem:s9+$0x61B0]  }
.Ltmp9:
0x3ba: {  	v40 =	vld [tilespmem:s9+$0x61C0];
	(pc) =	sbr.rel @p2 .LBB2_18-.Ltmp9, $4  }
0x3bb: {  	v11 =	vadd.f32 v17, v11;
	v12 =	vadd.f32 v18, v12;
	v41 =	vld [tilespmem:s9+$0x61D0]  }
0x3bc: {  	v14 =	vadd.f32 v22, v14;
	v15 =	vadd.f32 v24, v15;
	v45 =	vld [tilespmem:s9+$0x6140]  }
0x3bd: {  	v44 =	vadd.f32 v10, v11;
	v48 =	vadd.f32 v13, v12;
	v46 =	vld [tilespmem:s9+$0x6150]  }
0x3be: {  	s10 =	sadd.s32 $0x800, s10;
	v49 =	vadd.f32 v31, v14;
	v47 =	vld [tilespmem:s9+$0x6160];
	v50 =	vadd.f32 v32, v15  }
0x3bf: {  	v51 =	vld [tilespmem:s9+$0x6170]  }
0x3c0: {  	v52 =	vld [tilespmem:s9+$0x61E0];
	s10 =	sor.u32 $0x2, s7  }
0x3c1: {  	v53 =	vld [tilespmem:s9+$0x61F0];
	s11 =	sor.u32 s5, s10  }
0x3c2: {  	v54 =	vld [tilespmem:s9+$0x6260];
	p2 =	sgt.u32 s11, $0xFB  }
0x3c3: {  	v55 =	vld [tilespmem:s9+$0x6270];
	s11 =	sshll.u32 @!p2 s11, $0x5  }
0x3c4: {  	v56 =	vld [tilespmem:s9+$0x62E0];
	s11 =	sand.u32 @!p2 $0x3FFFFFE0, s11  }
0x3c5: {  	v57 =	vld [tilespmem:s9+$0x62F0];
	s12 =	simm.s32 @!p2 $0x6100;
	s9 =	sadd.s32 @!p2 $0x180, s11;
	s11 =	simm.s32 @!p2 $0x20  }
0x3c6: {  	[tilespmem:s12], [sflag:$0x6] =	stream.indirect.gather @!p2 [spmem:s2], $0x80, s9, s11, $0xb8;
	[tilespmem:$0x1FA80] =	vst v63  }
0x3c7: {  	s12 =	sshll.u32 s10, $0x7  }
0x3c8: {  	s9 =	sand.u32 $0x3FFFFF80, s12  }
0x3c9: {  	v17 =	vld [tilespmem:s9+$0x3100]  }
0x3ca: {  	v18 =	vld [tilespmem:s9+$0x3110]  }
0x3cb: {  	v15 =	vld [tilespmem:s9+$0x3120]  }
0x3cc: {  	v14 =	vld [tilespmem:s9+$0x3130]  }
0x3cd: {  	v13 =	vld [tilespmem:s9+$0x3140]  }
0x3ce: {  	v12 =	vld [tilespmem:s9+$0x3150]  }
0x3cf: {  	v11 =	vld [tilespmem:s9+$0x3160]  }
0x3d0: {  	v10 =	vld [tilespmem:s9+$0x3170];
	_ =	swait.ge [sflag:s1], $0x1000  }
0x3d1: {  	[sflag:s1] =	ssyncset.done $0x0  }
0x3d2: {  	s9 =	simm.s32 $0x0;
	[sflag:s1] =	ssyncadd.s32 $0xFFFFF000  }
0x3d3: {  	v31 =	vld [tilespmem:s9+$0x7280]  }
0x3d4: {  	v32 =	vld [tilespmem:s9+$0x7290]  }
0x3d5: {  	v33 =	vld [tilespmem:s9+$0x72A0]  }
0x3d6: {  	v34 =	vld [tilespmem:s9+$0x72B0]  }
0x3d7: {  	v24 =	vld [tilespmem:s9+$0x72C0]  }
0x3d8: {  	v22 =	vld [tilespmem:s9+$0x72D0]  }
0x3d9: {  	v42 =	vld [tilespmem:s9+$0x7200]  }
0x3da: {  	v43 =	vld [tilespmem:s9+$0x7210]  }
0x3db: {  	v48 =	vadd.f32 v39, v48;
	v39 =	vld [tilespmem:s9+$0x7220]  }
0x3dc: {  	v26 =	vadd.f32 v26, v44;
	v44 =	vld [tilespmem:s9+$0x7230]  }
0x3dd: {  	v49 =	vadd.f32 v25, v49;
	v50 =	vadd.f32 v30, v50;
	v30 =	vld [tilespmem:s9+$0x7240]  }
0x3de: {  	v25 =	vadd.f32 v21, v26;
	v26 =	vadd.f32 v23, v48;
	v48 =	vld [tilespmem:s9+$0x7180]  }
0x3df: {  	v23 =	vadd.f32 v27, v49;
	v27 =	vadd.f32 v45, v35;
	v35 =	vld [tilespmem:s9+$0x7190]  }
0x3e0: {  	v21 =	vadd.f32 v28, v50;
	v28 =	vadd.f32 v46, v38;
	v61 =	vld [tilespmem:s9+$0x7100]  }
0x3e1: {  	v36 =	vadd.f32 v47, v36;
	v37 =	vadd.f32 v51, v37;
	v62 =	vld [tilespmem:s9+$0x7110]  }
0x3e2: {  	v27 =	vadd.f32 v40, v27;
	v28 =	vadd.f32 v41, v28;
	v63 =	vld [tilespmem:s9+$0x7120]  }
0x3e3: {  	v36 =	vadd.f32 v52, v36;
	v37 =	vadd.f32 v53, v37;
	v46 =	vld [tilespmem:s9+$0x7130]  }
0x3e4: {  	v20 =	vadd.f32 v20, v27;
	v28 =	vadd.f32 v29, v28;
	v59 =	vld [tilespmem:s9+$0x71A0]  }
0x3e5: {  	v29 =	vadd.f32 v54, v36;
	v58 =	vadd.f32 v55, v37;
	v60 =	vld [tilespmem:s9+$0x71B0]  }
0x3e6: {  	v27 =	vadd.f32 v16, v20;
	v20 =	vadd.f32 v19, v28;
	v28 =	vld [tilespmem:s9+$0x7250]  }
0x3e7: {  	v19 =	vadd.f32 v56, v29;
	v29 =	vimm.f32 $0.0e+00;
	v16 =	vadd.f32 v57, v58;
	v38 =	vld [tilespmem:s9+$0x71C0]  }
0x3e8: {  	v40 =	vld [tilespmem:s9+$0x71D0];
	v61 =	vadd.f32 v61, v29;
	v62 =	vadd.f32 v62, v29  }
0x3e9: {  	v36 =	vimm.f32 $0.0e+00;
	v41 =	vld [tilespmem:s9+$0x7140];
	v63 =	vadd.f32 v63, v29;
	v46 =	vadd.f32 v46, v29  }
0x3ea: {  	v37 =	vimm.f32 $0.0e+00;
	v45 =	vld [tilespmem:s9+$0x7150];
	v49 =	vadd.f32 v48, v61;
	v47 =	vadd.f32 v35, v62  }
0x3eb: {  	s10 =	simm.s32 $0x800;
	v50 =	vadd.f32 v59, v63;
	v48 =	vadd.f32 v60, v46;
	v46 =	vld [tilespmem:s9+$0x7160];
	v35 =	vimm.f32 $0.0e+00  }
.LBB2_20:
0x3ec: {  	p2 =	sne.s32 s10, $0x3800;
	v51 =	vld [tilespmem:s9+$0x7170];
	v42 =	vadd.f32 v42, v49;
	v43 =	vadd.f32 v43, v47  }
0x3ed: {  	v47 =	vld [tilespmem:s9+$0x71E0];
	v39 =	vadd.f32 v39, v50;
	v44 =	vadd.f32 v44, v48  }
0x3ee: {  	v48 =	vld [tilespmem:s9+$0x71F0];
	v49 =	vadd.f32 v31, v42;
	v50 =	vadd.f32 v32, v43  }
0x3ef: {  	v42 =	vld [tilespmem:s9+$0x7260];
	v52 =	vadd.f32 v33, v39;
	v53 =	vadd.f32 v34, v44  }
0x3f0: {  	v29 =	vadd.f32 v41, v29;
	v31 =	vadd.f32 v45, v37;
	v34 =	vld [tilespmem:s9+$0x7270]  }
0x3f1: {  	v32 =	vadd.f32 v46, v36;
	v33 =	vadd.f32 v51, v35;
	v35 =	vld [tilespmem:s9+$0x72E0]  }
0x3f2: {  	v29 =	vadd.f32 v38, v29;
	v36 =	vadd.f32 v40, v31;
	v38 =	vld [tilespmem:s9+$0x72F0];
	s9 =	sshra.s32 s10, $0x2  }
0x3f3: {  	v37 =	vadd.f32 v47, v32;
	v31 =	vld [tilespmem:s9+$0x7280];
	v39 =	vadd.f32 v48, v33  }
0x3f4: {  	v29 =	vadd.f32 v30, v29;
	v28 =	vadd.f32 v28, v36;
	v32 =	vld [tilespmem:s9+$0x7290]  }
0x3f5: {  	v30 =	vadd.f32 v42, v37;
	v33 =	vld [tilespmem:s9+$0x72A0];
	v39 =	vadd.f32 v34, v39  }
0x3f6: {  	v29 =	vadd.f32 v24, v29;
	v37 =	vadd.f32 v22, v28;
	v34 =	vld [tilespmem:s9+$0x72B0]  }
0x3f7: {  	v36 =	vadd.f32 v35, v30;
	v24 =	vld [tilespmem:s9+$0x72C0];
	v35 =	vadd.f32 v38, v39  }
0x3f8: {  	v22 =	vld [tilespmem:s9+$0x72D0]  }
0x3f9: {  	v42 =	vld [tilespmem:s9+$0x7200]  }
0x3fa: {  	v43 =	vld [tilespmem:s9+$0x7210]  }
0x3fb: {  	v39 =	vld [tilespmem:s9+$0x7220]  }
0x3fc: {  	v44 =	vld [tilespmem:s9+$0x7230]  }
0x3fd: {  	v30 =	vld [tilespmem:s9+$0x7240]  }
0x3fe: {  	v28 =	vld [tilespmem:s9+$0x7250]  }
0x3ff: {  	v46 =	vld [tilespmem:s9+$0x7180]  }
0x400: {  	v47 =	vld [tilespmem:s9+$0x7190]  }
0x401: {  	v40 =	vld [tilespmem:s9+$0x7100]  }
0x402: {  	v41 =	vld [tilespmem:s9+$0x7110]  }
0x403: {  	v45 =	vld [tilespmem:s9+$0x7120]  }
0x404: {  	v48 =	vld [tilespmem:s9+$0x7130]  }
0x405: {  	v51 =	vld [tilespmem:s9+$0x71A0]  }
0x406: {  	v54 =	vld [tilespmem:s9+$0x71B0]  }
.Ltmp10:
0x407: {  	v38 =	vld [tilespmem:s9+$0x71C0];
	(pc) =	sbr.rel @p2 .LBB2_20-.Ltmp10, $4  }
0x408: {  	v49 =	vadd.f32 v40, v49;
	v50 =	vadd.f32 v41, v50;
	v40 =	vld [tilespmem:s9+$0x71D0]  }
0x409: {  	v52 =	vadd.f32 v45, v52;
	v48 =	vadd.f32 v48, v53;
	v41 =	vld [tilespmem:s9+$0x7140]  }
0x40a: {  	v49 =	vadd.f32 v46, v49;
	v47 =	vadd.f32 v47, v50;
	v45 =	vld [tilespmem:s9+$0x7150]  }
0x40b: {  	s10 =	sadd.s32 $0x800, s10;
	v50 =	vadd.f32 v51, v52;
	v46 =	vld [tilespmem:s9+$0x7160];
	v48 =	vadd.f32 v54, v48  }
0x40c: {  	v42 =	vadd.f32 v42, v49;
	v43 =	vadd.f32 v43, v47  }
0x40d: {  	v56 =	vld [tilespmem:s9+$0x7170];
	v17 =	vadd.f32 v17, v25;
	v18 =	vadd.f32 v18, v26  }
0x40e: {  	v57 =	vld [tilespmem:s9+$0x71E0];
	s7 =	sor.u32 $0x3, s7;
	v15 =	vadd.f32 v15, v23;
	v14 =	vadd.f32 v14, v21  }
0x40f: {  	v58 =	vld [tilespmem:s9+$0x71F0];
	v13 =	vadd.f32 v13, v27;
	v12 =	vadd.f32 v12, v20;
	s10 =	sor.u32 s5, s7  }
0x410: {  	v59 =	vld [tilespmem:s9+$0x7260];
	v11 =	vadd.f32 v11, v19;
	v10 =	vadd.f32 v10, v16;
	p2 =	sgt.u32 s10, $0xFB  }
0x411: {  	v60 =	vld [tilespmem:s9+$0x7270];
	v39 =	vadd.f32 v39, v50;
	v44 =	vadd.f32 v44, v48;
	s7 =	sshll.u32 s7, $0x7;
	s10 =	sshll.u32 @!p2 s10, $0x5  }
0x412: {  	v61 =	vld [tilespmem:s9+$0x72E0];
	v31 =	vadd.f32 v31, v42;
	s7 =	sand.u32 $0x3FFFFF80, s7;
	v36 =	vadd.f32 v46, v36;
	s10 =	sand.u32 @!p2 $0x3FFFFFE0, s10  }
0x413: {  	v62 =	vld [tilespmem:s9+$0x72F0];
	v32 =	vadd.f32 v32, v43;
	v29 =	vadd.f32 v41, v29;
	s11 =	simm.s32 @!p2 $0x7100;
	s9 =	sadd.s32 @!p2 $0x180, s10;
	s10 =	simm.s32 @!p2 $0x20  }
0x414: {  	v17 =	vmax.f32 v17, $0.0e+00;
	v18 =	vmax.f32 v18, $0.0e+00;
	v36 =	vadd.f32 v57, v36;
	[tilespmem:s11], [sflag:$0x7] =	stream.indirect.gather @!p2 [spmem:s2], $0x80, s9, s10, $0xb8;
	[tilespmem:$0x1FA80] =	vst v63  }
0x415: {  	v15 =	vmax.f32 v15, $0.0e+00;
	v14 =	vmax.f32 v14, $0.0e+00;
	v33 =	vadd.f32 v33, v39;
	v39 =	vld [tilespmem:s7+$0x3110]  }
0x416: {  	v13 =	vmax.f32 v13, $0.0e+00;
	v37 =	vadd.f32 v45, v37;
	v63 =	vadd.f32 v59, v36;
	v36 =	vld [tilespmem:s7+$0x3100]  }
0x417: {  	v17 =	vmul.f32 v17, v1;
	v18 =	vmul.f32 v18, v2;
	v29 =	vadd.f32 v38, v29  }
0x418: {  	v12 =	vmax.f32 v12, $0.0e+00;
	v35 =	vadd.f32 v56, v35;
	v37 =	vadd.f32 v40, v37;
	v40 =	vld [tilespmem:s7+$0x3120]  }
0x419: {  	v11 =	vmax.f32 v11, $0.0e+00;
	v34 =	vadd.f32 v34, v44;
	v17 =	vadd.f32 v18, v17  }
0x41a: {  	v15 =	vmul.f32 v15, v3;
	v29 =	vadd.f32 v30, v29;
	v35 =	vadd.f32 v58, v35;
	v42 =	vld [tilespmem:s7+$0x3130]  }
0x41b: {  	v14 =	vmul.f32 v14, v4;
	v43 =	vadd.f32 v39, v32;
	v25 =	vadd.f32 v36, v31  }
0x41c: {  	v13 =	vmul.f32 v13, v5;
	v28 =	vadd.f32 v28, v37;
	v15 =	vadd.f32 v15, v17;
	v44 =	vld [tilespmem:s7+$0x3140]  }
0x41d: {  	v21 =	vadd.f32 v40, v33;
	v27 =	vmax.f32 v43, $0.0e+00;
	v25 =	vmax.f32 v25, $0.0e+00  }
0x41e: {  	v47 =	vld [tilespmem:s7+$0x3150];
	v24 =	vadd.f32 v24, v29;
	v46 =	vmul.f32 v27, v2;
	v45 =	vmul.f32 v25, v1  }
0x41f: {  	v35 =	vadd.f32 v60, v35;
	v18 =	vadd.f32 v42, v34;
	v48 =	vmax.f32 v21, $0.0e+00  }
0x420: {  	v51 =	vld [tilespmem:s7+$0x3160];
	v14 =	vadd.f32 v14, v15;
	v50 =	vmul.f32 v48, v3;
	v49 =	vadd.f32 v46, v45  }
0x421: {  	v22 =	vadd.f32 v22, v28;
	v17 =	vadd.f32 v44, v24;
	v18 =	vmax.f32 v18, $0.0e+00  }
0x422: {  	v53 =	vld [tilespmem:s7+$0x3170];
	v13 =	vadd.f32 v13, v14;
	v52 =	vmul.f32 v18, v4;
	v14 =	vadd.f32 v50, v49  }
0x423: {  	v37 =	vadd.f32 v61, v63;
	v54 =	vadd.f32 v47, v22;
	v17 =	vmax.f32 v17, $0.0e+00  }
0x424: {  	v12 =	vmul.f32 v12, v6;
	v56 =	vmul.f32 v17, v5;
	v55 =	vadd.f32 v52, v14  }
0x425: {  	v41 =	vadd.f32 v62, v35;
	v58 =	vadd.f32 v51, v37;
	v57 =	vmax.f32 v54, $0.0e+00  }
0x426: {  	v12 =	vadd.f32 v12, v13;
	v59 =	vmul.f32 v57, v6;
	v13 =	vadd.f32 v56, v55  }
0x427: {  	v10 =	vmax.f32 v10, $0.0e+00;
	v61 =	vadd.f32 v53, v41;
	v60 =	vmax.f32 v58, $0.0e+00  }
0x428: {  	v11 =	vmul.f32 v11, v7;
	v62 =	vmul.f32 v60, v7;
	v13 =	vadd.f32 v59, v13  }
0x429: {  	v10 =	vmul.f32 v10, v8;
	v63 =	vmax.f32 v61, $0.0e+00  }
0x42a: {  	s6 =	sadd.s32 $0x1, s6;
	v11 =	vadd.f32 v11, v12;
	v12 =	vmul.f32 v63, v8;
	v13 =	vadd.f32 v62, v13  }
0x42b: {  	p2 =	sne.s32 s6, $0x8  }
.Ltmp11:
0x42c: {  	v10 =	vadd.f32 v10, v11;
	v11 =	vadd.f32 v12, v13;
	(pc) =	sbr.rel @p2 .LBB2_13-.Ltmp11, $3  }
0x42d: {  	_ = 	snop  }
0x42e: {  	v10 =	vadd.f32 v11, v10;
	_ =	sdelay $0x1  }
0x42f: {  	[tilespmem:s8+$0x80] =	vst v10  }
.Ltmp12:
0x430: {  	(pc) =	sbr.rel @p1 .LBB2_24-.Ltmp12, $1  }
0x431: {  	_ =	sdelay $0x3  }
.Ltmp13:
0x432: {  	(pc) =	sbr.rel .LBB2_2-.Ltmp13, $4  }
0x433: {  	_ = 	snop  }
0x434: {  	s5 =	sand.u32 $0x3FFFFFC0, s22  }
0x435: {  	s26 =	sadd.s32 $0x1, s26;
	s5 =	sadd.s32 $0x60, s5  }
0x436: {  	[tilespmem:s18], [sflag:$0x2] =	stream.indirect.gather [hbm4b:s4+s16], $0x80, s5, s16, $0xb8;
	[tilespmem:$0x1FA80] =	vst v63  }
.LBB2_25:
0x437: {  	_ =	sfence.sel $0x180000  }
0x438: {  	[bflag:$0x0] =	sbarrier.arrive $0xFFFF  }
0x439: {  	_ =	strace $0x9000004D  }
0x43a: {  	[bflag:$0x2] =	sbarrier.arrive $0xFFFF  }
0x43b: {  	s0 =	rddreg [dreg:$0x4]  }
0x43c: {  	s0 =	sadd.s32 @!p0 $0x100000, s0  }
0x43d: {  	[sflag:s0] =	ssyncadd.tile.s32 @!p0 $0x1;
	_ =	shalt  }
.Lfunc_end2:
_tile_overlayer_lowered:
.L_overlay_start_2:
0x43e: {  	(tag) =	ssettag $0x2  }
0x43f: {  	s0 =	rddreg [dreg:$0x0];
	s2 =	stileid.u32  }
0x440: {  	s1 =	rddreg [dreg:$0x1];
	p0 =	sne.s32 s2, $0x0  }
0x441: {  	s3 =	rddreg [dreg:$0x2];
	[bflag:$0x3] =	sbarrier.arrive $0xFFFF;
	s2 =	simm.s32 @!p0 $0x1C08  }
0x442: {  	[timem:s3], [sflag:s2] =	dma.local @!p0 [hbm:s0], s1  }
0x443: {  	s0 =	simm.s32 @!p0 $0x8  }
0x444: {  	_ =	swait.ge @!p0 [sflag:s0], s1  }
0x445: {  	s1 =	ssub.s32 @!p0 $0x0, s1;
	[sflag:s0] =	ssyncset.done @!p0 $0x0  }
0x446: {  	[sflag:s0] =	ssyncadd.s32 @!p0 s1  }
0x447: {  	[bflag:$0x3] =	sbarrier.arrive $0xFFFF  }
0x448: {  	_ =	shalt  }

</sc_bundles>
